<compile_context>
chip_gen: v7x
topology: tpu7x:2x2x1
jax: 0.10.2.dev20260603
libtpu: 0.0.44.dev20260713+nightly
codegen_flags: <defaults>
</compile_context>

<pallas_src>
import functools

import jax
import jax.numpy as jnp
from jax import lax
from jax.experimental import pallas as pl
from jax.experimental.pallas import tpu as pltpu
from jax.experimental.pallas import tpu_sc as plsc

B = 2
S = 48
R = B * S * S * S
C = 32

NG = 122880
PER_W = NG // 32
G_CHUNK = 128
N_GCHUNK = PER_W // G_CHUNK

_sc_mesh = functools.partial(
    plsc.VectorSubcoreMesh, core_axis_name="c", subcore_axis_name="s")


@functools.partial(
    pl.kernel,
    out_type=jax.ShapeDtypeStruct((NG, C), jnp.float32),
    mesh=_sc_mesh(),
    scratch_types=[
        pltpu.VMEM((PER_W,), jnp.int32),
        pltpu.VMEM((PER_W, C), jnp.float32),
        pltpu.SemaphoreType.DMA,
    ],
    compiler_params=pltpu.CompilerParams(use_tc_tiling_on_sc=False),
)
def _gather_rows(table_hbm, idx_hbm, out_hbm, idx_v, rows_v, sem):
    wid = lax.axis_index("s") * 2 + lax.axis_index("c")
    base = wid * PER_W
    pltpu.sync_copy(idx_hbm.at[pl.ds(base, PER_W)], idx_v)

    def start(i, _):
        pltpu.make_async_copy(
            table_hbm.at[idx_v.at[pl.ds(i * G_CHUNK, G_CHUNK)]],
            rows_v.at[pl.ds(i * G_CHUNK, G_CHUNK)],
            sem,
        ).start()
        return 0

    lax.fori_loop(0, N_GCHUNK, start, 0)

    def drain(i, _):
        pltpu.make_async_copy(
            table_hbm.at[idx_v.at[pl.ds(0, G_CHUNK)]],
            rows_v.at[pl.ds(0, G_CHUNK)],
            sem,
        ).wait()
        return 0

    lax.fori_loop(0, N_GCHUNK, drain, 0)
    pltpu.sync_copy(rows_v, out_hbm.at[pl.ds(base, PER_W)])


NCHUNK = 6
RC = R // NCHUNK
NTRASH = 2048
RCB = RC + NTRASH
PTS_W = NG // 16
SBLK = 512
N_SBLK = PTS_W // SBLK
MSLICE = R // 32
N_MBLK = NG // 2048
_IOTA16 = jnp.arange(16, dtype=jnp.int32)


@functools.partial(
    pl.kernel,
    out_type=(jax.ShapeDtypeStruct((R, C), jnp.float32),
              jax.ShapeDtypeStruct((R,), jnp.float32)),
    mesh=_sc_mesh(),
    scratch_types=[
        pltpu.VMEM((PTS_W,), jnp.int32),
        pltpu.VMEM((SBLK, C), jnp.float32),
        [pltpu.VMEM((128,), jnp.int32)] * 4,
        pltpu.VMEM((2048,), jnp.int32),
        pltpu.VMEM((MSLICE,), jnp.float32),
        pltpu.VMEM((SBLK, C), jnp.float32),
        pltpu.VMEM_SHARED((RCB, C), jnp.float32),
    ],
    compiler_params=pltpu.CompilerParams(
        use_tc_tiling_on_sc=False, needs_layout_passes=False),
)
def _scatter_dense_sc(feat_hbm, ids_hbm, dense_hbm, mask_hbm,
                      ids_t, fblk, lidx, idblk, mask_t, zb, buf):
    cid = lax.axis_index("c")
    sid = lax.axis_index("s")
    gt = sid * 2 + cid
    zeros16 = jnp.zeros((16,), jnp.float32)
    ones16 = jnp.ones((16,), jnp.float32)
    iota16 = lax.iota(jnp.int32, 16)

    def _zz(i, x):
        zb[i, 0:16] = zeros16
        zb[i, 16:32] = zeros16
        return x
    lax.fori_loop(0, SBLK, _zz, 0)

    def _zm(i, x):
        mask_t[pl.ds(i * 16, 16)] = zeros16
        return x
    lax.fori_loop(0, MSLICE // 16, _zm, 0)

    pltpu.sync_copy(ids_hbm.at[pl.ds(sid * PTS_W, PTS_W)], ids_t)

    mbase = gt * MSLICE

    def _mblk(m, x):
        pltpu.sync_copy(ids_hbm.at[pl.ds(m * 2048, 2048)], idblk)

        def _mvec(k, y):
            for u in range(8):
                v = idblk[pl.ds((k * 8 + u) * 16, 16)]
                lid = v - mbase
                inr = (lid >= 0) & (lid < MSLICE)
                lidc = jnp.where(inr, lid, 0)
                plsc.store_scatter(mask_t, [lidc], ones16, mask=inr)
            return y
        lax.fori_loop(0, 16, _mvec, 0)
        return x
    lax.fori_loop(0, N_MBLK, _mblk, 0)
    pltpu.sync_copy(mask_t, mask_hbm.at[pl.ds(gt * MSLICE, MSLICE)])

    for ci in range(NCHUNK // 2):
        chunk = cid + 2 * ci
        base = chunk * RC
        tile_r = RCB // 16
        for q in range(tile_r // SBLK):
            pltpu.sync_copy(
                zb, buf.at[pl.ds(sid * tile_r + q * SBLK, SBLK)])
        if tile_r % SBLK:
            pltpu.sync_copy(
                zb.at[pl.ds(0, tile_r % SBLK)],
                buf.at[pl.ds(sid * tile_r + (tile_r // SBLK) * SBLK,
                             tile_r % SBLK)])
        plsc.subcore_barrier()

        def _blk(b, x):
            pltpu.sync_copy(feat_hbm.at[pl.ds(sid * PTS_W + b * SBLK, SBLK)], fblk)
            for k in range(SBLK // 16):
                v = ids_t[pl.ds(b * SBLK + k * 16, 16)]
                lid = v - base
                inr = (lid >= 0) & (lid < RC)
                st = (sid * 128 + b * SBLK + k * 16) & (NTRASH - 1)
                trash = (RC + st) + iota16
                lidc = jnp.where(inr, lid, trash)
                row, cb = k // 8, (k % 8) * 16
                lidx[row][pl.ds(cb, 16)] = lidc
            for j in range(4):
                pltpu.sync_copy(fblk.at[pl.ds(j * 128, 128)],
                                buf.at[lidx[j]], add=True)
            return x
        lax.fori_loop(0, N_SBLK, _blk, 0)
        plsc.subcore_barrier()

        wrows = RC // 16
        pltpu.sync_copy(
            buf.at[pl.ds(sid * wrows, wrows)],
            dense_hbm.at[pl.ds(base + sid * wrows, wrows)])
        plsc.subcore_barrier()


def _affine_relu_kernel(x_ref, sc_ref, sh_ref, o_ref):
    o_ref[...] = jnp.maximum(x_ref[...] * sc_ref[...] + sh_ref[...], 0.0)


def _affine_relu_rows(x, scale, shift):
    xv = x.reshape(NG // C, C * C)
    scrow = jnp.tile(scale, C).reshape(1, C * C)
    shrow = jnp.tile(shift, C).reshape(1, C * C)
    blk = 768
    out = pl.pallas_call(
        _affine_relu_kernel,
        grid=(xv.shape[0] // blk,),
        in_specs=[
            pl.BlockSpec((blk, C * C), lambda i: (i, 0)),
            pl.BlockSpec((1, C * C), lambda i: (0, 0)),
            pl.BlockSpec((1, C * C), lambda i: (0, 0)),
        ],
        out_specs=pl.BlockSpec((blk, C * C), lambda i: (i, 0)),
        out_shape=jax.ShapeDtypeStruct(xv.shape, jnp.float32),
    )(xv, scrow, shrow)
    return out.reshape(NG, C)


def _conv3d(x, w):
    return jax.lax.conv_general_dilated(
        x, w, (1, 1, 1), 'SAME',
        dimension_numbers=('NDHWC', 'DHWIO', 'NDHWC'))


def _stats(x2d, mask2d):
    cnt = jnp.maximum(jnp.sum(mask2d), 1.0)
    s = jnp.sum(x2d * mask2d, axis=0)
    ss = jnp.sum(jnp.square(x2d) * mask2d, axis=0)
    mean = s / cnt
    var = ss / cnt - mean * mean
    return mean, var


def _scale_shift(mean, var, gamma, beta, eps=1e-5):
    sc = gamma * lax.rsqrt(var + eps)
    sh = beta - mean * sc
    return sc, sh


def kernel(features, indices, W1, g1, b1, W2, g2, b2, W3, g3, b3):
    ids = ((indices[:, 0] * S + indices[:, 1]) * S + indices[:, 2]) * S \
        + indices[:, 3]
    N = ids.shape[0]
    ids_pad_sc = jnp.concatenate(
        [ids, jnp.full((NG - N,), 1 << 30, jnp.int32)])
    feat_pad = jnp.concatenate(
        [features, jnp.zeros((NG - N, C), jnp.float32)])
    dense2d, mask_flat = _scatter_dense_sc(feat_pad, ids_pad_sc)
    dense = dense2d.reshape(B, S, S, S, C)
    m5 = mask_flat.reshape(B, S, S, S, 1)
    ones_k = jnp.ones((3, 3, 3, 1, 1), jnp.float32)
    mask1_5 = (_conv3d(m5, ones_k) > 0).astype(jnp.float32)
    mask1 = mask1_5.reshape(R, 1)
    mask_in = m5.reshape(R, 1)

    y1 = (_conv3d(dense, W1) * mask1_5).reshape(R, C)
    sc1, sh1 = _scale_shift(*_stats(y1, mask1), g1, b1)
    x1 = jnp.maximum((y1 * sc1 + sh1) * mask1, 0.0)

    y2 = (x1 @ W2) * mask1
    sc2, sh2 = _scale_shift(*_stats(y2, mask1), g2, b2)
    x2 = jnp.maximum((y2 * sc2 + sh2) * mask1, 0.0)

    y3 = (_conv3d(x2.reshape(B, S, S, S, C), jnp.flip(W3, axis=(0, 1, 2)))
          * m5).reshape(R, C)
    sc3, sh3 = _scale_shift(*_stats(y3, mask_in), g3, b3)

    ids_pad = jnp.concatenate([ids, jnp.zeros((NG - N,), jnp.int32)])
    rows = _gather_rows(y3, ids_pad)
    out = _affine_relu_rows(rows, sc3, sh3)
    return out[:N]

# --- scband reference (transcript-rebuilt; emitter-appended) ---
"""Pipeline reference for scband-sparse-block3d-81793357185329 (READ-ONLY COPY).

The authoritative reference and input builder live on the scoring server;
editing this copy changes nothing except your own understanding.
"""

import jax, jax.numpy as jnp
import numpy as np

B = 2
S = 48
N = 120000
C_IN = 32
C_OUT = 32


def setup_inputs(seed: int = 0) -> dict:
    key = jax.random.key(seed)
    k1, k2, k3, k4, k5, k6 = jax.random.split(key, 6)
    features = jax.random.normal(k1, (N, C_IN), dtype=jnp.float32)
    bidx = jax.random.randint(k2, (N, 1), 0, B)
    xyz = jax.random.randint(k3, (N, 3), 0, S)
    indices = jnp.concatenate([bidx, xyz], axis=1).astype(jnp.int32)
    W1 = jax.random.normal(k4, (3, 3, 3, C_IN, C_IN), dtype=jnp.float32) * 0.05
    W2 = jax.random.normal(k5, (C_IN, C_OUT), dtype=jnp.float32) * 0.1
    W3 = jax.random.normal(k6, (3, 3, 3, C_OUT, C_OUT), dtype=jnp.float32) * 0.05
    g1 = jnp.ones((C_IN,), jnp.float32); b1 = jnp.zeros((C_IN,), jnp.float32)
    g2 = jnp.ones((C_OUT,), jnp.float32); b2 = jnp.zeros((C_OUT,), jnp.float32)
    g3 = jnp.ones((C_OUT,), jnp.float32); b3 = jnp.zeros((C_OUT,), jnp.float32)
    return {"features": features, "indices": indices, "W1": W1, "g1": g1, "b1": b1,
            "W2": W2, "g2": g2, "b2": b2, "W3": W3, "g3": g3, "b3": b3}


def _scatter_dense(features, indices):
    dense = jnp.zeros((B, S, S, S, features.shape[-1]), features.dtype)
    dense = dense.at[indices[:, 0], indices[:, 1], indices[:, 2], indices[:, 3]].add(features)
    mask = jnp.zeros((B, S, S, S, 1), jnp.float32)
    mask = mask.at[indices[:, 0], indices[:, 1], indices[:, 2], indices[:, 3]].set(1.0)
    return dense, mask


def _conv3d(x, w):
    return jax.lax.conv_general_dilated(x, w, (1, 1, 1), 'SAME',
                                        dimension_numbers=('NDHWC', 'DHWIO', 'NDHWC'))


def _masked_bn(x, mask, gamma, beta, eps=1e-5):
    # BatchNorm1d over active voxels only (training-mode batch statistics),
    # matching spconv semantics where BN sees only the [N_active, C] feature matrix.
    cnt = jnp.maximum(jnp.sum(mask), 1.0)
    mean = jnp.sum(x * mask, axis=(0, 1, 2, 3)) / cnt
    var = jnp.sum(jnp.square(x - mean) * mask, axis=(0, 1, 2, 3)) / cnt
    return ((x - mean) * jax.lax.rsqrt(var + eps) * gamma + beta) * mask


def reference(features, indices, W1, g1, b1, W2, g2, b2, W3, g3, b3):
    dense, mask_in = _scatter_dense(features, indices)
    # SparseConv3d(k=3, s=1, p=1): output active set = 1-voxel dilation of input set
    ones_k = jnp.ones((3, 3, 3, 1, 1), jnp.float32)
    mask1 = (_conv3d(mask_in, ones_k) > 0).astype(jnp.float32)
    x = _conv3d(dense, W1) * mask1
    x = jax.nn.relu(_masked_bn(x, mask1, g1, b1))
    # SubMConv3d(k=1): pointwise linear on the same active set
    x = jnp.einsum('bdhwi,io->bdhwo', x, W2) * mask1
    x = jax.nn.relu(_masked_bn(x, mask1, g2, b2))
    # SparseInverseConv3d sharing indice_key sc01: transposed conv back to the
    # ORIGINAL input active set (stride-1 transpose == conv with spatially flipped kernel)
    x = _conv3d(x, jnp.flip(W3, axis=(0, 1, 2))) * mask_in
    x = jax.nn.relu(_masked_bn(x, mask_in, g3, b3))
    out = x[indices[:, 0], indices[:, 1], indices[:, 2], indices[:, 3]]
    return out

if __name__ == "__main__":
    import jax
    _d = setup_inputs()
    print(jax.jit(kernel)(*tuple(_d.values())))

</pallas_src>

<mosaic_0001>
#map = affine_map<(d0, d1) -> (0, 0)>
#map1 = affine_map<(d0, d1) -> (0)>
module attributes {stable_mosaic.version = 14 : i64} {
  func.func @_scatter_dense_sc(%arg0: i32, %arg1: i32, %arg2: memref<122880x32xf32, #tpu.memory_space<hbm>>, %arg3: memref<122880xi32, #tpu.memory_space<hbm>>, %arg4: memref<221184x32xf32, #tpu.memory_space<hbm>>, %arg5: memref<221184xf32, #tpu.memory_space<hbm>>, %arg6: memref<7680xi32, #tpu.memory_space<vmem>>, %arg7: memref<512x32xf32, #tpu.memory_space<vmem>>, %arg8: memref<128xi32, #tpu.memory_space<vmem>>, %arg9: memref<128xi32, #tpu.memory_space<vmem>>, %arg10: memref<128xi32, #tpu.memory_space<vmem>>, %arg11: memref<128xi32, #tpu.memory_space<vmem>>, %arg12: memref<2048xi32, #tpu.memory_space<vmem>>, %arg13: memref<6912xf32, #tpu.memory_space<vmem>>, %arg14: memref<512x32xf32, #tpu.memory_space<vmem>>, %arg15: memref<38912x32xf32, #tpu.memory_space<vmem_shared>>) attributes {dimension_semantics = [#tpu.dimension_semantics<core_parallel>, #tpu.dimension_semantics<subcore_parallel>], iteration_bounds = array<i64: 2, 16>, scalar_prefetch = 0 : i64, scratch_operands = 10 : i64, tpu.core_type = #tpu.core_type<sc_vector_subcore>, window_params = [{transform_indices = #map}, {transform_indices = #map1}, {transform_indices = #map}, {transform_indices = #map1}]} {
    %mul3A = arith.constant 2 : i32
    %mul3A_0 = arith.muli %arg1, %mul3A : i32
    %add3A = arith.addi %mul3A_0, %arg0 : i32
    %broadcast_in_dim3A = arith.constant 0.000000e+00 : f32
    %broadcast_in_dim3A_1 = vector.broadcast %broadcast_in_dim3A : f32 to vector<16xf32>
    %broadcast_in_dim3A_2 = arith.constant 1.000000e+00 : f32
    %broadcast_in_dim3A_3 = vector.broadcast %broadcast_in_dim3A_2 : f32 to vector<16xf32>
    %iota3A = tpu.iota {dimensions = array<i32: 0>} : vector<16xi32>
    %scan3A = arith.constant 0 : i32
    %scan3A_4 = arith.constant 0 : i32
    %scan3A_5 = arith.constant 512 : i32
    %scan3A_6 = arith.addi %scan3A_4, %scan3A_5 : i32
    %scan3A_7 = arith.constant 1 : i32
    scf.for %scan3A_140 = %scan3A_4 to %scan3A_6 step %scan3A_7  : i32 {
      %swap3A = arith.index_cast %scan3A_140 : i32 to index
      %swap3A_141 = arith.constant 0 : index
      %swap3A_142 = tpu.vector_load %arg14[%swap3A, %swap3A_141] {strides = array<i32>} : memref<512x32xf32, #tpu.memory_space<vmem>>, vector<16xf32>,
      tpu.vector_store %arg14[%swap3A, %swap3A_141], %broadcast_in_dim3A_1 {strides = array<i32>} : memref<512x32xf32, #tpu.memory_space<vmem>>, vector<16xf32>,
      %swap3A_143 = arith.index_cast %scan3A_140 : i32 to index
      %swap3A_144 = arith.constant 16 : index
      %swap3A_145 = tpu.vector_load %arg14[%swap3A_143, %swap3A_144] {strides = array<i32>} : memref<512x32xf32, #tpu.memory_space<vmem>>, vector<16xf32>,
      tpu.vector_store %arg14[%swap3A_143, %swap3A_144], %broadcast_in_dim3A_1 {strides = array<i32>} : memref<512x32xf32, #tpu.memory_space<vmem>>, vector<16xf32>,
    }
    %scan3A_8 = arith.constant 512 : i32
    %scan3A_9 = arith.constant 0 : i32
    %scan3A_10 = arith.constant 0 : i32
    %scan3A_11 = arith.constant 432 : i32
    %scan3A_12 = arith.addi %scan3A_10, %scan3A_11 : i32
    %scan3A_13 = arith.constant 1 : i32
    scf.for %scan3A_140 = %scan3A_10 to %scan3A_12 step %scan3A_13  : i32 {
      %mul3A_141 = arith.constant 16 : i32
      %mul3A_142 = arith.muli %scan3A_140, %mul3A_141 : i32
      %swap3A = arith.index_cast %mul3A_142 : i32 to index
      %swap3A_143 = tpu.vector_load %arg13[%swap3A] {strides = array<i32>} : memref<6912xf32, #tpu.memory_space<vmem>>, vector<16xf32>,
      tpu.vector_store %arg13[%swap3A], %broadcast_in_dim3A_1 {strides = array<i32>} : memref<6912xf32, #tpu.memory_space<vmem>>, vector<16xf32>,
    }
    %scan3A_14 = arith.constant 432 : i32
    %mul3A_15 = arith.constant 7680 : i32
    %mul3A_16 = arith.muli %arg1, %mul3A_15 : i32
    "tpu.region"() ({
      %run_scoped3A = tpu.sem_alloc : memref<!tpu.dma_semaphore, #tpu.memory_space<semaphore_mem>>
      %dma_start3A = tpu.memref_slice %arg3[%mul3A_16] : memref<122880xi32, #tpu.memory_space<hbm>> -> memref<7680xi32, #tpu.memory_space<hbm>>
      %dma_start3A_140 = tpu.memref_slice %arg3[%mul3A_16] : memref<122880xi32, #tpu.memory_space<hbm>> -> memref<7680xi32, #tpu.memory_space<hbm>>
      tpu.enqueue_dma source(%dma_start3A_140 : memref<7680xi32, #tpu.memory_space<hbm>>) target(%arg6 : memref<7680xi32, #tpu.memory_space<vmem>>) target_semaphore(%run_scoped3A : memref<!tpu.dma_semaphore, #tpu.memory_space<semaphore_mem>>)
      %dma_wait3A = tpu.memref_slice %arg3[%mul3A_16] : memref<122880xi32, #tpu.memory_space<hbm>> -> memref<7680xi32, #tpu.memory_space<hbm>>
      %dma_wait3A_141 = tpu.memref_slice %arg3[%mul3A_16] : memref<122880xi32, #tpu.memory_space<hbm>> -> memref<7680xi32, #tpu.memory_space<hbm>>
      tpu.wait_dma2 semaphore(%run_scoped3A : memref<!tpu.dma_semaphore, #tpu.memory_space<semaphore_mem>>) src(%dma_wait3A_141 : memref<7680xi32, #tpu.memory_space<hbm>>) dst(%arg6 : memref<7680xi32, #tpu.memory_space<vmem>>)
      tpu.yield
    }) : () -> ()
    %mul3A_17 = arith.constant 6912 : i32
    %mul3A_18 = arith.muli %add3A, %mul3A_17 : i32
    %scan3A_19 = arith.constant 0 : i32
    %scan3A_20 = arith.constant 0 : i32
    %scan3A_21 = arith.constant 60 : i32
    %scan3A_22 = arith.addi %scan3A_20, %scan3A_21 : i32
    %scan3A_23 = arith.constant 1 : i32
    scf.for %scan3A_140 = %scan3A_20 to %scan3A_22 step %scan3A_23  : i32 {
      %mul3A_141 = arith.constant 2048 : i32
      %mul3A_142 = arith.muli %scan3A_140, %mul3A_141 : i32
      "tpu.region"() ({
        %run_scoped3A = tpu.sem_alloc : memref<!tpu.dma_semaphore, #tpu.memory_space<semaphore_mem>>
        %dma_start3A = tpu.memref_slice %arg3[%mul3A_142] : memref<122880xi32, #tpu.memory_space<hbm>> -> memref<2048xi32, #tpu.memory_space<hbm>>
        %dma_start3A_149 = tpu.memref_slice %arg3[%mul3A_142] : memref<122880xi32, #tpu.memory_space<hbm>> -> memref<2048xi32, #tpu.memory_space<hbm>>
        tpu.enqueue_dma source(%dma_start3A_149 : memref<2048xi32, #tpu.memory_space<hbm>>) target(%arg12 : memref<2048xi32, #tpu.memory_space<vmem>>) target_semaphore(%run_scoped3A : memref<!tpu.dma_semaphore, #tpu.memory_space<semaphore_mem>>)
        %dma_wait3A = tpu.memref_slice %arg3[%mul3A_142] : memref<122880xi32, #tpu.memory_space<hbm>> -> memref<2048xi32, #tpu.memory_space<hbm>>
        %dma_wait3A_150 = tpu.memref_slice %arg3[%mul3A_142] : memref<122880xi32, #tpu.memory_space<hbm>> -> memref<2048xi32, #tpu.memory_space<hbm>>
        tpu.wait_dma2 semaphore(%run_scoped3A : memref<!tpu.dma_semaphore, #tpu.memory_space<semaphore_mem>>) src(%dma_wait3A_150 : memref<2048xi32, #tpu.memory_space<hbm>>) dst(%arg12 : memref<2048xi32, #tpu.memory_space<vmem>>)
        tpu.yield
      }) : () -> ()
      %scan3A_143 = arith.constant 0 : i32
      %scan3A_144 = arith.constant 0 : i32
      %scan3A_145 = arith.constant 16 : i32
      %scan3A_146 = arith.addi %scan3A_144, %scan3A_145 : i32
      %scan3A_147 = arith.constant 1 : i32
      scf.for %scan3A_149 = %scan3A_144 to %scan3A_146 step %scan3A_147  : i32 {
        %mul3A_150 = arith.constant 8 : i32
        %mul3A_151 = arith.muli %scan3A_149, %mul3A_150 : i32
        %add3A_152 = arith.constant 0 : i32
        %add3A_153 = arith.addi %mul3A_151, %add3A_152 : i32
        %mul3A_154 = arith.constant 16 : i32
        %mul3A_155 = arith.muli %add3A_153, %mul3A_154 : i32
        %get3A = arith.index_cast %mul3A_155 : i32 to index
        %get3A_156 = tpu.vector_load %arg12[%get3A] {strides = array<i32>} : memref<2048xi32, #tpu.memory_space<vmem>>, vector<16xi32>,
        %sub3A = vector.broadcast %mul3A_18 : i32 to vector<16xi32>
        %sub3A_157 = arith.subi %get3A_156, %sub3A : vector<16xi32>
        %ge3A = arith.constant 0 : i32
        %ge3A_158 = vector.broadcast %ge3A : i32 to vector<16xi32>
        %ge3A_159 = arith.cmpi sge, %sub3A_157, %ge3A_158 : vector<16xi32>
        %lt3A = arith.constant 6912 : i32
        %lt3A_160 = vector.broadcast %lt3A : i32 to vector<16xi32>
        %lt3A_161 = arith.cmpi slt, %sub3A_157, %lt3A_160 : vector<16xi32>
        %and3A = arith.andi %ge3A_159, %lt3A_161 : vector<16xi1>
        %jit3A = arith.constant 0 : i32
        %broadcast_in_dim3A_162 = vector.broadcast %jit3A : i32 to vector<16xi32>
        %select_n3A = arith.select %and3A, %sub3A_157, %broadcast_in_dim3A_162 : vector<16xi1>, vector<16xi32>
        tpu.vector_store_idx %arg13[%select_n3A], %broadcast_in_dim3A_3 masked %and3A : memref<6912xf32, #tpu.memory_space<vmem>>[vector<16xi32>], vector<16xf32>, vector<16xi1>
        %mul3A_163 = arith.constant 8 : i32
        %mul3A_164 = arith.muli %scan3A_149, %mul3A_163 : i32
        %add3A_165 = arith.constant 1 : i32
        %add3A_166 = arith.addi %mul3A_164, %add3A_165 : i32
        %mul3A_167 = arith.constant 16 : i32
        %mul3A_168 = arith.muli %add3A_166, %mul3A_167 : i32
        %get3A_169 = arith.index_cast %mul3A_168 : i32 to index
        %get3A_170 = tpu.vector_load %arg12[%get3A_169] {strides = array<i32>} : memref<2048xi32, #tpu.memory_space<vmem>>, vector<16xi32>,
        %sub3A_171 = vector.broadcast %mul3A_18 : i32 to vector<16xi32>
        %sub3A_172 = arith.subi %get3A_170, %sub3A_171 : vector<16xi32>
        %ge3A_173 = arith.constant 0 : i32
        %ge3A_174 = vector.broadcast %ge3A_173 : i32 to vector<16xi32>
        %ge3A_175 = arith.cmpi sge, %sub3A_172, %ge3A_174 : vector<16xi32>
        %lt3A_176 = arith.constant 6912 : i32
        %lt3A_177 = vector.broadcast %lt3A_176 : i32 to vector<16xi32>
        %lt3A_178 = arith.cmpi slt, %sub3A_172, %lt3A_177 : vector<16xi32>
        %and3A_179 = arith.andi %ge3A_175, %lt3A_178 : vector<16xi1>
        %jit3A_180 = arith.constant 0 : i32
        %broadcast_in_dim3A_181 = vector.broadcast %jit3A_180 : i32 to vector<16xi32>
        %select_n3A_182 = arith.select %and3A_179, %sub3A_172, %broadcast_in_dim3A_181 : vector<16xi1>, vector<16xi32>
        tpu.vector_store_idx %arg13[%select_n3A_182], %broadcast_in_dim3A_3 masked %and3A_179 : memref<6912xf32, #tpu.memory_space<vmem>>[vector<16xi32>], vector<16xf32>, vector<16xi1>
        %mul3A_183 = arith.constant 8 : i32
        %mul3A_184 = arith.muli %scan3A_149, %mul3A_183 : i32
        %add3A_185 = arith.constant 2 : i32
        %add3A_186 = arith.addi %mul3A_184, %add3A_185 : i32
        %mul3A_187 = arith.constant 16 : i32
        %mul3A_188 = arith.muli %add3A_186, %mul3A_187 : i32
        %get3A_189 = arith.index_cast %mul3A_188 : i32 to index
        %get3A_190 = tpu.vector_load %arg12[%get3A_189] {strides = array<i32>} : memref<2048xi32, #tpu.memory_space<vmem>>, vector<16xi32>,
        %sub3A_191 = vector.broadcast %mul3A_18 : i32 to vector<16xi32>
        %sub3A_192 = arith.subi %get3A_190, %sub3A_191 : vector<16xi32>
        %ge3A_193 = arith.constant 0 : i32
        %ge3A_194 = vector.broadcast %ge3A_193 : i32 to vector<16xi32>
        %ge3A_195 = arith.cmpi sge, %sub3A_192, %ge3A_194 : vector<16xi32>
        %lt3A_196 = arith.constant 6912 : i32
        %lt3A_197 = vector.broadcast %lt3A_196 : i32 to vector<16xi32>
        %lt3A_198 = arith.cmpi slt, %sub3A_192, %lt3A_197 : vector<16xi32>
        %and3A_199 = arith.andi %ge3A_195, %lt3A_198 : vector<16xi1>
        %jit3A_200 = arith.constant 0 : i32
        %broadcast_in_dim3A_201 = vector.broadcast %jit3A_200 : i32 to vector<16xi32>
        %select_n3A_202 = arith.select %and3A_199, %sub3A_192, %broadcast_in_dim3A_201 : vector<16xi1>, vector<16xi32>
        tpu.vector_store_idx %arg13[%select_n3A_202], %broadcast_in_dim3A_3 masked %and3A_199 : memref<6912xf32, #tpu.memory_space<vmem>>[vector<16xi32>], vector<16xf32>, vector<16xi1>
        %mul3A_203 = arith.constant 8 : i32
        %mul3A_204 = arith.muli %scan3A_149, %mul3A_203 : i32
        %add3A_205 = arith.constant 3 : i32
        %add3A_206 = arith.addi %mul3A_204, %add3A_205 : i32
        %mul3A_207 = arith.constant 16 : i32
        %mul3A_208 = arith.muli %add3A_206, %mul3A_207 : i32
        %get3A_209 = arith.index_cast %mul3A_208 : i32 to index
        %get3A_210 = tpu.vector_load %arg12[%get3A_209] {strides = array<i32>} : memref<2048xi32, #tpu.memory_space<vmem>>, vector<16xi32>,
        %sub3A_211 = vector.broadcast %mul3A_18 : i32 to vector<16xi32>
        %sub3A_212 = arith.subi %get3A_210, %sub3A_211 : vector<16xi32>
        %ge3A_213 = arith.constant 0 : i32
        %ge3A_214 = vector.broadcast %ge3A_213 : i32 to vector<16xi32>
        %ge3A_215 = arith.cmpi sge, %sub3A_212, %ge3A_214 : vector<16xi32>
        %lt3A_216 = arith.constant 6912 : i32
        %lt3A_217 = vector.broadcast %lt3A_216 : i32 to vector<16xi32>
        %lt3A_218 = arith.cmpi slt, %sub3A_212, %lt3A_217 : vector<16xi32>
        %and3A_219 = arith.andi %ge3A_215, %lt3A_218 : vector<16xi1>
        %jit3A_220 = arith.constant 0 : i32
        %broadcast_in_dim3A_221 = vector.broadcast %jit3A_220 : i32 to vector<16xi32>
        %select_n3A_222 = arith.select %and3A_219, %sub3A_212, %broadcast_in_dim3A_221 : vector<16xi1>, vector<16xi32>
        tpu.vector_store_idx %arg13[%select_n3A_222], %broadcast_in_dim3A_3 masked %and3A_219 : memref<6912xf32, #tpu.memory_space<vmem>>[vector<16xi32>], vector<16xf32>, vector<16xi1>
        %mul3A_223 = arith.constant 8 : i32
        %mul3A_224 = arith.muli %scan3A_149, %mul3A_223 : i32
        %add3A_225 = arith.constant 4 : i32
        %add3A_226 = arith.addi %mul3A_224, %add3A_225 : i32
        %mul3A_227 = arith.constant 16 : i32
        %mul3A_228 = arith.muli %add3A_226, %mul3A_227 : i32
        %get3A_229 = arith.index_cast %mul3A_228 : i32 to index
        %get3A_230 = tpu.vector_load %arg12[%get3A_229] {strides = array<i32>} : memref<2048xi32, #tpu.memory_space<vmem>>, vector<16xi32>,
        %sub3A_231 = vector.broadcast %mul3A_18 : i32 to vector<16xi32>
        %sub3A_232 = arith.subi %get3A_230, %sub3A_231 : vector<16xi32>
        %ge3A_233 = arith.constant 0 : i32
        %ge3A_234 = vector.broadcast %ge3A_233 : i32 to vector<16xi32>
        %ge3A_235 = arith.cmpi sge, %sub3A_232, %ge3A_234 : vector<16xi32>
        %lt3A_236 = arith.constant 6912 : i32
        %lt3A_237 = vector.broadcast %lt3A_236 : i32 to vector<16xi32>
        %lt3A_238 = arith.cmpi slt, %sub3A_232, %lt3A_237 : vector<16xi32>
        %and3A_239 = arith.andi %ge3A_235, %lt3A_238 : vector<16xi1>
        %jit3A_240 = arith.constant 0 : i32
        %broadcast_in_dim3A_241 = vector.broadcast %jit3A_240 : i32 to vector<16xi32>
        %select_n3A_242 = arith.select %and3A_239, %sub3A_232, %broadcast_in_dim3A_241 : vector<16xi1>, vector<16xi32>
        tpu.vector_store_idx %arg13[%select_n3A_242], %broadcast_in_dim3A_3 masked %and3A_239 : memref<6912xf32, #tpu.memory_space<vmem>>[vector<16xi32>], vector<16xf32>, vector<16xi1>
        %mul3A_243 = arith.constant 8 : i32
        %mul3A_244 = arith.muli %scan3A_149, %mul3A_243 : i32
        %add3A_245 = arith.constant 5 : i32
        %add3A_246 = arith.addi %mul3A_244, %add3A_245 : i32
        %mul3A_247 = arith.constant 16 : i32
        %mul3A_248 = arith.muli %add3A_246, %mul3A_247 : i32
        %get3A_249 = arith.index_cast %mul3A_248 : i32 to index
        %get3A_250 = tpu.vector_load %arg12[%get3A_249] {strides = array<i32>} : memref<2048xi32, #tpu.memory_space<vmem>>, vector<16xi32>,
        %sub3A_251 = vector.broadcast %mul3A_18 : i32 to vector<16xi32>
        %sub3A_252 = arith.subi %get3A_250, %sub3A_251 : vector<16xi32>
        %ge3A_253 = arith.constant 0 : i32
        %ge3A_254 = vector.broadcast %ge3A_253 : i32 to vector<16xi32>
        %ge3A_255 = arith.cmpi sge, %sub3A_252, %ge3A_254 : vector<16xi32>
        %lt3A_256 = arith.constant 6912 : i32
        %lt3A_257 = vector.broadcast %lt3A_256 : i32 to vector<16xi32>
        %lt3A_258 = arith.cmpi slt, %sub3A_252, %lt3A_257 : vector<16xi32>
        %and3A_259 = arith.andi %ge3A_255, %lt3A_258 : vector<16xi1>
        %jit3A_260 = arith.constant 0 : i32
        %broadcast_in_dim3A_261 = vector.broadcast %jit3A_260 : i32 to vector<16xi32>
        %select_n3A_262 = arith.select %and3A_259, %sub3A_252, %broadcast_in_dim3A_261 : vector<16xi1>, vector<16xi32>
        tpu.vector_store_idx %arg13[%select_n3A_262], %broadcast_in_dim3A_3 masked %and3A_259 : memref<6912xf32, #tpu.memory_space<vmem>>[vector<16xi32>], vector<16xf32>, vector<16xi1>
        %mul3A_263 = arith.constant 8 : i32
        %mul3A_264 = arith.muli %scan3A_149, %mul3A_263 : i32
        %add3A_265 = arith.constant 6 : i32
        %add3A_266 = arith.addi %mul3A_264, %add3A_265 : i32
        %mul3A_267 = arith.constant 16 : i32
        %mul3A_268 = arith.muli %add3A_266, %mul3A_267 : i32
        %get3A_269 = arith.index_cast %mul3A_268 : i32 to index
        %get3A_270 = tpu.vector_load %arg12[%get3A_269] {strides = array<i32>} : memref<2048xi32, #tpu.memory_space<vmem>>, vector<16xi32>,
        %sub3A_271 = vector.broadcast %mul3A_18 : i32 to vector<16xi32>
        %sub3A_272 = arith.subi %get3A_270, %sub3A_271 : vector<16xi32>
        %ge3A_273 = arith.constant 0 : i32
        %ge3A_274 = vector.broadcast %ge3A_273 : i32 to vector<16xi32>
        %ge3A_275 = arith.cmpi sge, %sub3A_272, %ge3A_274 : vector<16xi32>
        %lt3A_276 = arith.constant 6912 : i32
        %lt3A_277 = vector.broadcast %lt3A_276 : i32 to vector<16xi32>
        %lt3A_278 = arith.cmpi slt, %sub3A_272, %lt3A_277 : vector<16xi32>
        %and3A_279 = arith.andi %ge3A_275, %lt3A_278 : vector<16xi1>
        %jit3A_280 = arith.constant 0 : i32
        %broadcast_in_dim3A_281 = vector.broadcast %jit3A_280 : i32 to vector<16xi32>
        %select_n3A_282 = arith.select %and3A_279, %sub3A_272, %broadcast_in_dim3A_281 : vector<16xi1>, vector<16xi32>
        tpu.vector_store_idx %arg13[%select_n3A_282], %broadcast_in_dim3A_3 masked %and3A_279 : memref<6912xf32, #tpu.memory_space<vmem>>[vector<16xi32>], vector<16xf32>, vector<16xi1>
        %mul3A_283 = arith.constant 8 : i32
        %mul3A_284 = arith.muli %scan3A_149, %mul3A_283 : i32
        %add3A_285 = arith.constant 7 : i32
        %add3A_286 = arith.addi %mul3A_284, %add3A_285 : i32
        %mul3A_287 = arith.constant 16 : i32
        %mul3A_288 = arith.muli %add3A_286, %mul3A_287 : i32
        %get3A_289 = arith.index_cast %mul3A_288 : i32 to index
        %get3A_290 = tpu.vector_load %arg12[%get3A_289] {strides = array<i32>} : memref<2048xi32, #tpu.memory_space<vmem>>, vector<16xi32>,
        %sub3A_291 = vector.broadcast %mul3A_18 : i32 to vector<16xi32>
        %sub3A_292 = arith.subi %get3A_290, %sub3A_291 : vector<16xi32>
        %ge3A_293 = arith.constant 0 : i32
        %ge3A_294 = vector.broadcast %ge3A_293 : i32 to vector<16xi32>
        %ge3A_295 = arith.cmpi sge, %sub3A_292, %ge3A_294 : vector<16xi32>
        %lt3A_296 = arith.constant 6912 : i32
        %lt3A_297 = vector.broadcast %lt3A_296 : i32 to vector<16xi32>
        %lt3A_298 = arith.cmpi slt, %sub3A_292, %lt3A_297 : vector<16xi32>
        %and3A_299 = arith.andi %ge3A_295, %lt3A_298 : vector<16xi1>
        %jit3A_300 = arith.constant 0 : i32
        %broadcast_in_dim3A_301 = vector.broadcast %jit3A_300 : i32 to vector<16xi32>
        %select_n3A_302 = arith.select %and3A_299, %sub3A_292, %broadcast_in_dim3A_301 : vector<16xi1>, vector<16xi32>
        tpu.vector_store_idx %arg13[%select_n3A_302], %broadcast_in_dim3A_3 masked %and3A_299 : memref<6912xf32, #tpu.memory_space<vmem>>[vector<16xi32>], vector<16xf32>, vector<16xi1>
      }
      %scan3A_148 = arith.constant 16 : i32
    }
    %scan3A_24 = arith.constant 60 : i32
    %mul3A_25 = arith.constant 6912 : i32
    %mul3A_26 = arith.muli %add3A, %mul3A_25 : i32
    "tpu.region"() ({
      %run_scoped3A = tpu.sem_alloc : memref<!tpu.dma_semaphore, #tpu.memory_space<semaphore_mem>>
      %dma_start3A = tpu.memref_slice %arg5[%mul3A_26] : memref<221184xf32, #tpu.memory_space<hbm>> -> memref<6912xf32, #tpu.memory_space<hbm>>
      %dma_start3A_140 = tpu.memref_slice %arg5[%mul3A_26] : memref<221184xf32, #tpu.memory_space<hbm>> -> memref<6912xf32, #tpu.memory_space<hbm>>
      tpu.enqueue_dma source(%arg13 : memref<6912xf32, #tpu.memory_space<vmem>>) target(%dma_start3A_140 : memref<6912xf32, #tpu.memory_space<hbm>>) target_semaphore(%run_scoped3A : memref<!tpu.dma_semaphore, #tpu.memory_space<semaphore_mem>>)
      %dma_wait3A = tpu.memref_slice %arg5[%mul3A_26] : memref<221184xf32, #tpu.memory_space<hbm>> -> memref<6912xf32, #tpu.memory_space<hbm>>
      %dma_wait3A_141 = tpu.memref_slice %arg5[%mul3A_26] : memref<221184xf32, #tpu.memory_space<hbm>> -> memref<6912xf32, #tpu.memory_space<hbm>>
      tpu.wait_dma2 semaphore(%run_scoped3A : memref<!tpu.dma_semaphore, #tpu.memory_space<semaphore_mem>>) src(%arg13 : memref<6912xf32, #tpu.memory_space<vmem>>) dst(%dma_wait3A_141 : memref<6912xf32, #tpu.memory_space<hbm>>)
      tpu.yield
    }) : () -> ()
    %add3A_27 = arith.constant 0 : i32
    %add3A_28 = arith.addi %arg0, %add3A_27 : i32
    %mul3A_29 = arith.constant 36864 : i32
    %mul3A_30 = arith.muli %add3A_28, %mul3A_29 : i32
    %mul3A_31 = arith.constant 2432 : i32
    %mul3A_32 = arith.muli %arg1, %mul3A_31 : i32
    %add3A_33 = arith.constant 0 : i32
    %add3A_34 = arith.addi %mul3A_32, %add3A_33 : i32
    "tpu.region"() ({
      %run_scoped3A = tpu.sem_alloc : memref<!tpu.dma_semaphore, #tpu.memory_space<semaphore_mem>>
      %dma_start3A = arith.constant 0 : i32
      %dma_start3A_140 = tpu.memref_slice %arg15[%add3A_34, %dma_start3A] : memref<38912x32xf32, #tpu.memory_space<vmem_shared>> -> memref<512x32xf32, #tpu.memory_space<vmem_shared>>
      %dma_start3A_141 = arith.constant 0 : i32
      %dma_start3A_142 = tpu.memref_slice %arg15[%add3A_34, %dma_start3A_141] : memref<38912x32xf32, #tpu.memory_space<vmem_shared>> -> memref<512x32xf32, #tpu.memory_space<vmem_shared>>
      tpu.enqueue_dma source(%arg14 : memref<512x32xf32, #tpu.memory_space<vmem>>) target(%dma_start3A_142 : memref<512x32xf32, #tpu.memory_space<vmem_shared>>) target_semaphore(%run_scoped3A : memref<!tpu.dma_semaphore, #tpu.memory_space<semaphore_mem>>)
      %dma_wait3A = arith.constant 0 : i32
      %dma_wait3A_143 = tpu.memref_slice %arg15[%add3A_34, %dma_wait3A] : memref<38912x32xf32, #tpu.memory_space<vmem_shared>> -> memref<512x32xf32, #tpu.memory_space<vmem_shared>>
      %dma_wait3A_144 = arith.constant 0 : i32
      %dma_wait3A_145 = tpu.memref_slice %arg15[%add3A_34, %dma_wait3A_144] : memref<38912x32xf32, #tpu.memory_space<vmem_shared>> -> memref<512x32xf32, #tpu.memory_space<vmem_shared>>
      tpu.wait_dma2 semaphore(%run_scoped3A : memref<!tpu.dma_semaphore, #tpu.memory_space<semaphore_mem>>) src(%arg14 : memref<512x32xf32, #tpu.memory_space<vmem>>) dst(%dma_wait3A_145 : memref<512x32xf32, #tpu.memory_space<vmem_shared>>)
      tpu.yield
    }) : () -> ()
    %mul3A_35 = arith.constant 2432 : i32
    %mul3A_36 = arith.muli %arg1, %mul3A_35 : i32
    %add3A_37 = arith.constant 512 : i32
    %add3A_38 = arith.addi %mul3A_36, %add3A_37 : i32
    "tpu.region"() ({
      %run_scoped3A = tpu.sem_alloc : memref<!tpu.dma_semaphore, #tpu.memory_space<semaphore_mem>>
      %dma_start3A = arith.constant 0 : i32
      %dma_start3A_140 = tpu.memref_slice %arg15[%add3A_38, %dma_start3A] : memref<38912x32xf32, #tpu.memory_space<vmem_shared>> -> memref<512x32xf32, #tpu.memory_space<vmem_shared>>
      %dma_start3A_141 = arith.constant 0 : i32
      %dma_start3A_142 = tpu.memref_slice %arg15[%add3A_38, %dma_start3A_141] : memref<38912x32xf32, #tpu.memory_space<vmem_shared>> -> memref<512x32xf32, #tpu.memory_space<vmem_shared>>
      tpu.enqueue_dma source(%arg14 : memref<512x32xf32, #tpu.memory_space<vmem>>) target(%dma_start3A_142 : memref<512x32xf32, #tpu.memory_space<vmem_shared>>) target_semaphore(%run_scoped3A : memref<!tpu.dma_semaphore, #tpu.memory_space<semaphore_mem>>)
      %dma_wait3A = arith.constant 0 : i32
      %dma_wait3A_143 = tpu.memref_slice %arg15[%add3A_38, %dma_wait3A] : memref<38912x32xf32, #tpu.memory_space<vmem_shared>> -> memref<512x32xf32, #tpu.memory_space<vmem_shared>>
      %dma_wait3A_144 = arith.constant 0 : i32
      %dma_wait3A_145 = tpu.memref_slice %arg15[%add3A_38, %dma_wait3A_144] : memref<38912x32xf32, #tpu.memory_space<vmem_shared>> -> memref<512x32xf32, #tpu.memory_space<vmem_shared>>
      tpu.wait_dma2 semaphore(%run_scoped3A : memref<!tpu.dma_semaphore, #tpu.memory_space<semaphore_mem>>) src(%arg14 : memref<512x32xf32, #tpu.memory_space<vmem>>) dst(%dma_wait3A_145 : memref<512x32xf32, #tpu.memory_space<vmem_shared>>)
      tpu.yield
    }) : () -> ()
    %mul3A_39 = arith.constant 2432 : i32
    %mul3A_40 = arith.muli %arg1, %mul3A_39 : i32
    %add3A_41 = arith.constant 1024 : i32
    %add3A_42 = arith.addi %mul3A_40, %add3A_41 : i32
    "tpu.region"() ({
      %run_scoped3A = tpu.sem_alloc : memref<!tpu.dma_semaphore, #tpu.memory_space<semaphore_mem>>
      %dma_start3A = arith.constant 0 : i32
      %dma_start3A_140 = tpu.memref_slice %arg15[%add3A_42, %dma_start3A] : memref<38912x32xf32, #tpu.memory_space<vmem_shared>> -> memref<512x32xf32, #tpu.memory_space<vmem_shared>>
      %dma_start3A_141 = arith.constant 0 : i32
      %dma_start3A_142 = tpu.memref_slice %arg15[%add3A_42, %dma_start3A_141] : memref<38912x32xf32, #tpu.memory_space<vmem_shared>> -> memref<512x32xf32, #tpu.memory_space<vmem_shared>>
      tpu.enqueue_dma source(%arg14 : memref<512x32xf32, #tpu.memory_space<vmem>>) target(%dma_start3A_142 : memref<512x32xf32, #tpu.memory_space<vmem_shared>>) target_semaphore(%run_scoped3A : memref<!tpu.dma_semaphore, #tpu.memory_space<semaphore_mem>>)
      %dma_wait3A = arith.constant 0 : i32
      %dma_wait3A_143 = tpu.memref_slice %arg15[%add3A_42, %dma_wait3A] : memref<38912x32xf32, #tpu.memory_space<vmem_shared>> -> memref<512x32xf32, #tpu.memory_space<vmem_shared>>
      %dma_wait3A_144 = arith.constant 0 : i32
      %dma_wait3A_145 = tpu.memref_slice %arg15[%add3A_42, %dma_wait3A_144] : memref<38912x32xf32, #tpu.memory_space<vmem_shared>> -> memref<512x32xf32, #tpu.memory_space<vmem_shared>>
      tpu.wait_dma2 semaphore(%run_scoped3A : memref<!tpu.dma_semaphore, #tpu.memory_space<semaphore_mem>>) src(%arg14 : memref<512x32xf32, #tpu.memory_space<vmem>>) dst(%dma_wait3A_145 : memref<512x32xf32, #tpu.memory_space<vmem_shared>>)
      tpu.yield
    }) : () -> ()
    %mul3A_43 = arith.constant 2432 : i32
    %mul3A_44 = arith.muli %arg1, %mul3A_43 : i32
    %add3A_45 = arith.constant 1536 : i32
    %add3A_46 = arith.addi %mul3A_44, %add3A_45 : i32
    "tpu.region"() ({
      %run_scoped3A = tpu.sem_alloc : memref<!tpu.dma_semaphore, #tpu.memory_space<semaphore_mem>>
      %dma_start3A = arith.constant 0 : i32
      %dma_start3A_140 = tpu.memref_slice %arg15[%add3A_46, %dma_start3A] : memref<38912x32xf32, #tpu.memory_space<vmem_shared>> -> memref<512x32xf32, #tpu.memory_space<vmem_shared>>
      %dma_start3A_141 = arith.constant 0 : i32
      %dma_start3A_142 = tpu.memref_slice %arg15[%add3A_46, %dma_start3A_141] : memref<38912x32xf32, #tpu.memory_space<vmem_shared>> -> memref<512x32xf32, #tpu.memory_space<vmem_shared>>
      tpu.enqueue_dma source(%arg14 : memref<512x32xf32, #tpu.memory_space<vmem>>) target(%dma_start3A_142 : memref<512x32xf32, #tpu.memory_space<vmem_shared>>) target_semaphore(%run_scoped3A : memref<!tpu.dma_semaphore, #tpu.memory_space<semaphore_mem>>)
      %dma_wait3A = arith.constant 0 : i32
      %dma_wait3A_143 = tpu.memref_slice %arg15[%add3A_46, %dma_wait3A] : memref<38912x32xf32, #tpu.memory_space<vmem_shared>> -> memref<512x32xf32, #tpu.memory_space<vmem_shared>>
      %dma_wait3A_144 = arith.constant 0 : i32
      %dma_wait3A_145 = tpu.memref_slice %arg15[%add3A_46, %dma_wait3A_144] : memref<38912x32xf32, #tpu.memory_space<vmem_shared>> -> memref<512x32xf32, #tpu.memory_space<vmem_shared>>
      tpu.wait_dma2 semaphore(%run_scoped3A : memref<!tpu.dma_semaphore, #tpu.memory_space<semaphore_mem>>) src(%arg14 : memref<512x32xf32, #tpu.memory_space<vmem>>) dst(%dma_wait3A_145 : memref<512x32xf32, #tpu.memory_space<vmem_shared>>)
      tpu.yield
    }) : () -> ()
    %mul3A_47 = arith.constant 2432 : i32
    %mul3A_48 = arith.muli %arg1, %mul3A_47 : i32
    %add3A_49 = arith.constant 2048 : i32
    %add3A_50 = arith.addi %mul3A_48, %add3A_49 : i32
    "tpu.region"() ({
      %run_scoped3A = tpu.sem_alloc : memref<!tpu.dma_semaphore, #tpu.memory_space<semaphore_mem>>
      %dma_start3A = arith.constant 0 : i32
      %dma_start3A_140 = arith.constant 0 : i32
      %dma_start3A_141 = tpu.memref_slice %arg14[%dma_start3A, %dma_start3A_140] : memref<512x32xf32, #tpu.memory_space<vmem>> -> memref<384x32xf32, #tpu.memory_space<vmem>>
      %dma_start3A_142 = arith.constant 0 : i32
      %dma_start3A_143 = tpu.memref_slice %arg15[%add3A_50, %dma_start3A_142] : memref<38912x32xf32, #tpu.memory_space<vmem_shared>> -> memref<384x32xf32, #tpu.memory_space<vmem_shared>>
      %dma_start3A_144 = arith.constant 0 : i32
      %dma_start3A_145 = tpu.memref_slice %arg15[%add3A_50, %dma_start3A_144] : memref<38912x32xf32, #tpu.memory_space<vmem_shared>> -> memref<384x32xf32, #tpu.memory_space<vmem_shared>>
      %dma_start3A_146 = arith.constant 0 : i32
      %dma_start3A_147 = arith.constant 0 : i32
      %dma_start3A_148 = tpu.memref_slice %arg14[%dma_start3A_146, %dma_start3A_147] : memref<512x32xf32, #tpu.memory_space<vmem>> -> memref<384x32xf32, #tpu.memory_space<vmem>>
      tpu.enqueue_dma source(%dma_start3A_148 : memref<384x32xf32, #tpu.memory_space<vmem>>) target(%dma_start3A_145 : memref<384x32xf32, #tpu.memory_space<vmem_shared>>) target_semaphore(%run_scoped3A : memref<!tpu.dma_semaphore, #tpu.memory_space<semaphore_mem>>)
      %dma_wait3A = arith.constant 0 : i32
      %dma_wait3A_149 = arith.constant 0 : i32
      %dma_wait3A_150 = tpu.memref_slice %arg14[%dma_wait3A, %dma_wait3A_149] : memref<512x32xf32, #tpu.memory_space<vmem>> -> memref<384x32xf32, #tpu.memory_space<vmem>>
      %dma_wait3A_151 = arith.constant 0 : i32
      %dma_wait3A_152 = tpu.memref_slice %arg15[%add3A_50, %dma_wait3A_151] : memref<38912x32xf32, #tpu.memory_space<vmem_shared>> -> memref<384x32xf32, #tpu.memory_space<vmem_shared>>
      %dma_wait3A_153 = arith.constant 0 : i32
      %dma_wait3A_154 = tpu.memref_slice %arg15[%add3A_50, %dma_wait3A_153] : memref<38912x32xf32, #tpu.memory_space<vmem_shared>> -> memref<384x32xf32, #tpu.memory_space<vmem_shared>>
      %dma_wait3A_155 = arith.constant 0 : i32
      %dma_wait3A_156 = arith.constant 0 : i32
      %dma_wait3A_157 = tpu.memref_slice %arg14[%dma_wait3A_155, %dma_wait3A_156] : memref<512x32xf32, #tpu.memory_space<vmem>> -> memref<384x32xf32, #tpu.memory_space<vmem>>
      tpu.wait_dma2 semaphore(%run_scoped3A : memref<!tpu.dma_semaphore, #tpu.memory_space<semaphore_mem>>) src(%dma_wait3A_157 : memref<384x32xf32, #tpu.memory_space<vmem>>) dst(%dma_wait3A_154 : memref<384x32xf32, #tpu.memory_space<vmem_shared>>)
      tpu.yield
    }) : () -> ()
    %barrier3A = arith.constant 0 : index
    tpu.barrier barrier_id(%barrier3A)
    %scan3A_51 = arith.constant 0 : i32
    %scan3A_52 = arith.constant 0 : i32
    %scan3A_53 = arith.constant 15 : i32
    %scan3A_54 = arith.addi %scan3A_52, %scan3A_53 : i32
    %scan3A_55 = arith.constant 1 : i32
    scf.for %scan3A_140 = %scan3A_52 to %scan3A_54 step %scan3A_55  : i32 {
      %mul3A_141 = arith.constant 7680 : i32
      %mul3A_142 = arith.muli %arg1, %mul3A_141 : i32
      %mul3A_143 = arith.constant 512 : i32
      %mul3A_144 = arith.muli %scan3A_140, %mul3A_143 : i32
      %add3A_145 = arith.addi %mul3A_142, %mul3A_144 : i32
      "tpu.region"() ({
        %run_scoped3A = tpu.sem_alloc : memref<!tpu.dma_semaphore, #tpu.memory_space<semaphore_mem>>
        %dma_start3A = arith.constant 0 : i32
        %dma_start3A_1131 = tpu.memref_slice %arg2[%add3A_145, %dma_start3A] : memref<122880x32xf32, #tpu.memory_space<hbm>> -> memref<512x32xf32, #tpu.memory_space<hbm>>
        %dma_start3A_1132 = arith.constant 0 : i32
        %dma_start3A_1133 = tpu.memref_slice %arg2[%add3A_145, %dma_start3A_1132] : memref<122880x32xf32, #tpu.memory_space<hbm>> -> memref<512x32xf32, #tpu.memory_space<hbm>>
        tpu.enqueue_dma source(%dma_start3A_1133 : memref<512x32xf32, #tpu.memory_space<hbm>>) target(%arg7 : memref<512x32xf32, #tpu.memory_space<vmem>>) target_semaphore(%run_scoped3A : memref<!tpu.dma_semaphore, #tpu.memory_space<semaphore_mem>>)
        %dma_wait3A = arith.constant 0 : i32
        %dma_wait3A_1134 = tpu.memref_slice %arg2[%add3A_145, %dma_wait3A] : memref<122880x32xf32, #tpu.memory_space<hbm>> -> memref<512x32xf32, #tpu.memory_space<hbm>>
        %dma_wait3A_1135 = arith.constant 0 : i32
        %dma_wait3A_1136 = tpu.memref_slice %arg2[%add3A_145, %dma_wait3A_1135] : memref<122880x32xf32, #tpu.memory_space<hbm>> -> memref<512x32xf32, #tpu.memory_space<hbm>>
        tpu.wait_dma2 semaphore(%run_scoped3A : memref<!tpu.dma_semaphore, #tpu.memory_space<semaphore_mem>>) src(%dma_wait3A_1136 : memref<512x32xf32, #tpu.memory_space<hbm>>) dst(%arg7 : memref<512x32xf32, #tpu.memory_space<vmem>>)
        tpu.yield
      }) : () -> ()
      %mul3A_146 = arith.constant 512 : i32
      %mul3A_147 = arith.muli %scan3A_140, %mul3A_146 : i32
      %add3A_148 = arith.constant 0 : i32
      %add3A_149 = arith.addi %mul3A_147, %add3A_148 : i32
      %get3A = arith.index_cast %add3A_149 : i32 to index
      %get3A_150 = tpu.vector_load %arg6[%get3A] {strides = array<i32>} : memref<7680xi32, #tpu.memory_space<vmem>>, vector<16xi32>,
      %sub3A = vector.broadcast %mul3A_30 : i32 to vector<16xi32>
      %sub3A_151 = arith.subi %get3A_150, %sub3A : vector<16xi32>
      %ge3A = arith.constant 0 : i32
      %ge3A_152 = vector.broadcast %ge3A : i32 to vector<16xi32>
      %ge3A_153 = arith.cmpi sge, %sub3A_151, %ge3A_152 : vector<16xi32>
      %lt3A = arith.constant 36864 : i32
      %lt3A_154 = vector.broadcast %lt3A : i32 to vector<16xi32>
      %lt3A_155 = arith.cmpi slt, %sub3A_151, %lt3A_154 : vector<16xi32>
      %and3A = arith.andi %ge3A_153, %lt3A_155 : vector<16xi1>
      %mul3A_156 = arith.constant 128 : i32
      %mul3A_157 = arith.muli %arg1, %mul3A_156 : i32
      %mul3A_158 = arith.constant 512 : i32
      %mul3A_159 = arith.muli %scan3A_140, %mul3A_158 : i32
      %add3A_160 = arith.addi %mul3A_157, %mul3A_159 : i32
      %add3A_161 = arith.constant 0 : i32
      %add3A_162 = arith.addi %add3A_160, %add3A_161 : i32
      %and3A_163 = arith.constant 2047 : i32
      %and3A_164 = arith.andi %add3A_162, %and3A_163 : i32
      %add3A_165 = arith.constant 36864 : i32
      %add3A_166 = arith.addi %add3A_165, %and3A_164 : i32
      %add3A_167 = vector.broadcast %add3A_166 : i32 to vector<16xi32>
      %add3A_168 = arith.addi %add3A_167, %iota3A : vector<16xi32>
      %select_n3A = arith.select %and3A, %sub3A_151, %add3A_168 : vector<16xi1>, vector<16xi32>
      %swap3A = arith.constant 0 : index
      %swap3A_169 = tpu.vector_load %arg8[%swap3A] {strides = array<i32>} : memref<128xi32, #tpu.memory_space<vmem>>, vector<16xi32>,
      tpu.vector_store %arg8[%swap3A], %select_n3A {strides = array<i32>} : memref<128xi32, #tpu.memory_space<vmem>>, vector<16xi32>,
      %mul3A_170 = arith.constant 512 : i32
      %mul3A_171 = arith.muli %scan3A_140, %mul3A_170 : i32
      %add3A_172 = arith.constant 16 : i32
      %add3A_173 = arith.addi %mul3A_171, %add3A_172 : i32
      %get3A_174 = arith.index_cast %add3A_173 : i32 to index
      %get3A_175 = tpu.vector_load %arg6[%get3A_174] {strides = array<i32>} : memref<7680xi32, #tpu.memory_space<vmem>>, vector<16xi32>,
      %sub3A_176 = vector.broadcast %mul3A_30 : i32 to vector<16xi32>
      %sub3A_177 = arith.subi %get3A_175, %sub3A_176 : vector<16xi32>
      %ge3A_178 = arith.constant 0 : i32
      %ge3A_179 = vector.broadcast %ge3A_178 : i32 to vector<16xi32>
      %ge3A_180 = arith.cmpi sge, %sub3A_177, %ge3A_179 : vector<16xi32>
      %lt3A_181 = arith.constant 36864 : i32
      %lt3A_182 = vector.broadcast %lt3A_181 : i32 to vector<16xi32>
      %lt3A_183 = arith.cmpi slt, %sub3A_177, %lt3A_182 : vector<16xi32>
      %and3A_184 = arith.andi %ge3A_180, %lt3A_183 : vector<16xi1>
      %mul3A_185 = arith.constant 128 : i32
      %mul3A_186 = arith.muli %arg1, %mul3A_185 : i32
      %mul3A_187 = arith.constant 512 : i32
      %mul3A_188 = arith.muli %scan3A_140, %mul3A_187 : i32
      %add3A_189 = arith.addi %mul3A_186, %mul3A_188 : i32
      %add3A_190 = arith.constant 16 : i32
      %add3A_191 = arith.addi %add3A_189, %add3A_190 : i32
      %and3A_192 = arith.constant 2047 : i32
      %and3A_193 = arith.andi %add3A_191, %and3A_192 : i32
      %add3A_194 = arith.constant 36864 : i32
      %add3A_195 = arith.addi %add3A_194, %and3A_193 : i32
      %add3A_196 = vector.broadcast %add3A_195 : i32 to vector<16xi32>
      %add3A_197 = arith.addi %add3A_196, %iota3A : vector<16xi32>
      %select_n3A_198 = arith.select %and3A_184, %sub3A_177, %add3A_197 : vector<16xi1>, vector<16xi32>
      %swap3A_199 = arith.constant 16 : index
      %swap3A_200 = tpu.vector_load %arg8[%swap3A_199] {strides = array<i32>} : memref<128xi32, #tpu.memory_space<vmem>>, vector<16xi32>,
      tpu.vector_store %arg8[%swap3A_199], %select_n3A_198 {strides = array<i32>} : memref<128xi32, #tpu.memory_space<vmem>>, vector<16xi32>,
      %mul3A_201 = arith.constant 512 : i32
      %mul3A_202 = arith.muli %scan3A_140, %mul3A_201 : i32
      %add3A_203 = arith.constant 32 : i32
      %add3A_204 = arith.addi %mul3A_202, %add3A_203 : i32
      %get3A_205 = arith.index_cast %add3A_204 : i32 to index
      %get3A_206 = tpu.vector_load %arg6[%get3A_205] {strides = array<i32>} : memref<7680xi32, #tpu.memory_space<vmem>>, vector<16xi32>,
      %sub3A_207 = vector.broadcast %mul3A_30 : i32 to vector<16xi32>
      %sub3A_208 = arith.subi %get3A_206, %sub3A_207 : vector<16xi32>
      %ge3A_209 = arith.constant 0 : i32
      %ge3A_210 = vector.broadcast %ge3A_209 : i32 to vector<16xi32>
      %ge3A_211 = arith.cmpi sge, %sub3A_208, %ge3A_210 : vector<16xi32>
      %lt3A_212 = arith.constant 36864 : i32
      %lt3A_213 = vector.broadcast %lt3A_212 : i32 to vector<16xi32>
      %lt3A_214 = arith.cmpi slt, %sub3A_208, %lt3A_213 : vector<16xi32>
      %and3A_215 = arith.andi %ge3A_211, %lt3A_214 : vector<16xi1>
      %mul3A_216 = arith.constant 128 : i32
      %mul3A_217 = arith.muli %arg1, %mul3A_216 : i32
      %mul3A_218 = arith.constant 512 : i32
      %mul3A_219 = arith.muli %scan3A_140, %mul3A_218 : i32
      %add3A_220 = arith.addi %mul3A_217, %mul3A_219 : i32
      %add3A_221 = arith.constant 32 : i32
      %add3A_222 = arith.addi %add3A_220, %add3A_221 : i32
      %and3A_223 = arith.constant 2047 : i32
      %and3A_224 = arith.andi %add3A_222, %and3A_223 : i32
      %add3A_225 = arith.constant 36864 : i32
      %add3A_226 = arith.addi %add3A_225, %and3A_224 : i32
      %add3A_227 = vector.broadcast %add3A_226 : i32 to vector<16xi32>
      %add3A_228 = arith.addi %add3A_227, %iota3A : vector<16xi32>
      %select_n3A_229 = arith.select %and3A_215, %sub3A_208, %add3A_228 : vector<16xi1>, vector<16xi32>
      %swap3A_230 = arith.constant 32 : index
      %swap3A_231 = tpu.vector_load %arg8[%swap3A_230] {strides = array<i32>} : memref<128xi32, #tpu.memory_space<vmem>>, vector<16xi32>,
      tpu.vector_store %arg8[%swap3A_230], %select_n3A_229 {strides = array<i32>} : memref<128xi32, #tpu.memory_space<vmem>>, vector<16xi32>,
      %mul3A_232 = arith.constant 512 : i32
      %mul3A_233 = arith.muli %scan3A_140, %mul3A_232 : i32
      %add3A_234 = arith.constant 48 : i32
      %add3A_235 = arith.addi %mul3A_233, %add3A_234 : i32
      %get3A_236 = arith.index_cast %add3A_235 : i32 to index
      %get3A_237 = tpu.vector_load %arg6[%get3A_236] {strides = array<i32>} : memref<7680xi32, #tpu.memory_space<vmem>>, vector<16xi32>,
      %sub3A_238 = vector.broadcast %mul3A_30 : i32 to vector<16xi32>
      %sub3A_239 = arith.subi %get3A_237, %sub3A_238 : vector<16xi32>
      %ge3A_240 = arith.constant 0 : i32
      %ge3A_241 = vector.broadcast %ge3A_240 : i32 to vector<16xi32>
      %ge3A_242 = arith.cmpi sge, %sub3A_239, %ge3A_241 : vector<16xi32>
      %lt3A_243 = arith.constant 36864 : i32
      %lt3A_244 = vector.broadcast %lt3A_243 : i32 to vector<16xi32>
      %lt3A_245 = arith.cmpi slt, %sub3A_239, %lt3A_244 : vector<16xi32>
      %and3A_246 = arith.andi %ge3A_242, %lt3A_245 : vector<16xi1>
      %mul3A_247 = arith.constant 128 : i32
      %mul3A_248 = arith.muli %arg1, %mul3A_247 : i32
      %mul3A_249 = arith.constant 512 : i32
      %mul3A_250 = arith.muli %scan3A_140, %mul3A_249 : i32
      %add3A_251 = arith.addi %mul3A_248, %mul3A_250 : i32
      %add3A_252 = arith.constant 48 : i32
      %add3A_253 = arith.addi %add3A_251, %add3A_252 : i32
      %and3A_254 = arith.constant 2047 : i32
      %and3A_255 = arith.andi %add3A_253, %and3A_254 : i32
      %add3A_256 = arith.constant 36864 : i32
      %add3A_257 = arith.addi %add3A_256, %and3A_255 : i32
      %add3A_258 = vector.broadcast %add3A_257 : i32 to vector<16xi32>
      %add3A_259 = arith.addi %add3A_258, %iota3A : vector<16xi32>
      %select_n3A_260 = arith.select %and3A_246, %sub3A_239, %add3A_259 : vector<16xi1>, vector<16xi32>
      %swap3A_261 = arith.constant 48 : index
      %swap3A_262 = tpu.vector_load %arg8[%swap3A_261] {strides = array<i32>} : memref<128xi32, #tpu.memory_space<vmem>>, vector<16xi32>,
      tpu.vector_store %arg8[%swap3A_261], %select_n3A_260 {strides = array<i32>} : memref<128xi32, #tpu.memory_space<vmem>>, vector<16xi32>,
      %mul3A_263 = arith.constant 512 : i32
      %mul3A_264 = arith.muli %scan3A_140, %mul3A_263 : i32
      %add3A_265 = arith.constant 64 : i32
      %add3A_266 = arith.addi %mul3A_264, %add3A_265 : i32
      %get3A_267 = arith.index_cast %add3A_266 : i32 to index
      %get3A_268 = tpu.vector_load %arg6[%get3A_267] {strides = array<i32>} : memref<7680xi32, #tpu.memory_space<vmem>>, vector<16xi32>,
      %sub3A_269 = vector.broadcast %mul3A_30 : i32 to vector<16xi32>
      %sub3A_270 = arith.subi %get3A_268, %sub3A_269 : vector<16xi32>
      %ge3A_271 = arith.constant 0 : i32
      %ge3A_272 = vector.broadcast %ge3A_271 : i32 to vector<16xi32>
      %ge3A_273 = arith.cmpi sge, %sub3A_270, %ge3A_272 : vector<16xi32>
      %lt3A_274 = arith.constant 36864 : i32
      %lt3A_275 = vector.broadcast %lt3A_274 : i32 to vector<16xi32>
      %lt3A_276 = arith.cmpi slt, %sub3A_270, %lt3A_275 : vector<16xi32>
      %and3A_277 = arith.andi %ge3A_273, %lt3A_276 : vector<16xi1>
      %mul3A_278 = arith.constant 128 : i32
      %mul3A_279 = arith.muli %arg1, %mul3A_278 : i32
      %mul3A_280 = arith.constant 512 : i32
      %mul3A_281 = arith.muli %scan3A_140, %mul3A_280 : i32
      %add3A_282 = arith.addi %mul3A_279, %mul3A_281 : i32
      %add3A_283 = arith.constant 64 : i32
      %add3A_284 = arith.addi %add3A_282, %add3A_283 : i32
      %and3A_285 = arith.constant 2047 : i32
      %and3A_286 = arith.andi %add3A_284, %and3A_285 : i32
      %add3A_287 = arith.constant 36864 : i32
      %add3A_288 = arith.addi %add3A_287, %and3A_286 : i32
      %add3A_289 = vector.broadcast %add3A_288 : i32 to vector<16xi32>
      %add3A_290 = arith.addi %add3A_289, %iota3A : vector<16xi32>
      %select_n3A_291 = arith.select %and3A_277, %sub3A_270, %add3A_290 : vector<16xi1>, vector<16xi32>
      %swap3A_292 = arith.constant 64 : index
      %swap3A_293 = tpu.vector_load %arg8[%swap3A_292] {strides = array<i32>} : memref<128xi32, #tpu.memory_space<vmem>>, vector<16xi32>,
      tpu.vector_store %arg8[%swap3A_292], %select_n3A_291 {strides = array<i32>} : memref<128xi32, #tpu.memory_space<vmem>>, vector<16xi32>,
      %mul3A_294 = arith.constant 512 : i32
      %mul3A_295 = arith.muli %scan3A_140, %mul3A_294 : i32
      %add3A_296 = arith.constant 80 : i32
      %add3A_297 = arith.addi %mul3A_295, %add3A_296 : i32
      %get3A_298 = arith.index_cast %add3A_297 : i32 to index
      %get3A_299 = tpu.vector_load %arg6[%get3A_298] {strides = array<i32>} : memref<7680xi32, #tpu.memory_space<vmem>>, vector<16xi32>,
      %sub3A_300 = vector.broadcast %mul3A_30 : i32 to vector<16xi32>
      %sub3A_301 = arith.subi %get3A_299, %sub3A_300 : vector<16xi32>
      %ge3A_302 = arith.constant 0 : i32
      %ge3A_303 = vector.broadcast %ge3A_302 : i32 to vector<16xi32>
      %ge3A_304 = arith.cmpi sge, %sub3A_301, %ge3A_303 : vector<16xi32>
      %lt3A_305 = arith.constant 36864 : i32
      %lt3A_306 = vector.broadcast %lt3A_305 : i32 to vector<16xi32>
      %lt3A_307 = arith.cmpi slt, %sub3A_301, %lt3A_306 : vector<16xi32>
      %and3A_308 = arith.andi %ge3A_304, %lt3A_307 : vector<16xi1>
      %mul3A_309 = arith.constant 128 : i32
      %mul3A_310 = arith.muli %arg1, %mul3A_309 : i32
      %mul3A_311 = arith.constant 512 : i32
      %mul3A_312 = arith.muli %scan3A_140, %mul3A_311 : i32
      %add3A_313 = arith.addi %mul3A_310, %mul3A_312 : i32
      %add3A_314 = arith.constant 80 : i32
      %add3A_315 = arith.addi %add3A_313, %add3A_314 : i32
      %and3A_316 = arith.constant 2047 : i32
      %and3A_317 = arith.andi %add3A_315, %and3A_316 : i32
      %add3A_318 = arith.constant 36864 : i32
      %add3A_319 = arith.addi %add3A_318, %and3A_317 : i32
      %add3A_320 = vector.broadcast %add3A_319 : i32 to vector<16xi32>
      %add3A_321 = arith.addi %add3A_320, %iota3A : vector<16xi32>
      %select_n3A_322 = arith.select %and3A_308, %sub3A_301, %add3A_321 : vector<16xi1>, vector<16xi32>
      %swap3A_323 = arith.constant 80 : index
      %swap3A_324 = tpu.vector_load %arg8[%swap3A_323] {strides = array<i32>} : memref<128xi32, #tpu.memory_space<vmem>>, vector<16xi32>,
      tpu.vector_store %arg8[%swap3A_323], %select_n3A_322 {strides = array<i32>} : memref<128xi32, #tpu.memory_space<vmem>>, vector<16xi32>,
      %mul3A_325 = arith.constant 512 : i32
      %mul3A_326 = arith.muli %scan3A_140, %mul3A_325 : i32
      %add3A_327 = arith.constant 96 : i32
      %add3A_328 = arith.addi %mul3A_326, %add3A_327 : i32
      %get3A_329 = arith.index_cast %add3A_328 : i32 to index
      %get3A_330 = tpu.vector_load %arg6[%get3A_329] {strides = array<i32>} : memref<7680xi32, #tpu.memory_space<vmem>>, vector<16xi32>,
      %sub3A_331 = vector.broadcast %mul3A_30 : i32 to vector<16xi32>
      %sub3A_332 = arith.subi %get3A_330, %sub3A_331 : vector<16xi32>
      %ge3A_333 = arith.constant 0 : i32
      %ge3A_334 = vector.broadcast %ge3A_333 : i32 to vector<16xi32>
      %ge3A_335 = arith.cmpi sge, %sub3A_332, %ge3A_334 : vector<16xi32>
      %lt3A_336 = arith.constant 36864 : i32
      %lt3A_337 = vector.broadcast %lt3A_336 : i32 to vector<16xi32>
      %lt3A_338 = arith.cmpi slt, %sub3A_332, %lt3A_337 : vector<16xi32>
      %and3A_339 = arith.andi %ge3A_335, %lt3A_338 : vector<16xi1>
      %mul3A_340 = arith.constant 128 : i32
      %mul3A_341 = arith.muli %arg1, %mul3A_340 : i32
      %mul3A_342 = arith.constant 512 : i32
      %mul3A_343 = arith.muli %scan3A_140, %mul3A_342 : i32
      %add3A_344 = arith.addi %mul3A_341, %mul3A_343 : i32
      %add3A_345 = arith.constant 96 : i32
      %add3A_346 = arith.addi %add3A_344, %add3A_345 : i32
      %and3A_347 = arith.constant 2047 : i32
      %and3A_348 = arith.andi %add3A_346, %and3A_347 : i32
      %add3A_349 = arith.constant 36864 : i32
      %add3A_350 = arith.addi %add3A_349, %and3A_348 : i32
      %add3A_351 = vector.broadcast %add3A_350 : i32 to vector<16xi32>
      %add3A_352 = arith.addi %add3A_351, %iota3A : vector<16xi32>
      %select_n3A_353 = arith.select %and3A_339, %sub3A_332, %add3A_352 : vector<16xi1>, vector<16xi32>
      %swap3A_354 = arith.constant 96 : index
      %swap3A_355 = tpu.vector_load %arg8[%swap3A_354] {strides = array<i32>} : memref<128xi32, #tpu.memory_space<vmem>>, vector<16xi32>,
      tpu.vector_store %arg8[%swap3A_354], %select_n3A_353 {strides = array<i32>} : memref<128xi32, #tpu.memory_space<vmem>>, vector<16xi32>,
      %mul3A_356 = arith.constant 512 : i32
      %mul3A_357 = arith.muli %scan3A_140, %mul3A_356 : i32
      %add3A_358 = arith.constant 112 : i32
      %add3A_359 = arith.addi %mul3A_357, %add3A_358 : i32
      %get3A_360 = arith.index_cast %add3A_359 : i32 to index
      %get3A_361 = tpu.vector_load %arg6[%get3A_360] {strides = array<i32>} : memref<7680xi32, #tpu.memory_space<vmem>>, vector<16xi32>,
      %sub3A_362 = vector.broadcast %mul3A_30 : i32 to vector<16xi32>
      %sub3A_363 = arith.subi %get3A_361, %sub3A_362 : vector<16xi32>
      %ge3A_364 = arith.constant 0 : i32
      %ge3A_365 = vector.broadcast %ge3A_364 : i32 to vector<16xi32>
      %ge3A_366 = arith.cmpi sge, %sub3A_363, %ge3A_365 : vector<16xi32>
      %lt3A_367 = arith.constant 36864 : i32
      %lt3A_368 = vector.broadcast %lt3A_367 : i32 to vector<16xi32>
      %lt3A_369 = arith.cmpi slt, %sub3A_363, %lt3A_368 : vector<16xi32>
      %and3A_370 = arith.andi %ge3A_366, %lt3A_369 : vector<16xi1>
      %mul3A_371 = arith.constant 128 : i32
      %mul3A_372 = arith.muli %arg1, %mul3A_371 : i32
      %mul3A_373 = arith.constant 512 : i32
      %mul3A_374 = arith.muli %scan3A_140, %mul3A_373 : i32
      %add3A_375 = arith.addi %mul3A_372, %mul3A_374 : i32
      %add3A_376 = arith.constant 112 : i32
      %add3A_377 = arith.addi %add3A_375, %add3A_376 : i32
      %and3A_378 = arith.constant 2047 : i32
      %and3A_379 = arith.andi %add3A_377, %and3A_378 : i32
      %add3A_380 = arith.constant 36864 : i32
      %add3A_381 = arith.addi %add3A_380, %and3A_379 : i32
      %add3A_382 = vector.broadcast %add3A_381 : i32 to vector<16xi32>
      %add3A_383 = arith.addi %add3A_382, %iota3A : vector<16xi32>
      %select_n3A_384 = arith.select %and3A_370, %sub3A_363, %add3A_383 : vector<16xi1>, vector<16xi32>
      %swap3A_385 = arith.constant 112 : index
      %swap3A_386 = tpu.vector_load %arg8[%swap3A_385] {strides = array<i32>} : memref<128xi32, #tpu.memory_space<vmem>>, vector<16xi32>,
      tpu.vector_store %arg8[%swap3A_385], %select_n3A_384 {strides = array<i32>} : memref<128xi32, #tpu.memory_space<vmem>>, vector<16xi32>,
      %mul3A_387 = arith.constant 512 : i32
      %mul3A_388 = arith.muli %scan3A_140, %mul3A_387 : i32
      %add3A_389 = arith.constant 128 : i32
      %add3A_390 = arith.addi %mul3A_388, %add3A_389 : i32
      %get3A_391 = arith.index_cast %add3A_390 : i32 to index
      %get3A_392 = tpu.vector_load %arg6[%get3A_391] {strides = array<i32>} : memref<7680xi32, #tpu.memory_space<vmem>>, vector<16xi32>,
      %sub3A_393 = vector.broadcast %mul3A_30 : i32 to vector<16xi32>
      %sub3A_394 = arith.subi %get3A_392, %sub3A_393 : vector<16xi32>
      %ge3A_395 = arith.constant 0 : i32
      %ge3A_396 = vector.broadcast %ge3A_395 : i32 to vector<16xi32>
      %ge3A_397 = arith.cmpi sge, %sub3A_394, %ge3A_396 : vector<16xi32>
      %lt3A_398 = arith.constant 36864 : i32
      %lt3A_399 = vector.broadcast %lt3A_398 : i32 to vector<16xi32>
      %lt3A_400 = arith.cmpi slt, %sub3A_394, %lt3A_399 : vector<16xi32>
      %and3A_401 = arith.andi %ge3A_397, %lt3A_400 : vector<16xi1>
      %mul3A_402 = arith.constant 128 : i32
      %mul3A_403 = arith.muli %arg1, %mul3A_402 : i32
      %mul3A_404 = arith.constant 512 : i32
      %mul3A_405 = arith.muli %scan3A_140, %mul3A_404 : i32
      %add3A_406 = arith.addi %mul3A_403, %mul3A_405 : i32
      %add3A_407 = arith.constant 128 : i32
      %add3A_408 = arith.addi %add3A_406, %add3A_407 : i32
      %and3A_409 = arith.constant 2047 : i32
      %and3A_410 = arith.andi %add3A_408, %and3A_409 : i32
      %add3A_411 = arith.constant 36864 : i32
      %add3A_412 = arith.addi %add3A_411, %and3A_410 : i32
      %add3A_413 = vector.broadcast %add3A_412 : i32 to vector<16xi32>
      %add3A_414 = arith.addi %add3A_413, %iota3A : vector<16xi32>
      %select_n3A_415 = arith.select %and3A_401, %sub3A_394, %add3A_414 : vector<16xi1>, vector<16xi32>
      %swap3A_416 = arith.constant 0 : index
      %swap3A_417 = tpu.vector_load %arg9[%swap3A_416] {strides = array<i32>} : memref<128xi32, #tpu.memory_space<vmem>>, vector<16xi32>,
      tpu.vector_store %arg9[%swap3A_416], %select_n3A_415 {strides = array<i32>} : memref<128xi32, #tpu.memory_space<vmem>>, vector<16xi32>,
      %mul3A_418 = arith.constant 512 : i32
      %mul3A_419 = arith.muli %scan3A_140, %mul3A_418 : i32
      %add3A_420 = arith.constant 144 : i32
      %add3A_421 = arith.addi %mul3A_419, %add3A_420 : i32
      %get3A_422 = arith.index_cast %add3A_421 : i32 to index
      %get3A_423 = tpu.vector_load %arg6[%get3A_422] {strides = array<i32>} : memref<7680xi32, #tpu.memory_space<vmem>>, vector<16xi32>,
      %sub3A_424 = vector.broadcast %mul3A_30 : i32 to vector<16xi32>
      %sub3A_425 = arith.subi %get3A_423, %sub3A_424 : vector<16xi32>
      %ge3A_426 = arith.constant 0 : i32
      %ge3A_427 = vector.broadcast %ge3A_426 : i32 to vector<16xi32>
      %ge3A_428 = arith.cmpi sge, %sub3A_425, %ge3A_427 : vector<16xi32>
      %lt3A_429 = arith.constant 36864 : i32
      %lt3A_430 = vector.broadcast %lt3A_429 : i32 to vector<16xi32>
      %lt3A_431 = arith.cmpi slt, %sub3A_425, %lt3A_430 : vector<16xi32>
      %and3A_432 = arith.andi %ge3A_428, %lt3A_431 : vector<16xi1>
      %mul3A_433 = arith.constant 128 : i32
      %mul3A_434 = arith.muli %arg1, %mul3A_433 : i32
      %mul3A_435 = arith.constant 512 : i32
      %mul3A_436 = arith.muli %scan3A_140, %mul3A_435 : i32
      %add3A_437 = arith.addi %mul3A_434, %mul3A_436 : i32
      %add3A_438 = arith.constant 144 : i32
      %add3A_439 = arith.addi %add3A_437, %add3A_438 : i32
      %and3A_440 = arith.constant 2047 : i32
      %and3A_441 = arith.andi %add3A_439, %and3A_440 : i32
      %add3A_442 = arith.constant 36864 : i32
      %add3A_443 = arith.addi %add3A_442, %and3A_441 : i32
      %add3A_444 = vector.broadcast %add3A_443 : i32 to vector<16xi32>
      %add3A_445 = arith.addi %add3A_444, %iota3A : vector<16xi32>
      %select_n3A_446 = arith.select %and3A_432, %sub3A_425, %add3A_445 : vector<16xi1>, vector<16xi32>
      %swap3A_447 = arith.constant 16 : index
      %swap3A_448 = tpu.vector_load %arg9[%swap3A_447] {strides = array<i32>} : memref<128xi32, #tpu.memory_space<vmem>>, vector<16xi32>,
      tpu.vector_store %arg9[%swap3A_447], %select_n3A_446 {strides = array<i32>} : memref<128xi32, #tpu.memory_space<vmem>>, vector<16xi32>,
      %mul3A_449 = arith.constant 512 : i32
      %mul3A_450 = arith.muli %scan3A_140, %mul3A_449 : i32
      %add3A_451 = arith.constant 160 : i32
      %add3A_452 = arith.addi %mul3A_450, %add3A_451 : i32
      %get3A_453 = arith.index_cast %add3A_452 : i32 to index
      %get3A_454 = tpu.vector_load %arg6[%get3A_453] {strides = array<i32>} : memref<7680xi32, #tpu.memory_space<vmem>>, vector<16xi32>,
      %sub3A_455 = vector.broadcast %mul3A_30 : i32 to vector<16xi32>
      %sub3A_456 = arith.subi %get3A_454, %sub3A_455 : vector<16xi32>
      %ge3A_457 = arith.constant 0 : i32
      %ge3A_458 = vector.broadcast %ge3A_457 : i32 to vector<16xi32>
      %ge3A_459 = arith.cmpi sge, %sub3A_456, %ge3A_458 : vector<16xi32>
      %lt3A_460 = arith.constant 36864 : i32
      %lt3A_461 = vector.broadcast %lt3A_460 : i32 to vector<16xi32>
      %lt3A_462 = arith.cmpi slt, %sub3A_456, %lt3A_461 : vector<16xi32>
      %and3A_463 = arith.andi %ge3A_459, %lt3A_462 : vector<16xi1>
      %mul3A_464 = arith.constant 128 : i32
      %mul3A_465 = arith.muli %arg1, %mul3A_464 : i32
      %mul3A_466 = arith.constant 512 : i32
      %mul3A_467 = arith.muli %scan3A_140, %mul3A_466 : i32
      %add3A_468 = arith.addi %mul3A_465, %mul3A_467 : i32
      %add3A_469 = arith.constant 160 : i32
      %add3A_470 = arith.addi %add3A_468, %add3A_469 : i32
      %and3A_471 = arith.constant 2047 : i32
      %and3A_472 = arith.andi %add3A_470, %and3A_471 : i32
      %add3A_473 = arith.constant 36864 : i32
      %add3A_474 = arith.addi %add3A_473, %and3A_472 : i32
      %add3A_475 = vector.broadcast %add3A_474 : i32 to vector<16xi32>
      %add3A_476 = arith.addi %add3A_475, %iota3A : vector<16xi32>
      %select_n3A_477 = arith.select %and3A_463, %sub3A_456, %add3A_476 : vector<16xi1>, vector<16xi32>
      %swap3A_478 = arith.constant 32 : index
      %swap3A_479 = tpu.vector_load %arg9[%swap3A_478] {strides = array<i32>} : memref<128xi32, #tpu.memory_space<vmem>>, vector<16xi32>,
      tpu.vector_store %arg9[%swap3A_478], %select_n3A_477 {strides = array<i32>} : memref<128xi32, #tpu.memory_space<vmem>>, vector<16xi32>,
      %mul3A_480 = arith.constant 512 : i32
      %mul3A_481 = arith.muli %scan3A_140, %mul3A_480 : i32
      %add3A_482 = arith.constant 176 : i32
      %add3A_483 = arith.addi %mul3A_481, %add3A_482 : i32
      %get3A_484 = arith.index_cast %add3A_483 : i32 to index
      %get3A_485 = tpu.vector_load %arg6[%get3A_484] {strides = array<i32>} : memref<7680xi32, #tpu.memory_space<vmem>>, vector<16xi32>,
      %sub3A_486 = vector.broadcast %mul3A_30 : i32 to vector<16xi32>
      %sub3A_487 = arith.subi %get3A_485, %sub3A_486 : vector<16xi32>
      %ge3A_488 = arith.constant 0 : i32
      %ge3A_489 = vector.broadcast %ge3A_488 : i32 to vector<16xi32>
      %ge3A_490 = arith.cmpi sge, %sub3A_487, %ge3A_489 : vector<16xi32>
      %lt3A_491 = arith.constant 36864 : i32
      %lt3A_492 = vector.broadcast %lt3A_491 : i32 to vector<16xi32>
      %lt3A_493 = arith.cmpi slt, %sub3A_487, %lt3A_492 : vector<16xi32>
      %and3A_494 = arith.andi %ge3A_490, %lt3A_493 : vector<16xi1>
      %mul3A_495 = arith.constant 128 : i32
      %mul3A_496 = arith.muli %arg1, %mul3A_495 : i32
      %mul3A_497 = arith.constant 512 : i32
      %mul3A_498 = arith.muli %scan3A_140, %mul3A_497 : i32
      %add3A_499 = arith.addi %mul3A_496, %mul3A_498 : i32
      %add3A_500 = arith.constant 176 : i32
      %add3A_501 = arith.addi %add3A_499, %add3A_500 : i32
      %and3A_502 = arith.constant 2047 : i32
      %and3A_503 = arith.andi %add3A_501, %and3A_502 : i32
      %add3A_504 = arith.constant 36864 : i32
      %add3A_505 = arith.addi %add3A_504, %and3A_503 : i32
      %add3A_506 = vector.broadcast %add3A_505 : i32 to vector<16xi32>
      %add3A_507 = arith.addi %add3A_506, %iota3A : vector<16xi32>
      %select_n3A_508 = arith.select %and3A_494, %sub3A_487, %add3A_507 : vector<16xi1>, vector<16xi32>
      %swap3A_509 = arith.constant 48 : index
      %swap3A_510 = tpu.vector_load %arg9[%swap3A_509] {strides = array<i32>} : memref<128xi32, #tpu.memory_space<vmem>>, vector<16xi32>,
      tpu.vector_store %arg9[%swap3A_509], %select_n3A_508 {strides = array<i32>} : memref<128xi32, #tpu.memory_space<vmem>>, vector<16xi32>,
      %mul3A_511 = arith.constant 512 : i32
      %mul3A_512 = arith.muli %scan3A_140, %mul3A_511 : i32
      %add3A_513 = arith.constant 192 : i32
      %add3A_514 = arith.addi %mul3A_512, %add3A_513 : i32
      %get3A_515 = arith.index_cast %add3A_514 : i32 to index
      %get3A_516 = tpu.vector_load %arg6[%get3A_515] {strides = array<i32>} : memref<7680xi32, #tpu.memory_space<vmem>>, vector<16xi32>,
      %sub3A_517 = vector.broadcast %mul3A_30 : i32 to vector<16xi32>
      %sub3A_518 = arith.subi %get3A_516, %sub3A_517 : vector<16xi32>
      %ge3A_519 = arith.constant 0 : i32
      %ge3A_520 = vector.broadcast %ge3A_519 : i32 to vector<16xi32>
      %ge3A_521 = arith.cmpi sge, %sub3A_518, %ge3A_520 : vector<16xi32>
      %lt3A_522 = arith.constant 36864 : i32
      %lt3A_523 = vector.broadcast %lt3A_522 : i32 to vector<16xi32>
      %lt3A_524 = arith.cmpi slt, %sub3A_518, %lt3A_523 : vector<16xi32>
      %and3A_525 = arith.andi %ge3A_521, %lt3A_524 : vector<16xi1>
      %mul3A_526 = arith.constant 128 : i32
      %mul3A_527 = arith.muli %arg1, %mul3A_526 : i32
      %mul3A_528 = arith.constant 512 : i32
      %mul3A_529 = arith.muli %scan3A_140, %mul3A_528 : i32
      %add3A_530 = arith.addi %mul3A_527, %mul3A_529 : i32
      %add3A_531 = arith.constant 192 : i32
      %add3A_532 = arith.addi %add3A_530, %add3A_531 : i32
      %and3A_533 = arith.constant 2047 : i32
      %and3A_534 = arith.andi %add3A_532, %and3A_533 : i32
      %add3A_535 = arith.constant 36864 : i32
      %add3A_536 = arith.addi %add3A_535, %and3A_534 : i32
      %add3A_537 = vector.broadcast %add3A_536 : i32 to vector<16xi32>
      %add3A_538 = arith.addi %add3A_537, %iota3A : vector<16xi32>
      %select_n3A_539 = arith.select %and3A_525, %sub3A_518, %add3A_538 : vector<16xi1>, vector<16xi32>
      %swap3A_540 = arith.constant 64 : index
      %swap3A_541 = tpu.vector_load %arg9[%swap3A_540] {strides = array<i32>} : memref<128xi32, #tpu.memory_space<vmem>>, vector<16xi32>,
      tpu.vector_store %arg9[%swap3A_540], %select_n3A_539 {strides = array<i32>} : memref<128xi32, #tpu.memory_space<vmem>>, vector<16xi32>,
      %mul3A_542 = arith.constant 512 : i32
      %mul3A_543 = arith.muli %scan3A_140, %mul3A_542 : i32
      %add3A_544 = arith.constant 208 : i32
      %add3A_545 = arith.addi %mul3A_543, %add3A_544 : i32
      %get3A_546 = arith.index_cast %add3A_545 : i32 to index
      %get3A_547 = tpu.vector_load %arg6[%get3A_546] {strides = array<i32>} : memref<7680xi32, #tpu.memory_space<vmem>>, vector<16xi32>,
      %sub3A_548 = vector.broadcast %mul3A_30 : i32 to vector<16xi32>
      %sub3A_549 = arith.subi %get3A_547, %sub3A_548 : vector<16xi32>
      %ge3A_550 = arith.constant 0 : i32
      %ge3A_551 = vector.broadcast %ge3A_550 : i32 to vector<16xi32>
      %ge3A_552 = arith.cmpi sge, %sub3A_549, %ge3A_551 : vector<16xi32>
      %lt3A_553 = arith.constant 36864 : i32
      %lt3A_554 = vector.broadcast %lt3A_553 : i32 to vector<16xi32>
      %lt3A_555 = arith.cmpi slt, %sub3A_549, %lt3A_554 : vector<16xi32>
      %and3A_556 = arith.andi %ge3A_552, %lt3A_555 : vector<16xi1>
      %mul3A_557 = arith.constant 128 : i32
      %mul3A_558 = arith.muli %arg1, %mul3A_557 : i32
      %mul3A_559 = arith.constant 512 : i32
      %mul3A_560 = arith.muli %scan3A_140, %mul3A_559 : i32
      %add3A_561 = arith.addi %mul3A_558, %mul3A_560 : i32
      %add3A_562 = arith.constant 208 : i32
      %add3A_563 = arith.addi %add3A_561, %add3A_562 : i32
      %and3A_564 = arith.constant 2047 : i32
      %and3A_565 = arith.andi %add3A_563, %and3A_564 : i32
      %add3A_566 = arith.constant 36864 : i32
      %add3A_567 = arith.addi %add3A_566, %and3A_565 : i32
      %add3A_568 = vector.broadcast %add3A_567 : i32 to vector<16xi32>
      %add3A_569 = arith.addi %add3A_568, %iota3A : vector<16xi32>
      %select_n3A_570 = arith.select %and3A_556, %sub3A_549, %add3A_569 : vector<16xi1>, vector<16xi32>
      %swap3A_571 = arith.constant 80 : index
      %swap3A_572 = tpu.vector_load %arg9[%swap3A_571] {strides = array<i32>} : memref<128xi32, #tpu.memory_space<vmem>>, vector<16xi32>,
      tpu.vector_store %arg9[%swap3A_571], %select_n3A_570 {strides = array<i32>} : memref<128xi32, #tpu.memory_space<vmem>>, vector<16xi32>,
      %mul3A_573 = arith.constant 512 : i32
      %mul3A_574 = arith.muli %scan3A_140, %mul3A_573 : i32
      %add3A_575 = arith.constant 224 : i32
      %add3A_576 = arith.addi %mul3A_574, %add3A_575 : i32
      %get3A_577 = arith.index_cast %add3A_576 : i32 to index
      %get3A_578 = tpu.vector_load %arg6[%get3A_577] {strides = array<i32>} : memref<7680xi32, #tpu.memory_space<vmem>>, vector<16xi32>,
      %sub3A_579 = vector.broadcast %mul3A_30 : i32 to vector<16xi32>
      %sub3A_580 = arith.subi %get3A_578, %sub3A_579 : vector<16xi32>
      %ge3A_581 = arith.constant 0 : i32
      %ge3A_582 = vector.broadcast %ge3A_581 : i32 to vector<16xi32>
      %ge3A_583 = arith.cmpi sge, %sub3A_580, %ge3A_582 : vector<16xi32>
      %lt3A_584 = arith.constant 36864 : i32
      %lt3A_585 = vector.broadcast %lt3A_584 : i32 to vector<16xi32>
      %lt3A_586 = arith.cmpi slt, %sub3A_580, %lt3A_585 : vector<16xi32>
      %and3A_587 = arith.andi %ge3A_583, %lt3A_586 : vector<16xi1>
      %mul3A_588 = arith.constant 128 : i32
      %mul3A_589 = arith.muli %arg1, %mul3A_588 : i32
      %mul3A_590 = arith.constant 512 : i32
      %mul3A_591 = arith.muli %scan3A_140, %mul3A_590 : i32
      %add3A_592 = arith.addi %mul3A_589, %mul3A_591 : i32
      %add3A_593 = arith.constant 224 : i32
      %add3A_594 = arith.addi %add3A_592, %add3A_593 : i32
      %and3A_595 = arith.constant 2047 : i32
      %and3A_596 = arith.andi %add3A_594, %and3A_595 : i32
      %add3A_597 = arith.constant 36864 : i32
      %add3A_598 = arith.addi %add3A_597, %and3A_596 : i32
      %add3A_599 = vector.broadcast %add3A_598 : i32 to vector<16xi32>
      %add3A_600 = arith.addi %add3A_599, %iota3A : vector<16xi32>
      %select_n3A_601 = arith.select %and3A_587, %sub3A_580, %add3A_600 : vector<16xi1>, vector<16xi32>
      %swap3A_602 = arith.constant 96 : index
      %swap3A_603 = tpu.vector_load %arg9[%swap3A_602] {strides = array<i32>} : memref<128xi32, #tpu.memory_space<vmem>>, vector<16xi32>,
      tpu.vector_store %arg9[%swap3A_602], %select_n3A_601 {strides = array<i32>} : memref<128xi32, #tpu.memory_space<vmem>>, vector<16xi32>,
      %mul3A_604 = arith.constant 512 : i32
      %mul3A_605 = arith.muli %scan3A_140, %mul3A_604 : i32
      %add3A_606 = arith.constant 240 : i32
      %add3A_607 = arith.addi %mul3A_605, %add3A_606 : i32
      %get3A_608 = arith.index_cast %add3A_607 : i32 to index
      %get3A_609 = tpu.vector_load %arg6[%get3A_608] {strides = array<i32>} : memref<7680xi32, #tpu.memory_space<vmem>>, vector<16xi32>,
      %sub3A_610 = vector.broadcast %mul3A_30 : i32 to vector<16xi32>
      %sub3A_611 = arith.subi %get3A_609, %sub3A_610 : vector<16xi32>
      %ge3A_612 = arith.constant 0 : i32
      %ge3A_613 = vector.broadcast %ge3A_612 : i32 to vector<16xi32>
      %ge3A_614 = arith.cmpi sge, %sub3A_611, %ge3A_613 : vector<16xi32>
      %lt3A_615 = arith.constant 36864 : i32
      %lt3A_616 = vector.broadcast %lt3A_615 : i32 to vector<16xi32>
      %lt3A_617 = arith.cmpi slt, %sub3A_611, %lt3A_616 : vector<16xi32>
      %and3A_618 = arith.andi %ge3A_614, %lt3A_617 : vector<16xi1>
      %mul3A_619 = arith.constant 128 : i32
      %mul3A_620 = arith.muli %arg1, %mul3A_619 : i32
      %mul3A_621 = arith.constant 512 : i32
      %mul3A_622 = arith.muli %scan3A_140, %mul3A_621 : i32
      %add3A_623 = arith.addi %mul3A_620, %mul3A_622 : i32
      %add3A_624 = arith.constant 240 : i32
      %add3A_625 = arith.addi %add3A_623, %add3A_624 : i32
      %and3A_626 = arith.constant 2047 : i32
      %and3A_627 = arith.andi %add3A_625, %and3A_626 : i32
      %add3A_628 = arith.constant 36864 : i32
      %add3A_629 = arith.addi %add3A_628, %and3A_627 : i32
      %add3A_630 = vector.broadcast %add3A_629 : i32 to vector<16xi32>
      %add3A_631 = arith.addi %add3A_630, %iota3A : vector<16xi32>
      %select_n3A_632 = arith.select %and3A_618, %sub3A_611, %add3A_631 : vector<16xi1>, vector<16xi32>
      %swap3A_633 = arith.constant 112 : index
      %swap3A_634 = tpu.vector_load %arg9[%swap3A_633] {strides = array<i32>} : memref<128xi32, #tpu.memory_space<vmem>>, vector<16xi32>,
      tpu.vector_store %arg9[%swap3A_633], %select_n3A_632 {strides = array<i32>} : memref<128xi32, #tpu.memory_space<vmem>>, vector<16xi32>,
      %mul3A_635 = arith.constant 512 : i32
      %mul3A_636 = arith.muli %scan3A_140, %mul3A_635 : i32
      %add3A_637 = arith.constant 256 : i32
      %add3A_638 = arith.addi %mul3A_636, %add3A_637 : i32
      %get3A_639 = arith.index_cast %add3A_638 : i32 to index
      %get3A_640 = tpu.vector_load %arg6[%get3A_639] {strides = array<i32>} : memref<7680xi32, #tpu.memory_space<vmem>>, vector<16xi32>,
      %sub3A_641 = vector.broadcast %mul3A_30 : i32 to vector<16xi32>
      %sub3A_642 = arith.subi %get3A_640, %sub3A_641 : vector<16xi32>
      %ge3A_643 = arith.constant 0 : i32
      %ge3A_644 = vector.broadcast %ge3A_643 : i32 to vector<16xi32>
      %ge3A_645 = arith.cmpi sge, %sub3A_642, %ge3A_644 : vector<16xi32>
      %lt3A_646 = arith.constant 36864 : i32
      %lt3A_647 = vector.broadcast %lt3A_646 : i32 to vector<16xi32>
      %lt3A_648 = arith.cmpi slt, %sub3A_642, %lt3A_647 : vector<16xi32>
      %and3A_649 = arith.andi %ge3A_645, %lt3A_648 : vector<16xi1>
      %mul3A_650 = arith.constant 128 : i32
      %mul3A_651 = arith.muli %arg1, %mul3A_650 : i32
      %mul3A_652 = arith.constant 512 : i32
      %mul3A_653 = arith.muli %scan3A_140, %mul3A_652 : i32
      %add3A_654 = arith.addi %mul3A_651, %mul3A_653 : i32
      %add3A_655 = arith.constant 256 : i32
      %add3A_656 = arith.addi %add3A_654, %add3A_655 : i32
      %and3A_657 = arith.constant 2047 : i32
      %and3A_658 = arith.andi %add3A_656, %and3A_657 : i32
      %add3A_659 = arith.constant 36864 : i32
      %add3A_660 = arith.addi %add3A_659, %and3A_658 : i32
      %add3A_661 = vector.broadcast %add3A_660 : i32 to vector<16xi32>
      %add3A_662 = arith.addi %add3A_661, %iota3A : vector<16xi32>
      %select_n3A_663 = arith.select %and3A_649, %sub3A_642, %add3A_662 : vector<16xi1>, vector<16xi32>
      %swap3A_664 = arith.constant 0 : index
      %swap3A_665 = tpu.vector_load %arg10[%swap3A_664] {strides = array<i32>} : memref<128xi32, #tpu.memory_space<vmem>>, vector<16xi32>,
      tpu.vector_store %arg10[%swap3A_664], %select_n3A_663 {strides = array<i32>} : memref<128xi32, #tpu.memory_space<vmem>>, vector<16xi32>,
      %mul3A_666 = arith.constant 512 : i32
      %mul3A_667 = arith.muli %scan3A_140, %mul3A_666 : i32
      %add3A_668 = arith.constant 272 : i32
      %add3A_669 = arith.addi %mul3A_667, %add3A_668 : i32
      %get3A_670 = arith.index_cast %add3A_669 : i32 to index
      %get3A_671 = tpu.vector_load %arg6[%get3A_670] {strides = array<i32>} : memref<7680xi32, #tpu.memory_space<vmem>>, vector<16xi32>,
      %sub3A_672 = vector.broadcast %mul3A_30 : i32 to vector<16xi32>
      %sub3A_673 = arith.subi %get3A_671, %sub3A_672 : vector<16xi32>
      %ge3A_674 = arith.constant 0 : i32
      %ge3A_675 = vector.broadcast %ge3A_674 : i32 to vector<16xi32>
      %ge3A_676 = arith.cmpi sge, %sub3A_673, %ge3A_675 : vector<16xi32>
      %lt3A_677 = arith.constant 36864 : i32
      %lt3A_678 = vector.broadcast %lt3A_677 : i32 to vector<16xi32>
      %lt3A_679 = arith.cmpi slt, %sub3A_673, %lt3A_678 : vector<16xi32>
      %and3A_680 = arith.andi %ge3A_676, %lt3A_679 : vector<16xi1>
      %mul3A_681 = arith.constant 128 : i32
      %mul3A_682 = arith.muli %arg1, %mul3A_681 : i32
      %mul3A_683 = arith.constant 512 : i32
      %mul3A_684 = arith.muli %scan3A_140, %mul3A_683 : i32
      %add3A_685 = arith.addi %mul3A_682, %mul3A_684 : i32
      %add3A_686 = arith.constant 272 : i32
      %add3A_687 = arith.addi %add3A_685, %add3A_686 : i32
      %and3A_688 = arith.constant 2047 : i32
      %and3A_689 = arith.andi %add3A_687, %and3A_688 : i32
      %add3A_690 = arith.constant 36864 : i32
      %add3A_691 = arith.addi %add3A_690, %and3A_689 : i32
      %add3A_692 = vector.broadcast %add3A_691 : i32 to vector<16xi32>
      %add3A_693 = arith.addi %add3A_692, %iota3A : vector<16xi32>
      %select_n3A_694 = arith.select %and3A_680, %sub3A_673, %add3A_693 : vector<16xi1>, vector<16xi32>
      %swap3A_695 = arith.constant 16 : index
      %swap3A_696 = tpu.vector_load %arg10[%swap3A_695] {strides = array<i32>} : memref<128xi32, #tpu.memory_space<vmem>>, vector<16xi32>,
      tpu.vector_store %arg10[%swap3A_695], %select_n3A_694 {strides = array<i32>} : memref<128xi32, #tpu.memory_space<vmem>>, vector<16xi32>,
      %mul3A_697 = arith.constant 512 : i32
      %mul3A_698 = arith.muli %scan3A_140, %mul3A_697 : i32
      %add3A_699 = arith.constant 288 : i32
      %add3A_700 = arith.addi %mul3A_698, %add3A_699 : i32
      %get3A_701 = arith.index_cast %add3A_700 : i32 to index
      %get3A_702 = tpu.vector_load %arg6[%get3A_701] {strides = array<i32>} : memref<7680xi32, #tpu.memory_space<vmem>>, vector<16xi32>,
      %sub3A_703 = vector.broadcast %mul3A_30 : i32 to vector<16xi32>
      %sub3A_704 = arith.subi %get3A_702, %sub3A_703 : vector<16xi32>
      %ge3A_705 = arith.constant 0 : i32
      %ge3A_706 = vector.broadcast %ge3A_705 : i32 to vector<16xi32>
      %ge3A_707 = arith.cmpi sge, %sub3A_704, %ge3A_706 : vector<16xi32>
      %lt3A_708 = arith.constant 36864 : i32
      %lt3A_709 = vector.broadcast %lt3A_708 : i32 to vector<16xi32>
      %lt3A_710 = arith.cmpi slt, %sub3A_704, %lt3A_709 : vector<16xi32>
      %and3A_711 = arith.andi %ge3A_707, %lt3A_710 : vector<16xi1>
      %mul3A_712 = arith.constant 128 : i32
      %mul3A_713 = arith.muli %arg1, %mul3A_712 : i32
      %mul3A_714 = arith.constant 512 : i32
      %mul3A_715 = arith.muli %scan3A_140, %mul3A_714 : i32
      %add3A_716 = arith.addi %mul3A_713, %mul3A_715 : i32
      %add3A_717 = arith.constant 288 : i32
      %add3A_718 = arith.addi %add3A_716, %add3A_717 : i32
      %and3A_719 = arith.constant 2047 : i32
      %and3A_720 = arith.andi %add3A_718, %and3A_719 : i32
      %add3A_721 = arith.constant 36864 : i32
      %add3A_722 = arith.addi %add3A_721, %and3A_720 : i32
      %add3A_723 = vector.broadcast %add3A_722 : i32 to vector<16xi32>
      %add3A_724 = arith.addi %add3A_723, %iota3A : vector<16xi32>
      %select_n3A_725 = arith.select %and3A_711, %sub3A_704, %add3A_724 : vector<16xi1>, vector<16xi32>
      %swap3A_726 = arith.constant 32 : index
      %swap3A_727 = tpu.vector_load %arg10[%swap3A_726] {strides = array<i32>} : memref<128xi32, #tpu.memory_space<vmem>>, vector<16xi32>,
      tpu.vector_store %arg10[%swap3A_726], %select_n3A_725 {strides = array<i32>} : memref<128xi32, #tpu.memory_space<vmem>>, vector<16xi32>,
      %mul3A_728 = arith.constant 512 : i32
      %mul3A_729 = arith.muli %scan3A_140, %mul3A_728 : i32
      %add3A_730 = arith.constant 304 : i32
      %add3A_731 = arith.addi %mul3A_729, %add3A_730 : i32
      %get3A_732 = arith.index_cast %add3A_731 : i32 to index
      %get3A_733 = tpu.vector_load %arg6[%get3A_732] {strides = array<i32>} : memref<7680xi32, #tpu.memory_space<vmem>>, vector<16xi32>,
      %sub3A_734 = vector.broadcast %mul3A_30 : i32 to vector<16xi32>
      %sub3A_735 = arith.subi %get3A_733, %sub3A_734 : vector<16xi32>
      %ge3A_736 = arith.constant 0 : i32
      %ge3A_737 = vector.broadcast %ge3A_736 : i32 to vector<16xi32>
      %ge3A_738 = arith.cmpi sge, %sub3A_735, %ge3A_737 : vector<16xi32>
      %lt3A_739 = arith.constant 36864 : i32
      %lt3A_740 = vector.broadcast %lt3A_739 : i32 to vector<16xi32>
      %lt3A_741 = arith.cmpi slt, %sub3A_735, %lt3A_740 : vector<16xi32>
      %and3A_742 = arith.andi %ge3A_738, %lt3A_741 : vector<16xi1>
      %mul3A_743 = arith.constant 128 : i32
      %mul3A_744 = arith.muli %arg1, %mul3A_743 : i32
      %mul3A_745 = arith.constant 512 : i32
      %mul3A_746 = arith.muli %scan3A_140, %mul3A_745 : i32
      %add3A_747 = arith.addi %mul3A_744, %mul3A_746 : i32
      %add3A_748 = arith.constant 304 : i32
      %add3A_749 = arith.addi %add3A_747, %add3A_748 : i32
      %and3A_750 = arith.constant 2047 : i32
      %and3A_751 = arith.andi %add3A_749, %and3A_750 : i32
      %add3A_752 = arith.constant 36864 : i32
      %add3A_753 = arith.addi %add3A_752, %and3A_751 : i32
      %add3A_754 = vector.broadcast %add3A_753 : i32 to vector<16xi32>
      %add3A_755 = arith.addi %add3A_754, %iota3A : vector<16xi32>
      %select_n3A_756 = arith.select %and3A_742, %sub3A_735, %add3A_755 : vector<16xi1>, vector<16xi32>
      %swap3A_757 = arith.constant 48 : index
      %swap3A_758 = tpu.vector_load %arg10[%swap3A_757] {strides = array<i32>} : memref<128xi32, #tpu.memory_space<vmem>>, vector<16xi32>,
      tpu.vector_store %arg10[%swap3A_757], %select_n3A_756 {strides = array<i32>} : memref<128xi32, #tpu.memory_space<vmem>>, vector<16xi32>,
      %mul3A_759 = arith.constant 512 : i32
      %mul3A_760 = arith.muli %scan3A_140, %mul3A_759 : i32
      %add3A_761 = arith.constant 320 : i32
      %add3A_762 = arith.addi %mul3A_760, %add3A_761 : i32
      %get3A_763 = arith.index_cast %add3A_762 : i32 to index
      %get3A_764 = tpu.vector_load %arg6[%get3A_763] {strides = array<i32>} : memref<7680xi32, #tpu.memory_space<vmem>>, vector<16xi32>,
      %sub3A_765 = vector.broadcast %mul3A_30 : i32 to vector<16xi32>
      %sub3A_766 = arith.subi %get3A_764, %sub3A_765 : vector<16xi32>
      %ge3A_767 = arith.constant 0 : i32
      %ge3A_768 = vector.broadcast %ge3A_767 : i32 to vector<16xi32>
      %ge3A_769 = arith.cmpi sge, %sub3A_766, %ge3A_768 : vector<16xi32>
      %lt3A_770 = arith.constant 36864 : i32
      %lt3A_771 = vector.broadcast %lt3A_770 : i32 to vector<16xi32>
      %lt3A_772 = arith.cmpi slt, %sub3A_766, %lt3A_771 : vector<16xi32>
      %and3A_773 = arith.andi %ge3A_769, %lt3A_772 : vector<16xi1>
      %mul3A_774 = arith.constant 128 : i32
      %mul3A_775 = arith.muli %arg1, %mul3A_774 : i32
      %mul3A_776 = arith.constant 512 : i32
      %mul3A_777 = arith.muli %scan3A_140, %mul3A_776 : i32
      %add3A_778 = arith.addi %mul3A_775, %mul3A_777 : i32
      %add3A_779 = arith.constant 320 : i32
      %add3A_780 = arith.addi %add3A_778, %add3A_779 : i32
      %and3A_781 = arith.constant 2047 : i32
      %and3A_782 = arith.andi %add3A_780, %and3A_781 : i32
      %add3A_783 = arith.constant 36864 : i32
      %add3A_784 = arith.addi %add3A_783, %and3A_782 : i32
      %add3A_785 = vector.broadcast %add3A_784 : i32 to vector<16xi32>
      %add3A_786 = arith.addi %add3A_785, %iota3A : vector<16xi32>
      %select_n3A_787 = arith.select %and3A_773, %sub3A_766, %add3A_786 : vector<16xi1>, vector<16xi32>
      %swap3A_788 = arith.constant 64 : index
      %swap3A_789 = tpu.vector_load %arg10[%swap3A_788] {strides = array<i32>} : memref<128xi32, #tpu.memory_space<vmem>>, vector<16xi32>,
      tpu.vector_store %arg10[%swap3A_788], %select_n3A_787 {strides = array<i32>} : memref<128xi32, #tpu.memory_space<vmem>>, vector<16xi32>,
      %mul3A_790 = arith.constant 512 : i32
      %mul3A_791 = arith.muli %scan3A_140, %mul3A_790 : i32
      %add3A_792 = arith.constant 336 : i32
      %add3A_793 = arith.addi %mul3A_791, %add3A_792 : i32
      %get3A_794 = arith.index_cast %add3A_793 : i32 to index
      %get3A_795 = tpu.vector_load %arg6[%get3A_794] {strides = array<i32>} : memref<7680xi32, #tpu.memory_space<vmem>>, vector<16xi32>,
      %sub3A_796 = vector.broadcast %mul3A_30 : i32 to vector<16xi32>
      %sub3A_797 = arith.subi %get3A_795, %sub3A_796 : vector<16xi32>
      %ge3A_798 = arith.constant 0 : i32
      %ge3A_799 = vector.broadcast %ge3A_798 : i32 to vector<16xi32>
      %ge3A_800 = arith.cmpi sge, %sub3A_797, %ge3A_799 : vector<16xi32>
      %lt3A_801 = arith.constant 36864 : i32
      %lt3A_802 = vector.broadcast %lt3A_801 : i32 to vector<16xi32>
      %lt3A_803 = arith.cmpi slt, %sub3A_797, %lt3A_802 : vector<16xi32>
      %and3A_804 = arith.andi %ge3A_800, %lt3A_803 : vector<16xi1>
      %mul3A_805 = arith.constant 128 : i32
      %mul3A_806 = arith.muli %arg1, %mul3A_805 : i32
      %mul3A_807 = arith.constant 512 : i32
      %mul3A_808 = arith.muli %scan3A_140, %mul3A_807 : i32
      %add3A_809 = arith.addi %mul3A_806, %mul3A_808 : i32
      %add3A_810 = arith.constant 336 : i32
      %add3A_811 = arith.addi %add3A_809, %add3A_810 : i32
      %and3A_812 = arith.constant 2047 : i32
      %and3A_813 = arith.andi %add3A_811, %and3A_812 : i32
      %add3A_814 = arith.constant 36864 : i32
      %add3A_815 = arith.addi %add3A_814, %and3A_813 : i32
      %add3A_816 = vector.broadcast %add3A_815 : i32 to vector<16xi32>
      %add3A_817 = arith.addi %add3A_816, %iota3A : vector<16xi32>
      %select_n3A_818 = arith.select %and3A_804, %sub3A_797, %add3A_817 : vector<16xi1>, vector<16xi32>
      %swap3A_819 = arith.constant 80 : index
      %swap3A_820 = tpu.vector_load %arg10[%swap3A_819] {strides = array<i32>} : memref<128xi32, #tpu.memory_space<vmem>>, vector<16xi32>,
      tpu.vector_store %arg10[%swap3A_819], %select_n3A_818 {strides = array<i32>} : memref<128xi32, #tpu.memory_space<vmem>>, vector<16xi32>,
      %mul3A_821 = arith.constant 512 : i32
      %mul3A_822 = arith.muli %scan3A_140, %mul3A_821 : i32
      %add3A_823 = arith.constant 352 : i32
      %add3A_824 = arith.addi %mul3A_822, %add3A_823 : i32
      %get3A_825 = arith.index_cast %add3A_824 : i32 to index
      %get3A_826 = tpu.vector_load %arg6[%get3A_825] {strides = array<i32>} : memref<7680xi32, #tpu.memory_space<vmem>>, vector<16xi32>,
      %sub3A_827 = vector.broadcast %mul3A_30 : i32 to vector<16xi32>
      %sub3A_828 = arith.subi %get3A_826, %sub3A_827 : vector<16xi32>
      %ge3A_829 = arith.constant 0 : i32
      %ge3A_830 = vector.broadcast %ge3A_829 : i32 to vector<16xi32>
      %ge3A_831 = arith.cmpi sge, %sub3A_828, %ge3A_830 : vector<16xi32>
      %lt3A_832 = arith.constant 36864 : i32
      %lt3A_833 = vector.broadcast %lt3A_832 : i32 to vector<16xi32>
      %lt3A_834 = arith.cmpi slt, %sub3A_828, %lt3A_833 : vector<16xi32>
      %and3A_835 = arith.andi %ge3A_831, %lt3A_834 : vector<16xi1>
      %mul3A_836 = arith.constant 128 : i32
      %mul3A_837 = arith.muli %arg1, %mul3A_836 : i32
      %mul3A_838 = arith.constant 512 : i32
      %mul3A_839 = arith.muli %scan3A_140, %mul3A_838 : i32
      %add3A_840 = arith.addi %mul3A_837, %mul3A_839 : i32
      %add3A_841 = arith.constant 352 : i32
      %add3A_842 = arith.addi %add3A_840, %add3A_841 : i32
      %and3A_843 = arith.constant 2047 : i32
      %and3A_844 = arith.andi %add3A_842, %and3A_843 : i32
      %add3A_845 = arith.constant 36864 : i32
      %add3A_846 = arith.addi %add3A_845, %and3A_844 : i32
      %add3A_847 = vector.broadcast %add3A_846 : i32 to vector<16xi32>
      %add3A_848 = arith.addi %add3A_847, %iota3A : vector<16xi32>
      %select_n3A_849 = arith.select %and3A_835, %sub3A_828, %add3A_848 : vector<16xi1>, vector<16xi32>
      %swap3A_850 = arith.constant 96 : index
      %swap3A_851 = tpu.vector_load %arg10[%swap3A_850] {strides = array<i32>} : memref<128xi32, #tpu.memory_space<vmem>>, vector<16xi32>,
      tpu.vector_store %arg10[%swap3A_850], %select_n3A_849 {strides = array<i32>} : memref<128xi32, #tpu.memory_space<vmem>>, vector<16xi32>,
      %mul3A_852 = arith.constant 512 : i32
      %mul3A_853 = arith.muli %scan3A_140, %mul3A_852 : i32
      %add3A_854 = arith.constant 368 : i32
      %add3A_855 = arith.addi %mul3A_853, %add3A_854 : i32
      %get3A_856 = arith.index_cast %add3A_855 : i32 to index
      %get3A_857 = tpu.vector_load %arg6[%get3A_856] {strides = array<i32>} : memref<7680xi32, #tpu.memory_space<vmem>>, vector<16xi32>,
      %sub3A_858 = vector.broadcast %mul3A_30 : i32 to vector<16xi32>
      %sub3A_859 = arith.subi %get3A_857, %sub3A_858 : vector<16xi32>
      %ge3A_860 = arith.constant 0 : i32
      %ge3A_861 = vector.broadcast %ge3A_860 : i32 to vector<16xi32>
      %ge3A_862 = arith.cmpi sge, %sub3A_859, %ge3A_861 : vector<16xi32>
      %lt3A_863 = arith.constant 36864 : i32
      %lt3A_864 = vector.broadcast %lt3A_863 : i32 to vector<16xi32>
      %lt3A_865 = arith.cmpi slt, %sub3A_859, %lt3A_864 : vector<16xi32>
      %and3A_866 = arith.andi %ge3A_862, %lt3A_865 : vector<16xi1>
      %mul3A_867 = arith.constant 128 : i32
      %mul3A_868 = arith.muli %arg1, %mul3A_867 : i32
      %mul3A_869 = arith.constant 512 : i32
      %mul3A_870 = arith.muli %scan3A_140, %mul3A_869 : i32
      %add3A_871 = arith.addi %mul3A_868, %mul3A_870 : i32
      %add3A_872 = arith.constant 368 : i32
      %add3A_873 = arith.addi %add3A_871, %add3A_872 : i32
      %and3A_874 = arith.constant 2047 : i32
      %and3A_875 = arith.andi %add3A_873, %and3A_874 : i32
      %add3A_876 = arith.constant 36864 : i32
      %add3A_877 = arith.addi %add3A_876, %and3A_875 : i32
      %add3A_878 = vector.broadcast %add3A_877 : i32 to vector<16xi32>
      %add3A_879 = arith.addi %add3A_878, %iota3A : vector<16xi32>
      %select_n3A_880 = arith.select %and3A_866, %sub3A_859, %add3A_879 : vector<16xi1>, vector<16xi32>
      %swap3A_881 = arith.constant 112 : index
      %swap3A_882 = tpu.vector_load %arg10[%swap3A_881] {strides = array<i32>} : memref<128xi32, #tpu.memory_space<vmem>>, vector<16xi32>,
      tpu.vector_store %arg10[%swap3A_881], %select_n3A_880 {strides = array<i32>} : memref<128xi32, #tpu.memory_space<vmem>>, vector<16xi32>,
      %mul3A_883 = arith.constant 512 : i32
      %mul3A_884 = arith.muli %scan3A_140, %mul3A_883 : i32
      %add3A_885 = arith.constant 384 : i32
      %add3A_886 = arith.addi %mul3A_884, %add3A_885 : i32
      %get3A_887 = arith.index_cast %add3A_886 : i32 to index
      %get3A_888 = tpu.vector_load %arg6[%get3A_887] {strides = array<i32>} : memref<7680xi32, #tpu.memory_space<vmem>>, vector<16xi32>,
      %sub3A_889 = vector.broadcast %mul3A_30 : i32 to vector<16xi32>
      %sub3A_890 = arith.subi %get3A_888, %sub3A_889 : vector<16xi32>
      %ge3A_891 = arith.constant 0 : i32
      %ge3A_892 = vector.broadcast %ge3A_891 : i32 to vector<16xi32>
      %ge3A_893 = arith.cmpi sge, %sub3A_890, %ge3A_892 : vector<16xi32>
      %lt3A_894 = arith.constant 36864 : i32
      %lt3A_895 = vector.broadcast %lt3A_894 : i32 to vector<16xi32>
      %lt3A_896 = arith.cmpi slt, %sub3A_890, %lt3A_895 : vector<16xi32>
      %and3A_897 = arith.andi %ge3A_893, %lt3A_896 : vector<16xi1>
      %mul3A_898 = arith.constant 128 : i32
      %mul3A_899 = arith.muli %arg1, %mul3A_898 : i32
      %mul3A_900 = arith.constant 512 : i32
      %mul3A_901 = arith.muli %scan3A_140, %mul3A_900 : i32
      %add3A_902 = arith.addi %mul3A_899, %mul3A_901 : i32
      %add3A_903 = arith.constant 384 : i32
      %add3A_904 = arith.addi %add3A_902, %add3A_903 : i32
      %and3A_905 = arith.constant 2047 : i32
      %and3A_906 = arith.andi %add3A_904, %and3A_905 : i32
      %add3A_907 = arith.constant 36864 : i32
      %add3A_908 = arith.addi %add3A_907, %and3A_906 : i32
      %add3A_909 = vector.broadcast %add3A_908 : i32 to vector<16xi32>
      %add3A_910 = arith.addi %add3A_909, %iota3A : vector<16xi32>
      %select_n3A_911 = arith.select %and3A_897, %sub3A_890, %add3A_910 : vector<16xi1>, vector<16xi32>
      %swap3A_912 = arith.constant 0 : index
      %swap3A_913 = tpu.vector_load %arg11[%swap3A_912] {strides = array<i32>} : memref<128xi32, #tpu.memory_space<vmem>>, vector<16xi32>,
      tpu.vector_store %arg11[%swap3A_912], %select_n3A_911 {strides = array<i32>} : memref<128xi32, #tpu.memory_space<vmem>>, vector<16xi32>,
      %mul3A_914 = arith.constant 512 : i32
      %mul3A_915 = arith.muli %scan3A_140, %mul3A_914 : i32
      %add3A_916 = arith.constant 400 : i32
      %add3A_917 = arith.addi %mul3A_915, %add3A_916 : i32
      %get3A_918 = arith.index_cast %add3A_917 : i32 to index
      %get3A_919 = tpu.vector_load %arg6[%get3A_918] {strides = array<i32>} : memref<7680xi32, #tpu.memory_space<vmem>>, vector<16xi32>,
      %sub3A_920 = vector.broadcast %mul3A_30 : i32 to vector<16xi32>
      %sub3A_921 = arith.subi %get3A_919, %sub3A_920 : vector<16xi32>
      %ge3A_922 = arith.constant 0 : i32
      %ge3A_923 = vector.broadcast %ge3A_922 : i32 to vector<16xi32>
      %ge3A_924 = arith.cmpi sge, %sub3A_921, %ge3A_923 : vector<16xi32>
      %lt3A_925 = arith.constant 36864 : i32
      %lt3A_926 = vector.broadcast %lt3A_925 : i32 to vector<16xi32>
      %lt3A_927 = arith.cmpi slt, %sub3A_921, %lt3A_926 : vector<16xi32>
      %and3A_928 = arith.andi %ge3A_924, %lt3A_927 : vector<16xi1>
      %mul3A_929 = arith.constant 128 : i32
      %mul3A_930 = arith.muli %arg1, %mul3A_929 : i32
      %mul3A_931 = arith.constant 512 : i32
      %mul3A_932 = arith.muli %scan3A_140, %mul3A_931 : i32
      %add3A_933 = arith.addi %mul3A_930, %mul3A_932 : i32
      %add3A_934 = arith.constant 400 : i32
      %add3A_935 = arith.addi %add3A_933, %add3A_934 : i32
      %and3A_936 = arith.constant 2047 : i32
      %and3A_937 = arith.andi %add3A_935, %and3A_936 : i32
      %add3A_938 = arith.constant 36864 : i32
      %add3A_939 = arith.addi %add3A_938, %and3A_937 : i32
      %add3A_940 = vector.broadcast %add3A_939 : i32 to vector<16xi32>
      %add3A_941 = arith.addi %add3A_940, %iota3A : vector<16xi32>
      %select_n3A_942 = arith.select %and3A_928, %sub3A_921, %add3A_941 : vector<16xi1>, vector<16xi32>
      %swap3A_943 = arith.constant 16 : index
      %swap3A_944 = tpu.vector_load %arg11[%swap3A_943] {strides = array<i32>} : memref<128xi32, #tpu.memory_space<vmem>>, vector<16xi32>,
      tpu.vector_store %arg11[%swap3A_943], %select_n3A_942 {strides = array<i32>} : memref<128xi32, #tpu.memory_space<vmem>>, vector<16xi32>,
      %mul3A_945 = arith.constant 512 : i32
      %mul3A_946 = arith.muli %scan3A_140, %mul3A_945 : i32
      %add3A_947 = arith.constant 416 : i32
      %add3A_948 = arith.addi %mul3A_946, %add3A_947 : i32
      %get3A_949 = arith.index_cast %add3A_948 : i32 to index
      %get3A_950 = tpu.vector_load %arg6[%get3A_949] {strides = array<i32>} : memref<7680xi32, #tpu.memory_space<vmem>>, vector<16xi32>,
      %sub3A_951 = vector.broadcast %mul3A_30 : i32 to vector<16xi32>
      %sub3A_952 = arith.subi %get3A_950, %sub3A_951 : vector<16xi32>
      %ge3A_953 = arith.constant 0 : i32
      %ge3A_954 = vector.broadcast %ge3A_953 : i32 to vector<16xi32>
      %ge3A_955 = arith.cmpi sge, %sub3A_952, %ge3A_954 : vector<16xi32>
      %lt3A_956 = arith.constant 36864 : i32
      %lt3A_957 = vector.broadcast %lt3A_956 : i32 to vector<16xi32>
      %lt3A_958 = arith.cmpi slt, %sub3A_952, %lt3A_957 : vector<16xi32>
      %and3A_959 = arith.andi %ge3A_955, %lt3A_958 : vector<16xi1>
      %mul3A_960 = arith.constant 128 : i32
      %mul3A_961 = arith.muli %arg1, %mul3A_960 : i32
      %mul3A_962 = arith.constant 512 : i32
      %mul3A_963 = arith.muli %scan3A_140, %mul3A_962 : i32
      %add3A_964 = arith.addi %mul3A_961, %mul3A_963 : i32
      %add3A_965 = arith.constant 416 : i32
      %add3A_966 = arith.addi %add3A_964, %add3A_965 : i32
      %and3A_967 = arith.constant 2047 : i32
      %and3A_968 = arith.andi %add3A_966, %and3A_967 : i32
      %add3A_969 = arith.constant 36864 : i32
      %add3A_970 = arith.addi %add3A_969, %and3A_968 : i32
      %add3A_971 = vector.broadcast %add3A_970 : i32 to vector<16xi32>
      %add3A_972 = arith.addi %add3A_971, %iota3A : vector<16xi32>
      %select_n3A_973 = arith.select %and3A_959, %sub3A_952, %add3A_972 : vector<16xi1>, vector<16xi32>
      %swap3A_974 = arith.constant 32 : index
      %swap3A_975 = tpu.vector_load %arg11[%swap3A_974] {strides = array<i32>} : memref<128xi32, #tpu.memory_space<vmem>>, vector<16xi32>,
      tpu.vector_store %arg11[%swap3A_974], %select_n3A_973 {strides = array<i32>} : memref<128xi32, #tpu.memory_space<vmem>>, vector<16xi32>,
      %mul3A_976 = arith.constant 512 : i32
      %mul3A_977 = arith.muli %scan3A_140, %mul3A_976 : i32
      %add3A_978 = arith.constant 432 : i32
      %add3A_979 = arith.addi %mul3A_977, %add3A_978 : i32
      %get3A_980 = arith.index_cast %add3A_979 : i32 to index
      %get3A_981 = tpu.vector_load %arg6[%get3A_980] {strides = array<i32>} : memref<7680xi32, #tpu.memory_space<vmem>>, vector<16xi32>,
      %sub3A_982 = vector.broadcast %mul3A_30 : i32 to vector<16xi32>
      %sub3A_983 = arith.subi %get3A_981, %sub3A_982 : vector<16xi32>
      %ge3A_984 = arith.constant 0 : i32
      %ge3A_985 = vector.broadcast %ge3A_984 : i32 to vector<16xi32>
      %ge3A_986 = arith.cmpi sge, %sub3A_983, %ge3A_985 : vector<16xi32>
      %lt3A_987 = arith.constant 36864 : i32
      %lt3A_988 = vector.broadcast %lt3A_987 : i32 to vector<16xi32>
      %lt3A_989 = arith.cmpi slt, %sub3A_983, %lt3A_988 : vector<16xi32>
      %and3A_990 = arith.andi %ge3A_986, %lt3A_989 : vector<16xi1>
      %mul3A_991 = arith.constant 128 : i32
      %mul3A_992 = arith.muli %arg1, %mul3A_991 : i32
      %mul3A_993 = arith.constant 512 : i32
      %mul3A_994 = arith.muli %scan3A_140, %mul3A_993 : i32
      %add3A_995 = arith.addi %mul3A_992, %mul3A_994 : i32
      %add3A_996 = arith.constant 432 : i32
      %add3A_997 = arith.addi %add3A_995, %add3A_996 : i32
      %and3A_998 = arith.constant 2047 : i32
      %and3A_999 = arith.andi %add3A_997, %and3A_998 : i32
      %add3A_1000 = arith.constant 36864 : i32
      %add3A_1001 = arith.addi %add3A_1000, %and3A_999 : i32
      %add3A_1002 = vector.broadcast %add3A_1001 : i32 to vector<16xi32>
      %add3A_1003 = arith.addi %add3A_1002, %iota3A : vector<16xi32>
      %select_n3A_1004 = arith.select %and3A_990, %sub3A_983, %add3A_1003 : vector<16xi1>, vector<16xi32>
      %swap3A_1005 = arith.constant 48 : index
      %swap3A_1006 = tpu.vector_load %arg11[%swap3A_1005] {strides = array<i32>} : memref<128xi32, #tpu.memory_space<vmem>>, vector<16xi32>,
      tpu.vector_store %arg11[%swap3A_1005], %select_n3A_1004 {strides = array<i32>} : memref<128xi32, #tpu.memory_space<vmem>>, vector<16xi32>,
      %mul3A_1007 = arith.constant 512 : i32
      %mul3A_1008 = arith.muli %scan3A_140, %mul3A_1007 : i32
      %add3A_1009 = arith.constant 448 : i32
      %add3A_1010 = arith.addi %mul3A_1008, %add3A_1009 : i32
      %get3A_1011 = arith.index_cast %add3A_1010 : i32 to index
      %get3A_1012 = tpu.vector_load %arg6[%get3A_1011] {strides = array<i32>} : memref<7680xi32, #tpu.memory_space<vmem>>, vector<16xi32>,
      %sub3A_1013 = vector.broadcast %mul3A_30 : i32 to vector<16xi32>
      %sub3A_1014 = arith.subi %get3A_1012, %sub3A_1013 : vector<16xi32>
      %ge3A_1015 = arith.constant 0 : i32
      %ge3A_1016 = vector.broadcast %ge3A_1015 : i32 to vector<16xi32>
      %ge3A_1017 = arith.cmpi sge, %sub3A_1014, %ge3A_1016 : vector<16xi32>
      %lt3A_1018 = arith.constant 36864 : i32
      %lt3A_1019 = vector.broadcast %lt3A_1018 : i32 to vector<16xi32>
      %lt3A_1020 = arith.cmpi slt, %sub3A_1014, %lt3A_1019 : vector<16xi32>
      %and3A_1021 = arith.andi %ge3A_1017, %lt3A_1020 : vector<16xi1>
      %mul3A_1022 = arith.constant 128 : i32
      %mul3A_1023 = arith.muli %arg1, %mul3A_1022 : i32
      %mul3A_1024 = arith.constant 512 : i32
      %mul3A_1025 = arith.muli %scan3A_140, %mul3A_1024 : i32
      %add3A_1026 = arith.addi %mul3A_1023, %mul3A_1025 : i32
      %add3A_1027 = arith.constant 448 : i32
      %add3A_1028 = arith.addi %add3A_1026, %add3A_1027 : i32
      %and3A_1029 = arith.constant 2047 : i32
      %and3A_1030 = arith.andi %add3A_1028, %and3A_1029 : i32
      %add3A_1031 = arith.constant 36864 : i32
      %add3A_1032 = arith.addi %add3A_1031, %and3A_1030 : i32
      %add3A_1033 = vector.broadcast %add3A_1032 : i32 to vector<16xi32>
      %add3A_1034 = arith.addi %add3A_1033, %iota3A : vector<16xi32>
      %select_n3A_1035 = arith.select %and3A_1021, %sub3A_1014, %add3A_1034 : vector<16xi1>, vector<16xi32>
      %swap3A_1036 = arith.constant 64 : index
      %swap3A_1037 = tpu.vector_load %arg11[%swap3A_1036] {strides = array<i32>} : memref<128xi32, #tpu.memory_space<vmem>>, vector<16xi32>,
      tpu.vector_store %arg11[%swap3A_1036], %select_n3A_1035 {strides = array<i32>} : memref<128xi32, #tpu.memory_space<vmem>>, vector<16xi32>,
      %mul3A_1038 = arith.constant 512 : i32
      %mul3A_1039 = arith.muli %scan3A_140, %mul3A_1038 : i32
      %add3A_1040 = arith.constant 464 : i32
      %add3A_1041 = arith.addi %mul3A_1039, %add3A_1040 : i32
      %get3A_1042 = arith.index_cast %add3A_1041 : i32 to index
      %get3A_1043 = tpu.vector_load %arg6[%get3A_1042] {strides = array<i32>} : memref<7680xi32, #tpu.memory_space<vmem>>, vector<16xi32>,
      %sub3A_1044 = vector.broadcast %mul3A_30 : i32 to vector<16xi32>
      %sub3A_1045 = arith.subi %get3A_1043, %sub3A_1044 : vector<16xi32>
      %ge3A_1046 = arith.constant 0 : i32
      %ge3A_1047 = vector.broadcast %ge3A_1046 : i32 to vector<16xi32>
      %ge3A_1048 = arith.cmpi sge, %sub3A_1045, %ge3A_1047 : vector<16xi32>
      %lt3A_1049 = arith.constant 36864 : i32
      %lt3A_1050 = vector.broadcast %lt3A_1049 : i32 to vector<16xi32>
      %lt3A_1051 = arith.cmpi slt, %sub3A_1045, %lt3A_1050 : vector<16xi32>
      %and3A_1052 = arith.andi %ge3A_1048, %lt3A_1051 : vector<16xi1>
      %mul3A_1053 = arith.constant 128 : i32
      %mul3A_1054 = arith.muli %arg1, %mul3A_1053 : i32
      %mul3A_1055 = arith.constant 512 : i32
      %mul3A_1056 = arith.muli %scan3A_140, %mul3A_1055 : i32
      %add3A_1057 = arith.addi %mul3A_1054, %mul3A_1056 : i32
      %add3A_1058 = arith.constant 464 : i32
      %add3A_1059 = arith.addi %add3A_1057, %add3A_1058 : i32
      %and3A_1060 = arith.constant 2047 : i32
      %and3A_1061 = arith.andi %add3A_1059, %and3A_1060 : i32
      %add3A_1062 = arith.constant 36864 : i32
      %add3A_1063 = arith.addi %add3A_1062, %and3A_1061 : i32
      %add3A_1064 = vector.broadcast %add3A_1063 : i32 to vector<16xi32>
      %add3A_1065 = arith.addi %add3A_1064, %iota3A : vector<16xi32>
      %select_n3A_1066 = arith.select %and3A_1052, %sub3A_1045, %add3A_1065 : vector<16xi1>, vector<16xi32>
      %swap3A_1067 = arith.constant 80 : index
      %swap3A_1068 = tpu.vector_load %arg11[%swap3A_1067] {strides = array<i32>} : memref<128xi32, #tpu.memory_space<vmem>>, vector<16xi32>,
      tpu.vector_store %arg11[%swap3A_1067], %select_n3A_1066 {strides = array<i32>} : memref<128xi32, #tpu.memory_space<vmem>>, vector<16xi32>,
      %mul3A_1069 = arith.constant 512 : i32
      %mul3A_1070 = arith.muli %scan3A_140, %mul3A_1069 : i32
      %add3A_1071 = arith.constant 480 : i32
      %add3A_1072 = arith.addi %mul3A_1070, %add3A_1071 : i32
      %get3A_1073 = arith.index_cast %add3A_1072 : i32 to index
      %get3A_1074 = tpu.vector_load %arg6[%get3A_1073] {strides = array<i32>} : memref<7680xi32, #tpu.memory_space<vmem>>, vector<16xi32>,
      %sub3A_1075 = vector.broadcast %mul3A_30 : i32 to vector<16xi32>
      %sub3A_1076 = arith.subi %get3A_1074, %sub3A_1075 : vector<16xi32>
      %ge3A_1077 = arith.constant 0 : i32
      %ge3A_1078 = vector.broadcast %ge3A_1077 : i32 to vector<16xi32>
      %ge3A_1079 = arith.cmpi sge, %sub3A_1076, %ge3A_1078 : vector<16xi32>
      %lt3A_1080 = arith.constant 36864 : i32
      %lt3A_1081 = vector.broadcast %lt3A_1080 : i32 to vector<16xi32>
      %lt3A_1082 = arith.cmpi slt, %sub3A_1076, %lt3A_1081 : vector<16xi32>
      %and3A_1083 = arith.andi %ge3A_1079, %lt3A_1082 : vector<16xi1>
      %mul3A_1084 = arith.constant 128 : i32
      %mul3A_1085 = arith.muli %arg1, %mul3A_1084 : i32
      %mul3A_1086 = arith.constant 512 : i32
      %mul3A_1087 = arith.muli %scan3A_140, %mul3A_1086 : i32
      %add3A_1088 = arith.addi %mul3A_1085, %mul3A_1087 : i32
      %add3A_1089 = arith.constant 480 : i32
      %add3A_1090 = arith.addi %add3A_1088, %add3A_1089 : i32
      %and3A_1091 = arith.constant 2047 : i32
      %and3A_1092 = arith.andi %add3A_1090, %and3A_1091 : i32
      %add3A_1093 = arith.constant 36864 : i32
      %add3A_1094 = arith.addi %add3A_1093, %and3A_1092 : i32
      %add3A_1095 = vector.broadcast %add3A_1094 : i32 to vector<16xi32>
      %add3A_1096 = arith.addi %add3A_1095, %iota3A : vector<16xi32>
      %select_n3A_1097 = arith.select %and3A_1083, %sub3A_1076, %add3A_1096 : vector<16xi1>, vector<16xi32>
      %swap3A_1098 = arith.constant 96 : index
      %swap3A_1099 = tpu.vector_load %arg11[%swap3A_1098] {strides = array<i32>} : memref<128xi32, #tpu.memory_space<vmem>>, vector<16xi32>,
      tpu.vector_store %arg11[%swap3A_1098], %select_n3A_1097 {strides = array<i32>} : memref<128xi32, #tpu.memory_space<vmem>>, vector<16xi32>,
      %mul3A_1100 = arith.constant 512 : i32
      %mul3A_1101 = arith.muli %scan3A_140, %mul3A_1100 : i32
      %add3A_1102 = arith.constant 496 : i32
      %add3A_1103 = arith.addi %mul3A_1101, %add3A_1102 : i32
      %get3A_1104 = arith.index_cast %add3A_1103 : i32 to index
      %get3A_1105 = tpu.vector_load %arg6[%get3A_1104] {strides = array<i32>} : memref<7680xi32, #tpu.memory_space<vmem>>, vector<16xi32>,
      %sub3A_1106 = vector.broadcast %mul3A_30 : i32 to vector<16xi32>
      %sub3A_1107 = arith.subi %get3A_1105, %sub3A_1106 : vector<16xi32>
      %ge3A_1108 = arith.constant 0 : i32
      %ge3A_1109 = vector.broadcast %ge3A_1108 : i32 to vector<16xi32>
      %ge3A_1110 = arith.cmpi sge, %sub3A_1107, %ge3A_1109 : vector<16xi32>
      %lt3A_1111 = arith.constant 36864 : i32
      %lt3A_1112 = vector.broadcast %lt3A_1111 : i32 to vector<16xi32>
      %lt3A_1113 = arith.cmpi slt, %sub3A_1107, %lt3A_1112 : vector<16xi32>
      %and3A_1114 = arith.andi %ge3A_1110, %lt3A_1113 : vector<16xi1>
      %mul3A_1115 = arith.constant 128 : i32
      %mul3A_1116 = arith.muli %arg1, %mul3A_1115 : i32
      %mul3A_1117 = arith.constant 512 : i32
      %mul3A_1118 = arith.muli %scan3A_140, %mul3A_1117 : i32
      %add3A_1119 = arith.addi %mul3A_1116, %mul3A_1118 : i32
      %add3A_1120 = arith.constant 496 : i32
      %add3A_1121 = arith.addi %add3A_1119, %add3A_1120 : i32
      %and3A_1122 = arith.constant 2047 : i32
      %and3A_1123 = arith.andi %add3A_1121, %and3A_1122 : i32
      %add3A_1124 = arith.constant 36864 : i32
      %add3A_1125 = arith.addi %add3A_1124, %and3A_1123 : i32
      %add3A_1126 = vector.broadcast %add3A_1125 : i32 to vector<16xi32>
      %add3A_1127 = arith.addi %add3A_1126, %iota3A : vector<16xi32>
      %select_n3A_1128 = arith.select %and3A_1114, %sub3A_1107, %add3A_1127 : vector<16xi1>, vector<16xi32>
      %swap3A_1129 = arith.constant 112 : index
      %swap3A_1130 = tpu.vector_load %arg11[%swap3A_1129] {strides = array<i32>} : memref<128xi32, #tpu.memory_space<vmem>>, vector<16xi32>,
      tpu.vector_store %arg11[%swap3A_1129], %select_n3A_1128 {strides = array<i32>} : memref<128xi32, #tpu.memory_space<vmem>>, vector<16xi32>,
      "tpu.region"() ({
        %run_scoped3A = tpu.sem_alloc : memref<!tpu.dma_semaphore, #tpu.memory_space<semaphore_mem>>
        %dma_start3A = arith.constant 0 : i32
        %dma_start3A_1131 = arith.constant 0 : i32
        %dma_start3A_1132 = tpu.memref_slice %arg7[%dma_start3A, %dma_start3A_1131] : memref<512x32xf32, #tpu.memory_space<vmem>> -> memref<128x32xf32, #tpu.memory_space<vmem>>
        %dma_start3A_1133 = arith.constant 0 : i32
        %dma_start3A_1134 = arith.constant 0 : i32
        %dma_start3A_1135 = tpu.memref_slice %arg15[%dma_start3A_1133, %dma_start3A_1134] : memref<38912x32xf32, #tpu.memory_space<vmem_shared>> -> memref<38912x32xf32, #tpu.memory_space<vmem_shared>>
        tpu.enqueue_indirect_dma source(%dma_start3A_1132 : memref<128x32xf32, #tpu.memory_space<vmem>>) target(%dma_start3A_1135 : memref<38912x32xf32, #tpu.memory_space<vmem_shared>>) offsets(%arg8 : memref<128xi32, #tpu.memory_space<vmem>>) semaphore(%run_scoped3A : memref<!tpu.dma_semaphore, #tpu.memory_space<semaphore_mem>>) {add = true}
        %dma_wait3A = arith.constant 0 : i32
        %dma_wait3A_1136 = arith.constant 0 : i32
        %dma_wait3A_1137 = tpu.memref_slice %arg7[%dma_wait3A, %dma_wait3A_1136] : memref<512x32xf32, #tpu.memory_space<vmem>> -> memref<128x32xf32, #tpu.memory_space<vmem>>
        %dma_wait3A_1138 = arith.constant 0 : i32
        %dma_wait3A_1139 = arith.constant 0 : i32
        %dma_wait3A_1140 = tpu.memref_slice %arg15[%dma_wait3A_1138, %dma_wait3A_1139] : memref<38912x32xf32, #tpu.memory_space<vmem_shared>> -> memref<38912x32xf32, #tpu.memory_space<vmem_shared>>
        tpu.wait_indirect_dma semaphore(%run_scoped3A : memref<!tpu.dma_semaphore, #tpu.memory_space<semaphore_mem>>) src(%dma_wait3A_1137 : memref<128x32xf32, #tpu.memory_space<vmem>>) dst(%dma_wait3A_1140 : memref<38912x32xf32, #tpu.memory_space<vmem_shared>>)
        tpu.yield
      }) : () -> ()
      "tpu.region"() ({
        %run_scoped3A = tpu.sem_alloc : memref<!tpu.dma_semaphore, #tpu.memory_space<semaphore_mem>>
        %dma_start3A = arith.constant 128 : i32
        %dma_start3A_1131 = arith.constant 0 : i32
        %dma_start3A_1132 = tpu.memref_slice %arg7[%dma_start3A, %dma_start3A_1131] : memref<512x32xf32, #tpu.memory_space<vmem>> -> memref<128x32xf32, #tpu.memory_space<vmem>>
        %dma_start3A_1133 = arith.constant 0 : i32
        %dma_start3A_1134 = arith.constant 0 : i32
        %dma_start3A_1135 = tpu.memref_slice %arg15[%dma_start3A_1133, %dma_start3A_1134] : memref<38912x32xf32, #tpu.memory_space<vmem_shared>> -> memref<38912x32xf32, #tpu.memory_space<vmem_shared>>
        tpu.enqueue_indirect_dma source(%dma_start3A_1132 : memref<128x32xf32, #tpu.memory_space<vmem>>) target(%dma_start3A_1135 : memref<38912x32xf32, #tpu.memory_space<vmem_shared>>) offsets(%arg9 : memref<128xi32, #tpu.memory_space<vmem>>) semaphore(%run_scoped3A : memref<!tpu.dma_semaphore, #tpu.memory_space<semaphore_mem>>) {add = true}
        %dma_wait3A = arith.constant 128 : i32
        %dma_wait3A_1136 = arith.constant 0 : i32
        %dma_wait3A_1137 = tpu.memref_slice %arg7[%dma_wait3A, %dma_wait3A_1136] : memref<512x32xf32, #tpu.memory_space<vmem>> -> memref<128x32xf32, #tpu.memory_space<vmem>>
        %dma_wait3A_1138 = arith.constant 0 : i32
        %dma_wait3A_1139 = arith.constant 0 : i32
        %dma_wait3A_1140 = tpu.memref_slice %arg15[%dma_wait3A_1138, %dma_wait3A_1139] : memref<38912x32xf32, #tpu.memory_space<vmem_shared>> -> memref<38912x32xf32, #tpu.memory_space<vmem_shared>>
        tpu.wait_indirect_dma semaphore(%run_scoped3A : memref<!tpu.dma_semaphore, #tpu.memory_space<semaphore_mem>>) src(%dma_wait3A_1137 : memref<128x32xf32, #tpu.memory_space<vmem>>) dst(%dma_wait3A_1140 : memref<38912x32xf32, #tpu.memory_space<vmem_shared>>)
        tpu.yield
      }) : () -> ()
      "tpu.region"() ({
        %run_scoped3A = tpu.sem_alloc : memref<!tpu.dma_semaphore, #tpu.memory_space<semaphore_mem>>
        %dma_start3A = arith.constant 256 : i32
        %dma_start3A_1131 = arith.constant 0 : i32
        %dma_start3A_1132 = tpu.memref_slice %arg7[%dma_start3A, %dma_start3A_1131] : memref<512x32xf32, #tpu.memory_space<vmem>> -> memref<128x32xf32, #tpu.memory_space<vmem>>
        %dma_start3A_1133 = arith.constant 0 : i32
        %dma_start3A_1134 = arith.constant 0 : i32
        %dma_start3A_1135 = tpu.memref_slice %arg15[%dma_start3A_1133, %dma_start3A_1134] : memref<38912x32xf32, #tpu.memory_space<vmem_shared>> -> memref<38912x32xf32, #tpu.memory_space<vmem_shared>>
        tpu.enqueue_indirect_dma source(%dma_start3A_1132 : memref<128x32xf32, #tpu.memory_space<vmem>>) target(%dma_start3A_1135 : memref<38912x32xf32, #tpu.memory_space<vmem_shared>>) offsets(%arg10 : memref<128xi32, #tpu.memory_space<vmem>>) semaphore(%run_scoped3A : memref<!tpu.dma_semaphore, #tpu.memory_space<semaphore_mem>>) {add = true}
        %dma_wait3A = arith.constant 256 : i32
        %dma_wait3A_1136 = arith.constant 0 : i32
        %dma_wait3A_1137 = tpu.memref_slice %arg7[%dma_wait3A, %dma_wait3A_1136] : memref<512x32xf32, #tpu.memory_space<vmem>> -> memref<128x32xf32, #tpu.memory_space<vmem>>
        %dma_wait3A_1138 = arith.constant 0 : i32
        %dma_wait3A_1139 = arith.constant 0 : i32
        %dma_wait3A_1140 = tpu.memref_slice %arg15[%dma_wait3A_1138, %dma_wait3A_1139] : memref<38912x32xf32, #tpu.memory_space<vmem_shared>> -> memref<38912x32xf32, #tpu.memory_space<vmem_shared>>
        tpu.wait_indirect_dma semaphore(%run_scoped3A : memref<!tpu.dma_semaphore, #tpu.memory_space<semaphore_mem>>) src(%dma_wait3A_1137 : memref<128x32xf32, #tpu.memory_space<vmem>>) dst(%dma_wait3A_1140 : memref<38912x32xf32, #tpu.memory_space<vmem_shared>>)
        tpu.yield
      }) : () -> ()
      "tpu.region"() ({
        %run_scoped3A = tpu.sem_alloc : memref<!tpu.dma_semaphore, #tpu.memory_space<semaphore_mem>>
        %dma_start3A = arith.constant 384 : i32
        %dma_start3A_1131 = arith.constant 0 : i32
        %dma_start3A_1132 = tpu.memref_slice %arg7[%dma_start3A, %dma_start3A_1131] : memref<512x32xf32, #tpu.memory_space<vmem>> -> memref<128x32xf32, #tpu.memory_space<vmem>>
        %dma_start3A_1133 = arith.constant 0 : i32
        %dma_start3A_1134 = arith.constant 0 : i32
        %dma_start3A_1135 = tpu.memref_slice %arg15[%dma_start3A_1133, %dma_start3A_1134] : memref<38912x32xf32, #tpu.memory_space<vmem_shared>> -> memref<38912x32xf32, #tpu.memory_space<vmem_shared>>
        tpu.enqueue_indirect_dma source(%dma_start3A_1132 : memref<128x32xf32, #tpu.memory_space<vmem>>) target(%dma_start3A_1135 : memref<38912x32xf32, #tpu.memory_space<vmem_shared>>) offsets(%arg11 : memref<128xi32, #tpu.memory_space<vmem>>) semaphore(%run_scoped3A : memref<!tpu.dma_semaphore, #tpu.memory_space<semaphore_mem>>) {add = true}
        %dma_wait3A = arith.constant 384 : i32
        %dma_wait3A_1136 = arith.constant 0 : i32
        %dma_wait3A_1137 = tpu.memref_slice %arg7[%dma_wait3A, %dma_wait3A_1136] : memref<512x32xf32, #tpu.memory_space<vmem>> -> memref<128x32xf32, #tpu.memory_space<vmem>>
        %dma_wait3A_1138 = arith.constant 0 : i32
        %dma_wait3A_1139 = arith.constant 0 : i32
        %dma_wait3A_1140 = tpu.memref_slice %arg15[%dma_wait3A_1138, %dma_wait3A_1139] : memref<38912x32xf32, #tpu.memory_space<vmem_shared>> -> memref<38912x32xf32, #tpu.memory_space<vmem_shared>>
        tpu.wait_indirect_dma semaphore(%run_scoped3A : memref<!tpu.dma_semaphore, #tpu.memory_space<semaphore_mem>>) src(%dma_wait3A_1137 : memref<128x32xf32, #tpu.memory_space<vmem>>) dst(%dma_wait3A_1140 : memref<38912x32xf32, #tpu.memory_space<vmem_shared>>)
        tpu.yield
      }) : () -> ()
    }
    %scan3A_56 = arith.constant 15 : i32
    %barrier3A_57 = arith.constant 0 : index
    tpu.barrier barrier_id(%barrier3A_57)
    %mul3A_58 = arith.constant 2304 : i32
    %mul3A_59 = arith.muli %arg1, %mul3A_58 : i32
    %mul3A_60 = arith.constant 2304 : i32
    %mul3A_61 = arith.muli %arg1, %mul3A_60 : i32
    %add3A_62 = arith.addi %mul3A_30, %mul3A_61 : i32
    "tpu.region"() ({
      %run_scoped3A = tpu.sem_alloc : memref<!tpu.dma_semaphore, #tpu.memory_space<semaphore_mem>>
      %dma_start3A = arith.constant 0 : i32
      %dma_start3A_140 = tpu.memref_slice %arg4[%add3A_62, %dma_start3A] : memref<221184x32xf32, #tpu.memory_space<hbm>> -> memref<2304x32xf32, #tpu.memory_space<hbm>>
      %dma_start3A_141 = arith.constant 0 : i32
      %dma_start3A_142 = tpu.memref_slice %arg15[%mul3A_59, %dma_start3A_141] : memref<38912x32xf32, #tpu.memory_space<vmem_shared>> -> memref<2304x32xf32, #tpu.memory_space<vmem_shared>>
      tpu.enqueue_dma source(%dma_start3A_142 : memref<2304x32xf32, #tpu.memory_space<vmem_shared>>) target(%dma_start3A_140 : memref<2304x32xf32, #tpu.memory_space<hbm>>) target_semaphore(%run_scoped3A : memref<!tpu.dma_semaphore, #tpu.memory_space<semaphore_mem>>)
      %dma_wait3A = arith.constant 0 : i32
      %dma_wait3A_143 = tpu.memref_slice %arg4[%add3A_62, %dma_wait3A] : memref<221184x32xf32, #tpu.memory_space<hbm>> -> memref<2304x32xf32, #tpu.memory_space<hbm>>
      %dma_wait3A_144 = arith.constant 0 : i32
      %dma_wait3A_145 = tpu.memref_slice %arg15[%mul3A_59, %dma_wait3A_144] : memref<38912x32xf32, #tpu.memory_space<vmem_shared>> -> memref<2304x32xf32, #tpu.memory_space<vmem_shared>>
      tpu.wait_dma2 semaphore(%run_scoped3A : memref<!tpu.dma_semaphore, #tpu.memory_space<semaphore_mem>>) src(%dma_wait3A_145 : memref<2304x32xf32, #tpu.memory_space<vmem_shared>>) dst(%dma_wait3A_143 : memref<2304x32xf32, #tpu.memory_space<hbm>>)
      tpu.yield
    }) : () -> ()
    %barrier3A_63 = arith.constant 0 : index
    tpu.barrier barrier_id(%barrier3A_63)
    %add3A_64 = arith.constant 2 : i32
    %add3A_65 = arith.addi %arg0, %add3A_64 : i32
    %mul3A_66 = arith.constant 36864 : i32
    %mul3A_67 = arith.muli %add3A_65, %mul3A_66 : i32
    %mul3A_68 = arith.constant 2432 : i32
    %mul3A_69 = arith.muli %arg1, %mul3A_68 : i32
    %add3A_70 = arith.constant 0 : i32
    %add3A_71 = arith.addi %mul3A_69, %add3A_70 : i32
    "tpu.region"() ({
      %run_scoped3A = tpu.sem_alloc : memref<!tpu.dma_semaphore, #tpu.memory_space<semaphore_mem>>
      %dma_start3A = arith.constant 0 : i32
      %dma_start3A_140 = tpu.memref_slice %arg15[%add3A_71, %dma_start3A] : memref<38912x32xf32, #tpu.memory_space<vmem_shared>> -> memref<512x32xf32, #tpu.memory_space<vmem_shared>>
      %dma_start3A_141 = arith.constant 0 : i32
      %dma_start3A_142 = tpu.memref_slice %arg15[%add3A_71, %dma_start3A_141] : memref<38912x32xf32, #tpu.memory_space<vmem_shared>> -> memref<512x32xf32, #tpu.memory_space<vmem_shared>>
      tpu.enqueue_dma source(%arg14 : memref<512x32xf32, #tpu.memory_space<vmem>>) target(%dma_start3A_142 : memref<512x32xf32, #tpu.memory_space<vmem_shared>>) target_semaphore(%run_scoped3A : memref<!tpu.dma_semaphore, #tpu.memory_space<semaphore_mem>>)
      %dma_wait3A = arith.constant 0 : i32
      %dma_wait3A_143 = tpu.memref_slice %arg15[%add3A_71, %dma_wait3A] : memref<38912x32xf32, #tpu.memory_space<vmem_shared>> -> memref<512x32xf32, #tpu.memory_space<vmem_shared>>
      %dma_wait3A_144 = arith.constant 0 : i32
      %dma_wait3A_145 = tpu.memref_slice %arg15[%add3A_71, %dma_wait3A_144] : memref<38912x32xf32, #tpu.memory_space<vmem_shared>> -> memref<512x32xf32, #tpu.memory_space<vmem_shared>>
      tpu.wait_dma2 semaphore(%run_scoped3A : memref<!tpu.dma_semaphore, #tpu.memory_space<semaphore_mem>>) src(%arg14 : memref<512x32xf32, #tpu.memory_space<vmem>>) dst(%dma_wait3A_145 : memref<512x32xf32, #tpu.memory_space<vmem_shared>>)
      tpu.yield
    }) : () -> ()
    %mul3A_72 = arith.constant 2432 : i32
    %mul3A_73 = arith.muli %arg1, %mul3A_72 : i32
    %add3A_74 = arith.constant 512 : i32
    %add3A_75 = arith.addi %mul3A_73, %add3A_74 : i32
    "tpu.region"() ({
      %run_scoped3A = tpu.sem_alloc : memref<!tpu.dma_semaphore, #tpu.memory_space<semaphore_mem>>
      %dma_start3A = arith.constant 0 : i32
      %dma_start3A_140 = tpu.memref_slice %arg15[%add3A_75, %dma_start3A] : memref<38912x32xf32, #tpu.memory_space<vmem_shared>> -> memref<512x32xf32, #tpu.memory_space<vmem_shared>>
      %dma_start3A_141 = arith.constant 0 : i32
      %dma_start3A_142 = tpu.memref_slice %arg15[%add3A_75, %dma_start3A_141] : memref<38912x32xf32, #tpu.memory_space<vmem_shared>> -> memref<512x32xf32, #tpu.memory_space<vmem_shared>>
      tpu.enqueue_dma source(%arg14 : memref<512x32xf32, #tpu.memory_space<vmem>>) target(%dma_start3A_142 : memref<512x32xf32, #tpu.memory_space<vmem_shared>>) target_semaphore(%run_scoped3A : memref<!tpu.dma_semaphore, #tpu.memory_space<semaphore_mem>>)
      %dma_wait3A = arith.constant 0 : i32
      %dma_wait3A_143 = tpu.memref_slice %arg15[%add3A_75, %dma_wait3A] : memref<38912x32xf32, #tpu.memory_space<vmem_shared>> -> memref<512x32xf32, #tpu.memory_space<vmem_shared>>
      %dma_wait3A_144 = arith.constant 0 : i32
      %dma_wait3A_145 = tpu.memref_slice %arg15[%add3A_75, %dma_wait3A_144] : memref<38912x32xf32, #tpu.memory_space<vmem_shared>> -> memref<512x32xf32, #tpu.memory_space<vmem_shared>>
      tpu.wait_dma2 semaphore(%run_scoped3A : memref<!tpu.dma_semaphore, #tpu.memory_space<semaphore_mem>>) src(%arg14 : memref<512x32xf32, #tpu.memory_space<vmem>>) dst(%dma_wait3A_145 : memref<512x32xf32, #tpu.memory_space<vmem_shared>>)
      tpu.yield
    }) : () -> ()
    %mul3A_76 = arith.constant 2432 : i32
    %mul3A_77 = arith.muli %arg1, %mul3A_76 : i32
    %add3A_78 = arith.constant 1024 : i32
    %add3A_79 = arith.addi %mul3A_77, %add3A_78 : i32
    "tpu.region"() ({
      %run_scoped3A = tpu.sem_alloc : memref<!tpu.dma_semaphore, #tpu.memory_space<semaphore_mem>>
      %dma_start3A = arith.constant 0 : i32
      %dma_start3A_140 = tpu.memref_slice %arg15[%add3A_79, %dma_start3A] : memref<38912x32xf32, #tpu.memory_space<vmem_shared>> -> memref<512x32xf32, #tpu.memory_space<vmem_shared>>
      %dma_start3A_141 = arith.constant 0 : i32
      %dma_start3A_142 = tpu.memref_slice %arg15[%add3A_79, %dma_start3A_141] : memref<38912x32xf32, #tpu.memory_space<vmem_shared>> -> memref<512x32xf32, #tpu.memory_space<vmem_shared>>
      tpu.enqueue_dma source(%arg14 : memref<512x32xf32, #tpu.memory_space<vmem>>) target(%dma_start3A_142 : memref<512x32xf32, #tpu.memory_space<vmem_shared>>) target_semaphore(%run_scoped3A : memref<!tpu.dma_semaphore, #tpu.memory_space<semaphore_mem>>)
      %dma_wait3A = arith.constant 0 : i32
      %dma_wait3A_143 = tpu.memref_slice %arg15[%add3A_79, %dma_wait3A] : memref<38912x32xf32, #tpu.memory_space<vmem_shared>> -> memref<512x32xf32, #tpu.memory_space<vmem_shared>>
      %dma_wait3A_144 = arith.constant 0 : i32
      %dma_wait3A_145 = tpu.memref_slice %arg15[%add3A_79, %dma_wait3A_144] : memref<38912x32xf32, #tpu.memory_space<vmem_shared>> -> memref<512x32xf32, #tpu.memory_space<vmem_shared>>
      tpu.wait_dma2 semaphore(%run_scoped3A : memref<!tpu.dma_semaphore, #tpu.memory_space<semaphore_mem>>) src(%arg14 : memref<512x32xf32, #tpu.memory_space<vmem>>) dst(%dma_wait3A_145 : memref<512x32xf32, #tpu.memory_space<vmem_shared>>)
      tpu.yield
    }) : () -> ()
    %mul3A_80 = arith.constant 2432 : i32
    %mul3A_81 = arith.muli %arg1, %mul3A_80 : i32
    %add3A_82 = arith.constant 1536 : i32
    %add3A_83 = arith.addi %mul3A_81, %add3A_82 : i32
    "tpu.region"() ({
      %run_scoped3A = tpu.sem_alloc : memref<!tpu.dma_semaphore, #tpu.memory_space<semaphore_mem>>
      %dma_start3A = arith.constant 0 : i32
      %dma_start3A_140 = tpu.memref_slice %arg15[%add3A_83, %dma_start3A] : memref<38912x32xf32, #tpu.memory_space<vmem_shared>> -> memref<512x32xf32, #tpu.memory_space<vmem_shared>>
      %dma_start3A_141 = arith.constant 0 : i32
      %dma_start3A_142 = tpu.memref_slice %arg15[%add3A_83, %dma_start3A_141] : memref<38912x32xf32, #tpu.memory_space<vmem_shared>> -> memref<512x32xf32, #tpu.memory_space<vmem_shared>>
      tpu.enqueue_dma source(%arg14 : memref<512x32xf32, #tpu.memory_space<vmem>>) target(%dma_start3A_142 : memref<512x32xf32, #tpu.memory_space<vmem_shared>>) target_semaphore(%run_scoped3A : memref<!tpu.dma_semaphore, #tpu.memory_space<semaphore_mem>>)
      %dma_wait3A = arith.constant 0 : i32
      %dma_wait3A_143 = tpu.memref_slice %arg15[%add3A_83, %dma_wait3A] : memref<38912x32xf32, #tpu.memory_space<vmem_shared>> -> memref<512x32xf32, #tpu.memory_space<vmem_shared>>
      %dma_wait3A_144 = arith.constant 0 : i32
      %dma_wait3A_145 = tpu.memref_slice %arg15[%add3A_83, %dma_wait3A_144] : memref<38912x32xf32, #tpu.memory_space<vmem_shared>> -> memref<512x32xf32, #tpu.memory_space<vmem_shared>>
      tpu.wait_dma2 semaphore(%run_scoped3A : memref<!tpu.dma_semaphore, #tpu.memory_space<semaphore_mem>>) src(%arg14 : memref<512x32xf32, #tpu.memory_space<vmem>>) dst(%dma_wait3A_145 : memref<512x32xf32, #tpu.memory_space<vmem_shared>>)
      tpu.yield
    }) : () -> ()
    %mul3A_84 = arith.constant 2432 : i32
    %mul3A_85 = arith.muli %arg1, %mul3A_84 : i32
    %add3A_86 = arith.constant 2048 : i32
    %add3A_87 = arith.addi %mul3A_85, %add3A_86 : i32
    "tpu.region"() ({
      %run_scoped3A = tpu.sem_alloc : memref<!tpu.dma_semaphore, #tpu.memory_space<semaphore_mem>>
      %dma_start3A = arith.constant 0 : i32
      %dma_start3A_140 = arith.constant 0 : i32
      %dma_start3A_141 = tpu.memref_slice %arg14[%dma_start3A, %dma_start3A_140] : memref<512x32xf32, #tpu.memory_space<vmem>> -> memref<384x32xf32, #tpu.memory_space<vmem>>
      %dma_start3A_142 = arith.constant 0 : i32
      %dma_start3A_143 = tpu.memref_slice %arg15[%add3A_87, %dma_start3A_142] : memref<38912x32xf32, #tpu.memory_space<vmem_shared>> -> memref<384x32xf32, #tpu.memory_space<vmem_shared>>
      %dma_start3A_144 = arith.constant 0 : i32
      %dma_start3A_145 = tpu.memref_slice %arg15[%add3A_87, %dma_start3A_144] : memref<38912x32xf32, #tpu.memory_space<vmem_shared>> -> memref<384x32xf32, #tpu.memory_space<vmem_shared>>
      %dma_start3A_146 = arith.constant 0 : i32
      %dma_start3A_147 = arith.constant 0 : i32
      %dma_start3A_148 = tpu.memref_slice %arg14[%dma_start3A_146, %dma_start3A_147] : memref<512x32xf32, #tpu.memory_space<vmem>> -> memref<384x32xf32, #tpu.memory_space<vmem>>
      tpu.enqueue_dma source(%dma_start3A_148 : memref<384x32xf32, #tpu.memory_space<vmem>>) target(%dma_start3A_145 : memref<384x32xf32, #tpu.memory_space<vmem_shared>>) target_semaphore(%run_scoped3A : memref<!tpu.dma_semaphore, #tpu.memory_space<semaphore_mem>>)
      %dma_wait3A = arith.constant 0 : i32
      %dma_wait3A_149 = arith.constant 0 : i32
      %dma_wait3A_150 = tpu.memref_slice %arg14[%dma_wait3A, %dma_wait3A_149] : memref<512x32xf32, #tpu.memory_space<vmem>> -> memref<384x32xf32, #tpu.memory_space<vmem>>
      %dma_wait3A_151 = arith.constant 0 : i32
      %dma_wait3A_152 = tpu.memref_slice %arg15[%add3A_87, %dma_wait3A_151] : memref<38912x32xf32, #tpu.memory_space<vmem_shared>> -> memref<384x32xf32, #tpu.memory_space<vmem_shared>>
      %dma_wait3A_153 = arith.constant 0 : i32
      %dma_wait3A_154 = tpu.memref_slice %arg15[%add3A_87, %dma_wait3A_153] : memref<38912x32xf32, #tpu.memory_space<vmem_shared>> -> memref<384x32xf32, #tpu.memory_space<vmem_shared>>
      %dma_wait3A_155 = arith.constant 0 : i32
      %dma_wait3A_156 = arith.constant 0 : i32
      %dma_wait3A_157 = tpu.memref_slice %arg14[%dma_wait3A_155, %dma_wait3A_156] : memref<512x32xf32, #tpu.memory_space<vmem>> -> memref<384x32xf32, #tpu.memory_space<vmem>>
      tpu.wait_dma2 semaphore(%run_scoped3A : memref<!tpu.dma_semaphore, #tpu.memory_space<semaphore_mem>>) src(%dma_wait3A_157 : memref<384x32xf32, #tpu.memory_space<vmem>>) dst(%dma_wait3A_154 : memref<384x32xf32, #tpu.memory_space<vmem_shared>>)
      tpu.yield
    }) : () -> ()
    %barrier3A_88 = arith.constant 0 : index
    tpu.barrier barrier_id(%barrier3A_88)
    %scan3A_89 = arith.constant 0 : i32
    %scan3A_90 = arith.constant 0 : i32
    %scan3A_91 = arith.constant 15 : i32
    %scan3A_92 = arith.addi %scan3A_90, %scan3A_91 : i32
    %scan3A_93 = arith.constant 1 : i32
    scf.for %scan3A_140 = %scan3A_90 to %scan3A_92 step %scan3A_93  : i32 {
      %mul3A_141 = arith.constant 7680 : i32
      %mul3A_142 = arith.muli %arg1, %mul3A_141 : i32
      %mul3A_143 = arith.constant 512 : i32
      %mul3A_144 = arith.muli %scan3A_140, %mul3A_143 : i32
      %add3A_145 = arith.addi %mul3A_142, %mul3A_144 : i32
      "tpu.region"() ({
        %run_scoped3A = tpu.sem_alloc : memref<!tpu.dma_semaphore, #tpu.memory_space<semaphore_mem>>
        %dma_start3A = arith.constant 0 : i32
        %dma_start3A_1131 = tpu.memref_slice %arg2[%add3A_145, %dma_start3A] : memref<122880x32xf32, #tpu.memory_space<hbm>> -> memref<512x32xf32, #tpu.memory_space<hbm>>
        %dma_start3A_1132 = arith.constant 0 : i32
        %dma_start3A_1133 = tpu.memref_slice %arg2[%add3A_145, %dma_start3A_1132] : memref<122880x32xf32, #tpu.memory_space<hbm>> -> memref<512x32xf32, #tpu.memory_space<hbm>>
        tpu.enqueue_dma source(%dma_start3A_1133 : memref<512x32xf32, #tpu.memory_space<hbm>>) target(%arg7 : memref<512x32xf32, #tpu.memory_space<vmem>>) target_semaphore(%run_scoped3A : memref<!tpu.dma_semaphore, #tpu.memory_space<semaphore_mem>>)
        %dma_wait3A = arith.constant 0 : i32
        %dma_wait3A_1134 = tpu.memref_slice %arg2[%add3A_145, %dma_wait3A] : memref<122880x32xf32, #tpu.memory_space<hbm>> -> memref<512x32xf32, #tpu.memory_space<hbm>>
        %dma_wait3A_1135 = arith.constant 0 : i32
        %dma_wait3A_1136 = tpu.memref_slice %arg2[%add3A_145, %dma_wait3A_1135] : memref<122880x32xf32, #tpu.memory_space<hbm>> -> memref<512x32xf32, #tpu.memory_space<hbm>>
        tpu.wait_dma2 semaphore(%run_scoped3A : memref<!tpu.dma_semaphore, #tpu.memory_space<semaphore_mem>>) src(%dma_wait3A_1136 : memref<512x32xf32, #tpu.memory_space<hbm>>) dst(%arg7 : memref<512x32xf32, #tpu.memory_space<vmem>>)
        tpu.yield
      }) : () -> ()
      %mul3A_146 = arith.constant 512 : i32
      %mul3A_147 = arith.muli %scan3A_140, %mul3A_146 : i32
      %add3A_148 = arith.constant 0 : i32
      %add3A_149 = arith.addi %mul3A_147, %add3A_148 : i32
      %get3A = arith.index_cast %add3A_149 : i32 to index
      %get3A_150 = tpu.vector_load %arg6[%get3A] {strides = array<i32>} : memref<7680xi32, #tpu.memory_space<vmem>>, vector<16xi32>,
      %sub3A = vector.broadcast %mul3A_67 : i32 to vector<16xi32>
      %sub3A_151 = arith.subi %get3A_150, %sub3A : vector<16xi32>
      %ge3A = arith.constant 0 : i32
      %ge3A_152 = vector.broadcast %ge3A : i32 to vector<16xi32>
      %ge3A_153 = arith.cmpi sge, %sub3A_151, %ge3A_152 : vector<16xi32>
      %lt3A = arith.constant 36864 : i32
      %lt3A_154 = vector.broadcast %lt3A : i32 to vector<16xi32>
      %lt3A_155 = arith.cmpi slt, %sub3A_151, %lt3A_154 : vector<16xi32>
      %and3A = arith.andi %ge3A_153, %lt3A_155 : vector<16xi1>
      %mul3A_156 = arith.constant 128 : i32
      %mul3A_157 = arith.muli %arg1, %mul3A_156 : i32
      %mul3A_158 = arith.constant 512 : i32
      %mul3A_159 = arith.muli %scan3A_140, %mul3A_158 : i32
      %add3A_160 = arith.addi %mul3A_157, %mul3A_159 : i32
      %add3A_161 = arith.constant 0 : i32
      %add3A_162 = arith.addi %add3A_160, %add3A_161 : i32
      %and3A_163 = arith.constant 2047 : i32
      %and3A_164 = arith.andi %add3A_162, %and3A_163 : i32
      %add3A_165 = arith.constant 36864 : i32
      %add3A_166 = arith.addi %add3A_165, %and3A_164 : i32
      %add3A_167 = vector.broadcast %add3A_166 : i32 to vector<16xi32>
      %add3A_168 = arith.addi %add3A_167, %iota3A : vector<16xi32>
      %select_n3A = arith.select %and3A, %sub3A_151, %add3A_168 : vector<16xi1>, vector<16xi32>
      %swap3A = arith.constant 0 : index
      %swap3A_169 = tpu.vector_load %arg8[%swap3A] {strides = array<i32>} : memref<128xi32, #tpu.memory_space<vmem>>, vector<16xi32>,
      tpu.vector_store %arg8[%swap3A], %select_n3A {strides = array<i32>} : memref<128xi32, #tpu.memory_space<vmem>>, vector<16xi32>,
      %mul3A_170 = arith.constant 512 : i32
      %mul3A_171 = arith.muli %scan3A_140, %mul3A_170 : i32
      %add3A_172 = arith.constant 16 : i32
      %add3A_173 = arith.addi %mul3A_171, %add3A_172 : i32
      %get3A_174 = arith.index_cast %add3A_173 : i32 to index
      %get3A_175 = tpu.vector_load %arg6[%get3A_174] {strides = array<i32>} : memref<7680xi32, #tpu.memory_space<vmem>>, vector<16xi32>,
      %sub3A_176 = vector.broadcast %mul3A_67 : i32 to vector<16xi32>
      %sub3A_177 = arith.subi %get3A_175, %sub3A_176 : vector<16xi32>
      %ge3A_178 = arith.constant 0 : i32
      %ge3A_179 = vector.broadcast %ge3A_178 : i32 to vector<16xi32>
      %ge3A_180 = arith.cmpi sge, %sub3A_177, %ge3A_179 : vector<16xi32>
      %lt3A_181 = arith.constant 36864 : i32
      %lt3A_182 = vector.broadcast %lt3A_181 : i32 to vector<16xi32>
      %lt3A_183 = arith.cmpi slt, %sub3A_177, %lt3A_182 : vector<16xi32>
      %and3A_184 = arith.andi %ge3A_180, %lt3A_183 : vector<16xi1>
      %mul3A_185 = arith.constant 128 : i32
      %mul3A_186 = arith.muli %arg1, %mul3A_185 : i32
      %mul3A_187 = arith.constant 512 : i32
      %mul3A_188 = arith.muli %scan3A_140, %mul3A_187 : i32
      %add3A_189 = arith.addi %mul3A_186, %mul3A_188 : i32
      %add3A_190 = arith.constant 16 : i32
      %add3A_191 = arith.addi %add3A_189, %add3A_190 : i32
      %and3A_192 = arith.constant 2047 : i32
      %and3A_193 = arith.andi %add3A_191, %and3A_192 : i32
      %add3A_194 = arith.constant 36864 : i32
      %add3A_195 = arith.addi %add3A_194, %and3A_193 : i32
      %add3A_196 = vector.broadcast %add3A_195 : i32 to vector<16xi32>
      %add3A_197 = arith.addi %add3A_196, %iota3A : vector<16xi32>
      %select_n3A_198 = arith.select %and3A_184, %sub3A_177, %add3A_197 : vector<16xi1>, vector<16xi32>
      %swap3A_199 = arith.constant 16 : index
      %swap3A_200 = tpu.vector_load %arg8[%swap3A_199] {strides = array<i32>} : memref<128xi32, #tpu.memory_space<vmem>>, vector<16xi32>,
      tpu.vector_store %arg8[%swap3A_199], %select_n3A_198 {strides = array<i32>} : memref<128xi32, #tpu.memory_space<vmem>>, vector<16xi32>,
      %mul3A_201 = arith.constant 512 : i32
      %mul3A_202 = arith.muli %scan3A_140, %mul3A_201 : i32
      %add3A_203 = arith.constant 32 : i32
      %add3A_204 = arith.addi %mul3A_202, %add3A_203 : i32
      %get3A_205 = arith.index_cast %add3A_204 : i32 to index
      %get3A_206 = tpu.vector_load %arg6[%get3A_205] {strides = array<i32>} : memref<7680xi32, #tpu.memory_space<vmem>>, vector<16xi32>,
      %sub3A_207 = vector.broadcast %mul3A_67 : i32 to vector<16xi32>
      %sub3A_208 = arith.subi %get3A_206, %sub3A_207 : vector<16xi32>
      %ge3A_209 = arith.constant 0 : i32
      %ge3A_210 = vector.broadcast %ge3A_209 : i32 to vector<16xi32>
      %ge3A_211 = arith.cmpi sge, %sub3A_208, %ge3A_210 : vector<16xi32>
      %lt3A_212 = arith.constant 36864 : i32
      %lt3A_213 = vector.broadcast %lt3A_212 : i32 to vector<16xi32>
      %lt3A_214 = arith.cmpi slt, %sub3A_208, %lt3A_213 : vector<16xi32>
      %and3A_215 = arith.andi %ge3A_211, %lt3A_214 : vector<16xi1>
      %mul3A_216 = arith.constant 128 : i32
      %mul3A_217 = arith.muli %arg1, %mul3A_216 : i32
      %mul3A_218 = arith.constant 512 : i32
      %mul3A_219 = arith.muli %scan3A_140, %mul3A_218 : i32
      %add3A_220 = arith.addi %mul3A_217, %mul3A_219 : i32
      %add3A_221 = arith.constant 32 : i32
      %add3A_222 = arith.addi %add3A_220, %add3A_221 : i32
      %and3A_223 = arith.constant 2047 : i32
      %and3A_224 = arith.andi %add3A_222, %and3A_223 : i32
      %add3A_225 = arith.constant 36864 : i32
      %add3A_226 = arith.addi %add3A_225, %and3A_224 : i32
      %add3A_227 = vector.broadcast %add3A_226 : i32 to vector<16xi32>
      %add3A_228 = arith.addi %add3A_227, %iota3A : vector<16xi32>
      %select_n3A_229 = arith.select %and3A_215, %sub3A_208, %add3A_228 : vector<16xi1>, vector<16xi32>
      %swap3A_230 = arith.constant 32 : index
      %swap3A_231 = tpu.vector_load %arg8[%swap3A_230] {strides = array<i32>} : memref<128xi32, #tpu.memory_space<vmem>>, vector<16xi32>,
      tpu.vector_store %arg8[%swap3A_230], %select_n3A_229 {strides = array<i32>} : memref<128xi32, #tpu.memory_space<vmem>>, vector<16xi32>,
      %mul3A_232 = arith.constant 512 : i32
      %mul3A_233 = arith.muli %scan3A_140, %mul3A_232 : i32
      %add3A_234 = arith.constant 48 : i32
      %add3A_235 = arith.addi %mul3A_233, %add3A_234 : i32
      %get3A_236 = arith.index_cast %add3A_235 : i32 to index
      %get3A_237 = tpu.vector_load %arg6[%get3A_236] {strides = array<i32>} : memref<7680xi32, #tpu.memory_space<vmem>>, vector<16xi32>,
      %sub3A_238 = vector.broadcast %mul3A_67 : i32 to vector<16xi32>
      %sub3A_239 = arith.subi %get3A_237, %sub3A_238 : vector<16xi32>
      %ge3A_240 = arith.constant 0 : i32
      %ge3A_241 = vector.broadcast %ge3A_240 : i32 to vector<16xi32>
      %ge3A_242 = arith.cmpi sge, %sub3A_239, %ge3A_241 : vector<16xi32>
      %lt3A_243 = arith.constant 36864 : i32
      %lt3A_244 = vector.broadcast %lt3A_243 : i32 to vector<16xi32>
      %lt3A_245 = arith.cmpi slt, %sub3A_239, %lt3A_244 : vector<16xi32>
      %and3A_246 = arith.andi %ge3A_242, %lt3A_245 : vector<16xi1>
      %mul3A_247 = arith.constant 128 : i32
      %mul3A_248 = arith.muli %arg1, %mul3A_247 : i32
      %mul3A_249 = arith.constant 512 : i32
      %mul3A_250 = arith.muli %scan3A_140, %mul3A_249 : i32
      %add3A_251 = arith.addi %mul3A_248, %mul3A_250 : i32
      %add3A_252 = arith.constant 48 : i32
      %add3A_253 = arith.addi %add3A_251, %add3A_252 : i32
      %and3A_254 = arith.constant 2047 : i32
      %and3A_255 = arith.andi %add3A_253, %and3A_254 : i32
      %add3A_256 = arith.constant 36864 : i32
      %add3A_257 = arith.addi %add3A_256, %and3A_255 : i32
      %add3A_258 = vector.broadcast %add3A_257 : i32 to vector<16xi32>
      %add3A_259 = arith.addi %add3A_258, %iota3A : vector<16xi32>
      %select_n3A_260 = arith.select %and3A_246, %sub3A_239, %add3A_259 : vector<16xi1>, vector<16xi32>
      %swap3A_261 = arith.constant 48 : index
      %swap3A_262 = tpu.vector_load %arg8[%swap3A_261] {strides = array<i32>} : memref<128xi32, #tpu.memory_space<vmem>>, vector<16xi32>,
      tpu.vector_store %arg8[%swap3A_261], %select_n3A_260 {strides = array<i32>} : memref<128xi32, #tpu.memory_space<vmem>>, vector<16xi32>,
      %mul3A_263 = arith.constant 512 : i32
      %mul3A_264 = arith.muli %scan3A_140, %mul3A_263 : i32
      %add3A_265 = arith.constant 64 : i32
      %add3A_266 = arith.addi %mul3A_264, %add3A_265 : i32
      %get3A_267 = arith.index_cast %add3A_266 : i32 to index
      %get3A_268 = tpu.vector_load %arg6[%get3A_267] {strides = array<i32>} : memref<7680xi32, #tpu.memory_space<vmem>>, vector<16xi32>,
      %sub3A_269 = vector.broadcast %mul3A_67 : i32 to vector<16xi32>
      %sub3A_270 = arith.subi %get3A_268, %sub3A_269 : vector<16xi32>
      %ge3A_271 = arith.constant 0 : i32
      %ge3A_272 = vector.broadcast %ge3A_271 : i32 to vector<16xi32>
      %ge3A_273 = arith.cmpi sge, %sub3A_270, %ge3A_272 : vector<16xi32>
      %lt3A_274 = arith.constant 36864 : i32
      %lt3A_275 = vector.broadcast %lt3A_274 : i32 to vector<16xi32>
      %lt3A_276 = arith.cmpi slt, %sub3A_270, %lt3A_275 : vector<16xi32>
      %and3A_277 = arith.andi %ge3A_273, %lt3A_276 : vector<16xi1>
      %mul3A_278 = arith.constant 128 : i32
      %mul3A_279 = arith.muli %arg1, %mul3A_278 : i32
      %mul3A_280 = arith.constant 512 : i32
      %mul3A_281 = arith.muli %scan3A_140, %mul3A_280 : i32
      %add3A_282 = arith.addi %mul3A_279, %mul3A_281 : i32
      %add3A_283 = arith.constant 64 : i32
      %add3A_284 = arith.addi %add3A_282, %add3A_283 : i32
      %and3A_285 = arith.constant 2047 : i32
      %and3A_286 = arith.andi %add3A_284, %and3A_285 : i32
      %add3A_287 = arith.constant 36864 : i32
      %add3A_288 = arith.addi %add3A_287, %and3A_286 : i32
      %add3A_289 = vector.broadcast %add3A_288 : i32 to vector<16xi32>
      %add3A_290 = arith.addi %add3A_289, %iota3A : vector<16xi32>
      %select_n3A_291 = arith.select %and3A_277, %sub3A_270, %add3A_290 : vector<16xi1>, vector<16xi32>
      %swap3A_292 = arith.constant 64 : index
      %swap3A_293 = tpu.vector_load %arg8[%swap3A_292] {strides = array<i32>} : memref<128xi32, #tpu.memory_space<vmem>>, vector<16xi32>,
      tpu.vector_store %arg8[%swap3A_292], %select_n3A_291 {strides = array<i32>} : memref<128xi32, #tpu.memory_space<vmem>>, vector<16xi32>,
      %mul3A_294 = arith.constant 512 : i32
      %mul3A_295 = arith.muli %scan3A_140, %mul3A_294 : i32
      %add3A_296 = arith.constant 80 : i32
      %add3A_297 = arith.addi %mul3A_295, %add3A_296 : i32
      %get3A_298 = arith.index_cast %add3A_297 : i32 to index
      %get3A_299 = tpu.vector_load %arg6[%get3A_298] {strides = array<i32>} : memref<7680xi32, #tpu.memory_space<vmem>>, vector<16xi32>,
      %sub3A_300 = vector.broadcast %mul3A_67 : i32 to vector<16xi32>
      %sub3A_301 = arith.subi %get3A_299, %sub3A_300 : vector<16xi32>
      %ge3A_302 = arith.constant 0 : i32
      %ge3A_303 = vector.broadcast %ge3A_302 : i32 to vector<16xi32>
      %ge3A_304 = arith.cmpi sge, %sub3A_301, %ge3A_303 : vector<16xi32>
      %lt3A_305 = arith.constant 36864 : i32
      %lt3A_306 = vector.broadcast %lt3A_305 : i32 to vector<16xi32>
      %lt3A_307 = arith.cmpi slt, %sub3A_301, %lt3A_306 : vector<16xi32>
      %and3A_308 = arith.andi %ge3A_304, %lt3A_307 : vector<16xi1>
      %mul3A_309 = arith.constant 128 : i32
      %mul3A_310 = arith.muli %arg1, %mul3A_309 : i32
      %mul3A_311 = arith.constant 512 : i32
      %mul3A_312 = arith.muli %scan3A_140, %mul3A_311 : i32
      %add3A_313 = arith.addi %mul3A_310, %mul3A_312 : i32
      %add3A_314 = arith.constant 80 : i32
      %add3A_315 = arith.addi %add3A_313, %add3A_314 : i32
      %and3A_316 = arith.constant 2047 : i32
      %and3A_317 = arith.andi %add3A_315, %and3A_316 : i32
      %add3A_318 = arith.constant 36864 : i32
      %add3A_319 = arith.addi %add3A_318, %and3A_317 : i32
      %add3A_320 = vector.broadcast %add3A_319 : i32 to vector<16xi32>
      %add3A_321 = arith.addi %add3A_320, %iota3A : vector<16xi32>
      %select_n3A_322 = arith.select %and3A_308, %sub3A_301, %add3A_321 : vector<16xi1>, vector<16xi32>
      %swap3A_323 = arith.constant 80 : index
      %swap3A_324 = tpu.vector_load %arg8[%swap3A_323] {strides = array<i32>} : memref<128xi32, #tpu.memory_space<vmem>>, vector<16xi32>,
      tpu.vector_store %arg8[%swap3A_323], %select_n3A_322 {strides = array<i32>} : memref<128xi32, #tpu.memory_space<vmem>>, vector<16xi32>,
      %mul3A_325 = arith.constant 512 : i32
      %mul3A_326 = arith.muli %scan3A_140, %mul3A_325 : i32
      %add3A_327 = arith.constant 96 : i32
      %add3A_328 = arith.addi %mul3A_326, %add3A_327 : i32
      %get3A_329 = arith.index_cast %add3A_328 : i32 to index
      %get3A_330 = tpu.vector_load %arg6[%get3A_329] {strides = array<i32>} : memref<7680xi32, #tpu.memory_space<vmem>>, vector<16xi32>,
      %sub3A_331 = vector.broadcast %mul3A_67 : i32 to vector<16xi32>
      %sub3A_332 = arith.subi %get3A_330, %sub3A_331 : vector<16xi32>
      %ge3A_333 = arith.constant 0 : i32
      %ge3A_334 = vector.broadcast %ge3A_333 : i32 to vector<16xi32>
      %ge3A_335 = arith.cmpi sge, %sub3A_332, %ge3A_334 : vector<16xi32>
      %lt3A_336 = arith.constant 36864 : i32
      %lt3A_337 = vector.broadcast %lt3A_336 : i32 to vector<16xi32>
      %lt3A_338 = arith.cmpi slt, %sub3A_332, %lt3A_337 : vector<16xi32>
      %and3A_339 = arith.andi %ge3A_335, %lt3A_338 : vector<16xi1>
      %mul3A_340 = arith.constant 128 : i32
      %mul3A_341 = arith.muli %arg1, %mul3A_340 : i32
      %mul3A_342 = arith.constant 512 : i32
      %mul3A_343 = arith.muli %scan3A_140, %mul3A_342 : i32
      %add3A_344 = arith.addi %mul3A_341, %mul3A_343 : i32
      %add3A_345 = arith.constant 96 : i32
      %add3A_346 = arith.addi %add3A_344, %add3A_345 : i32
      %and3A_347 = arith.constant 2047 : i32
      %and3A_348 = arith.andi %add3A_346, %and3A_347 : i32
      %add3A_349 = arith.constant 36864 : i32
      %add3A_350 = arith.addi %add3A_349, %and3A_348 : i32
      %add3A_351 = vector.broadcast %add3A_350 : i32 to vector<16xi32>
      %add3A_352 = arith.addi %add3A_351, %iota3A : vector<16xi32>
      %select_n3A_353 = arith.select %and3A_339, %sub3A_332, %add3A_352 : vector<16xi1>, vector<16xi32>
      %swap3A_354 = arith.constant 96 : index
      %swap3A_355 = tpu.vector_load %arg8[%swap3A_354] {strides = array<i32>} : memref<128xi32, #tpu.memory_space<vmem>>, vector<16xi32>,
      tpu.vector_store %arg8[%swap3A_354], %select_n3A_353 {strides = array<i32>} : memref<128xi32, #tpu.memory_space<vmem>>, vector<16xi32>,
      %mul3A_356 = arith.constant 512 : i32
      %mul3A_357 = arith.muli %scan3A_140, %mul3A_356 : i32
      %add3A_358 = arith.constant 112 : i32
      %add3A_359 = arith.addi %mul3A_357, %add3A_358 : i32
      %get3A_360 = arith.index_cast %add3A_359 : i32 to index
      %get3A_361 = tpu.vector_load %arg6[%get3A_360] {strides = array<i32>} : memref<7680xi32, #tpu.memory_space<vmem>>, vector<16xi32>,
      %sub3A_362 = vector.broadcast %mul3A_67 : i32 to vector<16xi32>
      %sub3A_363 = arith.subi %get3A_361, %sub3A_362 : vector<16xi32>
      %ge3A_364 = arith.constant 0 : i32
      %ge3A_365 = vector.broadcast %ge3A_364 : i32 to vector<16xi32>
      %ge3A_366 = arith.cmpi sge, %sub3A_363, %ge3A_365 : vector<16xi32>
      %lt3A_367 = arith.constant 36864 : i32
      %lt3A_368 = vector.broadcast %lt3A_367 : i32 to vector<16xi32>
      %lt3A_369 = arith.cmpi slt, %sub3A_363, %lt3A_368 : vector<16xi32>
      %and3A_370 = arith.andi %ge3A_366, %lt3A_369 : vector<16xi1>
      %mul3A_371 = arith.constant 128 : i32
      %mul3A_372 = arith.muli %arg1, %mul3A_371 : i32
      %mul3A_373 = arith.constant 512 : i32
      %mul3A_374 = arith.muli %scan3A_140, %mul3A_373 : i32
      %add3A_375 = arith.addi %mul3A_372, %mul3A_374 : i32
      %add3A_376 = arith.constant 112 : i32
      %add3A_377 = arith.addi %add3A_375, %add3A_376 : i32
      %and3A_378 = arith.constant 2047 : i32
      %and3A_379 = arith.andi %add3A_377, %and3A_378 : i32
      %add3A_380 = arith.constant 36864 : i32
      %add3A_381 = arith.addi %add3A_380, %and3A_379 : i32
      %add3A_382 = vector.broadcast %add3A_381 : i32 to vector<16xi32>
      %add3A_383 = arith.addi %add3A_382, %iota3A : vector<16xi32>
      %select_n3A_384 = arith.select %and3A_370, %sub3A_363, %add3A_383 : vector<16xi1>, vector<16xi32>
      %swap3A_385 = arith.constant 112 : index
      %swap3A_386 = tpu.vector_load %arg8[%swap3A_385] {strides = array<i32>} : memref<128xi32, #tpu.memory_space<vmem>>, vector<16xi32>,
      tpu.vector_store %arg8[%swap3A_385], %select_n3A_384 {strides = array<i32>} : memref<128xi32, #tpu.memory_space<vmem>>, vector<16xi32>,
      %mul3A_387 = arith.constant 512 : i32
      %mul3A_388 = arith.muli %scan3A_140, %mul3A_387 : i32
      %add3A_389 = arith.constant 128 : i32
      %add3A_390 = arith.addi %mul3A_388, %add3A_389 : i32
      %get3A_391 = arith.index_cast %add3A_390 : i32 to index
      %get3A_392 = tpu.vector_load %arg6[%get3A_391] {strides = array<i32>} : memref<7680xi32, #tpu.memory_space<vmem>>, vector<16xi32>,
      %sub3A_393 = vector.broadcast %mul3A_67 : i32 to vector<16xi32>
      %sub3A_394 = arith.subi %get3A_392, %sub3A_393 : vector<16xi32>
      %ge3A_395 = arith.constant 0 : i32
      %ge3A_396 = vector.broadcast %ge3A_395 : i32 to vector<16xi32>
      %ge3A_397 = arith.cmpi sge, %sub3A_394, %ge3A_396 : vector<16xi32>
      %lt3A_398 = arith.constant 36864 : i32
      %lt3A_399 = vector.broadcast %lt3A_398 : i32 to vector<16xi32>
      %lt3A_400 = arith.cmpi slt, %sub3A_394, %lt3A_399 : vector<16xi32>
      %and3A_401 = arith.andi %ge3A_397, %lt3A_400 : vector<16xi1>
      %mul3A_402 = arith.constant 128 : i32
      %mul3A_403 = arith.muli %arg1, %mul3A_402 : i32
      %mul3A_404 = arith.constant 512 : i32
      %mul3A_405 = arith.muli %scan3A_140, %mul3A_404 : i32
      %add3A_406 = arith.addi %mul3A_403, %mul3A_405 : i32
      %add3A_407 = arith.constant 128 : i32
      %add3A_408 = arith.addi %add3A_406, %add3A_407 : i32
      %and3A_409 = arith.constant 2047 : i32
      %and3A_410 = arith.andi %add3A_408, %and3A_409 : i32
      %add3A_411 = arith.constant 36864 : i32
      %add3A_412 = arith.addi %add3A_411, %and3A_410 : i32
      %add3A_413 = vector.broadcast %add3A_412 : i32 to vector<16xi32>
      %add3A_414 = arith.addi %add3A_413, %iota3A : vector<16xi32>
      %select_n3A_415 = arith.select %and3A_401, %sub3A_394, %add3A_414 : vector<16xi1>, vector<16xi32>
      %swap3A_416 = arith.constant 0 : index
      %swap3A_417 = tpu.vector_load %arg9[%swap3A_416] {strides = array<i32>} : memref<128xi32, #tpu.memory_space<vmem>>, vector<16xi32>,
      tpu.vector_store %arg9[%swap3A_416], %select_n3A_415 {strides = array<i32>} : memref<128xi32, #tpu.memory_space<vmem>>, vector<16xi32>,
      %mul3A_418 = arith.constant 512 : i32
      %mul3A_419 = arith.muli %scan3A_140, %mul3A_418 : i32
      %add3A_420 = arith.constant 144 : i32
      %add3A_421 = arith.addi %mul3A_419, %add3A_420 : i32
      %get3A_422 = arith.index_cast %add3A_421 : i32 to index
      %get3A_423 = tpu.vector_load %arg6[%get3A_422] {strides = array<i32>} : memref<7680xi32, #tpu.memory_space<vmem>>, vector<16xi32>,
      %sub3A_424 = vector.broadcast %mul3A_67 : i32 to vector<16xi32>
      %sub3A_425 = arith.subi %get3A_423, %sub3A_424 : vector<16xi32>
      %ge3A_426 = arith.constant 0 : i32
      %ge3A_427 = vector.broadcast %ge3A_426 : i32 to vector<16xi32>
      %ge3A_428 = arith.cmpi sge, %sub3A_425, %ge3A_427 : vector<16xi32>
      %lt3A_429 = arith.constant 36864 : i32
      %lt3A_430 = vector.broadcast %lt3A_429 : i32 to vector<16xi32>
      %lt3A_431 = arith.cmpi slt, %sub3A_425, %lt3A_430 : vector<16xi32>
      %and3A_432 = arith.andi %ge3A_428, %lt3A_431 : vector<16xi1>
      %mul3A_433 = arith.constant 128 : i32
      %mul3A_434 = arith.muli %arg1, %mul3A_433 : i32
      %mul3A_435 = arith.constant 512 : i32
      %mul3A_436 = arith.muli %scan3A_140, %mul3A_435 : i32
      %add3A_437 = arith.addi %mul3A_434, %mul3A_436 : i32
      %add3A_438 = arith.constant 144 : i32
      %add3A_439 = arith.addi %add3A_437, %add3A_438 : i32
      %and3A_440 = arith.constant 2047 : i32
      %and3A_441 = arith.andi %add3A_439, %and3A_440 : i32
      %add3A_442 = arith.constant 36864 : i32
      %add3A_443 = arith.addi %add3A_442, %and3A_441 : i32
      %add3A_444 = vector.broadcast %add3A_443 : i32 to vector<16xi32>
      %add3A_445 = arith.addi %add3A_444, %iota3A : vector<16xi32>
      %select_n3A_446 = arith.select %and3A_432, %sub3A_425, %add3A_445 : vector<16xi1>, vector<16xi32>
      %swap3A_447 = arith.constant 16 : index
      %swap3A_448 = tpu.vector_load %arg9[%swap3A_447] {strides = array<i32>} : memref<128xi32, #tpu.memory_space<vmem>>, vector<16xi32>,
      tpu.vector_store %arg9[%swap3A_447], %select_n3A_446 {strides = array<i32>} : memref<128xi32, #tpu.memory_space<vmem>>, vector<16xi32>,
      %mul3A_449 = arith.constant 512 : i32
      %mul3A_450 = arith.muli %scan3A_140, %mul3A_449 : i32
      %add3A_451 = arith.constant 160 : i32
      %add3A_452 = arith.addi %mul3A_450, %add3A_451 : i32
      %get3A_453 = arith.index_cast %add3A_452 : i32 to index
      %get3A_454 = tpu.vector_load %arg6[%get3A_453] {strides = array<i32>} : memref<7680xi32, #tpu.memory_space<vmem>>, vector<16xi32>,
      %sub3A_455 = vector.broadcast %mul3A_67 : i32 to vector<16xi32>
      %sub3A_456 = arith.subi %get3A_454, %sub3A_455 : vector<16xi32>
      %ge3A_457 = arith.constant 0 : i32
      %ge3A_458 = vector.broadcast %ge3A_457 : i32 to vector<16xi32>
      %ge3A_459 = arith.cmpi sge, %sub3A_456, %ge3A_458 : vector<16xi32>
      %lt3A_460 = arith.constant 36864 : i32
      %lt3A_461 = vector.broadcast %lt3A_460 : i32 to vector<16xi32>
      %lt3A_462 = arith.cmpi slt, %sub3A_456, %lt3A_461 : vector<16xi32>
      %and3A_463 = arith.andi %ge3A_459, %lt3A_462 : vector<16xi1>
      %mul3A_464 = arith.constant 128 : i32
      %mul3A_465 = arith.muli %arg1, %mul3A_464 : i32
      %mul3A_466 = arith.constant 512 : i32
      %mul3A_467 = arith.muli %scan3A_140, %mul3A_466 : i32
      %add3A_468 = arith.addi %mul3A_465, %mul3A_467 : i32
      %add3A_469 = arith.constant 160 : i32
      %add3A_470 = arith.addi %add3A_468, %add3A_469 : i32
      %and3A_471 = arith.constant 2047 : i32
      %and3A_472 = arith.andi %add3A_470, %and3A_471 : i32
      %add3A_473 = arith.constant 36864 : i32
      %add3A_474 = arith.addi %add3A_473, %and3A_472 : i32
      %add3A_475 = vector.broadcast %add3A_474 : i32 to vector<16xi32>
      %add3A_476 = arith.addi %add3A_475, %iota3A : vector<16xi32>
      %select_n3A_477 = arith.select %and3A_463, %sub3A_456, %add3A_476 : vector<16xi1>, vector<16xi32>
      %swap3A_478 = arith.constant 32 : index
      %swap3A_479 = tpu.vector_load %arg9[%swap3A_478] {strides = array<i32>} : memref<128xi32, #tpu.memory_space<vmem>>, vector<16xi32>,
      tpu.vector_store %arg9[%swap3A_478], %select_n3A_477 {strides = array<i32>} : memref<128xi32, #tpu.memory_space<vmem>>, vector<16xi32>,
      %mul3A_480 = arith.constant 512 : i32
      %mul3A_481 = arith.muli %scan3A_140, %mul3A_480 : i32
      %add3A_482 = arith.constant 176 : i32
      %add3A_483 = arith.addi %mul3A_481, %add3A_482 : i32
      %get3A_484 = arith.index_cast %add3A_483 : i32 to index
      %get3A_485 = tpu.vector_load %arg6[%get3A_484] {strides = array<i32>} : memref<7680xi32, #tpu.memory_space<vmem>>, vector<16xi32>,
      %sub3A_486 = vector.broadcast %mul3A_67 : i32 to vector<16xi32>
      %sub3A_487 = arith.subi %get3A_485, %sub3A_486 : vector<16xi32>
      %ge3A_488 = arith.constant 0 : i32
      %ge3A_489 = vector.broadcast %ge3A_488 : i32 to vector<16xi32>
      %ge3A_490 = arith.cmpi sge, %sub3A_487, %ge3A_489 : vector<16xi32>
      %lt3A_491 = arith.constant 36864 : i32
      %lt3A_492 = vector.broadcast %lt3A_491 : i32 to vector<16xi32>
      %lt3A_493 = arith.cmpi slt, %sub3A_487, %lt3A_492 : vector<16xi32>
      %and3A_494 = arith.andi %ge3A_490, %lt3A_493 : vector<16xi1>
      %mul3A_495 = arith.constant 128 : i32
      %mul3A_496 = arith.muli %arg1, %mul3A_495 : i32
      %mul3A_497 = arith.constant 512 : i32
      %mul3A_498 = arith.muli %scan3A_140, %mul3A_497 : i32
      %add3A_499 = arith.addi %mul3A_496, %mul3A_498 : i32
      %add3A_500 = arith.constant 176 : i32
      %add3A_501 = arith.addi %add3A_499, %add3A_500 : i32
      %and3A_502 = arith.constant 2047 : i32
      %and3A_503 = arith.andi %add3A_501, %and3A_502 : i32
      %add3A_504 = arith.constant 36864 : i32
      %add3A_505 = arith.addi %add3A_504, %and3A_503 : i32
      %add3A_506 = vector.broadcast %add3A_505 : i32 to vector<16xi32>
      %add3A_507 = arith.addi %add3A_506, %iota3A : vector<16xi32>
      %select_n3A_508 = arith.select %and3A_494, %sub3A_487, %add3A_507 : vector<16xi1>, vector<16xi32>
      %swap3A_509 = arith.constant 48 : index
      %swap3A_510 = tpu.vector_load %arg9[%swap3A_509] {strides = array<i32>} : memref<128xi32, #tpu.memory_space<vmem>>, vector<16xi32>,
      tpu.vector_store %arg9[%swap3A_509], %select_n3A_508 {strides = array<i32>} : memref<128xi32, #tpu.memory_space<vmem>>, vector<16xi32>,
      %mul3A_511 = arith.constant 512 : i32
      %mul3A_512 = arith.muli %scan3A_140, %mul3A_511 : i32
      %add3A_513 = arith.constant 192 : i32
      %add3A_514 = arith.addi %mul3A_512, %add3A_513 : i32
      %get3A_515 = arith.index_cast %add3A_514 : i32 to index
      %get3A_516 = tpu.vector_load %arg6[%get3A_515] {strides = array<i32>} : memref<7680xi32, #tpu.memory_space<vmem>>, vector<16xi32>,
      %sub3A_517 = vector.broadcast %mul3A_67 : i32 to vector<16xi32>
      %sub3A_518 = arith.subi %get3A_516, %sub3A_517 : vector<16xi32>
      %ge3A_519 = arith.constant 0 : i32
      %ge3A_520 = vector.broadcast %ge3A_519 : i32 to vector<16xi32>
      %ge3A_521 = arith.cmpi sge, %sub3A_518, %ge3A_520 : vector<16xi32>
      %lt3A_522 = arith.constant 36864 : i32
      %lt3A_523 = vector.broadcast %lt3A_522 : i32 to vector<16xi32>
      %lt3A_524 = arith.cmpi slt, %sub3A_518, %lt3A_523 : vector<16xi32>
      %and3A_525 = arith.andi %ge3A_521, %lt3A_524 : vector<16xi1>
      %mul3A_526 = arith.constant 128 : i32
      %mul3A_527 = arith.muli %arg1, %mul3A_526 : i32
      %mul3A_528 = arith.constant 512 : i32
      %mul3A_529 = arith.muli %scan3A_140, %mul3A_528 : i32
      %add3A_530 = arith.addi %mul3A_527, %mul3A_529 : i32
      %add3A_531 = arith.constant 192 : i32
      %add3A_532 = arith.addi %add3A_530, %add3A_531 : i32
      %and3A_533 = arith.constant 2047 : i32
      %and3A_534 = arith.andi %add3A_532, %and3A_533 : i32
      %add3A_535 = arith.constant 36864 : i32
      %add3A_536 = arith.addi %add3A_535, %and3A_534 : i32
      %add3A_537 = vector.broadcast %add3A_536 : i32 to vector<16xi32>
      %add3A_538 = arith.addi %add3A_537, %iota3A : vector<16xi32>
      %select_n3A_539 = arith.select %and3A_525, %sub3A_518, %add3A_538 : vector<16xi1>, vector<16xi32>
      %swap3A_540 = arith.constant 64 : index
      %swap3A_541 = tpu.vector_load %arg9[%swap3A_540] {strides = array<i32>} : memref<128xi32, #tpu.memory_space<vmem>>, vector<16xi32>,
      tpu.vector_store %arg9[%swap3A_540], %select_n3A_539 {strides = array<i32>} : memref<128xi32, #tpu.memory_space<vmem>>, vector<16xi32>,
      %mul3A_542 = arith.constant 512 : i32
      %mul3A_543 = arith.muli %scan3A_140, %mul3A_542 : i32
      %add3A_544 = arith.constant 208 : i32
      %add3A_545 = arith.addi %mul3A_543, %add3A_544 : i32
      %get3A_546 = arith.index_cast %add3A_545 : i32 to index
      %get3A_547 = tpu.vector_load %arg6[%get3A_546] {strides = array<i32>} : memref<7680xi32, #tpu.memory_space<vmem>>, vector<16xi32>,
      %sub3A_548 = vector.broadcast %mul3A_67 : i32 to vector<16xi32>
      %sub3A_549 = arith.subi %get3A_547, %sub3A_548 : vector<16xi32>
      %ge3A_550 = arith.constant 0 : i32
      %ge3A_551 = vector.broadcast %ge3A_550 : i32 to vector<16xi32>
      %ge3A_552 = arith.cmpi sge, %sub3A_549, %ge3A_551 : vector<16xi32>
      %lt3A_553 = arith.constant 36864 : i32
      %lt3A_554 = vector.broadcast %lt3A_553 : i32 to vector<16xi32>
      %lt3A_555 = arith.cmpi slt, %sub3A_549, %lt3A_554 : vector<16xi32>
      %and3A_556 = arith.andi %ge3A_552, %lt3A_555 : vector<16xi1>
      %mul3A_557 = arith.constant 128 : i32
      %mul3A_558 = arith.muli %arg1, %mul3A_557 : i32
      %mul3A_559 = arith.constant 512 : i32
      %mul3A_560 = arith.muli %scan3A_140, %mul3A_559 : i32
      %add3A_561 = arith.addi %mul3A_558, %mul3A_560 : i32
      %add3A_562 = arith.constant 208 : i32
      %add3A_563 = arith.addi %add3A_561, %add3A_562 : i32
      %and3A_564 = arith.constant 2047 : i32
      %and3A_565 = arith.andi %add3A_563, %and3A_564 : i32
      %add3A_566 = arith.constant 36864 : i32
      %add3A_567 = arith.addi %add3A_566, %and3A_565 : i32
      %add3A_568 = vector.broadcast %add3A_567 : i32 to vector<16xi32>
      %add3A_569 = arith.addi %add3A_568, %iota3A : vector<16xi32>
      %select_n3A_570 = arith.select %and3A_556, %sub3A_549, %add3A_569 : vector<16xi1>, vector<16xi32>
      %swap3A_571 = arith.constant 80 : index
      %swap3A_572 = tpu.vector_load %arg9[%swap3A_571] {strides = array<i32>} : memref<128xi32, #tpu.memory_space<vmem>>, vector<16xi32>,
      tpu.vector_store %arg9[%swap3A_571], %select_n3A_570 {strides = array<i32>} : memref<128xi32, #tpu.memory_space<vmem>>, vector<16xi32>,
      %mul3A_573 = arith.constant 512 : i32
      %mul3A_574 = arith.muli %scan3A_140, %mul3A_573 : i32
      %add3A_575 = arith.constant 224 : i32
      %add3A_576 = arith.addi %mul3A_574, %add3A_575 : i32
      %get3A_577 = arith.index_cast %add3A_576 : i32 to index
      %get3A_578 = tpu.vector_load %arg6[%get3A_577] {strides = array<i32>} : memref<7680xi32, #tpu.memory_space<vmem>>, vector<16xi32>,
      %sub3A_579 = vector.broadcast %mul3A_67 : i32 to vector<16xi32>
      %sub3A_580 = arith.subi %get3A_578, %sub3A_579 : vector<16xi32>
      %ge3A_581 = arith.constant 0 : i32
      %ge3A_582 = vector.broadcast %ge3A_581 : i32 to vector<16xi32>
      %ge3A_583 = arith.cmpi sge, %sub3A_580, %ge3A_582 : vector<16xi32>
      %lt3A_584 = arith.constant 36864 : i32
      %lt3A_585 = vector.broadcast %lt3A_584 : i32 to vector<16xi32>
      %lt3A_586 = arith.cmpi slt, %sub3A_580, %lt3A_585 : vector<16xi32>
      %and3A_587 = arith.andi %ge3A_583, %lt3A_586 : vector<16xi1>
      %mul3A_588 = arith.constant 128 : i32
      %mul3A_589 = arith.muli %arg1, %mul3A_588 : i32
      %mul3A_590 = arith.constant 512 : i32
      %mul3A_591 = arith.muli %scan3A_140, %mul3A_590 : i32
      %add3A_592 = arith.addi %mul3A_589, %mul3A_591 : i32
      %add3A_593 = arith.constant 224 : i32
      %add3A_594 = arith.addi %add3A_592, %add3A_593 : i32
      %and3A_595 = arith.constant 2047 : i32
      %and3A_596 = arith.andi %add3A_594, %and3A_595 : i32
      %add3A_597 = arith.constant 36864 : i32
      %add3A_598 = arith.addi %add3A_597, %and3A_596 : i32
      %add3A_599 = vector.broadcast %add3A_598 : i32 to vector<16xi32>
      %add3A_600 = arith.addi %add3A_599, %iota3A : vector<16xi32>
      %select_n3A_601 = arith.select %and3A_587, %sub3A_580, %add3A_600 : vector<16xi1>, vector<16xi32>
      %swap3A_602 = arith.constant 96 : index
      %swap3A_603 = tpu.vector_load %arg9[%swap3A_602] {strides = array<i32>} : memref<128xi32, #tpu.memory_space<vmem>>, vector<16xi32>,
      tpu.vector_store %arg9[%swap3A_602], %select_n3A_601 {strides = array<i32>} : memref<128xi32, #tpu.memory_space<vmem>>, vector<16xi32>,
      %mul3A_604 = arith.constant 512 : i32
      %mul3A_605 = arith.muli %scan3A_140, %mul3A_604 : i32
      %add3A_606 = arith.constant 240 : i32
      %add3A_607 = arith.addi %mul3A_605, %add3A_606 : i32
      %get3A_608 = arith.index_cast %add3A_607 : i32 to index
      %get3A_609 = tpu.vector_load %arg6[%get3A_608] {strides = array<i32>} : memref<7680xi32, #tpu.memory_space<vmem>>, vector<16xi32>,
      %sub3A_610 = vector.broadcast %mul3A_67 : i32 to vector<16xi32>
      %sub3A_611 = arith.subi %get3A_609, %sub3A_610 : vector<16xi32>
      %ge3A_612 = arith.constant 0 : i32
      %ge3A_613 = vector.broadcast %ge3A_612 : i32 to vector<16xi32>
      %ge3A_614 = arith.cmpi sge, %sub3A_611, %ge3A_613 : vector<16xi32>
      %lt3A_615 = arith.constant 36864 : i32
      %lt3A_616 = vector.broadcast %lt3A_615 : i32 to vector<16xi32>
      %lt3A_617 = arith.cmpi slt, %sub3A_611, %lt3A_616 : vector<16xi32>
      %and3A_618 = arith.andi %ge3A_614, %lt3A_617 : vector<16xi1>
      %mul3A_619 = arith.constant 128 : i32
      %mul3A_620 = arith.muli %arg1, %mul3A_619 : i32
      %mul3A_621 = arith.constant 512 : i32
      %mul3A_622 = arith.muli %scan3A_140, %mul3A_621 : i32
      %add3A_623 = arith.addi %mul3A_620, %mul3A_622 : i32
      %add3A_624 = arith.constant 240 : i32
      %add3A_625 = arith.addi %add3A_623, %add3A_624 : i32
      %and3A_626 = arith.constant 2047 : i32
      %and3A_627 = arith.andi %add3A_625, %and3A_626 : i32
      %add3A_628 = arith.constant 36864 : i32
      %add3A_629 = arith.addi %add3A_628, %and3A_627 : i32
      %add3A_630 = vector.broadcast %add3A_629 : i32 to vector<16xi32>
      %add3A_631 = arith.addi %add3A_630, %iota3A : vector<16xi32>
      %select_n3A_632 = arith.select %and3A_618, %sub3A_611, %add3A_631 : vector<16xi1>, vector<16xi32>
      %swap3A_633 = arith.constant 112 : index
      %swap3A_634 = tpu.vector_load %arg9[%swap3A_633] {strides = array<i32>} : memref<128xi32, #tpu.memory_space<vmem>>, vector<16xi32>,
      tpu.vector_store %arg9[%swap3A_633], %select_n3A_632 {strides = array<i32>} : memref<128xi32, #tpu.memory_space<vmem>>, vector<16xi32>,
      %mul3A_635 = arith.constant 512 : i32
      %mul3A_636 = arith.muli %scan3A_140, %mul3A_635 : i32
      %add3A_637 = arith.constant 256 : i32
      %add3A_638 = arith.addi %mul3A_636, %add3A_637 : i32
      %get3A_639 = arith.index_cast %add3A_638 : i32 to index
      %get3A_640 = tpu.vector_load %arg6[%get3A_639] {strides = array<i32>} : memref<7680xi32, #tpu.memory_space<vmem>>, vector<16xi32>,
      %sub3A_641 = vector.broadcast %mul3A_67 : i32 to vector<16xi32>
      %sub3A_642 = arith.subi %get3A_640, %sub3A_641 : vector<16xi32>
      %ge3A_643 = arith.constant 0 : i32
      %ge3A_644 = vector.broadcast %ge3A_643 : i32 to vector<16xi32>
      %ge3A_645 = arith.cmpi sge, %sub3A_642, %ge3A_644 : vector<16xi32>
      %lt3A_646 = arith.constant 36864 : i32
      %lt3A_647 = vector.broadcast %lt3A_646 : i32 to vector<16xi32>
      %lt3A_648 = arith.cmpi slt, %sub3A_642, %lt3A_647 : vector<16xi32>
      %and3A_649 = arith.andi %ge3A_645, %lt3A_648 : vector<16xi1>
      %mul3A_650 = arith.constant 128 : i32
      %mul3A_651 = arith.muli %arg1, %mul3A_650 : i32
      %mul3A_652 = arith.constant 512 : i32
      %mul3A_653 = arith.muli %scan3A_140, %mul3A_652 : i32
      %add3A_654 = arith.addi %mul3A_651, %mul3A_653 : i32
      %add3A_655 = arith.constant 256 : i32
      %add3A_656 = arith.addi %add3A_654, %add3A_655 : i32
      %and3A_657 = arith.constant 2047 : i32
      %and3A_658 = arith.andi %add3A_656, %and3A_657 : i32
      %add3A_659 = arith.constant 36864 : i32
      %add3A_660 = arith.addi %add3A_659, %and3A_658 : i32
      %add3A_661 = vector.broadcast %add3A_660 : i32 to vector<16xi32>
      %add3A_662 = arith.addi %add3A_661, %iota3A : vector<16xi32>
      %select_n3A_663 = arith.select %and3A_649, %sub3A_642, %add3A_662 : vector<16xi1>, vector<16xi32>
      %swap3A_664 = arith.constant 0 : index
      %swap3A_665 = tpu.vector_load %arg10[%swap3A_664] {strides = array<i32>} : memref<128xi32, #tpu.memory_space<vmem>>, vector<16xi32>,
      tpu.vector_store %arg10[%swap3A_664], %select_n3A_663 {strides = array<i32>} : memref<128xi32, #tpu.memory_space<vmem>>, vector<16xi32>,
      %mul3A_666 = arith.constant 512 : i32
      %mul3A_667 = arith.muli %scan3A_140, %mul3A_666 : i32
      %add3A_668 = arith.constant 272 : i32
      %add3A_669 = arith.addi %mul3A_667, %add3A_668 : i32
      %get3A_670 = arith.index_cast %add3A_669 : i32 to index
      %get3A_671 = tpu.vector_load %arg6[%get3A_670] {strides = array<i32>} : memref<7680xi32, #tpu.memory_space<vmem>>, vector<16xi32>,
      %sub3A_672 = vector.broadcast %mul3A_67 : i32 to vector<16xi32>
      %sub3A_673 = arith.subi %get3A_671, %sub3A_672 : vector<16xi32>
      %ge3A_674 = arith.constant 0 : i32
      %ge3A_675 = vector.broadcast %ge3A_674 : i32 to vector<16xi32>
      %ge3A_676 = arith.cmpi sge, %sub3A_673, %ge3A_675 : vector<16xi32>
      %lt3A_677 = arith.constant 36864 : i32
      %lt3A_678 = vector.broadcast %lt3A_677 : i32 to vector<16xi32>
      %lt3A_679 = arith.cmpi slt, %sub3A_673, %lt3A_678 : vector<16xi32>
      %and3A_680 = arith.andi %ge3A_676, %lt3A_679 : vector<16xi1>
      %mul3A_681 = arith.constant 128 : i32
      %mul3A_682 = arith.muli %arg1, %mul3A_681 : i32
      %mul3A_683 = arith.constant 512 : i32
      %mul3A_684 = arith.muli %scan3A_140, %mul3A_683 : i32
      %add3A_685 = arith.addi %mul3A_682, %mul3A_684 : i32
      %add3A_686 = arith.constant 272 : i32
      %add3A_687 = arith.addi %add3A_685, %add3A_686 : i32
      %and3A_688 = arith.constant 2047 : i32
      %and3A_689 = arith.andi %add3A_687, %and3A_688 : i32
      %add3A_690 = arith.constant 36864 : i32
      %add3A_691 = arith.addi %add3A_690, %and3A_689 : i32
      %add3A_692 = vector.broadcast %add3A_691 : i32 to vector<16xi32>
      %add3A_693 = arith.addi %add3A_692, %iota3A : vector<16xi32>
      %select_n3A_694 = arith.select %and3A_680, %sub3A_673, %add3A_693 : vector<16xi1>, vector<16xi32>
      %swap3A_695 = arith.constant 16 : index
      %swap3A_696 = tpu.vector_load %arg10[%swap3A_695] {strides = array<i32>} : memref<128xi32, #tpu.memory_space<vmem>>, vector<16xi32>,
      tpu.vector_store %arg10[%swap3A_695], %select_n3A_694 {strides = array<i32>} : memref<128xi32, #tpu.memory_space<vmem>>, vector<16xi32>,
      %mul3A_697 = arith.constant 512 : i32
      %mul3A_698 = arith.muli %scan3A_140, %mul3A_697 : i32
      %add3A_699 = arith.constant 288 : i32
      %add3A_700 = arith.addi %mul3A_698, %add3A_699 : i32
      %get3A_701 = arith.index_cast %add3A_700 : i32 to index
      %get3A_702 = tpu.vector_load %arg6[%get3A_701] {strides = array<i32>} : memref<7680xi32, #tpu.memory_space<vmem>>, vector<16xi32>,
      %sub3A_703 = vector.broadcast %mul3A_67 : i32 to vector<16xi32>
      %sub3A_704 = arith.subi %get3A_702, %sub3A_703 : vector<16xi32>
      %ge3A_705 = arith.constant 0 : i32
      %ge3A_706 = vector.broadcast %ge3A_705 : i32 to vector<16xi32>
      %ge3A_707 = arith.cmpi sge, %sub3A_704, %ge3A_706 : vector<16xi32>
      %lt3A_708 = arith.constant 36864 : i32
      %lt3A_709 = vector.broadcast %lt3A_708 : i32 to vector<16xi32>
      %lt3A_710 = arith.cmpi slt, %sub3A_704, %lt3A_709 : vector<16xi32>
      %and3A_711 = arith.andi %ge3A_707, %lt3A_710 : vector<16xi1>
      %mul3A_712 = arith.constant 128 : i32
      %mul3A_713 = arith.muli %arg1, %mul3A_712 : i32
      %mul3A_714 = arith.constant 512 : i32
      %mul3A_715 = arith.muli %scan3A_140, %mul3A_714 : i32
      %add3A_716 = arith.addi %mul3A_713, %mul3A_715 : i32
      %add3A_717 = arith.constant 288 : i32
      %add3A_718 = arith.addi %add3A_716, %add3A_717 : i32
      %and3A_719 = arith.constant 2047 : i32
      %and3A_720 = arith.andi %add3A_718, %and3A_719 : i32
      %add3A_721 = arith.constant 36864 : i32
      %add3A_722 = arith.addi %add3A_721, %and3A_720 : i32
      %add3A_723 = vector.broadcast %add3A_722 : i32 to vector<16xi32>
      %add3A_724 = arith.addi %add3A_723, %iota3A : vector<16xi32>
      %select_n3A_725 = arith.select %and3A_711, %sub3A_704, %add3A_724 : vector<16xi1>, vector<16xi32>
      %swap3A_726 = arith.constant 32 : index
      %swap3A_727 = tpu.vector_load %arg10[%swap3A_726] {strides = array<i32>} : memref<128xi32, #tpu.memory_space<vmem>>, vector<16xi32>,
      tpu.vector_store %arg10[%swap3A_726], %select_n3A_725 {strides = array<i32>} : memref<128xi32, #tpu.memory_space<vmem>>, vector<16xi32>,
      %mul3A_728 = arith.constant 512 : i32
      %mul3A_729 = arith.muli %scan3A_140, %mul3A_728 : i32
      %add3A_730 = arith.constant 304 : i32
      %add3A_731 = arith.addi %mul3A_729, %add3A_730 : i32
      %get3A_732 = arith.index_cast %add3A_731 : i32 to index
      %get3A_733 = tpu.vector_load %arg6[%get3A_732] {strides = array<i32>} : memref<7680xi32, #tpu.memory_space<vmem>>, vector<16xi32>,
      %sub3A_734 = vector.broadcast %mul3A_67 : i32 to vector<16xi32>
      %sub3A_735 = arith.subi %get3A_733, %sub3A_734 : vector<16xi32>
      %ge3A_736 = arith.constant 0 : i32
      %ge3A_737 = vector.broadcast %ge3A_736 : i32 to vector<16xi32>
      %ge3A_738 = arith.cmpi sge, %sub3A_735, %ge3A_737 : vector<16xi32>
      %lt3A_739 = arith.constant 36864 : i32
      %lt3A_740 = vector.broadcast %lt3A_739 : i32 to vector<16xi32>
      %lt3A_741 = arith.cmpi slt, %sub3A_735, %lt3A_740 : vector<16xi32>
      %and3A_742 = arith.andi %ge3A_738, %lt3A_741 : vector<16xi1>
      %mul3A_743 = arith.constant 128 : i32
      %mul3A_744 = arith.muli %arg1, %mul3A_743 : i32
      %mul3A_745 = arith.constant 512 : i32
      %mul3A_746 = arith.muli %scan3A_140, %mul3A_745 : i32
      %add3A_747 = arith.addi %mul3A_744, %mul3A_746 : i32
      %add3A_748 = arith.constant 304 : i32
      %add3A_749 = arith.addi %add3A_747, %add3A_748 : i32
      %and3A_750 = arith.constant 2047 : i32
      %and3A_751 = arith.andi %add3A_749, %and3A_750 : i32
      %add3A_752 = arith.constant 36864 : i32
      %add3A_753 = arith.addi %add3A_752, %and3A_751 : i32
      %add3A_754 = vector.broadcast %add3A_753 : i32 to vector<16xi32>
      %add3A_755 = arith.addi %add3A_754, %iota3A : vector<16xi32>
      %select_n3A_756 = arith.select %and3A_742, %sub3A_735, %add3A_755 : vector<16xi1>, vector<16xi32>
      %swap3A_757 = arith.constant 48 : index
      %swap3A_758 = tpu.vector_load %arg10[%swap3A_757] {strides = array<i32>} : memref<128xi32, #tpu.memory_space<vmem>>, vector<16xi32>,
      tpu.vector_store %arg10[%swap3A_757], %select_n3A_756 {strides = array<i32>} : memref<128xi32, #tpu.memory_space<vmem>>, vector<16xi32>,
      %mul3A_759 = arith.constant 512 : i32
      %mul3A_760 = arith.muli %scan3A_140, %mul3A_759 : i32
      %add3A_761 = arith.constant 320 : i32
      %add3A_762 = arith.addi %mul3A_760, %add3A_761 : i32
      %get3A_763 = arith.index_cast %add3A_762 : i32 to index
      %get3A_764 = tpu.vector_load %arg6[%get3A_763] {strides = array<i32>} : memref<7680xi32, #tpu.memory_space<vmem>>, vector<16xi32>,
      %sub3A_765 = vector.broadcast %mul3A_67 : i32 to vector<16xi32>
      %sub3A_766 = arith.subi %get3A_764, %sub3A_765 : vector<16xi32>
      %ge3A_767 = arith.constant 0 : i32
      %ge3A_768 = vector.broadcast %ge3A_767 : i32 to vector<16xi32>
      %ge3A_769 = arith.cmpi sge, %sub3A_766, %ge3A_768 : vector<16xi32>
      %lt3A_770 = arith.constant 36864 : i32
      %lt3A_771 = vector.broadcast %lt3A_770 : i32 to vector<16xi32>
      %lt3A_772 = arith.cmpi slt, %sub3A_766, %lt3A_771 : vector<16xi32>
      %and3A_773 = arith.andi %ge3A_769, %lt3A_772 : vector<16xi1>
      %mul3A_774 = arith.constant 128 : i32
      %mul3A_775 = arith.muli %arg1, %mul3A_774 : i32
      %mul3A_776 = arith.constant 512 : i32
      %mul3A_777 = arith.muli %scan3A_140, %mul3A_776 : i32
      %add3A_778 = arith.addi %mul3A_775, %mul3A_777 : i32
      %add3A_779 = arith.constant 320 : i32
      %add3A_780 = arith.addi %add3A_778, %add3A_779 : i32
      %and3A_781 = arith.constant 2047 : i32
      %and3A_782 = arith.andi %add3A_780, %and3A_781 : i32
      %add3A_783 = arith.constant 36864 : i32
      %add3A_784 = arith.addi %add3A_783, %and3A_782 : i32
      %add3A_785 = vector.broadcast %add3A_784 : i32 to vector<16xi32>
      %add3A_786 = arith.addi %add3A_785, %iota3A : vector<16xi32>
      %select_n3A_787 = arith.select %and3A_773, %sub3A_766, %add3A_786 : vector<16xi1>, vector<16xi32>
      %swap3A_788 = arith.constant 64 : index
      %swap3A_789 = tpu.vector_load %arg10[%swap3A_788] {strides = array<i32>} : memref<128xi32, #tpu.memory_space<vmem>>, vector<16xi32>,
      tpu.vector_store %arg10[%swap3A_788], %select_n3A_787 {strides = array<i32>} : memref<128xi32, #tpu.memory_space<vmem>>, vector<16xi32>,
      %mul3A_790 = arith.constant 512 : i32
      %mul3A_791 = arith.muli %scan3A_140, %mul3A_790 : i32
      %add3A_792 = arith.constant 336 : i32
      %add3A_793 = arith.addi %mul3A_791, %add3A_792 : i32
      %get3A_794 = arith.index_cast %add3A_793 : i32 to index
      %get3A_795 = tpu.vector_load %arg6[%get3A_794] {strides = array<i32>} : memref<7680xi32, #tpu.memory_space<vmem>>, vector<16xi32>,
      %sub3A_796 = vector.broadcast %mul3A_67 : i32 to vector<16xi32>
      %sub3A_797 = arith.subi %get3A_795, %sub3A_796 : vector<16xi32>
      %ge3A_798 = arith.constant 0 : i32
      %ge3A_799 = vector.broadcast %ge3A_798 : i32 to vector<16xi32>
      %ge3A_800 = arith.cmpi sge, %sub3A_797, %ge3A_799 : vector<16xi32>
      %lt3A_801 = arith.constant 36864 : i32
      %lt3A_802 = vector.broadcast %lt3A_801 : i32 to vector<16xi32>
      %lt3A_803 = arith.cmpi slt, %sub3A_797, %lt3A_802 : vector<16xi32>
      %and3A_804 = arith.andi %ge3A_800, %lt3A_803 : vector<16xi1>
      %mul3A_805 = arith.constant 128 : i32
      %mul3A_806 = arith.muli %arg1, %mul3A_805 : i32
      %mul3A_807 = arith.constant 512 : i32
      %mul3A_808 = arith.muli %scan3A_140, %mul3A_807 : i32
      %add3A_809 = arith.addi %mul3A_806, %mul3A_808 : i32
      %add3A_810 = arith.constant 336 : i32
      %add3A_811 = arith.addi %add3A_809, %add3A_810 : i32
      %and3A_812 = arith.constant 2047 : i32
      %and3A_813 = arith.andi %add3A_811, %and3A_812 : i32
      %add3A_814 = arith.constant 36864 : i32
      %add3A_815 = arith.addi %add3A_814, %and3A_813 : i32
      %add3A_816 = vector.broadcast %add3A_815 : i32 to vector<16xi32>
      %add3A_817 = arith.addi %add3A_816, %iota3A : vector<16xi32>
      %select_n3A_818 = arith.select %and3A_804, %sub3A_797, %add3A_817 : vector<16xi1>, vector<16xi32>
      %swap3A_819 = arith.constant 80 : index
      %swap3A_820 = tpu.vector_load %arg10[%swap3A_819] {strides = array<i32>} : memref<128xi32, #tpu.memory_space<vmem>>, vector<16xi32>,
      tpu.vector_store %arg10[%swap3A_819], %select_n3A_818 {strides = array<i32>} : memref<128xi32, #tpu.memory_space<vmem>>, vector<16xi32>,
      %mul3A_821 = arith.constant 512 : i32
      %mul3A_822 = arith.muli %scan3A_140, %mul3A_821 : i32
      %add3A_823 = arith.constant 352 : i32
      %add3A_824 = arith.addi %mul3A_822, %add3A_823 : i32
      %get3A_825 = arith.index_cast %add3A_824 : i32 to index
      %get3A_826 = tpu.vector_load %arg6[%get3A_825] {strides = array<i32>} : memref<7680xi32, #tpu.memory_space<vmem>>, vector<16xi32>,
      %sub3A_827 = vector.broadcast %mul3A_67 : i32 to vector<16xi32>
      %sub3A_828 = arith.subi %get3A_826, %sub3A_827 : vector<16xi32>
      %ge3A_829 = arith.constant 0 : i32
      %ge3A_830 = vector.broadcast %ge3A_829 : i32 to vector<16xi32>
      %ge3A_831 = arith.cmpi sge, %sub3A_828, %ge3A_830 : vector<16xi32>
      %lt3A_832 = arith.constant 36864 : i32
      %lt3A_833 = vector.broadcast %lt3A_832 : i32 to vector<16xi32>
      %lt3A_834 = arith.cmpi slt, %sub3A_828, %lt3A_833 : vector<16xi32>
      %and3A_835 = arith.andi %ge3A_831, %lt3A_834 : vector<16xi1>
      %mul3A_836 = arith.constant 128 : i32
      %mul3A_837 = arith.muli %arg1, %mul3A_836 : i32
      %mul3A_838 = arith.constant 512 : i32
      %mul3A_839 = arith.muli %scan3A_140, %mul3A_838 : i32
      %add3A_840 = arith.addi %mul3A_837, %mul3A_839 : i32
      %add3A_841 = arith.constant 352 : i32
      %add3A_842 = arith.addi %add3A_840, %add3A_841 : i32
      %and3A_843 = arith.constant 2047 : i32
      %and3A_844 = arith.andi %add3A_842, %and3A_843 : i32
      %add3A_845 = arith.constant 36864 : i32
      %add3A_846 = arith.addi %add3A_845, %and3A_844 : i32
      %add3A_847 = vector.broadcast %add3A_846 : i32 to vector<16xi32>
      %add3A_848 = arith.addi %add3A_847, %iota3A : vector<16xi32>
      %select_n3A_849 = arith.select %and3A_835, %sub3A_828, %add3A_848 : vector<16xi1>, vector<16xi32>
      %swap3A_850 = arith.constant 96 : index
      %swap3A_851 = tpu.vector_load %arg10[%swap3A_850] {strides = array<i32>} : memref<128xi32, #tpu.memory_space<vmem>>, vector<16xi32>,
      tpu.vector_store %arg10[%swap3A_850], %select_n3A_849 {strides = array<i32>} : memref<128xi32, #tpu.memory_space<vmem>>, vector<16xi32>,
      %mul3A_852 = arith.constant 512 : i32
      %mul3A_853 = arith.muli %scan3A_140, %mul3A_852 : i32
      %add3A_854 = arith.constant 368 : i32
      %add3A_855 = arith.addi %mul3A_853, %add3A_854 : i32
      %get3A_856 = arith.index_cast %add3A_855 : i32 to index
      %get3A_857 = tpu.vector_load %arg6[%get3A_856] {strides = array<i32>} : memref<7680xi32, #tpu.memory_space<vmem>>, vector<16xi32>,
      %sub3A_858 = vector.broadcast %mul3A_67 : i32 to vector<16xi32>
      %sub3A_859 = arith.subi %get3A_857, %sub3A_858 : vector<16xi32>
      %ge3A_860 = arith.constant 0 : i32
      %ge3A_861 = vector.broadcast %ge3A_860 : i32 to vector<16xi32>
      %ge3A_862 = arith.cmpi sge, %sub3A_859, %ge3A_861 : vector<16xi32>
      %lt3A_863 = arith.constant 36864 : i32
      %lt3A_864 = vector.broadcast %lt3A_863 : i32 to vector<16xi32>
      %lt3A_865 = arith.cmpi slt, %sub3A_859, %lt3A_864 : vector<16xi32>
      %and3A_866 = arith.andi %ge3A_862, %lt3A_865 : vector<16xi1>
      %mul3A_867 = arith.constant 128 : i32
      %mul3A_868 = arith.muli %arg1, %mul3A_867 : i32
      %mul3A_869 = arith.constant 512 : i32
      %mul3A_870 = arith.muli %scan3A_140, %mul3A_869 : i32
      %add3A_871 = arith.addi %mul3A_868, %mul3A_870 : i32
      %add3A_872 = arith.constant 368 : i32
      %add3A_873 = arith.addi %add3A_871, %add3A_872 : i32
      %and3A_874 = arith.constant 2047 : i32
      %and3A_875 = arith.andi %add3A_873, %and3A_874 : i32
      %add3A_876 = arith.constant 36864 : i32
      %add3A_877 = arith.addi %add3A_876, %and3A_875 : i32
      %add3A_878 = vector.broadcast %add3A_877 : i32 to vector<16xi32>
      %add3A_879 = arith.addi %add3A_878, %iota3A : vector<16xi32>
      %select_n3A_880 = arith.select %and3A_866, %sub3A_859, %add3A_879 : vector<16xi1>, vector<16xi32>
      %swap3A_881 = arith.constant 112 : index
      %swap3A_882 = tpu.vector_load %arg10[%swap3A_881] {strides = array<i32>} : memref<128xi32, #tpu.memory_space<vmem>>, vector<16xi32>,
      tpu.vector_store %arg10[%swap3A_881], %select_n3A_880 {strides = array<i32>} : memref<128xi32, #tpu.memory_space<vmem>>, vector<16xi32>,
      %mul3A_883 = arith.constant 512 : i32
      %mul3A_884 = arith.muli %scan3A_140, %mul3A_883 : i32
      %add3A_885 = arith.constant 384 : i32
      %add3A_886 = arith.addi %mul3A_884, %add3A_885 : i32
      %get3A_887 = arith.index_cast %add3A_886 : i32 to index
      %get3A_888 = tpu.vector_load %arg6[%get3A_887] {strides = array<i32>} : memref<7680xi32, #tpu.memory_space<vmem>>, vector<16xi32>,
      %sub3A_889 = vector.broadcast %mul3A_67 : i32 to vector<16xi32>
      %sub3A_890 = arith.subi %get3A_888, %sub3A_889 : vector<16xi32>
      %ge3A_891 = arith.constant 0 : i32
      %ge3A_892 = vector.broadcast %ge3A_891 : i32 to vector<16xi32>
      %ge3A_893 = arith.cmpi sge, %sub3A_890, %ge3A_892 : vector<16xi32>
      %lt3A_894 = arith.constant 36864 : i32
      %lt3A_895 = vector.broadcast %lt3A_894 : i32 to vector<16xi32>
      %lt3A_896 = arith.cmpi slt, %sub3A_890, %lt3A_895 : vector<16xi32>
      %and3A_897 = arith.andi %ge3A_893, %lt3A_896 : vector<16xi1>
      %mul3A_898 = arith.constant 128 : i32
      %mul3A_899 = arith.muli %arg1, %mul3A_898 : i32
      %mul3A_900 = arith.constant 512 : i32
      %mul3A_901 = arith.muli %scan3A_140, %mul3A_900 : i32
      %add3A_902 = arith.addi %mul3A_899, %mul3A_901 : i32
      %add3A_903 = arith.constant 384 : i32
      %add3A_904 = arith.addi %add3A_902, %add3A_903 : i32
      %and3A_905 = arith.constant 2047 : i32
      %and3A_906 = arith.andi %add3A_904, %and3A_905 : i32
      %add3A_907 = arith.constant 36864 : i32
      %add3A_908 = arith.addi %add3A_907, %and3A_906 : i32
      %add3A_909 = vector.broadcast %add3A_908 : i32 to vector<16xi32>
      %add3A_910 = arith.addi %add3A_909, %iota3A : vector<16xi32>
      %select_n3A_911 = arith.select %and3A_897, %sub3A_890, %add3A_910 : vector<16xi1>, vector<16xi32>
      %swap3A_912 = arith.constant 0 : index
      %swap3A_913 = tpu.vector_load %arg11[%swap3A_912] {strides = array<i32>} : memref<128xi32, #tpu.memory_space<vmem>>, vector<16xi32>,
      tpu.vector_store %arg11[%swap3A_912], %select_n3A_911 {strides = array<i32>} : memref<128xi32, #tpu.memory_space<vmem>>, vector<16xi32>,
      %mul3A_914 = arith.constant 512 : i32
      %mul3A_915 = arith.muli %scan3A_140, %mul3A_914 : i32
      %add3A_916 = arith.constant 400 : i32
      %add3A_917 = arith.addi %mul3A_915, %add3A_916 : i32
      %get3A_918 = arith.index_cast %add3A_917 : i32 to index
      %get3A_919 = tpu.vector_load %arg6[%get3A_918] {strides = array<i32>} : memref<7680xi32, #tpu.memory_space<vmem>>, vector<16xi32>,
      %sub3A_920 = vector.broadcast %mul3A_67 : i32 to vector<16xi32>
      %sub3A_921 = arith.subi %get3A_919, %sub3A_920 : vector<16xi32>
      %ge3A_922 = arith.constant 0 : i32
      %ge3A_923 = vector.broadcast %ge3A_922 : i32 to vector<16xi32>
      %ge3A_924 = arith.cmpi sge, %sub3A_921, %ge3A_923 : vector<16xi32>
      %lt3A_925 = arith.constant 36864 : i32
      %lt3A_926 = vector.broadcast %lt3A_925 : i32 to vector<16xi32>
      %lt3A_927 = arith.cmpi slt, %sub3A_921, %lt3A_926 : vector<16xi32>
      %and3A_928 = arith.andi %ge3A_924, %lt3A_927 : vector<16xi1>
      %mul3A_929 = arith.constant 128 : i32
      %mul3A_930 = arith.muli %arg1, %mul3A_929 : i32
      %mul3A_931 = arith.constant 512 : i32
      %mul3A_932 = arith.muli %scan3A_140, %mul3A_931 : i32
      %add3A_933 = arith.addi %mul3A_930, %mul3A_932 : i32
      %add3A_934 = arith.constant 400 : i32
      %add3A_935 = arith.addi %add3A_933, %add3A_934 : i32
      %and3A_936 = arith.constant 2047 : i32
      %and3A_937 = arith.andi %add3A_935, %and3A_936 : i32
      %add3A_938 = arith.constant 36864 : i32
      %add3A_939 = arith.addi %add3A_938, %and3A_937 : i32
      %add3A_940 = vector.broadcast %add3A_939 : i32 to vector<16xi32>
      %add3A_941 = arith.addi %add3A_940, %iota3A : vector<16xi32>
      %select_n3A_942 = arith.select %and3A_928, %sub3A_921, %add3A_941 : vector<16xi1>, vector<16xi32>
      %swap3A_943 = arith.constant 16 : index
      %swap3A_944 = tpu.vector_load %arg11[%swap3A_943] {strides = array<i32>} : memref<128xi32, #tpu.memory_space<vmem>>, vector<16xi32>,
      tpu.vector_store %arg11[%swap3A_943], %select_n3A_942 {strides = array<i32>} : memref<128xi32, #tpu.memory_space<vmem>>, vector<16xi32>,
      %mul3A_945 = arith.constant 512 : i32
      %mul3A_946 = arith.muli %scan3A_140, %mul3A_945 : i32
      %add3A_947 = arith.constant 416 : i32
      %add3A_948 = arith.addi %mul3A_946, %add3A_947 : i32
      %get3A_949 = arith.index_cast %add3A_948 : i32 to index
      %get3A_950 = tpu.vector_load %arg6[%get3A_949] {strides = array<i32>} : memref<7680xi32, #tpu.memory_space<vmem>>, vector<16xi32>,
      %sub3A_951 = vector.broadcast %mul3A_67 : i32 to vector<16xi32>
      %sub3A_952 = arith.subi %get3A_950, %sub3A_951 : vector<16xi32>
      %ge3A_953 = arith.constant 0 : i32
      %ge3A_954 = vector.broadcast %ge3A_953 : i32 to vector<16xi32>
      %ge3A_955 = arith.cmpi sge, %sub3A_952, %ge3A_954 : vector<16xi32>
      %lt3A_956 = arith.constant 36864 : i32
      %lt3A_957 = vector.broadcast %lt3A_956 : i32 to vector<16xi32>
      %lt3A_958 = arith.cmpi slt, %sub3A_952, %lt3A_957 : vector<16xi32>
      %and3A_959 = arith.andi %ge3A_955, %lt3A_958 : vector<16xi1>
      %mul3A_960 = arith.constant 128 : i32
      %mul3A_961 = arith.muli %arg1, %mul3A_960 : i32
      %mul3A_962 = arith.constant 512 : i32
      %mul3A_963 = arith.muli %scan3A_140, %mul3A_962 : i32
      %add3A_964 = arith.addi %mul3A_961, %mul3A_963 : i32
      %add3A_965 = arith.constant 416 : i32
      %add3A_966 = arith.addi %add3A_964, %add3A_965 : i32
      %and3A_967 = arith.constant 2047 : i32
      %and3A_968 = arith.andi %add3A_966, %and3A_967 : i32
      %add3A_969 = arith.constant 36864 : i32
      %add3A_970 = arith.addi %add3A_969, %and3A_968 : i32
      %add3A_971 = vector.broadcast %add3A_970 : i32 to vector<16xi32>
      %add3A_972 = arith.addi %add3A_971, %iota3A : vector<16xi32>
      %select_n3A_973 = arith.select %and3A_959, %sub3A_952, %add3A_972 : vector<16xi1>, vector<16xi32>
      %swap3A_974 = arith.constant 32 : index
      %swap3A_975 = tpu.vector_load %arg11[%swap3A_974] {strides = array<i32>} : memref<128xi32, #tpu.memory_space<vmem>>, vector<16xi32>,
      tpu.vector_store %arg11[%swap3A_974], %select_n3A_973 {strides = array<i32>} : memref<128xi32, #tpu.memory_space<vmem>>, vector<16xi32>,
      %mul3A_976 = arith.constant 512 : i32
      %mul3A_977 = arith.muli %scan3A_140, %mul3A_976 : i32
      %add3A_978 = arith.constant 432 : i32
      %add3A_979 = arith.addi %mul3A_977, %add3A_978 : i32
      %get3A_980 = arith.index_cast %add3A_979 : i32 to index
      %get3A_981 = tpu.vector_load %arg6[%get3A_980] {strides = array<i32>} : memref<7680xi32, #tpu.memory_space<vmem>>, vector<16xi32>,
      %sub3A_982 = vector.broadcast %mul3A_67 : i32 to vector<16xi32>
      %sub3A_983 = arith.subi %get3A_981, %sub3A_982 : vector<16xi32>
      %ge3A_984 = arith.constant 0 : i32
      %ge3A_985 = vector.broadcast %ge3A_984 : i32 to vector<16xi32>
      %ge3A_986 = arith.cmpi sge, %sub3A_983, %ge3A_985 : vector<16xi32>
      %lt3A_987 = arith.constant 36864 : i32
      %lt3A_988 = vector.broadcast %lt3A_987 : i32 to vector<16xi32>
      %lt3A_989 = arith.cmpi slt, %sub3A_983, %lt3A_988 : vector<16xi32>
      %and3A_990 = arith.andi %ge3A_986, %lt3A_989 : vector<16xi1>
      %mul3A_991 = arith.constant 128 : i32
      %mul3A_992 = arith.muli %arg1, %mul3A_991 : i32
      %mul3A_993 = arith.constant 512 : i32
      %mul3A_994 = arith.muli %scan3A_140, %mul3A_993 : i32
      %add3A_995 = arith.addi %mul3A_992, %mul3A_994 : i32
      %add3A_996 = arith.constant 432 : i32
      %add3A_997 = arith.addi %add3A_995, %add3A_996 : i32
      %and3A_998 = arith.constant 2047 : i32
      %and3A_999 = arith.andi %add3A_997, %and3A_998 : i32
      %add3A_1000 = arith.constant 36864 : i32
      %add3A_1001 = arith.addi %add3A_1000, %and3A_999 : i32
      %add3A_1002 = vector.broadcast %add3A_1001 : i32 to vector<16xi32>
      %add3A_1003 = arith.addi %add3A_1002, %iota3A : vector<16xi32>
      %select_n3A_1004 = arith.select %and3A_990, %sub3A_983, %add3A_1003 : vector<16xi1>, vector<16xi32>
      %swap3A_1005 = arith.constant 48 : index
      %swap3A_1006 = tpu.vector_load %arg11[%swap3A_1005] {strides = array<i32>} : memref<128xi32, #tpu.memory_space<vmem>>, vector<16xi32>,
      tpu.vector_store %arg11[%swap3A_1005], %select_n3A_1004 {strides = array<i32>} : memref<128xi32, #tpu.memory_space<vmem>>, vector<16xi32>,
      %mul3A_1007 = arith.constant 512 : i32
      %mul3A_1008 = arith.muli %scan3A_140, %mul3A_1007 : i32
      %add3A_1009 = arith.constant 448 : i32
      %add3A_1010 = arith.addi %mul3A_1008, %add3A_1009 : i32
      %get3A_1011 = arith.index_cast %add3A_1010 : i32 to index
      %get3A_1012 = tpu.vector_load %arg6[%get3A_1011] {strides = array<i32>} : memref<7680xi32, #tpu.memory_space<vmem>>, vector<16xi32>,
      %sub3A_1013 = vector.broadcast %mul3A_67 : i32 to vector<16xi32>
      %sub3A_1014 = arith.subi %get3A_1012, %sub3A_1013 : vector<16xi32>
      %ge3A_1015 = arith.constant 0 : i32
      %ge3A_1016 = vector.broadcast %ge3A_1015 : i32 to vector<16xi32>
      %ge3A_1017 = arith.cmpi sge, %sub3A_1014, %ge3A_1016 : vector<16xi32>
      %lt3A_1018 = arith.constant 36864 : i32
      %lt3A_1019 = vector.broadcast %lt3A_1018 : i32 to vector<16xi32>
      %lt3A_1020 = arith.cmpi slt, %sub3A_1014, %lt3A_1019 : vector<16xi32>
      %and3A_1021 = arith.andi %ge3A_1017, %lt3A_1020 : vector<16xi1>
      %mul3A_1022 = arith.constant 128 : i32
      %mul3A_1023 = arith.muli %arg1, %mul3A_1022 : i32
      %mul3A_1024 = arith.constant 512 : i32
      %mul3A_1025 = arith.muli %scan3A_140, %mul3A_1024 : i32
      %add3A_1026 = arith.addi %mul3A_1023, %mul3A_1025 : i32
      %add3A_1027 = arith.constant 448 : i32
      %add3A_1028 = arith.addi %add3A_1026, %add3A_1027 : i32
      %and3A_1029 = arith.constant 2047 : i32
      %and3A_1030 = arith.andi %add3A_1028, %and3A_1029 : i32
      %add3A_1031 = arith.constant 36864 : i32
      %add3A_1032 = arith.addi %add3A_1031, %and3A_1030 : i32
      %add3A_1033 = vector.broadcast %add3A_1032 : i32 to vector<16xi32>
      %add3A_1034 = arith.addi %add3A_1033, %iota3A : vector<16xi32>
      %select_n3A_1035 = arith.select %and3A_1021, %sub3A_1014, %add3A_1034 : vector<16xi1>, vector<16xi32>
      %swap3A_1036 = arith.constant 64 : index
      %swap3A_1037 = tpu.vector_load %arg11[%swap3A_1036] {strides = array<i32>} : memref<128xi32, #tpu.memory_space<vmem>>, vector<16xi32>,
      tpu.vector_store %arg11[%swap3A_1036], %select_n3A_1035 {strides = array<i32>} : memref<128xi32, #tpu.memory_space<vmem>>, vector<16xi32>,
      %mul3A_1038 = arith.constant 512 : i32
      %mul3A_1039 = arith.muli %scan3A_140, %mul3A_1038 : i32
      %add3A_1040 = arith.constant 464 : i32
      %add3A_1041 = arith.addi %mul3A_1039, %add3A_1040 : i32
      %get3A_1042 = arith.index_cast %add3A_1041 : i32 to index
      %get3A_1043 = tpu.vector_load %arg6[%get3A_1042] {strides = array<i32>} : memref<7680xi32, #tpu.memory_space<vmem>>, vector<16xi32>,
      %sub3A_1044 = vector.broadcast %mul3A_67 : i32 to vector<16xi32>
      %sub3A_1045 = arith.subi %get3A_1043, %sub3A_1044 : vector<16xi32>
      %ge3A_1046 = arith.constant 0 : i32
      %ge3A_1047 = vector.broadcast %ge3A_1046 : i32 to vector<16xi32>
      %ge3A_1048 = arith.cmpi sge, %sub3A_1045, %ge3A_1047 : vector<16xi32>
      %lt3A_1049 = arith.constant 36864 : i32
      %lt3A_1050 = vector.broadcast %lt3A_1049 : i32 to vector<16xi32>
      %lt3A_1051 = arith.cmpi slt, %sub3A_1045, %lt3A_1050 : vector<16xi32>
      %and3A_1052 = arith.andi %ge3A_1048, %lt3A_1051 : vector<16xi1>
      %mul3A_1053 = arith.constant 128 : i32
      %mul3A_1054 = arith.muli %arg1, %mul3A_1053 : i32
      %mul3A_1055 = arith.constant 512 : i32
      %mul3A_1056 = arith.muli %scan3A_140, %mul3A_1055 : i32
      %add3A_1057 = arith.addi %mul3A_1054, %mul3A_1056 : i32
      %add3A_1058 = arith.constant 464 : i32
      %add3A_1059 = arith.addi %add3A_1057, %add3A_1058 : i32
      %and3A_1060 = arith.constant 2047 : i32
      %and3A_1061 = arith.andi %add3A_1059, %and3A_1060 : i32
      %add3A_1062 = arith.constant 36864 : i32
      %add3A_1063 = arith.addi %add3A_1062, %and3A_1061 : i32
      %add3A_1064 = vector.broadcast %add3A_1063 : i32 to vector<16xi32>
      %add3A_1065 = arith.addi %add3A_1064, %iota3A : vector<16xi32>
      %select_n3A_1066 = arith.select %and3A_1052, %sub3A_1045, %add3A_1065 : vector<16xi1>, vector<16xi32>
      %swap3A_1067 = arith.constant 80 : index
      %swap3A_1068 = tpu.vector_load %arg11[%swap3A_1067] {strides = array<i32>} : memref<128xi32, #tpu.memory_space<vmem>>, vector<16xi32>,
      tpu.vector_store %arg11[%swap3A_1067], %select_n3A_1066 {strides = array<i32>} : memref<128xi32, #tpu.memory_space<vmem>>, vector<16xi32>,
      %mul3A_1069 = arith.constant 512 : i32
      %mul3A_1070 = arith.muli %scan3A_140, %mul3A_1069 : i32
      %add3A_1071 = arith.constant 480 : i32
      %add3A_1072 = arith.addi %mul3A_1070, %add3A_1071 : i32
      %get3A_1073 = arith.index_cast %add3A_1072 : i32 to index
      %get3A_1074 = tpu.vector_load %arg6[%get3A_1073] {strides = array<i32>} : memref<7680xi32, #tpu.memory_space<vmem>>, vector<16xi32>,
      %sub3A_1075 = vector.broadcast %mul3A_67 : i32 to vector<16xi32>
      %sub3A_1076 = arith.subi %get3A_1074, %sub3A_1075 : vector<16xi32>
      %ge3A_1077 = arith.constant 0 : i32
      %ge3A_1078 = vector.broadcast %ge3A_1077 : i32 to vector<16xi32>
      %ge3A_1079 = arith.cmpi sge, %sub3A_1076, %ge3A_1078 : vector<16xi32>
      %lt3A_1080 = arith.constant 36864 : i32
      %lt3A_1081 = vector.broadcast %lt3A_1080 : i32 to vector<16xi32>
      %lt3A_1082 = arith.cmpi slt, %sub3A_1076, %lt3A_1081 : vector<16xi32>
      %and3A_1083 = arith.andi %ge3A_1079, %lt3A_1082 : vector<16xi1>
      %mul3A_1084 = arith.constant 128 : i32
      %mul3A_1085 = arith.muli %arg1, %mul3A_1084 : i32
      %mul3A_1086 = arith.constant 512 : i32
      %mul3A_1087 = arith.muli %scan3A_140, %mul3A_1086 : i32
      %add3A_1088 = arith.addi %mul3A_1085, %mul3A_1087 : i32
      %add3A_1089 = arith.constant 480 : i32
      %add3A_1090 = arith.addi %add3A_1088, %add3A_1089 : i32
      %and3A_1091 = arith.constant 2047 : i32
      %and3A_1092 = arith.andi %add3A_1090, %and3A_1091 : i32
      %add3A_1093 = arith.constant 36864 : i32
      %add3A_1094 = arith.addi %add3A_1093, %and3A_1092 : i32
      %add3A_1095 = vector.broadcast %add3A_1094 : i32 to vector<16xi32>
      %add3A_1096 = arith.addi %add3A_1095, %iota3A : vector<16xi32>
      %select_n3A_1097 = arith.select %and3A_1083, %sub3A_1076, %add3A_1096 : vector<16xi1>, vector<16xi32>
      %swap3A_1098 = arith.constant 96 : index
      %swap3A_1099 = tpu.vector_load %arg11[%swap3A_1098] {strides = array<i32>} : memref<128xi32, #tpu.memory_space<vmem>>, vector<16xi32>,
      tpu.vector_store %arg11[%swap3A_1098], %select_n3A_1097 {strides = array<i32>} : memref<128xi32, #tpu.memory_space<vmem>>, vector<16xi32>,
      %mul3A_1100 = arith.constant 512 : i32
      %mul3A_1101 = arith.muli %scan3A_140, %mul3A_1100 : i32
      %add3A_1102 = arith.constant 496 : i32
      %add3A_1103 = arith.addi %mul3A_1101, %add3A_1102 : i32
      %get3A_1104 = arith.index_cast %add3A_1103 : i32 to index
      %get3A_1105 = tpu.vector_load %arg6[%get3A_1104] {strides = array<i32>} : memref<7680xi32, #tpu.memory_space<vmem>>, vector<16xi32>,
      %sub3A_1106 = vector.broadcast %mul3A_67 : i32 to vector<16xi32>
      %sub3A_1107 = arith.subi %get3A_1105, %sub3A_1106 : vector<16xi32>
      %ge3A_1108 = arith.constant 0 : i32
      %ge3A_1109 = vector.broadcast %ge3A_1108 : i32 to vector<16xi32>
      %ge3A_1110 = arith.cmpi sge, %sub3A_1107, %ge3A_1109 : vector<16xi32>
      %lt3A_1111 = arith.constant 36864 : i32
      %lt3A_1112 = vector.broadcast %lt3A_1111 : i32 to vector<16xi32>
      %lt3A_1113 = arith.cmpi slt, %sub3A_1107, %lt3A_1112 : vector<16xi32>
      %and3A_1114 = arith.andi %ge3A_1110, %lt3A_1113 : vector<16xi1>
      %mul3A_1115 = arith.constant 128 : i32
      %mul3A_1116 = arith.muli %arg1, %mul3A_1115 : i32
      %mul3A_1117 = arith.constant 512 : i32
      %mul3A_1118 = arith.muli %scan3A_140, %mul3A_1117 : i32
      %add3A_1119 = arith.addi %mul3A_1116, %mul3A_1118 : i32
      %add3A_1120 = arith.constant 496 : i32
      %add3A_1121 = arith.addi %add3A_1119, %add3A_1120 : i32
      %and3A_1122 = arith.constant 2047 : i32
      %and3A_1123 = arith.andi %add3A_1121, %and3A_1122 : i32
      %add3A_1124 = arith.constant 36864 : i32
      %add3A_1125 = arith.addi %add3A_1124, %and3A_1123 : i32
      %add3A_1126 = vector.broadcast %add3A_1125 : i32 to vector<16xi32>
      %add3A_1127 = arith.addi %add3A_1126, %iota3A : vector<16xi32>
      %select_n3A_1128 = arith.select %and3A_1114, %sub3A_1107, %add3A_1127 : vector<16xi1>, vector<16xi32>
      %swap3A_1129 = arith.constant 112 : index
      %swap3A_1130 = tpu.vector_load %arg11[%swap3A_1129] {strides = array<i32>} : memref<128xi32, #tpu.memory_space<vmem>>, vector<16xi32>,
      tpu.vector_store %arg11[%swap3A_1129], %select_n3A_1128 {strides = array<i32>} : memref<128xi32, #tpu.memory_space<vmem>>, vector<16xi32>,
      "tpu.region"() ({
        %run_scoped3A = tpu.sem_alloc : memref<!tpu.dma_semaphore, #tpu.memory_space<semaphore_mem>>
        %dma_start3A = arith.constant 0 : i32
        %dma_start3A_1131 = arith.constant 0 : i32
        %dma_start3A_1132 = tpu.memref_slice %arg7[%dma_start3A, %dma_start3A_1131] : memref<512x32xf32, #tpu.memory_space<vmem>> -> memref<128x32xf32, #tpu.memory_space<vmem>>
        %dma_start3A_1133 = arith.constant 0 : i32
        %dma_start3A_1134 = arith.constant 0 : i32
        %dma_start3A_1135 = tpu.memref_slice %arg15[%dma_start3A_1133, %dma_start3A_1134] : memref<38912x32xf32, #tpu.memory_space<vmem_shared>> -> memref<38912x32xf32, #tpu.memory_space<vmem_shared>>
        tpu.enqueue_indirect_dma source(%dma_start3A_1132 : memref<128x32xf32, #tpu.memory_space<vmem>>) target(%dma_start3A_1135 : memref<38912x32xf32, #tpu.memory_space<vmem_shared>>) offsets(%arg8 : memref<128xi32, #tpu.memory_space<vmem>>) semaphore(%run_scoped3A : memref<!tpu.dma_semaphore, #tpu.memory_space<semaphore_mem>>) {add = true}
        %dma_wait3A = arith.constant 0 : i32
        %dma_wait3A_1136 = arith.constant 0 : i32
        %dma_wait3A_1137 = tpu.memref_slice %arg7[%dma_wait3A, %dma_wait3A_1136] : memref<512x32xf32, #tpu.memory_space<vmem>> -> memref<128x32xf32, #tpu.memory_space<vmem>>
        %dma_wait3A_1138 = arith.constant 0 : i32
        %dma_wait3A_1139 = arith.constant 0 : i32
        %dma_wait3A_1140 = tpu.memref_slice %arg15[%dma_wait3A_1138, %dma_wait3A_1139] : memref<38912x32xf32, #tpu.memory_space<vmem_shared>> -> memref<38912x32xf32, #tpu.memory_space<vmem_shared>>
        tpu.wait_indirect_dma semaphore(%run_scoped3A : memref<!tpu.dma_semaphore, #tpu.memory_space<semaphore_mem>>) src(%dma_wait3A_1137 : memref<128x32xf32, #tpu.memory_space<vmem>>) dst(%dma_wait3A_1140 : memref<38912x32xf32, #tpu.memory_space<vmem_shared>>)
        tpu.yield
      }) : () -> ()
      "tpu.region"() ({
        %run_scoped3A = tpu.sem_alloc : memref<!tpu.dma_semaphore, #tpu.memory_space<semaphore_mem>>
        %dma_start3A = arith.constant 128 : i32
        %dma_start3A_1131 = arith.constant 0 : i32
        %dma_start3A_1132 = tpu.memref_slice %arg7[%dma_start3A, %dma_start3A_1131] : memref<512x32xf32, #tpu.memory_space<vmem>> -> memref<128x32xf32, #tpu.memory_space<vmem>>
        %dma_start3A_1133 = arith.constant 0 : i32
        %dma_start3A_1134 = arith.constant 0 : i32
        %dma_start3A_1135 = tpu.memref_slice %arg15[%dma_start3A_1133, %dma_start3A_1134] : memref<38912x32xf32, #tpu.memory_space<vmem_shared>> -> memref<38912x32xf32, #tpu.memory_space<vmem_shared>>
        tpu.enqueue_indirect_dma source(%dma_start3A_1132 : memref<128x32xf32, #tpu.memory_space<vmem>>) target(%dma_start3A_1135 : memref<38912x32xf32, #tpu.memory_space<vmem_shared>>) offsets(%arg9 : memref<128xi32, #tpu.memory_space<vmem>>) semaphore(%run_scoped3A : memref<!tpu.dma_semaphore, #tpu.memory_space<semaphore_mem>>) {add = true}
        %dma_wait3A = arith.constant 128 : i32
        %dma_wait3A_1136 = arith.constant 0 : i32
        %dma_wait3A_1137 = tpu.memref_slice %arg7[%dma_wait3A, %dma_wait3A_1136] : memref<512x32xf32, #tpu.memory_space<vmem>> -> memref<128x32xf32, #tpu.memory_space<vmem>>
        %dma_wait3A_1138 = arith.constant 0 : i32
        %dma_wait3A_1139 = arith.constant 0 : i32
        %dma_wait3A_1140 = tpu.memref_slice %arg15[%dma_wait3A_1138, %dma_wait3A_1139] : memref<38912x32xf32, #tpu.memory_space<vmem_shared>> -> memref<38912x32xf32, #tpu.memory_space<vmem_shared>>
        tpu.wait_indirect_dma semaphore(%run_scoped3A : memref<!tpu.dma_semaphore, #tpu.memory_space<semaphore_mem>>) src(%dma_wait3A_1137 : memref<128x32xf32, #tpu.memory_space<vmem>>) dst(%dma_wait3A_1140 : memref<38912x32xf32, #tpu.memory_space<vmem_shared>>)
        tpu.yield
      }) : () -> ()
      "tpu.region"() ({
        %run_scoped3A = tpu.sem_alloc : memref<!tpu.dma_semaphore, #tpu.memory_space<semaphore_mem>>
        %dma_start3A = arith.constant 256 : i32
        %dma_start3A_1131 = arith.constant 0 : i32
        %dma_start3A_1132 = tpu.memref_slice %arg7[%dma_start3A, %dma_start3A_1131] : memref<512x32xf32, #tpu.memory_space<vmem>> -> memref<128x32xf32, #tpu.memory_space<vmem>>
        %dma_start3A_1133 = arith.constant 0 : i32
        %dma_start3A_1134 = arith.constant 0 : i32
        %dma_start3A_1135 = tpu.memref_slice %arg15[%dma_start3A_1133, %dma_start3A_1134] : memref<38912x32xf32, #tpu.memory_space<vmem_shared>> -> memref<38912x32xf32, #tpu.memory_space<vmem_shared>>
        tpu.enqueue_indirect_dma source(%dma_start3A_1132 : memref<128x32xf32, #tpu.memory_space<vmem>>) target(%dma_start3A_1135 : memref<38912x32xf32, #tpu.memory_space<vmem_shared>>) offsets(%arg10 : memref<128xi32, #tpu.memory_space<vmem>>) semaphore(%run_scoped3A : memref<!tpu.dma_semaphore, #tpu.memory_space<semaphore_mem>>) {add = true}
        %dma_wait3A = arith.constant 256 : i32
        %dma_wait3A_1136 = arith.constant 0 : i32
        %dma_wait3A_1137 = tpu.memref_slice %arg7[%dma_wait3A, %dma_wait3A_1136] : memref<512x32xf32, #tpu.memory_space<vmem>> -> memref<128x32xf32, #tpu.memory_space<vmem>>
        %dma_wait3A_1138 = arith.constant 0 : i32
        %dma_wait3A_1139 = arith.constant 0 : i32
        %dma_wait3A_1140 = tpu.memref_slice %arg15[%dma_wait3A_1138, %dma_wait3A_1139] : memref<38912x32xf32, #tpu.memory_space<vmem_shared>> -> memref<38912x32xf32, #tpu.memory_space<vmem_shared>>
        tpu.wait_indirect_dma semaphore(%run_scoped3A : memref<!tpu.dma_semaphore, #tpu.memory_space<semaphore_mem>>) src(%dma_wait3A_1137 : memref<128x32xf32, #tpu.memory_space<vmem>>) dst(%dma_wait3A_1140 : memref<38912x32xf32, #tpu.memory_space<vmem_shared>>)
        tpu.yield
      }) : () -> ()
      "tpu.region"() ({
        %run_scoped3A = tpu.sem_alloc : memref<!tpu.dma_semaphore, #tpu.memory_space<semaphore_mem>>
        %dma_start3A = arith.constant 384 : i32
        %dma_start3A_1131 = arith.constant 0 : i32
        %dma_start3A_1132 = tpu.memref_slice %arg7[%dma_start3A, %dma_start3A_1131] : memref<512x32xf32, #tpu.memory_space<vmem>> -> memref<128x32xf32, #tpu.memory_space<vmem>>
        %dma_start3A_1133 = arith.constant 0 : i32
        %dma_start3A_1134 = arith.constant 0 : i32
        %dma_start3A_1135 = tpu.memref_slice %arg15[%dma_start3A_1133, %dma_start3A_1134] : memref<38912x32xf32, #tpu.memory_space<vmem_shared>> -> memref<38912x32xf32, #tpu.memory_space<vmem_shared>>
        tpu.enqueue_indirect_dma source(%dma_start3A_1132 : memref<128x32xf32, #tpu.memory_space<vmem>>) target(%dma_start3A_1135 : memref<38912x32xf32, #tpu.memory_space<vmem_shared>>) offsets(%arg11 : memref<128xi32, #tpu.memory_space<vmem>>) semaphore(%run_scoped3A : memref<!tpu.dma_semaphore, #tpu.memory_space<semaphore_mem>>) {add = true}
        %dma_wait3A = arith.constant 384 : i32
        %dma_wait3A_1136 = arith.constant 0 : i32
        %dma_wait3A_1137 = tpu.memref_slice %arg7[%dma_wait3A, %dma_wait3A_1136] : memref<512x32xf32, #tpu.memory_space<vmem>> -> memref<128x32xf32, #tpu.memory_space<vmem>>
        %dma_wait3A_1138 = arith.constant 0 : i32
        %dma_wait3A_1139 = arith.constant 0 : i32
        %dma_wait3A_1140 = tpu.memref_slice %arg15[%dma_wait3A_1138, %dma_wait3A_1139] : memref<38912x32xf32, #tpu.memory_space<vmem_shared>> -> memref<38912x32xf32, #tpu.memory_space<vmem_shared>>
        tpu.wait_indirect_dma semaphore(%run_scoped3A : memref<!tpu.dma_semaphore, #tpu.memory_space<semaphore_mem>>) src(%dma_wait3A_1137 : memref<128x32xf32, #tpu.memory_space<vmem>>) dst(%dma_wait3A_1140 : memref<38912x32xf32, #tpu.memory_space<vmem_shared>>)
        tpu.yield
      }) : () -> ()
    }
    %scan3A_94 = arith.constant 15 : i32
    %barrier3A_95 = arith.constant 0 : index
    tpu.barrier barrier_id(%barrier3A_95)
    %mul3A_96 = arith.constant 2304 : i32
    %mul3A_97 = arith.muli %arg1, %mul3A_96 : i32
    %mul3A_98 = arith.constant 2304 : i32
    %mul3A_99 = arith.muli %arg1, %mul3A_98 : i32
    %add3A_100 = arith.addi %mul3A_67, %mul3A_99 : i32
    "tpu.region"() ({
      %run_scoped3A = tpu.sem_alloc : memref<!tpu.dma_semaphore, #tpu.memory_space<semaphore_mem>>
      %dma_start3A = arith.constant 0 : i32
      %dma_start3A_140 = tpu.memref_slice %arg4[%add3A_100, %dma_start3A] : memref<221184x32xf32, #tpu.memory_space<hbm>> -> memref<2304x32xf32, #tpu.memory_space<hbm>>
      %dma_start3A_141 = arith.constant 0 : i32
      %dma_start3A_142 = tpu.memref_slice %arg15[%mul3A_97, %dma_start3A_141] : memref<38912x32xf32, #tpu.memory_space<vmem_shared>> -> memref<2304x32xf32, #tpu.memory_space<vmem_shared>>
      tpu.enqueue_dma source(%dma_start3A_142 : memref<2304x32xf32, #tpu.memory_space<vmem_shared>>) target(%dma_start3A_140 : memref<2304x32xf32, #tpu.memory_space<hbm>>) target_semaphore(%run_scoped3A : memref<!tpu.dma_semaphore, #tpu.memory_space<semaphore_mem>>)
      %dma_wait3A = arith.constant 0 : i32
      %dma_wait3A_143 = tpu.memref_slice %arg4[%add3A_100, %dma_wait3A] : memref<221184x32xf32, #tpu.memory_space<hbm>> -> memref<2304x32xf32, #tpu.memory_space<hbm>>
      %dma_wait3A_144 = arith.constant 0 : i32
      %dma_wait3A_145 = tpu.memref_slice %arg15[%mul3A_97, %dma_wait3A_144] : memref<38912x32xf32, #tpu.memory_space<vmem_shared>> -> memref<2304x32xf32, #tpu.memory_space<vmem_shared>>
      tpu.wait_dma2 semaphore(%run_scoped3A : memref<!tpu.dma_semaphore, #tpu.memory_space<semaphore_mem>>) src(%dma_wait3A_145 : memref<2304x32xf32, #tpu.memory_space<vmem_shared>>) dst(%dma_wait3A_143 : memref<2304x32xf32, #tpu.memory_space<hbm>>)
      tpu.yield
    }) : () -> ()
    %barrier3A_101 = arith.constant 0 : index
    tpu.barrier barrier_id(%barrier3A_101)
    %add3A_102 = arith.constant 4 : i32
    %add3A_103 = arith.addi %arg0, %add3A_102 : i32
    %mul3A_104 = arith.constant 36864 : i32
    %mul3A_105 = arith.muli %add3A_103, %mul3A_104 : i32
    %mul3A_106 = arith.constant 2432 : i32
    %mul3A_107 = arith.muli %arg1, %mul3A_106 : i32
    %add3A_108 = arith.constant 0 : i32
    %add3A_109 = arith.addi %mul3A_107, %add3A_108 : i32
    "tpu.region"() ({
      %run_scoped3A = tpu.sem_alloc : memref<!tpu.dma_semaphore, #tpu.memory_space<semaphore_mem>>
      %dma_start3A = arith.constant 0 : i32
      %dma_start3A_140 = tpu.memref_slice %arg15[%add3A_109, %dma_start3A] : memref<38912x32xf32, #tpu.memory_space<vmem_shared>> -> memref<512x32xf32, #tpu.memory_space<vmem_shared>>
      %dma_start3A_141 = arith.constant 0 : i32
      %dma_start3A_142 = tpu.memref_slice %arg15[%add3A_109, %dma_start3A_141] : memref<38912x32xf32, #tpu.memory_space<vmem_shared>> -> memref<512x32xf32, #tpu.memory_space<vmem_shared>>
      tpu.enqueue_dma source(%arg14 : memref<512x32xf32, #tpu.memory_space<vmem>>) target(%dma_start3A_142 : memref<512x32xf32, #tpu.memory_space<vmem_shared>>) target_semaphore(%run_scoped3A : memref<!tpu.dma_semaphore, #tpu.memory_space<semaphore_mem>>)
      %dma_wait3A = arith.constant 0 : i32
      %dma_wait3A_143 = tpu.memref_slice %arg15[%add3A_109, %dma_wait3A] : memref<38912x32xf32, #tpu.memory_space<vmem_shared>> -> memref<512x32xf32, #tpu.memory_space<vmem_shared>>
      %dma_wait3A_144 = arith.constant 0 : i32
      %dma_wait3A_145 = tpu.memref_slice %arg15[%add3A_109, %dma_wait3A_144] : memref<38912x32xf32, #tpu.memory_space<vmem_shared>> -> memref<512x32xf32, #tpu.memory_space<vmem_shared>>
      tpu.wait_dma2 semaphore(%run_scoped3A : memref<!tpu.dma_semaphore, #tpu.memory_space<semaphore_mem>>) src(%arg14 : memref<512x32xf32, #tpu.memory_space<vmem>>) dst(%dma_wait3A_145 : memref<512x32xf32, #tpu.memory_space<vmem_shared>>)
      tpu.yield
    }) : () -> ()
    %mul3A_110 = arith.constant 2432 : i32
    %mul3A_111 = arith.muli %arg1, %mul3A_110 : i32
    %add3A_112 = arith.constant 512 : i32
    %add3A_113 = arith.addi %mul3A_111, %add3A_112 : i32
    "tpu.region"() ({
      %run_scoped3A = tpu.sem_alloc : memref<!tpu.dma_semaphore, #tpu.memory_space<semaphore_mem>>
      %dma_start3A = arith.constant 0 : i32
      %dma_start3A_140 = tpu.memref_slice %arg15[%add3A_113, %dma_start3A] : memref<38912x32xf32, #tpu.memory_space<vmem_shared>> -> memref<512x32xf32, #tpu.memory_space<vmem_shared>>
      %dma_start3A_141 = arith.constant 0 : i32
      %dma_start3A_142 = tpu.memref_slice %arg15[%add3A_113, %dma_start3A_141] : memref<38912x32xf32, #tpu.memory_space<vmem_shared>> -> memref<512x32xf32, #tpu.memory_space<vmem_shared>>
      tpu.enqueue_dma source(%arg14 : memref<512x32xf32, #tpu.memory_space<vmem>>) target(%dma_start3A_142 : memref<512x32xf32, #tpu.memory_space<vmem_shared>>) target_semaphore(%run_scoped3A : memref<!tpu.dma_semaphore, #tpu.memory_space<semaphore_mem>>)
      %dma_wait3A = arith.constant 0 : i32
      %dma_wait3A_143 = tpu.memref_slice %arg15[%add3A_113, %dma_wait3A] : memref<38912x32xf32, #tpu.memory_space<vmem_shared>> -> memref<512x32xf32, #tpu.memory_space<vmem_shared>>
      %dma_wait3A_144 = arith.constant 0 : i32
      %dma_wait3A_145 = tpu.memref_slice %arg15[%add3A_113, %dma_wait3A_144] : memref<38912x32xf32, #tpu.memory_space<vmem_shared>> -> memref<512x32xf32, #tpu.memory_space<vmem_shared>>
      tpu.wait_dma2 semaphore(%run_scoped3A : memref<!tpu.dma_semaphore, #tpu.memory_space<semaphore_mem>>) src(%arg14 : memref<512x32xf32, #tpu.memory_space<vmem>>) dst(%dma_wait3A_145 : memref<512x32xf32, #tpu.memory_space<vmem_shared>>)
      tpu.yield
    }) : () -> ()
    %mul3A_114 = arith.constant 2432 : i32
    %mul3A_115 = arith.muli %arg1, %mul3A_114 : i32
    %add3A_116 = arith.constant 1024 : i32
    %add3A_117 = arith.addi %mul3A_115, %add3A_116 : i32
    "tpu.region"() ({
      %run_scoped3A = tpu.sem_alloc : memref<!tpu.dma_semaphore, #tpu.memory_space<semaphore_mem>>
      %dma_start3A = arith.constant 0 : i32
      %dma_start3A_140 = tpu.memref_slice %arg15[%add3A_117, %dma_start3A] : memref<38912x32xf32, #tpu.memory_space<vmem_shared>> -> memref<512x32xf32, #tpu.memory_space<vmem_shared>>
      %dma_start3A_141 = arith.constant 0 : i32
      %dma_start3A_142 = tpu.memref_slice %arg15[%add3A_117, %dma_start3A_141] : memref<38912x32xf32, #tpu.memory_space<vmem_shared>> -> memref<512x32xf32, #tpu.memory_space<vmem_shared>>
      tpu.enqueue_dma source(%arg14 : memref<512x32xf32, #tpu.memory_space<vmem>>) target(%dma_start3A_142 : memref<512x32xf32, #tpu.memory_space<vmem_shared>>) target_semaphore(%run_scoped3A : memref<!tpu.dma_semaphore, #tpu.memory_space<semaphore_mem>>)
      %dma_wait3A = arith.constant 0 : i32
      %dma_wait3A_143 = tpu.memref_slice %arg15[%add3A_117, %dma_wait3A] : memref<38912x32xf32, #tpu.memory_space<vmem_shared>> -> memref<512x32xf32, #tpu.memory_space<vmem_shared>>
      %dma_wait3A_144 = arith.constant 0 : i32
      %dma_wait3A_145 = tpu.memref_slice %arg15[%add3A_117, %dma_wait3A_144] : memref<38912x32xf32, #tpu.memory_space<vmem_shared>> -> memref<512x32xf32, #tpu.memory_space<vmem_shared>>
      tpu.wait_dma2 semaphore(%run_scoped3A : memref<!tpu.dma_semaphore, #tpu.memory_space<semaphore_mem>>) src(%arg14 : memref<512x32xf32, #tpu.memory_space<vmem>>) dst(%dma_wait3A_145 : memref<512x32xf32, #tpu.memory_space<vmem_shared>>)
      tpu.yield
    }) : () -> ()
    %mul3A_118 = arith.constant 2432 : i32
    %mul3A_119 = arith.muli %arg1, %mul3A_118 : i32
    %add3A_120 = arith.constant 1536 : i32
    %add3A_121 = arith.addi %mul3A_119, %add3A_120 : i32
    "tpu.region"() ({
      %run_scoped3A = tpu.sem_alloc : memref<!tpu.dma_semaphore, #tpu.memory_space<semaphore_mem>>
      %dma_start3A = arith.constant 0 : i32
      %dma_start3A_140 = tpu.memref_slice %arg15[%add3A_121, %dma_start3A] : memref<38912x32xf32, #tpu.memory_space<vmem_shared>> -> memref<512x32xf32, #tpu.memory_space<vmem_shared>>
      %dma_start3A_141 = arith.constant 0 : i32
      %dma_start3A_142 = tpu.memref_slice %arg15[%add3A_121, %dma_start3A_141] : memref<38912x32xf32, #tpu.memory_space<vmem_shared>> -> memref<512x32xf32, #tpu.memory_space<vmem_shared>>
      tpu.enqueue_dma source(%arg14 : memref<512x32xf32, #tpu.memory_space<vmem>>) target(%dma_start3A_142 : memref<512x32xf32, #tpu.memory_space<vmem_shared>>) target_semaphore(%run_scoped3A : memref<!tpu.dma_semaphore, #tpu.memory_space<semaphore_mem>>)
      %dma_wait3A = arith.constant 0 : i32
      %dma_wait3A_143 = tpu.memref_slice %arg15[%add3A_121, %dma_wait3A] : memref<38912x32xf32, #tpu.memory_space<vmem_shared>> -> memref<512x32xf32, #tpu.memory_space<vmem_shared>>
      %dma_wait3A_144 = arith.constant 0 : i32
      %dma_wait3A_145 = tpu.memref_slice %arg15[%add3A_121, %dma_wait3A_144] : memref<38912x32xf32, #tpu.memory_space<vmem_shared>> -> memref<512x32xf32, #tpu.memory_space<vmem_shared>>
      tpu.wait_dma2 semaphore(%run_scoped3A : memref<!tpu.dma_semaphore, #tpu.memory_space<semaphore_mem>>) src(%arg14 : memref<512x32xf32, #tpu.memory_space<vmem>>) dst(%dma_wait3A_145 : memref<512x32xf32, #tpu.memory_space<vmem_shared>>)
      tpu.yield
    }) : () -> ()
    %mul3A_122 = arith.constant 2432 : i32
    %mul3A_123 = arith.muli %arg1, %mul3A_122 : i32
    %add3A_124 = arith.constant 2048 : i32
    %add3A_125 = arith.addi %mul3A_123, %add3A_124 : i32
    "tpu.region"() ({
      %run_scoped3A = tpu.sem_alloc : memref<!tpu.dma_semaphore, #tpu.memory_space<semaphore_mem>>
      %dma_start3A = arith.constant 0 : i32
      %dma_start3A_140 = arith.constant 0 : i32
      %dma_start3A_141 = tpu.memref_slice %arg14[%dma_start3A, %dma_start3A_140] : memref<512x32xf32, #tpu.memory_space<vmem>> -> memref<384x32xf32, #tpu.memory_space<vmem>>
      %dma_start3A_142 = arith.constant 0 : i32
      %dma_start3A_143 = tpu.memref_slice %arg15[%add3A_125, %dma_start3A_142] : memref<38912x32xf32, #tpu.memory_space<vmem_shared>> -> memref<384x32xf32, #tpu.memory_space<vmem_shared>>
      %dma_start3A_144 = arith.constant 0 : i32
      %dma_start3A_145 = tpu.memref_slice %arg15[%add3A_125, %dma_start3A_144] : memref<38912x32xf32, #tpu.memory_space<vmem_shared>> -> memref<384x32xf32, #tpu.memory_space<vmem_shared>>
      %dma_start3A_146 = arith.constant 0 : i32
      %dma_start3A_147 = arith.constant 0 : i32
      %dma_start3A_148 = tpu.memref_slice %arg14[%dma_start3A_146, %dma_start3A_147] : memref<512x32xf32, #tpu.memory_space<vmem>> -> memref<384x32xf32, #tpu.memory_space<vmem>>
      tpu.enqueue_dma source(%dma_start3A_148 : memref<384x32xf32, #tpu.memory_space<vmem>>) target(%dma_start3A_145 : memref<384x32xf32, #tpu.memory_space<vmem_shared>>) target_semaphore(%run_scoped3A : memref<!tpu.dma_semaphore, #tpu.memory_space<semaphore_mem>>)
      %dma_wait3A = arith.constant 0 : i32
      %dma_wait3A_149 = arith.constant 0 : i32
      %dma_wait3A_150 = tpu.memref_slice %arg14[%dma_wait3A, %dma_wait3A_149] : memref<512x32xf32, #tpu.memory_space<vmem>> -> memref<384x32xf32, #tpu.memory_space<vmem>>
      %dma_wait3A_151 = arith.constant 0 : i32
      %dma_wait3A_152 = tpu.memref_slice %arg15[%add3A_125, %dma_wait3A_151] : memref<38912x32xf32, #tpu.memory_space<vmem_shared>> -> memref<384x32xf32, #tpu.memory_space<vmem_shared>>
      %dma_wait3A_153 = arith.constant 0 : i32
      %dma_wait3A_154 = tpu.memref_slice %arg15[%add3A_125, %dma_wait3A_153] : memref<38912x32xf32, #tpu.memory_space<vmem_shared>> -> memref<384x32xf32, #tpu.memory_space<vmem_shared>>
      %dma_wait3A_155 = arith.constant 0 : i32
      %dma_wait3A_156 = arith.constant 0 : i32
      %dma_wait3A_157 = tpu.memref_slice %arg14[%dma_wait3A_155, %dma_wait3A_156] : memref<512x32xf32, #tpu.memory_space<vmem>> -> memref<384x32xf32, #tpu.memory_space<vmem>>
      tpu.wait_dma2 semaphore(%run_scoped3A : memref<!tpu.dma_semaphore, #tpu.memory_space<semaphore_mem>>) src(%dma_wait3A_157 : memref<384x32xf32, #tpu.memory_space<vmem>>) dst(%dma_wait3A_154 : memref<384x32xf32, #tpu.memory_space<vmem_shared>>)
      tpu.yield
    }) : () -> ()
    %barrier3A_126 = arith.constant 0 : index
    tpu.barrier barrier_id(%barrier3A_126)
    %scan3A_127 = arith.constant 0 : i32
    %scan3A_128 = arith.constant 0 : i32
    %scan3A_129 = arith.constant 15 : i32
    %scan3A_130 = arith.addi %scan3A_128, %scan3A_129 : i32
    %scan3A_131 = arith.constant 1 : i32
    scf.for %scan3A_140 = %scan3A_128 to %scan3A_130 step %scan3A_131  : i32 {
      %mul3A_141 = arith.constant 7680 : i32
      %mul3A_142 = arith.muli %arg1, %mul3A_141 : i32
      %mul3A_143 = arith.constant 512 : i32
      %mul3A_144 = arith.muli %scan3A_140, %mul3A_143 : i32
      %add3A_145 = arith.addi %mul3A_142, %mul3A_144 : i32
      "tpu.region"() ({
        %run_scoped3A = tpu.sem_alloc : memref<!tpu.dma_semaphore, #tpu.memory_space<semaphore_mem>>
        %dma_start3A = arith.constant 0 : i32
        %dma_start3A_1131 = tpu.memref_slice %arg2[%add3A_145, %dma_start3A] : memref<122880x32xf32, #tpu.memory_space<hbm>> -> memref<512x32xf32, #tpu.memory_space<hbm>>
        %dma_start3A_1132 = arith.constant 0 : i32
        %dma_start3A_1133 = tpu.memref_slice %arg2[%add3A_145, %dma_start3A_1132] : memref<122880x32xf32, #tpu.memory_space<hbm>> -> memref<512x32xf32, #tpu.memory_space<hbm>>
        tpu.enqueue_dma source(%dma_start3A_1133 : memref<512x32xf32, #tpu.memory_space<hbm>>) target(%arg7 : memref<512x32xf32, #tpu.memory_space<vmem>>) target_semaphore(%run_scoped3A : memref<!tpu.dma_semaphore, #tpu.memory_space<semaphore_mem>>)
        %dma_wait3A = arith.constant 0 : i32
        %dma_wait3A_1134 = tpu.memref_slice %arg2[%add3A_145, %dma_wait3A] : memref<122880x32xf32, #tpu.memory_space<hbm>> -> memref<512x32xf32, #tpu.memory_space<hbm>>
        %dma_wait3A_1135 = arith.constant 0 : i32
        %dma_wait3A_1136 = tpu.memref_slice %arg2[%add3A_145, %dma_wait3A_1135] : memref<122880x32xf32, #tpu.memory_space<hbm>> -> memref<512x32xf32, #tpu.memory_space<hbm>>
        tpu.wait_dma2 semaphore(%run_scoped3A : memref<!tpu.dma_semaphore, #tpu.memory_space<semaphore_mem>>) src(%dma_wait3A_1136 : memref<512x32xf32, #tpu.memory_space<hbm>>) dst(%arg7 : memref<512x32xf32, #tpu.memory_space<vmem>>)
        tpu.yield
      }) : () -> ()
      %mul3A_146 = arith.constant 512 : i32
      %mul3A_147 = arith.muli %scan3A_140, %mul3A_146 : i32
      %add3A_148 = arith.constant 0 : i32
      %add3A_149 = arith.addi %mul3A_147, %add3A_148 : i32
      %get3A = arith.index_cast %add3A_149 : i32 to index
      %get3A_150 = tpu.vector_load %arg6[%get3A] {strides = array<i32>} : memref<7680xi32, #tpu.memory_space<vmem>>, vector<16xi32>,
      %sub3A = vector.broadcast %mul3A_105 : i32 to vector<16xi32>
      %sub3A_151 = arith.subi %get3A_150, %sub3A : vector<16xi32>
      %ge3A = arith.constant 0 : i32
      %ge3A_152 = vector.broadcast %ge3A : i32 to vector<16xi32>
      %ge3A_153 = arith.cmpi sge, %sub3A_151, %ge3A_152 : vector<16xi32>
      %lt3A = arith.constant 36864 : i32
      %lt3A_154 = vector.broadcast %lt3A : i32 to vector<16xi32>
      %lt3A_155 = arith.cmpi slt, %sub3A_151, %lt3A_154 : vector<16xi32>
      %and3A = arith.andi %ge3A_153, %lt3A_155 : vector<16xi1>
      %mul3A_156 = arith.constant 128 : i32
      %mul3A_157 = arith.muli %arg1, %mul3A_156 : i32
      %mul3A_158 = arith.constant 512 : i32
      %mul3A_159 = arith.muli %scan3A_140, %mul3A_158 : i32
      %add3A_160 = arith.addi %mul3A_157, %mul3A_159 : i32
      %add3A_161 = arith.constant 0 : i32
      %add3A_162 = arith.addi %add3A_160, %add3A_161 : i32
      %and3A_163 = arith.constant 2047 : i32
      %and3A_164 = arith.andi %add3A_162, %and3A_163 : i32
      %add3A_165 = arith.constant 36864 : i32
      %add3A_166 = arith.addi %add3A_165, %and3A_164 : i32
      %add3A_167 = vector.broadcast %add3A_166 : i32 to vector<16xi32>
      %add3A_168 = arith.addi %add3A_167, %iota3A : vector<16xi32>
      %select_n3A = arith.select %and3A, %sub3A_151, %add3A_168 : vector<16xi1>, vector<16xi32>
      %swap3A = arith.constant 0 : index
      %swap3A_169 = tpu.vector_load %arg8[%swap3A] {strides = array<i32>} : memref<128xi32, #tpu.memory_space<vmem>>, vector<16xi32>,
      tpu.vector_store %arg8[%swap3A], %select_n3A {strides = array<i32>} : memref<128xi32, #tpu.memory_space<vmem>>, vector<16xi32>,
      %mul3A_170 = arith.constant 512 : i32
      %mul3A_171 = arith.muli %scan3A_140, %mul3A_170 : i32
      %add3A_172 = arith.constant 16 : i32
      %add3A_173 = arith.addi %mul3A_171, %add3A_172 : i32
      %get3A_174 = arith.index_cast %add3A_173 : i32 to index
      %get3A_175 = tpu.vector_load %arg6[%get3A_174] {strides = array<i32>} : memref<7680xi32, #tpu.memory_space<vmem>>, vector<16xi32>,
      %sub3A_176 = vector.broadcast %mul3A_105 : i32 to vector<16xi32>
      %sub3A_177 = arith.subi %get3A_175, %sub3A_176 : vector<16xi32>
      %ge3A_178 = arith.constant 0 : i32
      %ge3A_179 = vector.broadcast %ge3A_178 : i32 to vector<16xi32>
      %ge3A_180 = arith.cmpi sge, %sub3A_177, %ge3A_179 : vector<16xi32>
      %lt3A_181 = arith.constant 36864 : i32
      %lt3A_182 = vector.broadcast %lt3A_181 : i32 to vector<16xi32>
      %lt3A_183 = arith.cmpi slt, %sub3A_177, %lt3A_182 : vector<16xi32>
      %and3A_184 = arith.andi %ge3A_180, %lt3A_183 : vector<16xi1>
      %mul3A_185 = arith.constant 128 : i32
      %mul3A_186 = arith.muli %arg1, %mul3A_185 : i32
      %mul3A_187 = arith.constant 512 : i32
      %mul3A_188 = arith.muli %scan3A_140, %mul3A_187 : i32
      %add3A_189 = arith.addi %mul3A_186, %mul3A_188 : i32
      %add3A_190 = arith.constant 16 : i32
      %add3A_191 = arith.addi %add3A_189, %add3A_190 : i32
      %and3A_192 = arith.constant 2047 : i32
      %and3A_193 = arith.andi %add3A_191, %and3A_192 : i32
      %add3A_194 = arith.constant 36864 : i32
      %add3A_195 = arith.addi %add3A_194, %and3A_193 : i32
      %add3A_196 = vector.broadcast %add3A_195 : i32 to vector<16xi32>
      %add3A_197 = arith.addi %add3A_196, %iota3A : vector<16xi32>
      %select_n3A_198 = arith.select %and3A_184, %sub3A_177, %add3A_197 : vector<16xi1>, vector<16xi32>
      %swap3A_199 = arith.constant 16 : index
      %swap3A_200 = tpu.vector_load %arg8[%swap3A_199] {strides = array<i32>} : memref<128xi32, #tpu.memory_space<vmem>>, vector<16xi32>,
      tpu.vector_store %arg8[%swap3A_199], %select_n3A_198 {strides = array<i32>} : memref<128xi32, #tpu.memory_space<vmem>>, vector<16xi32>,
      %mul3A_201 = arith.constant 512 : i32
      %mul3A_202 = arith.muli %scan3A_140, %mul3A_201 : i32
      %add3A_203 = arith.constant 32 : i32
      %add3A_204 = arith.addi %mul3A_202, %add3A_203 : i32
      %get3A_205 = arith.index_cast %add3A_204 : i32 to index
      %get3A_206 = tpu.vector_load %arg6[%get3A_205] {strides = array<i32>} : memref<7680xi32, #tpu.memory_space<vmem>>, vector<16xi32>,
      %sub3A_207 = vector.broadcast %mul3A_105 : i32 to vector<16xi32>
      %sub3A_208 = arith.subi %get3A_206, %sub3A_207 : vector<16xi32>
      %ge3A_209 = arith.constant 0 : i32
      %ge3A_210 = vector.broadcast %ge3A_209 : i32 to vector<16xi32>
      %ge3A_211 = arith.cmpi sge, %sub3A_208, %ge3A_210 : vector<16xi32>
      %lt3A_212 = arith.constant 36864 : i32
      %lt3A_213 = vector.broadcast %lt3A_212 : i32 to vector<16xi32>
      %lt3A_214 = arith.cmpi slt, %sub3A_208, %lt3A_213 : vector<16xi32>
      %and3A_215 = arith.andi %ge3A_211, %lt3A_214 : vector<16xi1>
      %mul3A_216 = arith.constant 128 : i32
      %mul3A_217 = arith.muli %arg1, %mul3A_216 : i32
      %mul3A_218 = arith.constant 512 : i32
      %mul3A_219 = arith.muli %scan3A_140, %mul3A_218 : i32
      %add3A_220 = arith.addi %mul3A_217, %mul3A_219 : i32
      %add3A_221 = arith.constant 32 : i32
      %add3A_222 = arith.addi %add3A_220, %add3A_221 : i32
      %and3A_223 = arith.constant 2047 : i32
      %and3A_224 = arith.andi %add3A_222, %and3A_223 : i32
      %add3A_225 = arith.constant 36864 : i32
      %add3A_226 = arith.addi %add3A_225, %and3A_224 : i32
      %add3A_227 = vector.broadcast %add3A_226 : i32 to vector<16xi32>
      %add3A_228 = arith.addi %add3A_227, %iota3A : vector<16xi32>
      %select_n3A_229 = arith.select %and3A_215, %sub3A_208, %add3A_228 : vector<16xi1>, vector<16xi32>
      %swap3A_230 = arith.constant 32 : index
      %swap3A_231 = tpu.vector_load %arg8[%swap3A_230] {strides = array<i32>} : memref<128xi32, #tpu.memory_space<vmem>>, vector<16xi32>,
      tpu.vector_store %arg8[%swap3A_230], %select_n3A_229 {strides = array<i32>} : memref<128xi32, #tpu.memory_space<vmem>>, vector<16xi32>,
      %mul3A_232 = arith.constant 512 : i32
      %mul3A_233 = arith.muli %scan3A_140, %mul3A_232 : i32
      %add3A_234 = arith.constant 48 : i32
      %add3A_235 = arith.addi %mul3A_233, %add3A_234 : i32
      %get3A_236 = arith.index_cast %add3A_235 : i32 to index
      %get3A_237 = tpu.vector_load %arg6[%get3A_236] {strides = array<i32>} : memref<7680xi32, #tpu.memory_space<vmem>>, vector<16xi32>,
      %sub3A_238 = vector.broadcast %mul3A_105 : i32 to vector<16xi32>
      %sub3A_239 = arith.subi %get3A_237, %sub3A_238 : vector<16xi32>
      %ge3A_240 = arith.constant 0 : i32
      %ge3A_241 = vector.broadcast %ge3A_240 : i32 to vector<16xi32>
      %ge3A_242 = arith.cmpi sge, %sub3A_239, %ge3A_241 : vector<16xi32>
      %lt3A_243 = arith.constant 36864 : i32
      %lt3A_244 = vector.broadcast %lt3A_243 : i32 to vector<16xi32>
      %lt3A_245 = arith.cmpi slt, %sub3A_239, %lt3A_244 : vector<16xi32>
      %and3A_246 = arith.andi %ge3A_242, %lt3A_245 : vector<16xi1>
      %mul3A_247 = arith.constant 128 : i32
      %mul3A_248 = arith.muli %arg1, %mul3A_247 : i32
      %mul3A_249 = arith.constant 512 : i32
      %mul3A_250 = arith.muli %scan3A_140, %mul3A_249 : i32
      %add3A_251 = arith.addi %mul3A_248, %mul3A_250 : i32
      %add3A_252 = arith.constant 48 : i32
      %add3A_253 = arith.addi %add3A_251, %add3A_252 : i32
      %and3A_254 = arith.constant 2047 : i32
      %and3A_255 = arith.andi %add3A_253, %and3A_254 : i32
      %add3A_256 = arith.constant 36864 : i32
      %add3A_257 = arith.addi %add3A_256, %and3A_255 : i32
      %add3A_258 = vector.broadcast %add3A_257 : i32 to vector<16xi32>
      %add3A_259 = arith.addi %add3A_258, %iota3A : vector<16xi32>
      %select_n3A_260 = arith.select %and3A_246, %sub3A_239, %add3A_259 : vector<16xi1>, vector<16xi32>
      %swap3A_261 = arith.constant 48 : index
      %swap3A_262 = tpu.vector_load %arg8[%swap3A_261] {strides = array<i32>} : memref<128xi32, #tpu.memory_space<vmem>>, vector<16xi32>,
      tpu.vector_store %arg8[%swap3A_261], %select_n3A_260 {strides = array<i32>} : memref<128xi32, #tpu.memory_space<vmem>>, vector<16xi32>,
      %mul3A_263 = arith.constant 512 : i32
      %mul3A_264 = arith.muli %scan3A_140, %mul3A_263 : i32
      %add3A_265 = arith.constant 64 : i32
      %add3A_266 = arith.addi %mul3A_264, %add3A_265 : i32
      %get3A_267 = arith.index_cast %add3A_266 : i32 to index
      %get3A_268 = tpu.vector_load %arg6[%get3A_267] {strides = array<i32>} : memref<7680xi32, #tpu.memory_space<vmem>>, vector<16xi32>,
      %sub3A_269 = vector.broadcast %mul3A_105 : i32 to vector<16xi32>
      %sub3A_270 = arith.subi %get3A_268, %sub3A_269 : vector<16xi32>
      %ge3A_271 = arith.constant 0 : i32
      %ge3A_272 = vector.broadcast %ge3A_271 : i32 to vector<16xi32>
      %ge3A_273 = arith.cmpi sge, %sub3A_270, %ge3A_272 : vector<16xi32>
      %lt3A_274 = arith.constant 36864 : i32
      %lt3A_275 = vector.broadcast %lt3A_274 : i32 to vector<16xi32>
      %lt3A_276 = arith.cmpi slt, %sub3A_270, %lt3A_275 : vector<16xi32>
      %and3A_277 = arith.andi %ge3A_273, %lt3A_276 : vector<16xi1>
      %mul3A_278 = arith.constant 128 : i32
      %mul3A_279 = arith.muli %arg1, %mul3A_278 : i32
      %mul3A_280 = arith.constant 512 : i32
      %mul3A_281 = arith.muli %scan3A_140, %mul3A_280 : i32
      %add3A_282 = arith.addi %mul3A_279, %mul3A_281 : i32
      %add3A_283 = arith.constant 64 : i32
      %add3A_284 = arith.addi %add3A_282, %add3A_283 : i32
      %and3A_285 = arith.constant 2047 : i32
      %and3A_286 = arith.andi %add3A_284, %and3A_285 : i32
      %add3A_287 = arith.constant 36864 : i32
      %add3A_288 = arith.addi %add3A_287, %and3A_286 : i32
      %add3A_289 = vector.broadcast %add3A_288 : i32 to vector<16xi32>
      %add3A_290 = arith.addi %add3A_289, %iota3A : vector<16xi32>
      %select_n3A_291 = arith.select %and3A_277, %sub3A_270, %add3A_290 : vector<16xi1>, vector<16xi32>
      %swap3A_292 = arith.constant 64 : index
      %swap3A_293 = tpu.vector_load %arg8[%swap3A_292] {strides = array<i32>} : memref<128xi32, #tpu.memory_space<vmem>>, vector<16xi32>,
      tpu.vector_store %arg8[%swap3A_292], %select_n3A_291 {strides = array<i32>} : memref<128xi32, #tpu.memory_space<vmem>>, vector<16xi32>,
      %mul3A_294 = arith.constant 512 : i32
      %mul3A_295 = arith.muli %scan3A_140, %mul3A_294 : i32
      %add3A_296 = arith.constant 80 : i32
      %add3A_297 = arith.addi %mul3A_295, %add3A_296 : i32
      %get3A_298 = arith.index_cast %add3A_297 : i32 to index
      %get3A_299 = tpu.vector_load %arg6[%get3A_298] {strides = array<i32>} : memref<7680xi32, #tpu.memory_space<vmem>>, vector<16xi32>,
      %sub3A_300 = vector.broadcast %mul3A_105 : i32 to vector<16xi32>
      %sub3A_301 = arith.subi %get3A_299, %sub3A_300 : vector<16xi32>
      %ge3A_302 = arith.constant 0 : i32
      %ge3A_303 = vector.broadcast %ge3A_302 : i32 to vector<16xi32>
      %ge3A_304 = arith.cmpi sge, %sub3A_301, %ge3A_303 : vector<16xi32>
      %lt3A_305 = arith.constant 36864 : i32
      %lt3A_306 = vector.broadcast %lt3A_305 : i32 to vector<16xi32>
      %lt3A_307 = arith.cmpi slt, %sub3A_301, %lt3A_306 : vector<16xi32>
      %and3A_308 = arith.andi %ge3A_304, %lt3A_307 : vector<16xi1>
      %mul3A_309 = arith.constant 128 : i32
      %mul3A_310 = arith.muli %arg1, %mul3A_309 : i32
      %mul3A_311 = arith.constant 512 : i32
      %mul3A_312 = arith.muli %scan3A_140, %mul3A_311 : i32
      %add3A_313 = arith.addi %mul3A_310, %mul3A_312 : i32
      %add3A_314 = arith.constant 80 : i32
      %add3A_315 = arith.addi %add3A_313, %add3A_314 : i32
      %and3A_316 = arith.constant 2047 : i32
      %and3A_317 = arith.andi %add3A_315, %and3A_316 : i32
      %add3A_318 = arith.constant 36864 : i32
      %add3A_319 = arith.addi %add3A_318, %and3A_317 : i32
      %add3A_320 = vector.broadcast %add3A_319 : i32 to vector<16xi32>
      %add3A_321 = arith.addi %add3A_320, %iota3A : vector<16xi32>
      %select_n3A_322 = arith.select %and3A_308, %sub3A_301, %add3A_321 : vector<16xi1>, vector<16xi32>
      %swap3A_323 = arith.constant 80 : index
      %swap3A_324 = tpu.vector_load %arg8[%swap3A_323] {strides = array<i32>} : memref<128xi32, #tpu.memory_space<vmem>>, vector<16xi32>,
      tpu.vector_store %arg8[%swap3A_323], %select_n3A_322 {strides = array<i32>} : memref<128xi32, #tpu.memory_space<vmem>>, vector<16xi32>,
      %mul3A_325 = arith.constant 512 : i32
      %mul3A_326 = arith.muli %scan3A_140, %mul3A_325 : i32
      %add3A_327 = arith.constant 96 : i32
      %add3A_328 = arith.addi %mul3A_326, %add3A_327 : i32
      %get3A_329 = arith.index_cast %add3A_328 : i32 to index
      %get3A_330 = tpu.vector_load %arg6[%get3A_329] {strides = array<i32>} : memref<7680xi32, #tpu.memory_space<vmem>>, vector<16xi32>,
      %sub3A_331 = vector.broadcast %mul3A_105 : i32 to vector<16xi32>
      %sub3A_332 = arith.subi %get3A_330, %sub3A_331 : vector<16xi32>
      %ge3A_333 = arith.constant 0 : i32
      %ge3A_334 = vector.broadcast %ge3A_333 : i32 to vector<16xi32>
      %ge3A_335 = arith.cmpi sge, %sub3A_332, %ge3A_334 : vector<16xi32>
      %lt3A_336 = arith.constant 36864 : i32
      %lt3A_337 = vector.broadcast %lt3A_336 : i32 to vector<16xi32>
      %lt3A_338 = arith.cmpi slt, %sub3A_332, %lt3A_337 : vector<16xi32>
      %and3A_339 = arith.andi %ge3A_335, %lt3A_338 : vector<16xi1>
      %mul3A_340 = arith.constant 128 : i32
      %mul3A_341 = arith.muli %arg1, %mul3A_340 : i32
      %mul3A_342 = arith.constant 512 : i32
      %mul3A_343 = arith.muli %scan3A_140, %mul3A_342 : i32
      %add3A_344 = arith.addi %mul3A_341, %mul3A_343 : i32
      %add3A_345 = arith.constant 96 : i32
      %add3A_346 = arith.addi %add3A_344, %add3A_345 : i32
      %and3A_347 = arith.constant 2047 : i32
      %and3A_348 = arith.andi %add3A_346, %and3A_347 : i32
      %add3A_349 = arith.constant 36864 : i32
      %add3A_350 = arith.addi %add3A_349, %and3A_348 : i32
      %add3A_351 = vector.broadcast %add3A_350 : i32 to vector<16xi32>
      %add3A_352 = arith.addi %add3A_351, %iota3A : vector<16xi32>
      %select_n3A_353 = arith.select %and3A_339, %sub3A_332, %add3A_352 : vector<16xi1>, vector<16xi32>
      %swap3A_354 = arith.constant 96 : index
      %swap3A_355 = tpu.vector_load %arg8[%swap3A_354] {strides = array<i32>} : memref<128xi32, #tpu.memory_space<vmem>>, vector<16xi32>,
      tpu.vector_store %arg8[%swap3A_354], %select_n3A_353 {strides = array<i32>} : memref<128xi32, #tpu.memory_space<vmem>>, vector<16xi32>,
      %mul3A_356 = arith.constant 512 : i32
      %mul3A_357 = arith.muli %scan3A_140, %mul3A_356 : i32
      %add3A_358 = arith.constant 112 : i32
      %add3A_359 = arith.addi %mul3A_357, %add3A_358 : i32
      %get3A_360 = arith.index_cast %add3A_359 : i32 to index
      %get3A_361 = tpu.vector_load %arg6[%get3A_360] {strides = array<i32>} : memref<7680xi32, #tpu.memory_space<vmem>>, vector<16xi32>,
      %sub3A_362 = vector.broadcast %mul3A_105 : i32 to vector<16xi32>
      %sub3A_363 = arith.subi %get3A_361, %sub3A_362 : vector<16xi32>
      %ge3A_364 = arith.constant 0 : i32
      %ge3A_365 = vector.broadcast %ge3A_364 : i32 to vector<16xi32>
      %ge3A_366 = arith.cmpi sge, %sub3A_363, %ge3A_365 : vector<16xi32>
      %lt3A_367 = arith.constant 36864 : i32
      %lt3A_368 = vector.broadcast %lt3A_367 : i32 to vector<16xi32>
      %lt3A_369 = arith.cmpi slt, %sub3A_363, %lt3A_368 : vector<16xi32>
      %and3A_370 = arith.andi %ge3A_366, %lt3A_369 : vector<16xi1>
      %mul3A_371 = arith.constant 128 : i32
      %mul3A_372 = arith.muli %arg1, %mul3A_371 : i32
      %mul3A_373 = arith.constant 512 : i32
      %mul3A_374 = arith.muli %scan3A_140, %mul3A_373 : i32
      %add3A_375 = arith.addi %mul3A_372, %mul3A_374 : i32
      %add3A_376 = arith.constant 112 : i32
      %add3A_377 = arith.addi %add3A_375, %add3A_376 : i32
      %and3A_378 = arith.constant 2047 : i32
      %and3A_379 = arith.andi %add3A_377, %and3A_378 : i32
      %add3A_380 = arith.constant 36864 : i32
      %add3A_381 = arith.addi %add3A_380, %and3A_379 : i32
      %add3A_382 = vector.broadcast %add3A_381 : i32 to vector<16xi32>
      %add3A_383 = arith.addi %add3A_382, %iota3A : vector<16xi32>
      %select_n3A_384 = arith.select %and3A_370, %sub3A_363, %add3A_383 : vector<16xi1>, vector<16xi32>
      %swap3A_385 = arith.constant 112 : index
      %swap3A_386 = tpu.vector_load %arg8[%swap3A_385] {strides = array<i32>} : memref<128xi32, #tpu.memory_space<vmem>>, vector<16xi32>,
      tpu.vector_store %arg8[%swap3A_385], %select_n3A_384 {strides = array<i32>} : memref<128xi32, #tpu.memory_space<vmem>>, vector<16xi32>,
      %mul3A_387 = arith.constant 512 : i32
      %mul3A_388 = arith.muli %scan3A_140, %mul3A_387 : i32
      %add3A_389 = arith.constant 128 : i32
      %add3A_390 = arith.addi %mul3A_388, %add3A_389 : i32
      %get3A_391 = arith.index_cast %add3A_390 : i32 to index
      %get3A_392 = tpu.vector_load %arg6[%get3A_391] {strides = array<i32>} : memref<7680xi32, #tpu.memory_space<vmem>>, vector<16xi32>,
      %sub3A_393 = vector.broadcast %mul3A_105 : i32 to vector<16xi32>
      %sub3A_394 = arith.subi %get3A_392, %sub3A_393 : vector<16xi32>
      %ge3A_395 = arith.constant 0 : i32
      %ge3A_396 = vector.broadcast %ge3A_395 : i32 to vector<16xi32>
      %ge3A_397 = arith.cmpi sge, %sub3A_394, %ge3A_396 : vector<16xi32>
      %lt3A_398 = arith.constant 36864 : i32
      %lt3A_399 = vector.broadcast %lt3A_398 : i32 to vector<16xi32>
      %lt3A_400 = arith.cmpi slt, %sub3A_394, %lt3A_399 : vector<16xi32>
      %and3A_401 = arith.andi %ge3A_397, %lt3A_400 : vector<16xi1>
      %mul3A_402 = arith.constant 128 : i32
      %mul3A_403 = arith.muli %arg1, %mul3A_402 : i32
      %mul3A_404 = arith.constant 512 : i32
      %mul3A_405 = arith.muli %scan3A_140, %mul3A_404 : i32
      %add3A_406 = arith.addi %mul3A_403, %mul3A_405 : i32
      %add3A_407 = arith.constant 128 : i32
      %add3A_408 = arith.addi %add3A_406, %add3A_407 : i32
      %and3A_409 = arith.constant 2047 : i32
      %and3A_410 = arith.andi %add3A_408, %and3A_409 : i32
      %add3A_411 = arith.constant 36864 : i32
      %add3A_412 = arith.addi %add3A_411, %and3A_410 : i32
      %add3A_413 = vector.broadcast %add3A_412 : i32 to vector<16xi32>
      %add3A_414 = arith.addi %add3A_413, %iota3A : vector<16xi32>
      %select_n3A_415 = arith.select %and3A_401, %sub3A_394, %add3A_414 : vector<16xi1>, vector<16xi32>
      %swap3A_416 = arith.constant 0 : index
      %swap3A_417 = tpu.vector_load %arg9[%swap3A_416] {strides = array<i32>} : memref<128xi32, #tpu.memory_space<vmem>>, vector<16xi32>,
      tpu.vector_store %arg9[%swap3A_416], %select_n3A_415 {strides = array<i32>} : memref<128xi32, #tpu.memory_space<vmem>>, vector<16xi32>,
      %mul3A_418 = arith.constant 512 : i32
      %mul3A_419 = arith.muli %scan3A_140, %mul3A_418 : i32
      %add3A_420 = arith.constant 144 : i32
      %add3A_421 = arith.addi %mul3A_419, %add3A_420 : i32
      %get3A_422 = arith.index_cast %add3A_421 : i32 to index
      %get3A_423 = tpu.vector_load %arg6[%get3A_422] {strides = array<i32>} : memref<7680xi32, #tpu.memory_space<vmem>>, vector<16xi32>,
      %sub3A_424 = vector.broadcast %mul3A_105 : i32 to vector<16xi32>
      %sub3A_425 = arith.subi %get3A_423, %sub3A_424 : vector<16xi32>
      %ge3A_426 = arith.constant 0 : i32
      %ge3A_427 = vector.broadcast %ge3A_426 : i32 to vector<16xi32>
      %ge3A_428 = arith.cmpi sge, %sub3A_425, %ge3A_427 : vector<16xi32>
      %lt3A_429 = arith.constant 36864 : i32
      %lt3A_430 = vector.broadcast %lt3A_429 : i32 to vector<16xi32>
      %lt3A_431 = arith.cmpi slt, %sub3A_425, %lt3A_430 : vector<16xi32>
      %and3A_432 = arith.andi %ge3A_428, %lt3A_431 : vector<16xi1>
      %mul3A_433 = arith.constant 128 : i32
      %mul3A_434 = arith.muli %arg1, %mul3A_433 : i32
      %mul3A_435 = arith.constant 512 : i32
      %mul3A_436 = arith.muli %scan3A_140, %mul3A_435 : i32
      %add3A_437 = arith.addi %mul3A_434, %mul3A_436 : i32
      %add3A_438 = arith.constant 144 : i32
      %add3A_439 = arith.addi %add3A_437, %add3A_438 : i32
      %and3A_440 = arith.constant 2047 : i32
      %and3A_441 = arith.andi %add3A_439, %and3A_440 : i32
      %add3A_442 = arith.constant 36864 : i32
      %add3A_443 = arith.addi %add3A_442, %and3A_441 : i32
      %add3A_444 = vector.broadcast %add3A_443 : i32 to vector<16xi32>
      %add3A_445 = arith.addi %add3A_444, %iota3A : vector<16xi32>
      %select_n3A_446 = arith.select %and3A_432, %sub3A_425, %add3A_445 : vector<16xi1>, vector<16xi32>
      %swap3A_447 = arith.constant 16 : index
      %swap3A_448 = tpu.vector_load %arg9[%swap3A_447] {strides = array<i32>} : memref<128xi32, #tpu.memory_space<vmem>>, vector<16xi32>,
      tpu.vector_store %arg9[%swap3A_447], %select_n3A_446 {strides = array<i32>} : memref<128xi32, #tpu.memory_space<vmem>>, vector<16xi32>,
      %mul3A_449 = arith.constant 512 : i32
      %mul3A_450 = arith.muli %scan3A_140, %mul3A_449 : i32
      %add3A_451 = arith.constant 160 : i32
      %add3A_452 = arith.addi %mul3A_450, %add3A_451 : i32
      %get3A_453 = arith.index_cast %add3A_452 : i32 to index
      %get3A_454 = tpu.vector_load %arg6[%get3A_453] {strides = array<i32>} : memref<7680xi32, #tpu.memory_space<vmem>>, vector<16xi32>,
      %sub3A_455 = vector.broadcast %mul3A_105 : i32 to vector<16xi32>
      %sub3A_456 = arith.subi %get3A_454, %sub3A_455 : vector<16xi32>
      %ge3A_457 = arith.constant 0 : i32
      %ge3A_458 = vector.broadcast %ge3A_457 : i32 to vector<16xi32>
      %ge3A_459 = arith.cmpi sge, %sub3A_456, %ge3A_458 : vector<16xi32>
      %lt3A_460 = arith.constant 36864 : i32
      %lt3A_461 = vector.broadcast %lt3A_460 : i32 to vector<16xi32>
      %lt3A_462 = arith.cmpi slt, %sub3A_456, %lt3A_461 : vector<16xi32>
      %and3A_463 = arith.andi %ge3A_459, %lt3A_462 : vector<16xi1>
      %mul3A_464 = arith.constant 128 : i32
      %mul3A_465 = arith.muli %arg1, %mul3A_464 : i32
      %mul3A_466 = arith.constant 512 : i32
      %mul3A_467 = arith.muli %scan3A_140, %mul3A_466 : i32
      %add3A_468 = arith.addi %mul3A_465, %mul3A_467 : i32
      %add3A_469 = arith.constant 160 : i32
      %add3A_470 = arith.addi %add3A_468, %add3A_469 : i32
      %and3A_471 = arith.constant 2047 : i32
      %and3A_472 = arith.andi %add3A_470, %and3A_471 : i32
      %add3A_473 = arith.constant 36864 : i32
      %add3A_474 = arith.addi %add3A_473, %and3A_472 : i32
      %add3A_475 = vector.broadcast %add3A_474 : i32 to vector<16xi32>
      %add3A_476 = arith.addi %add3A_475, %iota3A : vector<16xi32>
      %select_n3A_477 = arith.select %and3A_463, %sub3A_456, %add3A_476 : vector<16xi1>, vector<16xi32>
      %swap3A_478 = arith.constant 32 : index
      %swap3A_479 = tpu.vector_load %arg9[%swap3A_478] {strides = array<i32>} : memref<128xi32, #tpu.memory_space<vmem>>, vector<16xi32>,
      tpu.vector_store %arg9[%swap3A_478], %select_n3A_477 {strides = array<i32>} : memref<128xi32, #tpu.memory_space<vmem>>, vector<16xi32>,
      %mul3A_480 = arith.constant 512 : i32
      %mul3A_481 = arith.muli %scan3A_140, %mul3A_480 : i32
      %add3A_482 = arith.constant 176 : i32
      %add3A_483 = arith.addi %mul3A_481, %add3A_482 : i32
      %get3A_484 = arith.index_cast %add3A_483 : i32 to index
      %get3A_485 = tpu.vector_load %arg6[%get3A_484] {strides = array<i32>} : memref<7680xi32, #tpu.memory_space<vmem>>, vector<16xi32>,
      %sub3A_486 = vector.broadcast %mul3A_105 : i32 to vector<16xi32>
      %sub3A_487 = arith.subi %get3A_485, %sub3A_486 : vector<16xi32>
      %ge3A_488 = arith.constant 0 : i32
      %ge3A_489 = vector.broadcast %ge3A_488 : i32 to vector<16xi32>
      %ge3A_490 = arith.cmpi sge, %sub3A_487, %ge3A_489 : vector<16xi32>
      %lt3A_491 = arith.constant 36864 : i32
      %lt3A_492 = vector.broadcast %lt3A_491 : i32 to vector<16xi32>
      %lt3A_493 = arith.cmpi slt, %sub3A_487, %lt3A_492 : vector<16xi32>
      %and3A_494 = arith.andi %ge3A_490, %lt3A_493 : vector<16xi1>
      %mul3A_495 = arith.constant 128 : i32
      %mul3A_496 = arith.muli %arg1, %mul3A_495 : i32
      %mul3A_497 = arith.constant 512 : i32
      %mul3A_498 = arith.muli %scan3A_140, %mul3A_497 : i32
      %add3A_499 = arith.addi %mul3A_496, %mul3A_498 : i32
      %add3A_500 = arith.constant 176 : i32
      %add3A_501 = arith.addi %add3A_499, %add3A_500 : i32
      %and3A_502 = arith.constant 2047 : i32
      %and3A_503 = arith.andi %add3A_501, %and3A_502 : i32
      %add3A_504 = arith.constant 36864 : i32
      %add3A_505 = arith.addi %add3A_504, %and3A_503 : i32
      %add3A_506 = vector.broadcast %add3A_505 : i32 to vector<16xi32>
      %add3A_507 = arith.addi %add3A_506, %iota3A : vector<16xi32>
      %select_n3A_508 = arith.select %and3A_494, %sub3A_487, %add3A_507 : vector<16xi1>, vector<16xi32>
      %swap3A_509 = arith.constant 48 : index
      %swap3A_510 = tpu.vector_load %arg9[%swap3A_509] {strides = array<i32>} : memref<128xi32, #tpu.memory_space<vmem>>, vector<16xi32>,
      tpu.vector_store %arg9[%swap3A_509], %select_n3A_508 {strides = array<i32>} : memref<128xi32, #tpu.memory_space<vmem>>, vector<16xi32>,
      %mul3A_511 = arith.constant 512 : i32
      %mul3A_512 = arith.muli %scan3A_140, %mul3A_511 : i32
      %add3A_513 = arith.constant 192 : i32
      %add3A_514 = arith.addi %mul3A_512, %add3A_513 : i32
      %get3A_515 = arith.index_cast %add3A_514 : i32 to index
      %get3A_516 = tpu.vector_load %arg6[%get3A_515] {strides = array<i32>} : memref<7680xi32, #tpu.memory_space<vmem>>, vector<16xi32>,
      %sub3A_517 = vector.broadcast %mul3A_105 : i32 to vector<16xi32>
      %sub3A_518 = arith.subi %get3A_516, %sub3A_517 : vector<16xi32>
      %ge3A_519 = arith.constant 0 : i32
      %ge3A_520 = vector.broadcast %ge3A_519 : i32 to vector<16xi32>
      %ge3A_521 = arith.cmpi sge, %sub3A_518, %ge3A_520 : vector<16xi32>
      %lt3A_522 = arith.constant 36864 : i32
      %lt3A_523 = vector.broadcast %lt3A_522 : i32 to vector<16xi32>
      %lt3A_524 = arith.cmpi slt, %sub3A_518, %lt3A_523 : vector<16xi32>
      %and3A_525 = arith.andi %ge3A_521, %lt3A_524 : vector<16xi1>
      %mul3A_526 = arith.constant 128 : i32
      %mul3A_527 = arith.muli %arg1, %mul3A_526 : i32
      %mul3A_528 = arith.constant 512 : i32
      %mul3A_529 = arith.muli %scan3A_140, %mul3A_528 : i32
      %add3A_530 = arith.addi %mul3A_527, %mul3A_529 : i32
      %add3A_531 = arith.constant 192 : i32
      %add3A_532 = arith.addi %add3A_530, %add3A_531 : i32
      %and3A_533 = arith.constant 2047 : i32
      %and3A_534 = arith.andi %add3A_532, %and3A_533 : i32
      %add3A_535 = arith.constant 36864 : i32
      %add3A_536 = arith.addi %add3A_535, %and3A_534 : i32
      %add3A_537 = vector.broadcast %add3A_536 : i32 to vector<16xi32>
      %add3A_538 = arith.addi %add3A_537, %iota3A : vector<16xi32>
      %select_n3A_539 = arith.select %and3A_525, %sub3A_518, %add3A_538 : vector<16xi1>, vector<16xi32>
      %swap3A_540 = arith.constant 64 : index
      %swap3A_541 = tpu.vector_load %arg9[%swap3A_540] {strides = array<i32>} : memref<128xi32, #tpu.memory_space<vmem>>, vector<16xi32>,
      tpu.vector_store %arg9[%swap3A_540], %select_n3A_539 {strides = array<i32>} : memref<128xi32, #tpu.memory_space<vmem>>, vector<16xi32>,
      %mul3A_542 = arith.constant 512 : i32
      %mul3A_543 = arith.muli %scan3A_140, %mul3A_542 : i32
      %add3A_544 = arith.constant 208 : i32
      %add3A_545 = arith.addi %mul3A_543, %add3A_544 : i32
      %get3A_546 = arith.index_cast %add3A_545 : i32 to index
      %get3A_547 = tpu.vector_load %arg6[%get3A_546] {strides = array<i32>} : memref<7680xi32, #tpu.memory_space<vmem>>, vector<16xi32>,
      %sub3A_548 = vector.broadcast %mul3A_105 : i32 to vector<16xi32>
      %sub3A_549 = arith.subi %get3A_547, %sub3A_548 : vector<16xi32>
      %ge3A_550 = arith.constant 0 : i32
      %ge3A_551 = vector.broadcast %ge3A_550 : i32 to vector<16xi32>
      %ge3A_552 = arith.cmpi sge, %sub3A_549, %ge3A_551 : vector<16xi32>
      %lt3A_553 = arith.constant 36864 : i32
      %lt3A_554 = vector.broadcast %lt3A_553 : i32 to vector<16xi32>
      %lt3A_555 = arith.cmpi slt, %sub3A_549, %lt3A_554 : vector<16xi32>
      %and3A_556 = arith.andi %ge3A_552, %lt3A_555 : vector<16xi1>
      %mul3A_557 = arith.constant 128 : i32
      %mul3A_558 = arith.muli %arg1, %mul3A_557 : i32
      %mul3A_559 = arith.constant 512 : i32
      %mul3A_560 = arith.muli %scan3A_140, %mul3A_559 : i32
      %add3A_561 = arith.addi %mul3A_558, %mul3A_560 : i32
      %add3A_562 = arith.constant 208 : i32
      %add3A_563 = arith.addi %add3A_561, %add3A_562 : i32
      %and3A_564 = arith.constant 2047 : i32
      %and3A_565 = arith.andi %add3A_563, %and3A_564 : i32
      %add3A_566 = arith.constant 36864 : i32
      %add3A_567 = arith.addi %add3A_566, %and3A_565 : i32
      %add3A_568 = vector.broadcast %add3A_567 : i32 to vector<16xi32>
      %add3A_569 = arith.addi %add3A_568, %iota3A : vector<16xi32>
      %select_n3A_570 = arith.select %and3A_556, %sub3A_549, %add3A_569 : vector<16xi1>, vector<16xi32>
      %swap3A_571 = arith.constant 80 : index
      %swap3A_572 = tpu.vector_load %arg9[%swap3A_571] {strides = array<i32>} : memref<128xi32, #tpu.memory_space<vmem>>, vector<16xi32>,
      tpu.vector_store %arg9[%swap3A_571], %select_n3A_570 {strides = array<i32>} : memref<128xi32, #tpu.memory_space<vmem>>, vector<16xi32>,
      %mul3A_573 = arith.constant 512 : i32
      %mul3A_574 = arith.muli %scan3A_140, %mul3A_573 : i32
      %add3A_575 = arith.constant 224 : i32
      %add3A_576 = arith.addi %mul3A_574, %add3A_575 : i32
      %get3A_577 = arith.index_cast %add3A_576 : i32 to index
      %get3A_578 = tpu.vector_load %arg6[%get3A_577] {strides = array<i32>} : memref<7680xi32, #tpu.memory_space<vmem>>, vector<16xi32>,
      %sub3A_579 = vector.broadcast %mul3A_105 : i32 to vector<16xi32>
      %sub3A_580 = arith.subi %get3A_578, %sub3A_579 : vector<16xi32>
      %ge3A_581 = arith.constant 0 : i32
      %ge3A_582 = vector.broadcast %ge3A_581 : i32 to vector<16xi32>
      %ge3A_583 = arith.cmpi sge, %sub3A_580, %ge3A_582 : vector<16xi32>
      %lt3A_584 = arith.constant 36864 : i32
      %lt3A_585 = vector.broadcast %lt3A_584 : i32 to vector<16xi32>
      %lt3A_586 = arith.cmpi slt, %sub3A_580, %lt3A_585 : vector<16xi32>
      %and3A_587 = arith.andi %ge3A_583, %lt3A_586 : vector<16xi1>
      %mul3A_588 = arith.constant 128 : i32
      %mul3A_589 = arith.muli %arg1, %mul3A_588 : i32
      %mul3A_590 = arith.constant 512 : i32
      %mul3A_591 = arith.muli %scan3A_140, %mul3A_590 : i32
      %add3A_592 = arith.addi %mul3A_589, %mul3A_591 : i32
      %add3A_593 = arith.constant 224 : i32
      %add3A_594 = arith.addi %add3A_592, %add3A_593 : i32
      %and3A_595 = arith.constant 2047 : i32
      %and3A_596 = arith.andi %add3A_594, %and3A_595 : i32
      %add3A_597 = arith.constant 36864 : i32
      %add3A_598 = arith.addi %add3A_597, %and3A_596 : i32
      %add3A_599 = vector.broadcast %add3A_598 : i32 to vector<16xi32>
      %add3A_600 = arith.addi %add3A_599, %iota3A : vector<16xi32>
      %select_n3A_601 = arith.select %and3A_587, %sub3A_580, %add3A_600 : vector<16xi1>, vector<16xi32>
      %swap3A_602 = arith.constant 96 : index
      %swap3A_603 = tpu.vector_load %arg9[%swap3A_602] {strides = array<i32>} : memref<128xi32, #tpu.memory_space<vmem>>, vector<16xi32>,
      tpu.vector_store %arg9[%swap3A_602], %select_n3A_601 {strides = array<i32>} : memref<128xi32, #tpu.memory_space<vmem>>, vector<16xi32>,
      %mul3A_604 = arith.constant 512 : i32
      %mul3A_605 = arith.muli %scan3A_140, %mul3A_604 : i32
      %add3A_606 = arith.constant 240 : i32
      %add3A_607 = arith.addi %mul3A_605, %add3A_606 : i32
      %get3A_608 = arith.index_cast %add3A_607 : i32 to index
      %get3A_609 = tpu.vector_load %arg6[%get3A_608] {strides = array<i32>} : memref<7680xi32, #tpu.memory_space<vmem>>, vector<16xi32>,
      %sub3A_610 = vector.broadcast %mul3A_105 : i32 to vector<16xi32>
      %sub3A_611 = arith.subi %get3A_609, %sub3A_610 : vector<16xi32>
      %ge3A_612 = arith.constant 0 : i32
      %ge3A_613 = vector.broadcast %ge3A_612 : i32 to vector<16xi32>
      %ge3A_614 = arith.cmpi sge, %sub3A_611, %ge3A_613 : vector<16xi32>
      %lt3A_615 = arith.constant 36864 : i32
      %lt3A_616 = vector.broadcast %lt3A_615 : i32 to vector<16xi32>
      %lt3A_617 = arith.cmpi slt, %sub3A_611, %lt3A_616 : vector<16xi32>
      %and3A_618 = arith.andi %ge3A_614, %lt3A_617 : vector<16xi1>
      %mul3A_619 = arith.constant 128 : i32
      %mul3A_620 = arith.muli %arg1, %mul3A_619 : i32
      %mul3A_621 = arith.constant 512 : i32
      %mul3A_622 = arith.muli %scan3A_140, %mul3A_621 : i32
      %add3A_623 = arith.addi %mul3A_620, %mul3A_622 : i32
      %add3A_624 = arith.constant 240 : i32
      %add3A_625 = arith.addi %add3A_623, %add3A_624 : i32
      %and3A_626 = arith.constant 2047 : i32
      %and3A_627 = arith.andi %add3A_625, %and3A_626 : i32
      %add3A_628 = arith.constant 36864 : i32
      %add3A_629 = arith.addi %add3A_628, %and3A_627 : i32
      %add3A_630 = vector.broadcast %add3A_629 : i32 to vector<16xi32>
      %add3A_631 = arith.addi %add3A_630, %iota3A : vector<16xi32>
      %select_n3A_632 = arith.select %and3A_618, %sub3A_611, %add3A_631 : vector<16xi1>, vector<16xi32>
      %swap3A_633 = arith.constant 112 : index
      %swap3A_634 = tpu.vector_load %arg9[%swap3A_633] {strides = array<i32>} : memref<128xi32, #tpu.memory_space<vmem>>, vector<16xi32>,
      tpu.vector_store %arg9[%swap3A_633], %select_n3A_632 {strides = array<i32>} : memref<128xi32, #tpu.memory_space<vmem>>, vector<16xi32>,
      %mul3A_635 = arith.constant 512 : i32
      %mul3A_636 = arith.muli %scan3A_140, %mul3A_635 : i32
      %add3A_637 = arith.constant 256 : i32
      %add3A_638 = arith.addi %mul3A_636, %add3A_637 : i32
      %get3A_639 = arith.index_cast %add3A_638 : i32 to index
      %get3A_640 = tpu.vector_load %arg6[%get3A_639] {strides = array<i32>} : memref<7680xi32, #tpu.memory_space<vmem>>, vector<16xi32>,
      %sub3A_641 = vector.broadcast %mul3A_105 : i32 to vector<16xi32>
      %sub3A_642 = arith.subi %get3A_640, %sub3A_641 : vector<16xi32>
      %ge3A_643 = arith.constant 0 : i32
      %ge3A_644 = vector.broadcast %ge3A_643 : i32 to vector<16xi32>
      %ge3A_645 = arith.cmpi sge, %sub3A_642, %ge3A_644 : vector<16xi32>
      %lt3A_646 = arith.constant 36864 : i32
      %lt3A_647 = vector.broadcast %lt3A_646 : i32 to vector<16xi32>
      %lt3A_648 = arith.cmpi slt, %sub3A_642, %lt3A_647 : vector<16xi32>
      %and3A_649 = arith.andi %ge3A_645, %lt3A_648 : vector<16xi1>
      %mul3A_650 = arith.constant 128 : i32
      %mul3A_651 = arith.muli %arg1, %mul3A_650 : i32
      %mul3A_652 = arith.constant 512 : i32
      %mul3A_653 = arith.muli %scan3A_140, %mul3A_652 : i32
      %add3A_654 = arith.addi %mul3A_651, %mul3A_653 : i32
      %add3A_655 = arith.constant 256 : i32
      %add3A_656 = arith.addi %add3A_654, %add3A_655 : i32
      %and3A_657 = arith.constant 2047 : i32
      %and3A_658 = arith.andi %add3A_656, %and3A_657 : i32
      %add3A_659 = arith.constant 36864 : i32
      %add3A_660 = arith.addi %add3A_659, %and3A_658 : i32
      %add3A_661 = vector.broadcast %add3A_660 : i32 to vector<16xi32>
      %add3A_662 = arith.addi %add3A_661, %iota3A : vector<16xi32>
      %select_n3A_663 = arith.select %and3A_649, %sub3A_642, %add3A_662 : vector<16xi1>, vector<16xi32>
      %swap3A_664 = arith.constant 0 : index
      %swap3A_665 = tpu.vector_load %arg10[%swap3A_664] {strides = array<i32>} : memref<128xi32, #tpu.memory_space<vmem>>, vector<16xi32>,
      tpu.vector_store %arg10[%swap3A_664], %select_n3A_663 {strides = array<i32>} : memref<128xi32, #tpu.memory_space<vmem>>, vector<16xi32>,
      %mul3A_666 = arith.constant 512 : i32
      %mul3A_667 = arith.muli %scan3A_140, %mul3A_666 : i32
      %add3A_668 = arith.constant 272 : i32
      %add3A_669 = arith.addi %mul3A_667, %add3A_668 : i32
      %get3A_670 = arith.index_cast %add3A_669 : i32 to index
      %get3A_671 = tpu.vector_load %arg6[%get3A_670] {strides = array<i32>} : memref<7680xi32, #tpu.memory_space<vmem>>, vector<16xi32>,
      %sub3A_672 = vector.broadcast %mul3A_105 : i32 to vector<16xi32>
      %sub3A_673 = arith.subi %get3A_671, %sub3A_672 : vector<16xi32>
      %ge3A_674 = arith.constant 0 : i32
      %ge3A_675 = vector.broadcast %ge3A_674 : i32 to vector<16xi32>
      %ge3A_676 = arith.cmpi sge, %sub3A_673, %ge3A_675 : vector<16xi32>
      %lt3A_677 = arith.constant 36864 : i32
      %lt3A_678 = vector.broadcast %lt3A_677 : i32 to vector<16xi32>
      %lt3A_679 = arith.cmpi slt, %sub3A_673, %lt3A_678 : vector<16xi32>
      %and3A_680 = arith.andi %ge3A_676, %lt3A_679 : vector<16xi1>
      %mul3A_681 = arith.constant 128 : i32
      %mul3A_682 = arith.muli %arg1, %mul3A_681 : i32
      %mul3A_683 = arith.constant 512 : i32
      %mul3A_684 = arith.muli %scan3A_140, %mul3A_683 : i32
      %add3A_685 = arith.addi %mul3A_682, %mul3A_684 : i32
      %add3A_686 = arith.constant 272 : i32
      %add3A_687 = arith.addi %add3A_685, %add3A_686 : i32
      %and3A_688 = arith.constant 2047 : i32
      %and3A_689 = arith.andi %add3A_687, %and3A_688 : i32
      %add3A_690 = arith.constant 36864 : i32
      %add3A_691 = arith.addi %add3A_690, %and3A_689 : i32
      %add3A_692 = vector.broadcast %add3A_691 : i32 to vector<16xi32>
      %add3A_693 = arith.addi %add3A_692, %iota3A : vector<16xi32>
      %select_n3A_694 = arith.select %and3A_680, %sub3A_673, %add3A_693 : vector<16xi1>, vector<16xi32>
      %swap3A_695 = arith.constant 16 : index
      %swap3A_696 = tpu.vector_load %arg10[%swap3A_695] {strides = array<i32>} : memref<128xi32, #tpu.memory_space<vmem>>, vector<16xi32>,
      tpu.vector_store %arg10[%swap3A_695], %select_n3A_694 {strides = array<i32>} : memref<128xi32, #tpu.memory_space<vmem>>, vector<16xi32>,
      %mul3A_697 = arith.constant 512 : i32
      %mul3A_698 = arith.muli %scan3A_140, %mul3A_697 : i32
      %add3A_699 = arith.constant 288 : i32
      %add3A_700 = arith.addi %mul3A_698, %add3A_699 : i32
      %get3A_701 = arith.index_cast %add3A_700 : i32 to index
      %get3A_702 = tpu.vector_load %arg6[%get3A_701] {strides = array<i32>} : memref<7680xi32, #tpu.memory_space<vmem>>, vector<16xi32>,
      %sub3A_703 = vector.broadcast %mul3A_105 : i32 to vector<16xi32>
      %sub3A_704 = arith.subi %get3A_702, %sub3A_703 : vector<16xi32>
      %ge3A_705 = arith.constant 0 : i32
      %ge3A_706 = vector.broadcast %ge3A_705 : i32 to vector<16xi32>
      %ge3A_707 = arith.cmpi sge, %sub3A_704, %ge3A_706 : vector<16xi32>
      %lt3A_708 = arith.constant 36864 : i32
      %lt3A_709 = vector.broadcast %lt3A_708 : i32 to vector<16xi32>
      %lt3A_710 = arith.cmpi slt, %sub3A_704, %lt3A_709 : vector<16xi32>
      %and3A_711 = arith.andi %ge3A_707, %lt3A_710 : vector<16xi1>
      %mul3A_712 = arith.constant 128 : i32
      %mul3A_713 = arith.muli %arg1, %mul3A_712 : i32
      %mul3A_714 = arith.constant 512 : i32
      %mul3A_715 = arith.muli %scan3A_140, %mul3A_714 : i32
      %add3A_716 = arith.addi %mul3A_713, %mul3A_715 : i32
      %add3A_717 = arith.constant 288 : i32
      %add3A_718 = arith.addi %add3A_716, %add3A_717 : i32
      %and3A_719 = arith.constant 2047 : i32
      %and3A_720 = arith.andi %add3A_718, %and3A_719 : i32
      %add3A_721 = arith.constant 36864 : i32
      %add3A_722 = arith.addi %add3A_721, %and3A_720 : i32
      %add3A_723 = vector.broadcast %add3A_722 : i32 to vector<16xi32>
      %add3A_724 = arith.addi %add3A_723, %iota3A : vector<16xi32>
      %select_n3A_725 = arith.select %and3A_711, %sub3A_704, %add3A_724 : vector<16xi1>, vector<16xi32>
      %swap3A_726 = arith.constant 32 : index
      %swap3A_727 = tpu.vector_load %arg10[%swap3A_726] {strides = array<i32>} : memref<128xi32, #tpu.memory_space<vmem>>, vector<16xi32>,
      tpu.vector_store %arg10[%swap3A_726], %select_n3A_725 {strides = array<i32>} : memref<128xi32, #tpu.memory_space<vmem>>, vector<16xi32>,
      %mul3A_728 = arith.constant 512 : i32
      %mul3A_729 = arith.muli %scan3A_140, %mul3A_728 : i32
      %add3A_730 = arith.constant 304 : i32
      %add3A_731 = arith.addi %mul3A_729, %add3A_730 : i32
      %get3A_732 = arith.index_cast %add3A_731 : i32 to index
      %get3A_733 = tpu.vector_load %arg6[%get3A_732] {strides = array<i32>} : memref<7680xi32, #tpu.memory_space<vmem>>, vector<16xi32>,
      %sub3A_734 = vector.broadcast %mul3A_105 : i32 to vector<16xi32>
      %sub3A_735 = arith.subi %get3A_733, %sub3A_734 : vector<16xi32>
      %ge3A_736 = arith.constant 0 : i32
      %ge3A_737 = vector.broadcast %ge3A_736 : i32 to vector<16xi32>
      %ge3A_738 = arith.cmpi sge, %sub3A_735, %ge3A_737 : vector<16xi32>
      %lt3A_739 = arith.constant 36864 : i32
      %lt3A_740 = vector.broadcast %lt3A_739 : i32 to vector<16xi32>
      %lt3A_741 = arith.cmpi slt, %sub3A_735, %lt3A_740 : vector<16xi32>
      %and3A_742 = arith.andi %ge3A_738, %lt3A_741 : vector<16xi1>
      %mul3A_743 = arith.constant 128 : i32
      %mul3A_744 = arith.muli %arg1, %mul3A_743 : i32
      %mul3A_745 = arith.constant 512 : i32
      %mul3A_746 = arith.muli %scan3A_140, %mul3A_745 : i32
      %add3A_747 = arith.addi %mul3A_744, %mul3A_746 : i32
      %add3A_748 = arith.constant 304 : i32
      %add3A_749 = arith.addi %add3A_747, %add3A_748 : i32
      %and3A_750 = arith.constant 2047 : i32
      %and3A_751 = arith.andi %add3A_749, %and3A_750 : i32
      %add3A_752 = arith.constant 36864 : i32
      %add3A_753 = arith.addi %add3A_752, %and3A_751 : i32
      %add3A_754 = vector.broadcast %add3A_753 : i32 to vector<16xi32>
      %add3A_755 = arith.addi %add3A_754, %iota3A : vector<16xi32>
      %select_n3A_756 = arith.select %and3A_742, %sub3A_735, %add3A_755 : vector<16xi1>, vector<16xi32>
      %swap3A_757 = arith.constant 48 : index
      %swap3A_758 = tpu.vector_load %arg10[%swap3A_757] {strides = array<i32>} : memref<128xi32, #tpu.memory_space<vmem>>, vector<16xi32>,
      tpu.vector_store %arg10[%swap3A_757], %select_n3A_756 {strides = array<i32>} : memref<128xi32, #tpu.memory_space<vmem>>, vector<16xi32>,
      %mul3A_759 = arith.constant 512 : i32
      %mul3A_760 = arith.muli %scan3A_140, %mul3A_759 : i32
      %add3A_761 = arith.constant 320 : i32
      %add3A_762 = arith.addi %mul3A_760, %add3A_761 : i32
      %get3A_763 = arith.index_cast %add3A_762 : i32 to index
      %get3A_764 = tpu.vector_load %arg6[%get3A_763] {strides = array<i32>} : memref<7680xi32, #tpu.memory_space<vmem>>, vector<16xi32>,
      %sub3A_765 = vector.broadcast %mul3A_105 : i32 to vector<16xi32>
      %sub3A_766 = arith.subi %get3A_764, %sub3A_765 : vector<16xi32>
      %ge3A_767 = arith.constant 0 : i32
      %ge3A_768 = vector.broadcast %ge3A_767 : i32 to vector<16xi32>
      %ge3A_769 = arith.cmpi sge, %sub3A_766, %ge3A_768 : vector<16xi32>
      %lt3A_770 = arith.constant 36864 : i32
      %lt3A_771 = vector.broadcast %lt3A_770 : i32 to vector<16xi32>
      %lt3A_772 = arith.cmpi slt, %sub3A_766, %lt3A_771 : vector<16xi32>
      %and3A_773 = arith.andi %ge3A_769, %lt3A_772 : vector<16xi1>
      %mul3A_774 = arith.constant 128 : i32
      %mul3A_775 = arith.muli %arg1, %mul3A_774 : i32
      %mul3A_776 = arith.constant 512 : i32
      %mul3A_777 = arith.muli %scan3A_140, %mul3A_776 : i32
      %add3A_778 = arith.addi %mul3A_775, %mul3A_777 : i32
      %add3A_779 = arith.constant 320 : i32
      %add3A_780 = arith.addi %add3A_778, %add3A_779 : i32
      %and3A_781 = arith.constant 2047 : i32
      %and3A_782 = arith.andi %add3A_780, %and3A_781 : i32
      %add3A_783 = arith.constant 36864 : i32
      %add3A_784 = arith.addi %add3A_783, %and3A_782 : i32
      %add3A_785 = vector.broadcast %add3A_784 : i32 to vector<16xi32>
      %add3A_786 = arith.addi %add3A_785, %iota3A : vector<16xi32>
      %select_n3A_787 = arith.select %and3A_773, %sub3A_766, %add3A_786 : vector<16xi1>, vector<16xi32>
      %swap3A_788 = arith.constant 64 : index
      %swap3A_789 = tpu.vector_load %arg10[%swap3A_788] {strides = array<i32>} : memref<128xi32, #tpu.memory_space<vmem>>, vector<16xi32>,
      tpu.vector_store %arg10[%swap3A_788], %select_n3A_787 {strides = array<i32>} : memref<128xi32, #tpu.memory_space<vmem>>, vector<16xi32>,
      %mul3A_790 = arith.constant 512 : i32
      %mul3A_791 = arith.muli %scan3A_140, %mul3A_790 : i32
      %add3A_792 = arith.constant 336 : i32
      %add3A_793 = arith.addi %mul3A_791, %add3A_792 : i32
      %get3A_794 = arith.index_cast %add3A_793 : i32 to index
      %get3A_795 = tpu.vector_load %arg6[%get3A_794] {strides = array<i32>} : memref<7680xi32, #tpu.memory_space<vmem>>, vector<16xi32>,
      %sub3A_796 = vector.broadcast %mul3A_105 : i32 to vector<16xi32>
      %sub3A_797 = arith.subi %get3A_795, %sub3A_796 : vector<16xi32>
      %ge3A_798 = arith.constant 0 : i32
      %ge3A_799 = vector.broadcast %ge3A_798 : i32 to vector<16xi32>
      %ge3A_800 = arith.cmpi sge, %sub3A_797, %ge3A_799 : vector<16xi32>
      %lt3A_801 = arith.constant 36864 : i32
      %lt3A_802 = vector.broadcast %lt3A_801 : i32 to vector<16xi32>
      %lt3A_803 = arith.cmpi slt, %sub3A_797, %lt3A_802 : vector<16xi32>
      %and3A_804 = arith.andi %ge3A_800, %lt3A_803 : vector<16xi1>
      %mul3A_805 = arith.constant 128 : i32
      %mul3A_806 = arith.muli %arg1, %mul3A_805 : i32
      %mul3A_807 = arith.constant 512 : i32
      %mul3A_808 = arith.muli %scan3A_140, %mul3A_807 : i32
      %add3A_809 = arith.addi %mul3A_806, %mul3A_808 : i32
      %add3A_810 = arith.constant 336 : i32
      %add3A_811 = arith.addi %add3A_809, %add3A_810 : i32
      %and3A_812 = arith.constant 2047 : i32
      %and3A_813 = arith.andi %add3A_811, %and3A_812 : i32
      %add3A_814 = arith.constant 36864 : i32
      %add3A_815 = arith.addi %add3A_814, %and3A_813 : i32
      %add3A_816 = vector.broadcast %add3A_815 : i32 to vector<16xi32>
      %add3A_817 = arith.addi %add3A_816, %iota3A : vector<16xi32>
      %select_n3A_818 = arith.select %and3A_804, %sub3A_797, %add3A_817 : vector<16xi1>, vector<16xi32>
      %swap3A_819 = arith.constant 80 : index
      %swap3A_820 = tpu.vector_load %arg10[%swap3A_819] {strides = array<i32>} : memref<128xi32, #tpu.memory_space<vmem>>, vector<16xi32>,
      tpu.vector_store %arg10[%swap3A_819], %select_n3A_818 {strides = array<i32>} : memref<128xi32, #tpu.memory_space<vmem>>, vector<16xi32>,
      %mul3A_821 = arith.constant 512 : i32
      %mul3A_822 = arith.muli %scan3A_140, %mul3A_821 : i32
      %add3A_823 = arith.constant 352 : i32
      %add3A_824 = arith.addi %mul3A_822, %add3A_823 : i32
      %get3A_825 = arith.index_cast %add3A_824 : i32 to index
      %get3A_826 = tpu.vector_load %arg6[%get3A_825] {strides = array<i32>} : memref<7680xi32, #tpu.memory_space<vmem>>, vector<16xi32>,
      %sub3A_827 = vector.broadcast %mul3A_105 : i32 to vector<16xi32>
      %sub3A_828 = arith.subi %get3A_826, %sub3A_827 : vector<16xi32>
      %ge3A_829 = arith.constant 0 : i32
      %ge3A_830 = vector.broadcast %ge3A_829 : i32 to vector<16xi32>
      %ge3A_831 = arith.cmpi sge, %sub3A_828, %ge3A_830 : vector<16xi32>
      %lt3A_832 = arith.constant 36864 : i32
      %lt3A_833 = vector.broadcast %lt3A_832 : i32 to vector<16xi32>
      %lt3A_834 = arith.cmpi slt, %sub3A_828, %lt3A_833 : vector<16xi32>
      %and3A_835 = arith.andi %ge3A_831, %lt3A_834 : vector<16xi1>
      %mul3A_836 = arith.constant 128 : i32
      %mul3A_837 = arith.muli %arg1, %mul3A_836 : i32
      %mul3A_838 = arith.constant 512 : i32
      %mul3A_839 = arith.muli %scan3A_140, %mul3A_838 : i32
      %add3A_840 = arith.addi %mul3A_837, %mul3A_839 : i32
      %add3A_841 = arith.constant 352 : i32
      %add3A_842 = arith.addi %add3A_840, %add3A_841 : i32
      %and3A_843 = arith.constant 2047 : i32
      %and3A_844 = arith.andi %add3A_842, %and3A_843 : i32
      %add3A_845 = arith.constant 36864 : i32
      %add3A_846 = arith.addi %add3A_845, %and3A_844 : i32
      %add3A_847 = vector.broadcast %add3A_846 : i32 to vector<16xi32>
      %add3A_848 = arith.addi %add3A_847, %iota3A : vector<16xi32>
      %select_n3A_849 = arith.select %and3A_835, %sub3A_828, %add3A_848 : vector<16xi1>, vector<16xi32>
      %swap3A_850 = arith.constant 96 : index
      %swap3A_851 = tpu.vector_load %arg10[%swap3A_850] {strides = array<i32>} : memref<128xi32, #tpu.memory_space<vmem>>, vector<16xi32>,
      tpu.vector_store %arg10[%swap3A_850], %select_n3A_849 {strides = array<i32>} : memref<128xi32, #tpu.memory_space<vmem>>, vector<16xi32>,
      %mul3A_852 = arith.constant 512 : i32
      %mul3A_853 = arith.muli %scan3A_140, %mul3A_852 : i32
      %add3A_854 = arith.constant 368 : i32
      %add3A_855 = arith.addi %mul3A_853, %add3A_854 : i32
      %get3A_856 = arith.index_cast %add3A_855 : i32 to index
      %get3A_857 = tpu.vector_load %arg6[%get3A_856] {strides = array<i32>} : memref<7680xi32, #tpu.memory_space<vmem>>, vector<16xi32>,
      %sub3A_858 = vector.broadcast %mul3A_105 : i32 to vector<16xi32>
      %sub3A_859 = arith.subi %get3A_857, %sub3A_858 : vector<16xi32>
      %ge3A_860 = arith.constant 0 : i32
      %ge3A_861 = vector.broadcast %ge3A_860 : i32 to vector<16xi32>
      %ge3A_862 = arith.cmpi sge, %sub3A_859, %ge3A_861 : vector<16xi32>
      %lt3A_863 = arith.constant 36864 : i32
      %lt3A_864 = vector.broadcast %lt3A_863 : i32 to vector<16xi32>
      %lt3A_865 = arith.cmpi slt, %sub3A_859, %lt3A_864 : vector<16xi32>
      %and3A_866 = arith.andi %ge3A_862, %lt3A_865 : vector<16xi1>
      %mul3A_867 = arith.constant 128 : i32
      %mul3A_868 = arith.muli %arg1, %mul3A_867 : i32
      %mul3A_869 = arith.constant 512 : i32
      %mul3A_870 = arith.muli %scan3A_140, %mul3A_869 : i32
      %add3A_871 = arith.addi %mul3A_868, %mul3A_870 : i32
      %add3A_872 = arith.constant 368 : i32
      %add3A_873 = arith.addi %add3A_871, %add3A_872 : i32
      %and3A_874 = arith.constant 2047 : i32
      %and3A_875 = arith.andi %add3A_873, %and3A_874 : i32
      %add3A_876 = arith.constant 36864 : i32
      %add3A_877 = arith.addi %add3A_876, %and3A_875 : i32
      %add3A_878 = vector.broadcast %add3A_877 : i32 to vector<16xi32>
      %add3A_879 = arith.addi %add3A_878, %iota3A : vector<16xi32>
      %select_n3A_880 = arith.select %and3A_866, %sub3A_859, %add3A_879 : vector<16xi1>, vector<16xi32>
      %swap3A_881 = arith.constant 112 : index
      %swap3A_882 = tpu.vector_load %arg10[%swap3A_881] {strides = array<i32>} : memref<128xi32, #tpu.memory_space<vmem>>, vector<16xi32>,
      tpu.vector_store %arg10[%swap3A_881], %select_n3A_880 {strides = array<i32>} : memref<128xi32, #tpu.memory_space<vmem>>, vector<16xi32>,
      %mul3A_883 = arith.constant 512 : i32
      %mul3A_884 = arith.muli %scan3A_140, %mul3A_883 : i32
      %add3A_885 = arith.constant 384 : i32
      %add3A_886 = arith.addi %mul3A_884, %add3A_885 : i32
      %get3A_887 = arith.index_cast %add3A_886 : i32 to index
      %get3A_888 = tpu.vector_load %arg6[%get3A_887] {strides = array<i32>} : memref<7680xi32, #tpu.memory_space<vmem>>, vector<16xi32>,
      %sub3A_889 = vector.broadcast %mul3A_105 : i32 to vector<16xi32>
      %sub3A_890 = arith.subi %get3A_888, %sub3A_889 : vector<16xi32>
      %ge3A_891 = arith.constant 0 : i32
      %ge3A_892 = vector.broadcast %ge3A_891 : i32 to vector<16xi32>
      %ge3A_893 = arith.cmpi sge, %sub3A_890, %ge3A_892 : vector<16xi32>
      %lt3A_894 = arith.constant 36864 : i32
      %lt3A_895 = vector.broadcast %lt3A_894 : i32 to vector<16xi32>
      %lt3A_896 = arith.cmpi slt, %sub3A_890, %lt3A_895 : vector<16xi32>
      %and3A_897 = arith.andi %ge3A_893, %lt3A_896 : vector<16xi1>
      %mul3A_898 = arith.constant 128 : i32
      %mul3A_899 = arith.muli %arg1, %mul3A_898 : i32
      %mul3A_900 = arith.constant 512 : i32
      %mul3A_901 = arith.muli %scan3A_140, %mul3A_900 : i32
      %add3A_902 = arith.addi %mul3A_899, %mul3A_901 : i32
      %add3A_903 = arith.constant 384 : i32
      %add3A_904 = arith.addi %add3A_902, %add3A_903 : i32
      %and3A_905 = arith.constant 2047 : i32
      %and3A_906 = arith.andi %add3A_904, %and3A_905 : i32
      %add3A_907 = arith.constant 36864 : i32
      %add3A_908 = arith.addi %add3A_907, %and3A_906 : i32
      %add3A_909 = vector.broadcast %add3A_908 : i32 to vector<16xi32>
      %add3A_910 = arith.addi %add3A_909, %iota3A : vector<16xi32>
      %select_n3A_911 = arith.select %and3A_897, %sub3A_890, %add3A_910 : vector<16xi1>, vector<16xi32>
      %swap3A_912 = arith.constant 0 : index
      %swap3A_913 = tpu.vector_load %arg11[%swap3A_912] {strides = array<i32>} : memref<128xi32, #tpu.memory_space<vmem>>, vector<16xi32>,
      tpu.vector_store %arg11[%swap3A_912], %select_n3A_911 {strides = array<i32>} : memref<128xi32, #tpu.memory_space<vmem>>, vector<16xi32>,
      %mul3A_914 = arith.constant 512 : i32
      %mul3A_915 = arith.muli %scan3A_140, %mul3A_914 : i32
      %add3A_916 = arith.constant 400 : i32
      %add3A_917 = arith.addi %mul3A_915, %add3A_916 : i32
      %get3A_918 = arith.index_cast %add3A_917 : i32 to index
      %get3A_919 = tpu.vector_load %arg6[%get3A_918] {strides = array<i32>} : memref<7680xi32, #tpu.memory_space<vmem>>, vector<16xi32>,
      %sub3A_920 = vector.broadcast %mul3A_105 : i32 to vector<16xi32>
      %sub3A_921 = arith.subi %get3A_919, %sub3A_920 : vector<16xi32>
      %ge3A_922 = arith.constant 0 : i32
      %ge3A_923 = vector.broadcast %ge3A_922 : i32 to vector<16xi32>
      %ge3A_924 = arith.cmpi sge, %sub3A_921, %ge3A_923 : vector<16xi32>
      %lt3A_925 = arith.constant 36864 : i32
      %lt3A_926 = vector.broadcast %lt3A_925 : i32 to vector<16xi32>
      %lt3A_927 = arith.cmpi slt, %sub3A_921, %lt3A_926 : vector<16xi32>
      %and3A_928 = arith.andi %ge3A_924, %lt3A_927 : vector<16xi1>
      %mul3A_929 = arith.constant 128 : i32
      %mul3A_930 = arith.muli %arg1, %mul3A_929 : i32
      %mul3A_931 = arith.constant 512 : i32
      %mul3A_932 = arith.muli %scan3A_140, %mul3A_931 : i32
      %add3A_933 = arith.addi %mul3A_930, %mul3A_932 : i32
      %add3A_934 = arith.constant 400 : i32
      %add3A_935 = arith.addi %add3A_933, %add3A_934 : i32
      %and3A_936 = arith.constant 2047 : i32
      %and3A_937 = arith.andi %add3A_935, %and3A_936 : i32
      %add3A_938 = arith.constant 36864 : i32
      %add3A_939 = arith.addi %add3A_938, %and3A_937 : i32
      %add3A_940 = vector.broadcast %add3A_939 : i32 to vector<16xi32>
      %add3A_941 = arith.addi %add3A_940, %iota3A : vector<16xi32>
      %select_n3A_942 = arith.select %and3A_928, %sub3A_921, %add3A_941 : vector<16xi1>, vector<16xi32>
      %swap3A_943 = arith.constant 16 : index
      %swap3A_944 = tpu.vector_load %arg11[%swap3A_943] {strides = array<i32>} : memref<128xi32, #tpu.memory_space<vmem>>, vector<16xi32>,
      tpu.vector_store %arg11[%swap3A_943], %select_n3A_942 {strides = array<i32>} : memref<128xi32, #tpu.memory_space<vmem>>, vector<16xi32>,
      %mul3A_945 = arith.constant 512 : i32
      %mul3A_946 = arith.muli %scan3A_140, %mul3A_945 : i32
      %add3A_947 = arith.constant 416 : i32
      %add3A_948 = arith.addi %mul3A_946, %add3A_947 : i32
      %get3A_949 = arith.index_cast %add3A_948 : i32 to index
      %get3A_950 = tpu.vector_load %arg6[%get3A_949] {strides = array<i32>} : memref<7680xi32, #tpu.memory_space<vmem>>, vector<16xi32>,
      %sub3A_951 = vector.broadcast %mul3A_105 : i32 to vector<16xi32>
      %sub3A_952 = arith.subi %get3A_950, %sub3A_951 : vector<16xi32>
      %ge3A_953 = arith.constant 0 : i32
      %ge3A_954 = vector.broadcast %ge3A_953 : i32 to vector<16xi32>
      %ge3A_955 = arith.cmpi sge, %sub3A_952, %ge3A_954 : vector<16xi32>
      %lt3A_956 = arith.constant 36864 : i32
      %lt3A_957 = vector.broadcast %lt3A_956 : i32 to vector<16xi32>
      %lt3A_958 = arith.cmpi slt, %sub3A_952, %lt3A_957 : vector<16xi32>
      %and3A_959 = arith.andi %ge3A_955, %lt3A_958 : vector<16xi1>
      %mul3A_960 = arith.constant 128 : i32
      %mul3A_961 = arith.muli %arg1, %mul3A_960 : i32
      %mul3A_962 = arith.constant 512 : i32
      %mul3A_963 = arith.muli %scan3A_140, %mul3A_962 : i32
      %add3A_964 = arith.addi %mul3A_961, %mul3A_963 : i32
      %add3A_965 = arith.constant 416 : i32
      %add3A_966 = arith.addi %add3A_964, %add3A_965 : i32
      %and3A_967 = arith.constant 2047 : i32
      %and3A_968 = arith.andi %add3A_966, %and3A_967 : i32
      %add3A_969 = arith.constant 36864 : i32
      %add3A_970 = arith.addi %add3A_969, %and3A_968 : i32
      %add3A_971 = vector.broadcast %add3A_970 : i32 to vector<16xi32>
      %add3A_972 = arith.addi %add3A_971, %iota3A : vector<16xi32>
      %select_n3A_973 = arith.select %and3A_959, %sub3A_952, %add3A_972 : vector<16xi1>, vector<16xi32>
      %swap3A_974 = arith.constant 32 : index
      %swap3A_975 = tpu.vector_load %arg11[%swap3A_974] {strides = array<i32>} : memref<128xi32, #tpu.memory_space<vmem>>, vector<16xi32>,
      tpu.vector_store %arg11[%swap3A_974], %select_n3A_973 {strides = array<i32>} : memref<128xi32, #tpu.memory_space<vmem>>, vector<16xi32>,
      %mul3A_976 = arith.constant 512 : i32
      %mul3A_977 = arith.muli %scan3A_140, %mul3A_976 : i32
      %add3A_978 = arith.constant 432 : i32
      %add3A_979 = arith.addi %mul3A_977, %add3A_978 : i32
      %get3A_980 = arith.index_cast %add3A_979 : i32 to index
      %get3A_981 = tpu.vector_load %arg6[%get3A_980] {strides = array<i32>} : memref<7680xi32, #tpu.memory_space<vmem>>, vector<16xi32>,
      %sub3A_982 = vector.broadcast %mul3A_105 : i32 to vector<16xi32>
      %sub3A_983 = arith.subi %get3A_981, %sub3A_982 : vector<16xi32>
      %ge3A_984 = arith.constant 0 : i32
      %ge3A_985 = vector.broadcast %ge3A_984 : i32 to vector<16xi32>
      %ge3A_986 = arith.cmpi sge, %sub3A_983, %ge3A_985 : vector<16xi32>
      %lt3A_987 = arith.constant 36864 : i32
      %lt3A_988 = vector.broadcast %lt3A_987 : i32 to vector<16xi32>
      %lt3A_989 = arith.cmpi slt, %sub3A_983, %lt3A_988 : vector<16xi32>
      %and3A_990 = arith.andi %ge3A_986, %lt3A_989 : vector<16xi1>
      %mul3A_991 = arith.constant 128 : i32
      %mul3A_992 = arith.muli %arg1, %mul3A_991 : i32
      %mul3A_993 = arith.constant 512 : i32
      %mul3A_994 = arith.muli %scan3A_140, %mul3A_993 : i32
      %add3A_995 = arith.addi %mul3A_992, %mul3A_994 : i32
      %add3A_996 = arith.constant 432 : i32
      %add3A_997 = arith.addi %add3A_995, %add3A_996 : i32
      %and3A_998 = arith.constant 2047 : i32
      %and3A_999 = arith.andi %add3A_997, %and3A_998 : i32
      %add3A_1000 = arith.constant 36864 : i32
      %add3A_1001 = arith.addi %add3A_1000, %and3A_999 : i32
      %add3A_1002 = vector.broadcast %add3A_1001 : i32 to vector<16xi32>
      %add3A_1003 = arith.addi %add3A_1002, %iota3A : vector<16xi32>
      %select_n3A_1004 = arith.select %and3A_990, %sub3A_983, %add3A_1003 : vector<16xi1>, vector<16xi32>
      %swap3A_1005 = arith.constant 48 : index
      %swap3A_1006 = tpu.vector_load %arg11[%swap3A_1005] {strides = array<i32>} : memref<128xi32, #tpu.memory_space<vmem>>, vector<16xi32>,
      tpu.vector_store %arg11[%swap3A_1005], %select_n3A_1004 {strides = array<i32>} : memref<128xi32, #tpu.memory_space<vmem>>, vector<16xi32>,
      %mul3A_1007 = arith.constant 512 : i32
      %mul3A_1008 = arith.muli %scan3A_140, %mul3A_1007 : i32
      %add3A_1009 = arith.constant 448 : i32
      %add3A_1010 = arith.addi %mul3A_1008, %add3A_1009 : i32
      %get3A_1011 = arith.index_cast %add3A_1010 : i32 to index
      %get3A_1012 = tpu.vector_load %arg6[%get3A_1011] {strides = array<i32>} : memref<7680xi32, #tpu.memory_space<vmem>>, vector<16xi32>,
      %sub3A_1013 = vector.broadcast %mul3A_105 : i32 to vector<16xi32>
      %sub3A_1014 = arith.subi %get3A_1012, %sub3A_1013 : vector<16xi32>
      %ge3A_1015 = arith.constant 0 : i32
      %ge3A_1016 = vector.broadcast %ge3A_1015 : i32 to vector<16xi32>
      %ge3A_1017 = arith.cmpi sge, %sub3A_1014, %ge3A_1016 : vector<16xi32>
      %lt3A_1018 = arith.constant 36864 : i32
      %lt3A_1019 = vector.broadcast %lt3A_1018 : i32 to vector<16xi32>
      %lt3A_1020 = arith.cmpi slt, %sub3A_1014, %lt3A_1019 : vector<16xi32>
      %and3A_1021 = arith.andi %ge3A_1017, %lt3A_1020 : vector<16xi1>
      %mul3A_1022 = arith.constant 128 : i32
      %mul3A_1023 = arith.muli %arg1, %mul3A_1022 : i32
      %mul3A_1024 = arith.constant 512 : i32
      %mul3A_1025 = arith.muli %scan3A_140, %mul3A_1024 : i32
      %add3A_1026 = arith.addi %mul3A_1023, %mul3A_1025 : i32
      %add3A_1027 = arith.constant 448 : i32
      %add3A_1028 = arith.addi %add3A_1026, %add3A_1027 : i32
      %and3A_1029 = arith.constant 2047 : i32
      %and3A_1030 = arith.andi %add3A_1028, %and3A_1029 : i32
      %add3A_1031 = arith.constant 36864 : i32
      %add3A_1032 = arith.addi %add3A_1031, %and3A_1030 : i32
      %add3A_1033 = vector.broadcast %add3A_1032 : i32 to vector<16xi32>
      %add3A_1034 = arith.addi %add3A_1033, %iota3A : vector<16xi32>
      %select_n3A_1035 = arith.select %and3A_1021, %sub3A_1014, %add3A_1034 : vector<16xi1>, vector<16xi32>
      %swap3A_1036 = arith.constant 64 : index
      %swap3A_1037 = tpu.vector_load %arg11[%swap3A_1036] {strides = array<i32>} : memref<128xi32, #tpu.memory_space<vmem>>, vector<16xi32>,
      tpu.vector_store %arg11[%swap3A_1036], %select_n3A_1035 {strides = array<i32>} : memref<128xi32, #tpu.memory_space<vmem>>, vector<16xi32>,
      %mul3A_1038 = arith.constant 512 : i32
      %mul3A_1039 = arith.muli %scan3A_140, %mul3A_1038 : i32
      %add3A_1040 = arith.constant 464 : i32
      %add3A_1041 = arith.addi %mul3A_1039, %add3A_1040 : i32
      %get3A_1042 = arith.index_cast %add3A_1041 : i32 to index
      %get3A_1043 = tpu.vector_load %arg6[%get3A_1042] {strides = array<i32>} : memref<7680xi32, #tpu.memory_space<vmem>>, vector<16xi32>,
      %sub3A_1044 = vector.broadcast %mul3A_105 : i32 to vector<16xi32>
      %sub3A_1045 = arith.subi %get3A_1043, %sub3A_1044 : vector<16xi32>
      %ge3A_1046 = arith.constant 0 : i32
      %ge3A_1047 = vector.broadcast %ge3A_1046 : i32 to vector<16xi32>
      %ge3A_1048 = arith.cmpi sge, %sub3A_1045, %ge3A_1047 : vector<16xi32>
      %lt3A_1049 = arith.constant 36864 : i32
      %lt3A_1050 = vector.broadcast %lt3A_1049 : i32 to vector<16xi32>
      %lt3A_1051 = arith.cmpi slt, %sub3A_1045, %lt3A_1050 : vector<16xi32>
      %and3A_1052 = arith.andi %ge3A_1048, %lt3A_1051 : vector<16xi1>
      %mul3A_1053 = arith.constant 128 : i32
      %mul3A_1054 = arith.muli %arg1, %mul3A_1053 : i32
      %mul3A_1055 = arith.constant 512 : i32
      %mul3A_1056 = arith.muli %scan3A_140, %mul3A_1055 : i32
      %add3A_1057 = arith.addi %mul3A_1054, %mul3A_1056 : i32
      %add3A_1058 = arith.constant 464 : i32
      %add3A_1059 = arith.addi %add3A_1057, %add3A_1058 : i32
      %and3A_1060 = arith.constant 2047 : i32
      %and3A_1061 = arith.andi %add3A_1059, %and3A_1060 : i32
      %add3A_1062 = arith.constant 36864 : i32
      %add3A_1063 = arith.addi %add3A_1062, %and3A_1061 : i32
      %add3A_1064 = vector.broadcast %add3A_1063 : i32 to vector<16xi32>
      %add3A_1065 = arith.addi %add3A_1064, %iota3A : vector<16xi32>
      %select_n3A_1066 = arith.select %and3A_1052, %sub3A_1045, %add3A_1065 : vector<16xi1>, vector<16xi32>
      %swap3A_1067 = arith.constant 80 : index
      %swap3A_1068 = tpu.vector_load %arg11[%swap3A_1067] {strides = array<i32>} : memref<128xi32, #tpu.memory_space<vmem>>, vector<16xi32>,
      tpu.vector_store %arg11[%swap3A_1067], %select_n3A_1066 {strides = array<i32>} : memref<128xi32, #tpu.memory_space<vmem>>, vector<16xi32>,
      %mul3A_1069 = arith.constant 512 : i32
      %mul3A_1070 = arith.muli %scan3A_140, %mul3A_1069 : i32
      %add3A_1071 = arith.constant 480 : i32
      %add3A_1072 = arith.addi %mul3A_1070, %add3A_1071 : i32
      %get3A_1073 = arith.index_cast %add3A_1072 : i32 to index
      %get3A_1074 = tpu.vector_load %arg6[%get3A_1073] {strides = array<i32>} : memref<7680xi32, #tpu.memory_space<vmem>>, vector<16xi32>,
      %sub3A_1075 = vector.broadcast %mul3A_105 : i32 to vector<16xi32>
      %sub3A_1076 = arith.subi %get3A_1074, %sub3A_1075 : vector<16xi32>
      %ge3A_1077 = arith.constant 0 : i32
      %ge3A_1078 = vector.broadcast %ge3A_1077 : i32 to vector<16xi32>
      %ge3A_1079 = arith.cmpi sge, %sub3A_1076, %ge3A_1078 : vector<16xi32>
      %lt3A_1080 = arith.constant 36864 : i32
      %lt3A_1081 = vector.broadcast %lt3A_1080 : i32 to vector<16xi32>
      %lt3A_1082 = arith.cmpi slt, %sub3A_1076, %lt3A_1081 : vector<16xi32>
      %and3A_1083 = arith.andi %ge3A_1079, %lt3A_1082 : vector<16xi1>
      %mul3A_1084 = arith.constant 128 : i32
      %mul3A_1085 = arith.muli %arg1, %mul3A_1084 : i32
      %mul3A_1086 = arith.constant 512 : i32
      %mul3A_1087 = arith.muli %scan3A_140, %mul3A_1086 : i32
      %add3A_1088 = arith.addi %mul3A_1085, %mul3A_1087 : i32
      %add3A_1089 = arith.constant 480 : i32
      %add3A_1090 = arith.addi %add3A_1088, %add3A_1089 : i32
      %and3A_1091 = arith.constant 2047 : i32
      %and3A_1092 = arith.andi %add3A_1090, %and3A_1091 : i32
      %add3A_1093 = arith.constant 36864 : i32
      %add3A_1094 = arith.addi %add3A_1093, %and3A_1092 : i32
      %add3A_1095 = vector.broadcast %add3A_1094 : i32 to vector<16xi32>
      %add3A_1096 = arith.addi %add3A_1095, %iota3A : vector<16xi32>
      %select_n3A_1097 = arith.select %and3A_1083, %sub3A_1076, %add3A_1096 : vector<16xi1>, vector<16xi32>
      %swap3A_1098 = arith.constant 96 : index
      %swap3A_1099 = tpu.vector_load %arg11[%swap3A_1098] {strides = array<i32>} : memref<128xi32, #tpu.memory_space<vmem>>, vector<16xi32>,
      tpu.vector_store %arg11[%swap3A_1098], %select_n3A_1097 {strides = array<i32>} : memref<128xi32, #tpu.memory_space<vmem>>, vector<16xi32>,
      %mul3A_1100 = arith.constant 512 : i32
      %mul3A_1101 = arith.muli %scan3A_140, %mul3A_1100 : i32
      %add3A_1102 = arith.constant 496 : i32
      %add3A_1103 = arith.addi %mul3A_1101, %add3A_1102 : i32
      %get3A_1104 = arith.index_cast %add3A_1103 : i32 to index
      %get3A_1105 = tpu.vector_load %arg6[%get3A_1104] {strides = array<i32>} : memref<7680xi32, #tpu.memory_space<vmem>>, vector<16xi32>,
      %sub3A_1106 = vector.broadcast %mul3A_105 : i32 to vector<16xi32>
      %sub3A_1107 = arith.subi %get3A_1105, %sub3A_1106 : vector<16xi32>
      %ge3A_1108 = arith.constant 0 : i32
      %ge3A_1109 = vector.broadcast %ge3A_1108 : i32 to vector<16xi32>
      %ge3A_1110 = arith.cmpi sge, %sub3A_1107, %ge3A_1109 : vector<16xi32>
      %lt3A_1111 = arith.constant 36864 : i32
      %lt3A_1112 = vector.broadcast %lt3A_1111 : i32 to vector<16xi32>
      %lt3A_1113 = arith.cmpi slt, %sub3A_1107, %lt3A_1112 : vector<16xi32>
      %and3A_1114 = arith.andi %ge3A_1110, %lt3A_1113 : vector<16xi1>
      %mul3A_1115 = arith.constant 128 : i32
      %mul3A_1116 = arith.muli %arg1, %mul3A_1115 : i32
      %mul3A_1117 = arith.constant 512 : i32
      %mul3A_1118 = arith.muli %scan3A_140, %mul3A_1117 : i32
      %add3A_1119 = arith.addi %mul3A_1116, %mul3A_1118 : i32
      %add3A_1120 = arith.constant 496 : i32
      %add3A_1121 = arith.addi %add3A_1119, %add3A_1120 : i32
      %and3A_1122 = arith.constant 2047 : i32
      %and3A_1123 = arith.andi %add3A_1121, %and3A_1122 : i32
      %add3A_1124 = arith.constant 36864 : i32
      %add3A_1125 = arith.addi %add3A_1124, %and3A_1123 : i32
      %add3A_1126 = vector.broadcast %add3A_1125 : i32 to vector<16xi32>
      %add3A_1127 = arith.addi %add3A_1126, %iota3A : vector<16xi32>
      %select_n3A_1128 = arith.select %and3A_1114, %sub3A_1107, %add3A_1127 : vector<16xi1>, vector<16xi32>
      %swap3A_1129 = arith.constant 112 : index
      %swap3A_1130 = tpu.vector_load %arg11[%swap3A_1129] {strides = array<i32>} : memref<128xi32, #tpu.memory_space<vmem>>, vector<16xi32>,
      tpu.vector_store %arg11[%swap3A_1129], %select_n3A_1128 {strides = array<i32>} : memref<128xi32, #tpu.memory_space<vmem>>, vector<16xi32>,
      "tpu.region"() ({
        %run_scoped3A = tpu.sem_alloc : memref<!tpu.dma_semaphore, #tpu.memory_space<semaphore_mem>>
        %dma_start3A = arith.constant 0 : i32
        %dma_start3A_1131 = arith.constant 0 : i32
        %dma_start3A_1132 = tpu.memref_slice %arg7[%dma_start3A, %dma_start3A_1131] : memref<512x32xf32, #tpu.memory_space<vmem>> -> memref<128x32xf32, #tpu.memory_space<vmem>>
        %dma_start3A_1133 = arith.constant 0 : i32
        %dma_start3A_1134 = arith.constant 0 : i32
        %dma_start3A_1135 = tpu.memref_slice %arg15[%dma_start3A_1133, %dma_start3A_1134] : memref<38912x32xf32, #tpu.memory_space<vmem_shared>> -> memref<38912x32xf32, #tpu.memory_space<vmem_shared>>
        tpu.enqueue_indirect_dma source(%dma_start3A_1132 : memref<128x32xf32, #tpu.memory_space<vmem>>) target(%dma_start3A_1135 : memref<38912x32xf32, #tpu.memory_space<vmem_shared>>) offsets(%arg8 : memref<128xi32, #tpu.memory_space<vmem>>) semaphore(%run_scoped3A : memref<!tpu.dma_semaphore, #tpu.memory_space<semaphore_mem>>) {add = true}
        %dma_wait3A = arith.constant 0 : i32
        %dma_wait3A_1136 = arith.constant 0 : i32
        %dma_wait3A_1137 = tpu.memref_slice %arg7[%dma_wait3A, %dma_wait3A_1136] : memref<512x32xf32, #tpu.memory_space<vmem>> -> memref<128x32xf32, #tpu.memory_space<vmem>>
        %dma_wait3A_1138 = arith.constant 0 : i32
        %dma_wait3A_1139 = arith.constant 0 : i32
        %dma_wait3A_1140 = tpu.memref_slice %arg15[%dma_wait3A_1138, %dma_wait3A_1139] : memref<38912x32xf32, #tpu.memory_space<vmem_shared>> -> memref<38912x32xf32, #tpu.memory_space<vmem_shared>>
        tpu.wait_indirect_dma semaphore(%run_scoped3A : memref<!tpu.dma_semaphore, #tpu.memory_space<semaphore_mem>>) src(%dma_wait3A_1137 : memref<128x32xf32, #tpu.memory_space<vmem>>) dst(%dma_wait3A_1140 : memref<38912x32xf32, #tpu.memory_space<vmem_shared>>)
        tpu.yield
      }) : () -> ()
      "tpu.region"() ({
        %run_scoped3A = tpu.sem_alloc : memref<!tpu.dma_semaphore, #tpu.memory_space<semaphore_mem>>
        %dma_start3A = arith.constant 128 : i32
        %dma_start3A_1131 = arith.constant 0 : i32
        %dma_start3A_1132 = tpu.memref_slice %arg7[%dma_start3A, %dma_start3A_1131] : memref<512x32xf32, #tpu.memory_space<vmem>> -> memref<128x32xf32, #tpu.memory_space<vmem>>
        %dma_start3A_1133 = arith.constant 0 : i32
        %dma_start3A_1134 = arith.constant 0 : i32
        %dma_start3A_1135 = tpu.memref_slice %arg15[%dma_start3A_1133, %dma_start3A_1134] : memref<38912x32xf32, #tpu.memory_space<vmem_shared>> -> memref<38912x32xf32, #tpu.memory_space<vmem_shared>>
        tpu.enqueue_indirect_dma source(%dma_start3A_1132 : memref<128x32xf32, #tpu.memory_space<vmem>>) target(%dma_start3A_1135 : memref<38912x32xf32, #tpu.memory_space<vmem_shared>>) offsets(%arg9 : memref<128xi32, #tpu.memory_space<vmem>>) semaphore(%run_scoped3A : memref<!tpu.dma_semaphore, #tpu.memory_space<semaphore_mem>>) {add = true}
        %dma_wait3A = arith.constant 128 : i32
        %dma_wait3A_1136 = arith.constant 0 : i32
        %dma_wait3A_1137 = tpu.memref_slice %arg7[%dma_wait3A, %dma_wait3A_1136] : memref<512x32xf32, #tpu.memory_space<vmem>> -> memref<128x32xf32, #tpu.memory_space<vmem>>
        %dma_wait3A_1138 = arith.constant 0 : i32
        %dma_wait3A_1139 = arith.constant 0 : i32
        %dma_wait3A_1140 = tpu.memref_slice %arg15[%dma_wait3A_1138, %dma_wait3A_1139] : memref<38912x32xf32, #tpu.memory_space<vmem_shared>> -> memref<38912x32xf32, #tpu.memory_space<vmem_shared>>
        tpu.wait_indirect_dma semaphore(%run_scoped3A : memref<!tpu.dma_semaphore, #tpu.memory_space<semaphore_mem>>) src(%dma_wait3A_1137 : memref<128x32xf32, #tpu.memory_space<vmem>>) dst(%dma_wait3A_1140 : memref<38912x32xf32, #tpu.memory_space<vmem_shared>>)
        tpu.yield
      }) : () -> ()
      "tpu.region"() ({
        %run_scoped3A = tpu.sem_alloc : memref<!tpu.dma_semaphore, #tpu.memory_space<semaphore_mem>>
        %dma_start3A = arith.constant 256 : i32
        %dma_start3A_1131 = arith.constant 0 : i32
        %dma_start3A_1132 = tpu.memref_slice %arg7[%dma_start3A, %dma_start3A_1131] : memref<512x32xf32, #tpu.memory_space<vmem>> -> memref<128x32xf32, #tpu.memory_space<vmem>>
        %dma_start3A_1133 = arith.constant 0 : i32
        %dma_start3A_1134 = arith.constant 0 : i32
        %dma_start3A_1135 = tpu.memref_slice %arg15[%dma_start3A_1133, %dma_start3A_1134] : memref<38912x32xf32, #tpu.memory_space<vmem_shared>> -> memref<38912x32xf32, #tpu.memory_space<vmem_shared>>
        tpu.enqueue_indirect_dma source(%dma_start3A_1132 : memref<128x32xf32, #tpu.memory_space<vmem>>) target(%dma_start3A_1135 : memref<38912x32xf32, #tpu.memory_space<vmem_shared>>) offsets(%arg10 : memref<128xi32, #tpu.memory_space<vmem>>) semaphore(%run_scoped3A : memref<!tpu.dma_semaphore, #tpu.memory_space<semaphore_mem>>) {add = true}
        %dma_wait3A = arith.constant 256 : i32
        %dma_wait3A_1136 = arith.constant 0 : i32
        %dma_wait3A_1137 = tpu.memref_slice %arg7[%dma_wait3A, %dma_wait3A_1136] : memref<512x32xf32, #tpu.memory_space<vmem>> -> memref<128x32xf32, #tpu.memory_space<vmem>>
        %dma_wait3A_1138 = arith.constant 0 : i32
        %dma_wait3A_1139 = arith.constant 0 : i32
        %dma_wait3A_1140 = tpu.memref_slice %arg15[%dma_wait3A_1138, %dma_wait3A_1139] : memref<38912x32xf32, #tpu.memory_space<vmem_shared>> -> memref<38912x32xf32, #tpu.memory_space<vmem_shared>>
        tpu.wait_indirect_dma semaphore(%run_scoped3A : memref<!tpu.dma_semaphore, #tpu.memory_space<semaphore_mem>>) src(%dma_wait3A_1137 : memref<128x32xf32, #tpu.memory_space<vmem>>) dst(%dma_wait3A_1140 : memref<38912x32xf32, #tpu.memory_space<vmem_shared>>)
        tpu.yield
      }) : () -> ()
      "tpu.region"() ({
        %run_scoped3A = tpu.sem_alloc : memref<!tpu.dma_semaphore, #tpu.memory_space<semaphore_mem>>
        %dma_start3A = arith.constant 384 : i32
        %dma_start3A_1131 = arith.constant 0 : i32
        %dma_start3A_1132 = tpu.memref_slice %arg7[%dma_start3A, %dma_start3A_1131] : memref<512x32xf32, #tpu.memory_space<vmem>> -> memref<128x32xf32, #tpu.memory_space<vmem>>
        %dma_start3A_1133 = arith.constant 0 : i32
        %dma_start3A_1134 = arith.constant 0 : i32
        %dma_start3A_1135 = tpu.memref_slice %arg15[%dma_start3A_1133, %dma_start3A_1134] : memref<38912x32xf32, #tpu.memory_space<vmem_shared>> -> memref<38912x32xf32, #tpu.memory_space<vmem_shared>>
        tpu.enqueue_indirect_dma source(%dma_start3A_1132 : memref<128x32xf32, #tpu.memory_space<vmem>>) target(%dma_start3A_1135 : memref<38912x32xf32, #tpu.memory_space<vmem_shared>>) offsets(%arg11 : memref<128xi32, #tpu.memory_space<vmem>>) semaphore(%run_scoped3A : memref<!tpu.dma_semaphore, #tpu.memory_space<semaphore_mem>>) {add = true}
        %dma_wait3A = arith.constant 384 : i32
        %dma_wait3A_1136 = arith.constant 0 : i32
        %dma_wait3A_1137 = tpu.memref_slice %arg7[%dma_wait3A, %dma_wait3A_1136] : memref<512x32xf32, #tpu.memory_space<vmem>> -> memref<128x32xf32, #tpu.memory_space<vmem>>
        %dma_wait3A_1138 = arith.constant 0 : i32
        %dma_wait3A_1139 = arith.constant 0 : i32
        %dma_wait3A_1140 = tpu.memref_slice %arg15[%dma_wait3A_1138, %dma_wait3A_1139] : memref<38912x32xf32, #tpu.memory_space<vmem_shared>> -> memref<38912x32xf32, #tpu.memory_space<vmem_shared>>
        tpu.wait_indirect_dma semaphore(%run_scoped3A : memref<!tpu.dma_semaphore, #tpu.memory_space<semaphore_mem>>) src(%dma_wait3A_1137 : memref<128x32xf32, #tpu.memory_space<vmem>>) dst(%dma_wait3A_1140 : memref<38912x32xf32, #tpu.memory_space<vmem_shared>>)
        tpu.yield
      }) : () -> ()
    }
    %scan3A_132 = arith.constant 15 : i32
    %barrier3A_133 = arith.constant 0 : index
    tpu.barrier barrier_id(%barrier3A_133)
    %mul3A_134 = arith.constant 2304 : i32
    %mul3A_135 = arith.muli %arg1, %mul3A_134 : i32
    %mul3A_136 = arith.constant 2304 : i32
    %mul3A_137 = arith.muli %arg1, %mul3A_136 : i32
    %add3A_138 = arith.addi %mul3A_105, %mul3A_137 : i32
    "tpu.region"() ({
      %run_scoped3A = tpu.sem_alloc : memref<!tpu.dma_semaphore, #tpu.memory_space<semaphore_mem>>
      %dma_start3A = arith.constant 0 : i32
      %dma_start3A_140 = tpu.memref_slice %arg4[%add3A_138, %dma_start3A] : memref<221184x32xf32, #tpu.memory_space<hbm>> -> memref<2304x32xf32, #tpu.memory_space<hbm>>
      %dma_start3A_141 = arith.constant 0 : i32
      %dma_start3A_142 = tpu.memref_slice %arg15[%mul3A_135, %dma_start3A_141] : memref<38912x32xf32, #tpu.memory_space<vmem_shared>> -> memref<2304x32xf32, #tpu.memory_space<vmem_shared>>
      tpu.enqueue_dma source(%dma_start3A_142 : memref<2304x32xf32, #tpu.memory_space<vmem_shared>>) target(%dma_start3A_140 : memref<2304x32xf32, #tpu.memory_space<hbm>>) target_semaphore(%run_scoped3A : memref<!tpu.dma_semaphore, #tpu.memory_space<semaphore_mem>>)
      %dma_wait3A = arith.constant 0 : i32
      %dma_wait3A_143 = tpu.memref_slice %arg4[%add3A_138, %dma_wait3A] : memref<221184x32xf32, #tpu.memory_space<hbm>> -> memref<2304x32xf32, #tpu.memory_space<hbm>>
      %dma_wait3A_144 = arith.constant 0 : i32
      %dma_wait3A_145 = tpu.memref_slice %arg15[%mul3A_135, %dma_wait3A_144] : memref<38912x32xf32, #tpu.memory_space<vmem_shared>> -> memref<2304x32xf32, #tpu.memory_space<vmem_shared>>
      tpu.wait_dma2 semaphore(%run_scoped3A : memref<!tpu.dma_semaphore, #tpu.memory_space<semaphore_mem>>) src(%dma_wait3A_145 : memref<2304x32xf32, #tpu.memory_space<vmem_shared>>) dst(%dma_wait3A_143 : memref<2304x32xf32, #tpu.memory_space<hbm>>)
      tpu.yield
    }) : () -> ()
    %barrier3A_139 = arith.constant 0 : index
    tpu.barrier barrier_id(%barrier3A_139)
    return
  }
}

#map = affine_map<(d0, d1) -> (0, 0)>
#map1 = affine_map<(d0, d1) -> (0)>
module attributes {stable_mosaic.version = 14 : i64} {
  func.func @_gather_rows(%arg0: i32, %arg1: i32, %arg2: memref<221184x32xf32, #tpu.memory_space<hbm>>, %arg3: memref<122880xi32, #tpu.memory_space<hbm>>, %arg4: memref<122880x32xf32, #tpu.memory_space<hbm>>, %arg5: memref<3840xi32, #tpu.memory_space<vmem>>, %arg6: memref<3840x32xf32, #tpu.memory_space<vmem>>, %arg7: memref<!tpu.dma_semaphore, #tpu.memory_space<semaphore_mem>>) attributes {dimension_semantics = [#tpu.dimension_semantics<core_parallel>, #tpu.dimension_semantics<subcore_parallel>], iteration_bounds = array<i64: 2, 16>, scalar_prefetch = 0 : i64, scratch_operands = 3 : i64, tpu.core_type = #tpu.core_type<sc_vector_subcore>, window_params = [{transform_indices = #map}, {transform_indices = #map1}, {transform_indices = #map}]} {
    %mul3A = arith.constant 2 : i32
    %mul3A_0 = arith.muli %arg1, %mul3A : i32
    %add3A = arith.addi %mul3A_0, %arg0 : i32
    %mul3A_1 = arith.constant 3840 : i32
    %mul3A_2 = arith.muli %add3A, %mul3A_1 : i32
    "tpu.region"() ({
      %run_scoped3A = tpu.sem_alloc : memref<!tpu.dma_semaphore, #tpu.memory_space<semaphore_mem>>
      %dma_start3A = tpu.memref_slice %arg3[%mul3A_2] : memref<122880xi32, #tpu.memory_space<hbm>> -> memref<3840xi32, #tpu.memory_space<hbm>>
      %dma_start3A_16 = tpu.memref_slice %arg3[%mul3A_2] : memref<122880xi32, #tpu.memory_space<hbm>> -> memref<3840xi32, #tpu.memory_space<hbm>>
      tpu.enqueue_dma source(%dma_start3A_16 : memref<3840xi32, #tpu.memory_space<hbm>>) target(%arg5 : memref<3840xi32, #tpu.memory_space<vmem>>) target_semaphore(%run_scoped3A : memref<!tpu.dma_semaphore, #tpu.memory_space<semaphore_mem>>)
      %dma_wait3A = tpu.memref_slice %arg3[%mul3A_2] : memref<122880xi32, #tpu.memory_space<hbm>> -> memref<3840xi32, #tpu.memory_space<hbm>>
      %dma_wait3A_17 = tpu.memref_slice %arg3[%mul3A_2] : memref<122880xi32, #tpu.memory_space<hbm>> -> memref<3840xi32, #tpu.memory_space<hbm>>
      tpu.wait_dma2 semaphore(%run_scoped3A : memref<!tpu.dma_semaphore, #tpu.memory_space<semaphore_mem>>) src(%dma_wait3A_17 : memref<3840xi32, #tpu.memory_space<hbm>>) dst(%arg5 : memref<3840xi32, #tpu.memory_space<vmem>>)
      tpu.yield
    }) : () -> ()
    %scan3A = arith.constant 0 : i32
    %scan3A_3 = arith.constant 0 : i32
    %scan3A_4 = arith.constant 30 : i32
    %scan3A_5 = arith.addi %scan3A_3, %scan3A_4 : i32
    %scan3A_6 = arith.constant 1 : i32
    %scan3A_7 = scf.for %scan3A_16 = %scan3A_3 to %scan3A_5 step %scan3A_6 iter_args(%scan3A_17 = %scan3A) -> (i32)  : i32 {
      %mul3A_18 = arith.constant 128 : i32
      %mul3A_19 = arith.muli %scan3A_16, %mul3A_18 : i32
      %mul3A_20 = arith.constant 128 : i32
      %mul3A_21 = arith.muli %scan3A_16, %mul3A_20 : i32
      %dma_start3A = arith.constant 0 : i32
      %dma_start3A_22 = tpu.memref_slice %arg6[%mul3A_21, %dma_start3A] : memref<3840x32xf32, #tpu.memory_space<vmem>> -> memref<128x32xf32, #tpu.memory_space<vmem>>
      %dma_start3A_23 = tpu.memref_slice %arg5[%mul3A_19] : memref<3840xi32, #tpu.memory_space<vmem>> -> memref<128xi32, #tpu.memory_space<vmem>>
      %dma_start3A_24 = arith.constant 0 : i32
      %dma_start3A_25 = arith.constant 0 : i32
      %dma_start3A_26 = tpu.memref_slice %arg2[%dma_start3A_24, %dma_start3A_25] : memref<221184x32xf32, #tpu.memory_space<hbm>> -> memref<221184x32xf32, #tpu.memory_space<hbm>>
      tpu.enqueue_indirect_dma source(%dma_start3A_26 : memref<221184x32xf32, #tpu.memory_space<hbm>>) target(%dma_start3A_22 : memref<128x32xf32, #tpu.memory_space<vmem>>) offsets(%dma_start3A_23 : memref<128xi32, #tpu.memory_space<vmem>>) semaphore(%arg7 : memref<!tpu.dma_semaphore, #tpu.memory_space<semaphore_mem>>)
      %scan3A_27 = arith.constant 0 : i32
      scf.yield %scan3A_27 : i32
    }
    %scan3A_8 = arith.constant 30 : i32
    %scan3A_9 = arith.constant 0 : i32
    %scan3A_10 = arith.constant 0 : i32
    %scan3A_11 = arith.constant 30 : i32
    %scan3A_12 = arith.addi %scan3A_10, %scan3A_11 : i32
    %scan3A_13 = arith.constant 1 : i32
    %scan3A_14 = scf.for %scan3A_16 = %scan3A_10 to %scan3A_12 step %scan3A_13 iter_args(%scan3A_17 = %scan3A_9) -> (i32)  : i32 {
      %dma_wait3A = arith.constant 0 : i32
      %dma_wait3A_18 = arith.constant 0 : i32
      %dma_wait3A_19 = tpu.memref_slice %arg6[%dma_wait3A, %dma_wait3A_18] : memref<3840x32xf32, #tpu.memory_space<vmem>> -> memref<128x32xf32, #tpu.memory_space<vmem>>
      %dma_wait3A_20 = arith.constant 0 : i32
      %dma_wait3A_21 = tpu.memref_slice %arg5[%dma_wait3A_20] : memref<3840xi32, #tpu.memory_space<vmem>> -> memref<128xi32, #tpu.memory_space<vmem>>
      %dma_wait3A_22 = arith.constant 0 : i32
      %dma_wait3A_23 = arith.constant 0 : i32
      %dma_wait3A_24 = tpu.memref_slice %arg2[%dma_wait3A_22, %dma_wait3A_23] : memref<221184x32xf32, #tpu.memory_space<hbm>> -> memref<221184x32xf32, #tpu.memory_space<hbm>>
      tpu.wait_indirect_dma semaphore(%arg7 : memref<!tpu.dma_semaphore, #tpu.memory_space<semaphore_mem>>) src(%dma_wait3A_24 : memref<221184x32xf32, #tpu.memory_space<hbm>>) dst(%dma_wait3A_19 : memref<128x32xf32, #tpu.memory_space<vmem>>)
      %scan3A_25 = arith.constant 0 : i32
      scf.yield %scan3A_25 : i32
    }
    %scan3A_15 = arith.constant 30 : i32
    "tpu.region"() ({
      %run_scoped3A = tpu.sem_alloc : memref<!tpu.dma_semaphore, #tpu.memory_space<semaphore_mem>>
      %dma_start3A = arith.constant 0 : i32
      %dma_start3A_16 = tpu.memref_slice %arg4[%mul3A_2, %dma_start3A] : memref<122880x32xf32, #tpu.memory_space<hbm>> -> memref<3840x32xf32, #tpu.memory_space<hbm>>
      %dma_start3A_17 = arith.constant 0 : i32
      %dma_start3A_18 = tpu.memref_slice %arg4[%mul3A_2, %dma_start3A_17] : memref<122880x32xf32, #tpu.memory_space<hbm>> -> memref<3840x32xf32, #tpu.memory_space<hbm>>
      tpu.enqueue_dma source(%arg6 : memref<3840x32xf32, #tpu.memory_space<vmem>>) target(%dma_start3A_18 : memref<3840x32xf32, #tpu.memory_space<hbm>>) target_semaphore(%run_scoped3A : memref<!tpu.dma_semaphore, #tpu.memory_space<semaphore_mem>>)
      %dma_wait3A = arith.constant 0 : i32
      %dma_wait3A_19 = tpu.memref_slice %arg4[%mul3A_2, %dma_wait3A] : memref<122880x32xf32, #tpu.memory_space<hbm>> -> memref<3840x32xf32, #tpu.memory_space<hbm>>
      %dma_wait3A_20 = arith.constant 0 : i32
      %dma_wait3A_21 = tpu.memref_slice %arg4[%mul3A_2, %dma_wait3A_20] : memref<122880x32xf32, #tpu.memory_space<hbm>> -> memref<3840x32xf32, #tpu.memory_space<hbm>>
      tpu.wait_dma2 semaphore(%run_scoped3A : memref<!tpu.dma_semaphore, #tpu.memory_space<semaphore_mem>>) src(%arg6 : memref<3840x32xf32, #tpu.memory_space<vmem>>) dst(%dma_wait3A_21 : memref<3840x32xf32, #tpu.memory_space<hbm>>)
      tpu.yield
    }) : () -> ()
    return
  }
}

module attributes {stable_mosaic.version = 14 : i64} {
  func.func @_affine_relu_kernel(%arg0: i32, %arg1: memref<768x1024xf32, #tpu.memory_space<vmem>>, %arg2: memref<1x1024xf32, #tpu.memory_space<vmem>>, %arg3: memref<1x1024xf32, #tpu.memory_space<vmem>>, %arg4: memref<768x1024xf32, #tpu.memory_space<vmem>>) attributes {dimension_semantics = [#tpu.dimension_semantics<arbitrary>], iteration_bounds = array<i64: 5>, scalar_prefetch = 0 : i64, scratch_operands = 0 : i64, tpu.core_type = #tpu.core_type<tc>, window_params = [{transform_indices = @transform_0, window_bounds = array<i64: 768, 1024>}, {pipeline_mode = #tpu.pipeline_mode<synchronous>, transform_indices = @transform_1, window_bounds = array<i64: 1, 1024>}, {pipeline_mode = #tpu.pipeline_mode<synchronous>, transform_indices = @transform_2, window_bounds = array<i64: 1, 1024>}, {transform_indices = @transform_3, window_bounds = array<i64: 768, 1024>}]} {
    %get3A = arith.constant 0 : index
    %get3A_0 = arith.constant 0 : index
    %get3A_1 = vector.load %arg1[%get3A, %get3A_0] : memref<768x1024xf32, #tpu.memory_space<vmem>>, vector<768x1024xf32>
    %get3A_2 = arith.constant 0 : index
    %get3A_3 = arith.constant 0 : index
    %get3A_4 = vector.load %arg2[%get3A_2, %get3A_3] : memref<1x1024xf32, #tpu.memory_space<vmem>>, vector<1x1024xf32>
    %mul3A = vector.broadcast %get3A_4 : vector<1x1024xf32> to vector<768x1024xf32>
    %mul3A_5 = arith.mulf %get3A_1, %mul3A : vector<768x1024xf32>
    %get3A_6 = arith.constant 0 : index
    %get3A_7 = arith.constant 0 : index
    %get3A_8 = vector.load %arg3[%get3A_6, %get3A_7] : memref<1x1024xf32, #tpu.memory_space<vmem>>, vector<1x1024xf32>
    %add3A = vector.broadcast %get3A_8 : vector<1x1024xf32> to vector<768x1024xf32>
    %add3A_9 = arith.addf %mul3A_5, %add3A : vector<768x1024xf32>
    %max3A = arith.constant 0.000000e+00 : f32
    %max3A_10 = vector.broadcast %max3A : f32 to vector<768x1024xf32>
    %max3A_11 = arith.maximumf %add3A_9, %max3A_10 : vector<768x1024xf32>
    %swap3A = arith.constant 0 : index
    %swap3A_12 = arith.constant 0 : index
    %swap3A_13 = vector.load %arg4[%swap3A, %swap3A_12] : memref<768x1024xf32, #tpu.memory_space<vmem>>, vector<768x1024xf32>
    tpu.vector_store %arg4[%swap3A, %swap3A_12], %max3A_11 {strides = array<i32>} : memref<768x1024xf32, #tpu.memory_space<vmem>>, vector<768x1024xf32>,
    return
  }
  func.func @transform_0(%arg0: i32) -> (i32, i32) {
    %c0_i32 = arith.constant 0 : i32
    %c0_i32_0 = arith.constant 0 : i32
    return %arg0, %c0_i32 : i32, i32
  }
  func.func @transform_1(%arg0: i32) -> (i32, i32) {
    %c0_i32 = arith.constant 0 : i32
    %c0_i32_0 = arith.constant 0 : i32
    %c0_i32_1 = arith.constant 0 : i32
    return %c0_i32, %c0_i32_0 : i32, i32
  }
  func.func @transform_2(%arg0: i32) -> (i32, i32) {
    %c0_i32 = arith.constant 0 : i32
    %c0_i32_0 = arith.constant 0 : i32
    %c0_i32_1 = arith.constant 0 : i32
    return %c0_i32, %c0_i32_0 : i32, i32
  }
  func.func @transform_3(%arg0: i32) -> (i32, i32) {
    %c0_i32 = arith.constant 0 : i32
    %c0_i32_0 = arith.constant 0 : i32
    return %arg0, %c0_i32 : i32, i32
  }
}

</mosaic_0001>

<sc_bundles>
// kernel: kernel.5.cloned.1.call-start
scs
__scs_entry_jumppad:
0x0: {  	(pc) =	sbr.rel $0x88, $3  }
0x1: {  	(tag) =	ssettag $0x0;
	lr =	simm.s32 $0x1  }
0x2: {  	[smem:$0x3F96] =	sst lr;
	_ =	strace $0xD0000000  }
0x3: {  	_ = 	snop  }
0x4: {  	_ = 	snop  }
0x5: {  	_ = 	snop  }
0x6: {  	_ = 	snop  }
0x7: {  	_ = 	snop  }
__scs_overlays_trampoline_lowered:
0x8: {  	[smem:$0x3FA5] =	sst s0  }
0x9: {  	[smem:$0x3FA6] =	sst s1  }
0xa: {  	[smem:$0x3FA7] =	sst s2  }
0xb: {  	[smem:$0x3FA8] =	sst s3  }
0xc: {  	[smem:$0x3FA9] =	sst s4  }
0xd: {  	[smem:$0x3FAA] =	sst s5  }
0xe: {  	[smem:$0x3FAB] =	sst s6  }
0xf: {  	[smem:$0x3FAC] =	sst s7  }
0x10: {  	[smem:$0x3FAD] =	sst s8  }
0x11: {  	[smem:$0x3FAE] =	sst s9;
	s0 =	simm.s32 @!p0 $0x0  }
0x12: {  	s1 =	sld [smem:$0x3F94];
	s0 =	simm.s32 @p0 $0x1  }
0x13: {  	[smem:$0x3FAF] =	sst s0;
	s0 =	simm.s32 @!p1 $0x0  }
0x14: {  	s2 =	sld [smem:$0x3F93];
	s0 =	simm.s32 @p1 $0x1  }
0x15: {  	[smem:$0x3FB0] =	sst s0;
	s0 =	simm.s32 @!p2 $0x0  }
0x16: {  	s3 =	sld [smem:$0x3FDB];
	s0 =	simm.s32 @p2 $0x1  }
0x17: {  	s4 =	simm.s32 $0x1BF5;
	[smem:$0x3FB2] =	sst s0  }
0x18: {  	s0 =	sld [smem:$0x3F95];
	_ =	swait.ge [sflag:s4], $0x0  }
0x19: {  	s7 =	sld [smem:$0x3F96]  }
0x1a: {  	s8 =	sadd.s32 $0xFFFFE003, lr  }
0x1b: {  	s9 =	sadd.s32 $0xFFFFFEF7, lr;
	s5 =	simm.s32 $0xFFFFFFFF;
	p2 =	slt.u32 s8, $0xFFFFF086  }
0x1c: {  	p1 =	slt.u32 s9, $0xF7A;
	s5 =	simm.s32 @!p2 $0x0  }
0x1d: {  	s5 =	simm.s32 @p1 $0x1;
	p0 =	seq.s32 s7, s2  }
0x1e: {  	s7 =	smul.u32 @!p0 $0xF7A, s2;
	p2 =	seq.s32 @!p0 s5, $0x0  }
0x1f: {  	s9 =	smul.u32 $0xF7A, s1;
	s8 =	simm.s32 @!p0 $0x1BF5;
	p2 =	por !p2, p0  }
0x20: {  	[sflag:s8] =	ssyncset.s32 @!p0 $0xFFFFF086;
	s6 =	sadd.s32 @!p0 s3, s7;
	s7 =	simm.s32 @!p0 $0x108  }
0x21: {  	s3 =	sadd.s32 s3, s9;
	s6 =	sadd.s32 @!p0 $0x88, s6;
	s7 =	simm.s32 @p2 $0x1082  }
0x22: {  	[simem:s7], [sflag:s8] =	dma.local @!p0 [hbm:s6], $0xF7A  }
0x23: {  	s9 =	sor.u32 $0xD0000000, s2;
	s6 =	simm.s32 $0x108;
	_ =	swait.ge @!p0 [sflag:s8], $0x0  }
0x24: {  	s3 =	sadd.s32 $0x88, s3;
	s6 =	simm.s32 @!p1 $0x1082;
	[sflag:s4] =	ssyncset.s32 $0xFFFFF086  }
0x25: {  	[simem:s6], [sflag:s4] =	dma.local [hbm:s3], $0xF7A  }
0x26: {  	[smem:$0x3F96] =	sst s1;
	(tag) =	ssettag s2;
	_ =	strace s9  }
0x27: {  	s1 =	sld [smem:$0x3FA6]  }
0x28: {  	s2 =	sld [smem:$0x3FA7]  }
0x29: {  	s4 =	sld [smem:$0x3FA9]  }
0x2a: {  	p0 =	seq.s32 s5, $0x0;
	s5 =	sld [smem:$0x3FAA]  }
0x2b: {  	s6 =	sld [smem:$0x3FAB]  }
0x2c: {  	s7 =	sld [smem:$0x3FAC]  }
0x2d: {  	s3 =	simm.s32 $0x108;
	s8 =	sld [smem:$0x3FAD]  }
0x2e: {  	s3 =	simm.s32 @!p0 $0x1082;
	s9 =	sld [smem:$0x3FAE]  }
0x2f: {  	lr =	sadd.s32 s0, s3;
	s0 =	sld [smem:$0x3FA5]  }
0x30: {  	s3 =	sld [smem:$0x3FA8]  }
0x31: {  	[smem:$0x3FB1] =	sst s10  }
0x32: {  	s10 =	sld [smem:$0x3FAF];
	_ =	sdelay $0x3  }
0x33: {  	p0 =	seq.s32 s10, $0x1;
	s10 =	sld [smem:$0x3FB1];
	_ =	sdelay $0x3  }
0x34: {  	[smem:$0x3FB1] =	sst s10  }
0x35: {  	s10 =	sld [smem:$0x3FB0];
	_ =	sdelay $0x3  }
0x36: {  	p1 =	seq.s32 s10, $0x1;
	s10 =	sld [smem:$0x3FB1];
	_ =	sdelay $0x3  }
0x37: {  	[smem:$0x3FB1] =	sst s10  }
0x38: {  	s10 =	sld [smem:$0x3FB2]  }
0x39: {  	_ = 	snop;
	(pc) =	sbr.ind lr, $3  }
0x3a: {  	_ = 	snop  }
0x3b: {  	_ = 	snop  }
0x3c: {  	p2 =	seq.s32 s10, $0x1;
	s10 =	sld [smem:$0x3FB1]  }
0x3d: {  	_ =	shalt  }
0x3e: {  	_ =	shalt  }
0x3f: {  	_ =	shalt  }
0x40: {  	_ =	shalt  }
0x41: {  	_ =	shalt  }
0x42: {  	_ =	shalt  }
0x43: {  	_ =	shalt  }
0x44: {  	_ =	shalt  }
0x45: {  	_ =	shalt  }
0x46: {  	_ =	shalt  }
0x47: {  	_ =	shalt  }
0x48: {  	_ =	shalt  }
0x49: {  	_ =	shalt  }
0x4a: {  	_ =	shalt  }
0x4b: {  	_ =	shalt  }
0x4c: {  	_ =	shalt  }
0x4d: {  	_ =	shalt  }
0x4e: {  	_ =	shalt  }
0x4f: {  	_ =	shalt  }
0x50: {  	_ =	shalt  }
0x51: {  	_ =	shalt  }
0x52: {  	_ =	shalt  }
0x53: {  	_ =	shalt  }
0x54: {  	_ =	shalt  }
0x55: {  	_ =	shalt  }
0x56: {  	_ =	shalt  }
0x57: {  	_ =	shalt  }
0x58: {  	_ =	shalt  }
0x59: {  	_ =	shalt  }
0x5a: {  	_ =	shalt  }
0x5b: {  	_ =	shalt  }
0x5c: {  	_ =	shalt  }
0x5d: {  	_ =	shalt  }
0x5e: {  	_ =	shalt  }
0x5f: {  	_ =	shalt  }
0x60: {  	_ =	shalt  }
0x61: {  	_ =	shalt  }
0x62: {  	_ =	shalt  }
0x63: {  	_ =	shalt  }
0x64: {  	_ =	shalt  }
0x65: {  	_ =	shalt  }
0x66: {  	_ =	shalt  }
0x67: {  	_ =	shalt  }
0x68: {  	_ =	shalt  }
0x69: {  	_ =	shalt  }
0x6a: {  	_ =	shalt  }
0x6b: {  	_ =	shalt  }
0x6c: {  	_ =	shalt  }
0x6d: {  	_ =	shalt  }
0x6e: {  	_ =	shalt  }
0x6f: {  	_ =	shalt  }
0x70: {  	_ =	shalt  }
0x71: {  	_ =	shalt  }
0x72: {  	_ =	shalt  }
0x73: {  	_ =	shalt  }
0x74: {  	_ =	shalt  }
0x75: {  	_ =	shalt  }
0x76: {  	_ =	shalt  }
0x77: {  	_ =	shalt  }
0x78: {  	_ =	shalt  }
0x79: {  	_ =	shalt  }
0x7a: {  	_ =	shalt  }
0x7b: {  	_ =	shalt  }
0x7c: {  	_ =	shalt  }
0x7d: {  	_ =	shalt  }
0x7e: {  	_ =	shalt  }
0x7f: {  	_ =	shalt  }
0x80: {  	_ =	shalt  }
0x81: {  	_ =	shalt  }
0x82: {  	_ =	shalt  }
0x83: {  	_ =	shalt  }
0x84: {  	_ =	shalt  }
0x85: {  	_ =	shalt  }
0x86: {  	_ =	shalt  }
0x87: {  	_ =	shalt  }
.Lfunc_end0:
.L_simem_size_0:
called_computation_lowered:
.L_overlay_start_0:
0x88: {  	s2 =	sld [smem:$0x3FD9]  }
0x89: {  	s3 =	sld [smem:$0x3FFE];
	_ =	sdelay $0x1  }
0x8a: {  	s1 =	srdreg.scid  }
0x8b: {  	s0 =	sand.u32 $0x1, s1  }
0x8c: {  	s17 =	sshll.u32 s0, $0xA;
	s2 =	sadd.s32 s3, s2  }
0x8d: {  	s2 =	sadd.s32 s2, s17  }
0x8e: {  	[smem:$0x3FBD] =	sst s2  }
0x8f: {  	_ = 	snop  }
0x90: {  	s2 =	sld [smem:$0x3FD0];
	(tm) =	ssettm $0x1  }
0x91: {  	s18 =	sld [smem:$0x3FFB];
	_ =	sdelay $0x3  }
0x92: {  	_ =	strace s18  }
0x93: {  	s3 =	sld [smem:$0x3FFC];
	_ =	sdelay $0x3  }
0x94: {  	_ =	strace s3  }
0x95: {  	s3 =	sld [smem:$0x3FFD];
	_ =	sdelay $0x3  }
0x96: {  	_ =	strace s3  }
0x97: {  	_ =	strace $0x8FFFFFFF  }
0x98: {  	s19 =	sld [smem:$0x3FDB];
	_ =	sdelay $0x1  }
0x99: {  	s4 =	simm.s32 $_scs_section_size  }
0x9a: {  	s5 =	simm.s32 $_size__tile_overlayer_lowered;
	s6 =	simm.s32 $_tile_overlayer_lowered  }
0x9b: {  	s22 =	simm.s32 $0x1BFF;
	s21 =	sshll.u32 s6, $0x1;
	s3 =	sadd.s32 s4, s19  }
0x9c: {  	s7 =	simm.s32 $0x0;
	s20 =	sshll.u32 s5, $0x1;
	s5 =	sadd.s32 s21, s3  }
0x9d: {  	[timem:s7], [sflag:s22] =	dma.local [hbm:s5], s20  }
0x9e: {  	_ =	swait.ge [sflag:s22], s20  }
0x9f: {  	s4 =	ssub.s32 $0x0, s20;
	[sflag:s22] =	ssyncset.done $0x0  }
0xa0: {  	[sflag:s22] =	ssyncadd.s32 s4;
	_ =	sdelay $0x1  }
0xa1: {  	s23 =	simm.s32 $0x1B8B  }
0xa2: {  	_ =	swait.ge [sflag:s23], $0x1  }
0xa3: {  	[sflag:s23] =	ssyncset.done $0x0  }
0xa4: {  	s25 =	simm.s32 $0x1B8E;
	s24 =	sld [smem:$0x3FFE];
	[sflag:s23] =	ssyncadd.s32 $0xFFFFFFFF  }
0xa5: {  	s26 =	simm.s32 $execute0_lowered;
	[smem:$0x3FD2] =	sst s25  }
0xa6: {  	s5 =	sshll.u32 s26, $0x1;
	_ =	strace $0x80000046;
	[dreg:$0x1] =	wrdreg $0xFFFFFFFF  }
0xa7: {  	s28 =	simm.s32 $_size_execute0_lowered;
	s3 =	sadd.s32 s3, s5;
	[dreg:$0x0] =	wrdreg $0x0  }
0xa8: {  	s5 =	sshll.u32 s28, $0x1;
	[dreg:$0x2] =	wrdreg s3  }
0xa9: {  	[dreg:$0x3] =	wrdreg s5  }
0xaa: {  	[dreg:$0x4] =	wrdreg $0xC0  }
0xab: {  	_ =	task [dreg:s7], $0x5FFFF  }
0xac: {  	[dreg:$0x1] =	wrdreg $0xFFFFFFFF  }
0xad: {  	[dreg:$0x0] =	wrdreg $0x60  }
0xae: {  	[dreg:$0x2] =	wrdreg s24  }
0xaf: {  	[dreg:$0x3] =	wrdreg s2  }
0xb0: {  	[dreg:$0x4] =	wrdreg $0xC3000  }
0xb1: {  	[dreg:$0x5] =	wrdreg $0x9  }
0xb2: {  	_ =	task.clear_ibuf [dreg:s7], $0x6FFFF;
	_ =	strace $0x90000046  }
0xb3: {  	s29 =	simm.s32 $0x9;
	_ =	strace $0x80000048  }
0xb4: {  	_ =	swait.ge [sflag:s29], $0x1  }
0xb5: {  	[sflag:s29] =	ssyncadd.s32 $0xFFFFFFFF  }
0xb6: {  	_ =	strace $0x90000048  }
0xb7: {  	_ =	sfence  }
0xb8: {  	s30 =	sld [smem:$0x0];
	_ =	sdelay $0x2  }
0xb9: {  	s31 =	sshll.u32 s1, $0xD;
	s1 =	sshrl.u32 s1, $0x2  }
0xba: {  	s3 =	sand.u32 $0x4000, s31;
	s1 =	sadd.s32 s1, s30  }
0xbb: {  	s0 =	sor.u32 s3, s0;
	s1 =	sshll.u32 s1, $0x11  }
0xbc: {  	s0 =	sor.u32 s1, s0  }
0xbd: {  	s0 =	sadd.s32 $0x8F2B, s0  }
0xbe: {  	[sflag:s0] =	ssyncadd.remote.s32 $0x1  }
0xbf: {  	_ =	sfence.sel $0xFFFF  }
0xc0: {  	[dreg:$0x0] =	wrdreg $0xFFFFFFFF;
	(pc) =	sbr.abs _section_cstart, $3  }
0xc1: {  	[dreg:$0x1] =	wrdreg $0xFFFFFFFF  }
0xc2: {  	_ =	task.clear_ibuf [dreg:s7], $0x2FFFF;
	_ =	strace $0x9FFFFFFF  }
0xc3: {  	(tm) =	ssettm $0x7FFFFFFF  }
tec
execute0_lowered:
.L_overlay_start_1:
0x0: {  	(tag) =	ssettag $0x1  }
0x1: {  	s0 =	rddreg [dreg:$0x0]  }
0x2: {  	s2 =	rddreg [dreg:$0x1]  }
0x3: {  	s3 =	rddreg [dreg:$0x2]  }
0x4: {  	s16 =	stileid.u32;
	s1 =	srdreg.scid;
	s4 =	simm.s32 $0x0  }
0x5: {  	s28 =	simm.s32 $0x2E00;
	s29 =	simm.s32 $0x5F00;
	s6 =	smul.u32 $0x7800, s16  }
0x6: {  	s30 =	simm.s32 $0x3E00;
	s31 =	simm.s32 $0x5F80;
	s8 =	smul.u32 $0x1E00, s16  }
0x7: {  	s1 =	sand.u32 $0x1, s1;
	s5 =	sshll.u32 s16, $0x1;
	s11 =	smul.u32 $0x4C000, s16  }
0x8: {  	[smem:$0x7FF] =	sst s4;
	s13 =	sadd.s32 $0x7C000, s0;
	s15 =	smul.u32 $0x900, s16  }
0x9: {  	s12 =	sshll.u32 s16, $0x7;
	s16 =	smul.u32 $0x48000, s16;
	s5 =	sor.u32 s1, s5  }
0xa: {  	_ =	strace $0x80000047;
	s17 =	ssub.s32 $0x2, s1;
	s1 =	smul.u32 $0x9000, s1  }
0xb: {  	s5 =	smul.u32 $0x1B00, s5;
	s7 =	sadd.s32 s6, s0;
	s10 =	sshrl.u32 s17, $0x1  }
0xc: {  	s18 =	sshrl.u32 s8, $0x3;
	s19 =	sshrl.u32 s11, $0x2;
	s16 =	sshrl.u32 s16, $0x2  }
0xd: {  	s14 =	ssub.s32 s17, s10;
	s6 =	sadd.s32 s2, s18;
	s21 =	sadd.s32 s15, s1  }
0xe: {  	s18 =	sadd.s32 $0x24000, s1;
	s22 =	sadd.s32 s16, s3;
	[dreg:$0x4] =	wrdreg s6  }
0xf: {  	s9 =	sshrl.u32 s5, $0x3;
	s6 =	sadd.s32 s19, s3;
	[dreg:$0x8] =	wrdreg s22  }
0x10: {  	s26 =	smax.u32 s14, $0x1;
	s19 =	simm.s32 $0x1;
	s22 =	simm.s32 $0x8300  }
0x11: {  	s0 =	sadd.s32 s9, s0;
	s20 =	sadd.s32 $0x4000, s6;
	s9 =	sadd.s32 $0x8000, s6  }
0x12: {  	s10 =	sadd.s32 $0xC000, s6;
	[dreg:$0xb] =	wrdreg s26;
	s0 =	sadd.s32 $0x154000, s0  }
0x13: {  	s11 =	sadd.s32 $0x10000, s6;
	[dreg:$0x5] =	wrdreg s0;
	s0 =	sshll.u32 s21, $0x2  }
0x14: {  	s26 =	simm.s32 $0x5E80;
	[dreg:$0x6] =	wrdreg s20;
	s0 =	sadd.s32 s13, s0  }
0x15: {  	s20 =	simm.s32 $0x6000;
	[dreg:$0x7] =	wrdreg s0;
	s0 =	sadd.s32 $0x12000, s1  }
0x16: {  	s21 =	simm.s32 $0x6800;
	s17 =	sadd.s32 s15, s0;
	s15 =	sadd.s32 s15, s18  }
0x17: {  	v1 =	vmov s1;
	s1 =	simm.s32 $0x0;
	s23 =	sshll.u32 s17, $0x2;
	s15 =	sshll.u32 s15, $0x2  }
0x18: {  	v2 =	vmov s0;
	s0 =	simm.s32 $0x4E00;
	s24 =	sadd.s32 s13, s23;
	s25 =	sadd.s32 s13, s15  }
0x19: {  	v4 =	vimm.f32 $0.0e+00;
	v5 =	vimm.f32 $1.000000000e+00;
	s15 =	sadd.s32 $0x4000, s7;
	s23 =	simm.s32 $0x1E00;
	[dreg:$0x9] =	wrdreg s24  }
0x1a: {  	v6 =	vlaneseq.u32;
	v0 =	vmov s5;
	v3 =	vmov s18;
	[dreg:$0xa] =	wrdreg s25;
	s24 =	simm.s32 $0x80;
	s25 =	simm.s32 $0x5E00  }
.LBB2_1:
0x1b: {  	s5 =	simm.s32 $0x0  }
.LBB2_2:
0x1c: {  	p0 =	sne.s32 s5, $0xFF80  }
.Ltmp0:
0x1d: {  	_ = 	snop;
	(pc) =	sbr.rel @p0 .LBB2_2-.Ltmp0, $4  }
0x1e: {  	_ = 	snop  }
0x1f: {  	s7 =	sshra.s32 s5, $0x2  }
0x20: {  	[tilespmem:s7+$0x8300] =	vst v4  }
0x21: {  	s5 =	sadd.s32 $0x80, s5;
	[tilespmem:s7+$0x8310] =	vst v4  }
0x22: {  	s5 =	simm.s32 $0x40;
	s7 =	simm.s32 $0x0  }
.LBB2_4:
0x23: {  	p0 =	sne.s32 s5, $0x6BC0;
	[tilespmem:s7+$0x6800] =	vst v4;
	s7 =	smov.u32 s5;
	s5 =	sadd.s32 $0x40, s5  }
.Ltmp1:
0x24: {  	(pc) =	sbr.rel @p0 .LBB2_4-.Ltmp1, $2  }
0x25: {  	_ =	sdelay $0x2  }
0x26: {  	s7 =	sshra.s32 s7, $0x2  }
0x27: {  	[tilespmem:s7+$0x6800] =	vst v4;
	s5 =	simm.s32 $0x0;
	s18 =	rddreg [dreg:$0x4]  }
0x28: {  	[tilespmem:s5], [sflag:$0x1] =	stream.linear.gather [hbm4b:s18+s5], $0x1E00, $0x38;
	[tilespmem:$0x1F300] =	vst v63  }
0x29: {  	_ =	swait.ge [sflag:s19], $0x1E00  }
0x2a: {  	[sflag:s19] =	ssyncset.done $0x0  }
0x2b: {  	s7 =	simm.s32 $0x0;
	[sflag:s19] =	ssyncadd.s32 $0xFFFFE200  }
.LBB2_6:
0x2c: {  	s13 =	sshll.u32 s7, $0x8  }
0x2d: {  	s13 =	sadd.s32 s2, s13  }
0x2e: {  	[tilespmem:s20], [sflag:$0x1] =	stream.linear.gather [hbm4b:s13+s5], $0x800, $0x38;
	[tilespmem:$0x1F300] =	vst v63  }
0x2f: {  	_ =	swait.ge [sflag:s19], $0x800  }
0x30: {  	[sflag:s19] =	ssyncset.done $0x0  }
0x31: {  	s13 =	simm.s32 $0x0;
	[sflag:s19] =	ssyncadd.s32 $0xFFFFF800  }
.LBB2_7:
0x32: {  	s14 =	sshra.s32 s13, $0x2  }
0x33: {  	v7 =	vld [tilespmem:s14+$0x6000];
	_ =	sdelay $0x4  }
0x34: {  	v7 =	vsub.s32 v7, v0  }
0x35: {  	vm0 =	vlt.u32 v7, $0x1B00  }
0x36: {  	v7 =	vnsel vm0, $0x0, v7;
	_ =	sdelay $0x4  }
0x37: {  	[tilespmem:v7+s21+$0x0] =	vst.idx.msk vm0, v5  }
0x38: {  	v7 =	vld [tilespmem:s14+$0x6010];
	_ =	sdelay $0x4  }
0x39: {  	v7 =	vsub.s32 v7, v0  }
0x3a: {  	vm9 =	vlt.u32 v7, $0x1B00  }
0x3b: {  	v7 =	vnsel vm9, $0x0, v7;
	_ =	sdelay $0x4  }
0x3c: {  	[tilespmem:v7+s21+$0x0] =	vst.idx.msk vm9, v5  }
0x3d: {  	v7 =	vld [tilespmem:s14+$0x6020];
	_ =	sdelay $0x4  }
0x3e: {  	v7 =	vsub.s32 v7, v0  }
0x3f: {  	vm10 =	vlt.u32 v7, $0x1B00  }
0x40: {  	v7 =	vnsel vm10, $0x0, v7;
	_ =	sdelay $0x4  }
0x41: {  	[tilespmem:v7+s21+$0x0] =	vst.idx.msk vm10, v5  }
0x42: {  	v7 =	vld [tilespmem:s14+$0x6030];
	_ =	sdelay $0x4  }
0x43: {  	v7 =	vsub.s32 v7, v0  }
0x44: {  	vm11 =	vlt.u32 v7, $0x1B00  }
0x45: {  	v7 =	vnsel vm11, $0x0, v7;
	_ =	sdelay $0x4  }
0x46: {  	[tilespmem:v7+s21+$0x0] =	vst.idx.msk vm11, v5  }
0x47: {  	v7 =	vld [tilespmem:s14+$0x6040];
	_ =	sdelay $0x4  }
0x48: {  	v7 =	vsub.s32 v7, v0  }
0x49: {  	vm12 =	vlt.u32 v7, $0x1B00  }
0x4a: {  	v7 =	vnsel vm12, $0x0, v7;
	_ =	sdelay $0x4  }
0x4b: {  	[tilespmem:v7+s21+$0x0] =	vst.idx.msk vm12, v5  }
0x4c: {  	v7 =	vld [tilespmem:s14+$0x6050];
	_ =	sdelay $0x4  }
0x4d: {  	v7 =	vsub.s32 v7, v0  }
0x4e: {  	vm13 =	vlt.u32 v7, $0x1B00  }
0x4f: {  	v7 =	vnsel vm13, $0x0, v7;
	_ =	sdelay $0x4  }
0x50: {  	[tilespmem:v7+s21+$0x0] =	vst.idx.msk vm13, v5  }
0x51: {  	v7 =	vld [tilespmem:s14+$0x6060];
	_ =	sdelay $0x4  }
0x52: {  	v7 =	vsub.s32 v7, v0  }
0x53: {  	vm14 =	vlt.u32 v7, $0x1B00  }
0x54: {  	v7 =	vnsel vm14, $0x0, v7;
	_ =	sdelay $0x4  }
0x55: {  	[tilespmem:v7+s21+$0x0] =	vst.idx.msk vm14, v5  }
0x56: {  	v7 =	vld [tilespmem:s14+$0x6070];
	_ =	sdelay $0x4  }
0x57: {  	v7 =	vsub.s32 v7, v0  }
0x58: {  	vm15 =	vlt.u32 v7, $0x1B00  }
0x59: {  	p0 =	sne.s32 s13, $0x1E00;
	v7 =	vnsel vm15, $0x0, v7  }
.Ltmp2:
0x5a: {  	_ = 	snop;
	(pc) =	sbr.rel @p0 .LBB2_7-.Ltmp2, $2  }
0x5b: {  	_ =	sdelay $0x2  }
0x5c: {  	s13 =	sadd.s32 $0x200, s13;
	[tilespmem:v7+s21+$0x0] =	vst.idx.msk vm15, v5  }
0x5d: {  	s7 =	sadd.s32 $0x1, s7  }
0x5e: {  	p0 =	sne.s32 s7, $0x3C  }
.Ltmp3:
0x5f: {  	_ = 	snop;
	(pc) =	sbr.rel @p0 .LBB2_6-.Ltmp3, $1  }
0x60: {  	_ =	sdelay $0x3  }
0x61: {  	s5 =	simm.s32 $0x0;
	s7 =	rddreg [dreg:$0x5]  }
0x62: {  	[hbm4b:s7+s5] =	stream.linear.scatter [tilespmem:s21], [sflag:$0x1], $0x1B00, $0x38;
	[tilespmem:$0x1F300] =	vst v63  }
0x63: {  	_ =	swait.ge [sflag:s19], $0x1B00  }
0x64: {  	[sflag:s19] =	ssyncset.done $0x0  }
0x65: {  	[sflag:s19] =	ssyncadd.s32 $0xFFFFE500  }
0x66: {  	[spmem:s6] =	stream.linear.scatter [tilespmem:s22], [sflag:$0x1], $0x4000, $0x38;
	[tilespmem:$0x1F300] =	vst v63  }
0x67: {  	_ =	swait.ge [sflag:s19], $0x4000  }
0x68: {  	[sflag:s19] =	ssyncset.done $0x0  }
0x69: {  	s18 =	rddreg [dreg:$0x6];
	[sflag:s19] =	ssyncadd.s32 $0xFFFFC000  }
0x6a: {  	[spmem:s18] =	stream.linear.scatter [tilespmem:s22], [sflag:$0x1], $0x4000, $0x38;
	[tilespmem:$0x1F300] =	vst v63  }
0x6b: {  	_ =	swait.ge [sflag:s19], $0x4000  }
0x6c: {  	[sflag:s19] =	ssyncset.done $0x0  }
0x6d: {  	[sflag:s19] =	ssyncadd.s32 $0xFFFFC000  }
0x6e: {  	[spmem:s9] =	stream.linear.scatter [tilespmem:s22], [sflag:$0x1], $0x4000, $0x38;
	[tilespmem:$0x1F300] =	vst v63  }
0x6f: {  	_ =	swait.ge [sflag:s19], $0x4000  }
0x70: {  	[sflag:s19] =	ssyncset.done $0x0  }
0x71: {  	[sflag:s19] =	ssyncadd.s32 $0xFFFFC000  }
0x72: {  	[spmem:s10] =	stream.linear.scatter [tilespmem:s22], [sflag:$0x1], $0x4000, $0x38;
	[tilespmem:$0x1F300] =	vst v63  }
0x73: {  	_ =	swait.ge [sflag:s19], $0x4000  }
0x74: {  	[sflag:s19] =	ssyncset.done $0x0  }
0x75: {  	[sflag:s19] =	ssyncadd.s32 $0xFFFFC000  }
0x76: {  	[spmem:s11] =	stream.linear.scatter [tilespmem:s22], [sflag:$0x1], $0x3000, $0x38;
	[tilespmem:$0x1F300] =	vst v63  }
0x77: {  	_ =	swait.ge [sflag:s19], $0x3000  }
0x78: {  	[sflag:s19] =	ssyncset.done $0x0  }
0x79: {  	[sflag:s19] =	ssyncadd.s32 $0xFFFFD000  }
0x7a: {  	s13 =	smov.u32 s15;
	s7 =	simm.s32 $0x100;
	[bflag:$0x0] =	sbarrier.arrive $0xFFFF  }
.LBB2_10:
0x7b: {  	[tilespmem:s23], [sflag:$0x1] =	stream.linear.gather [hbm4b:s13+s4], $0x4000, $0x38;
	[tilespmem:$0x1F300] =	vst v63  }
0x7c: {  	_ =	swait.ge [sflag:s19], $0x4000  }
0x7d: {  	[sflag:s19] =	ssyncset.done $0x0  }
0x7e: {  	[sflag:s19] =	ssyncadd.s32 $0xFFFFC000  }
0x7f: {  	v7 =	vld [tilespmem:s7+$0xFFFFFF00];
	_ =	sdelay $0x2  }
0x80: {  	s14 =	sadd.s32 s5, s12  }
0x81: {  	s16 =	sand.u32 $0x780, s14  }
0x82: {  	s18 =	sor.u32 $0x9000, s16;
	v7 =	vsub.s32 v7, v1  }
0x83: {  	v8 =	vor.u32 s18, v6;
	vm0 =	vlt.u32 v7, $0x9000  }
0x84: {  	v7 =	vsel vm0, v7, v8  }
0x85: {  	[tilespmem:$0x5E00] =	vst v7  }
0x86: {  	v7 =	vld [tilespmem:s7+$0xFFFFFF10];
	_ =	sdelay $0x4  }
0x87: {  	s17 =	sor.u32 $0x9010, s16;
	v7 =	vsub.s32 v7, v1  }
0x88: {  	v8 =	vor.u32 s17, v6;
	vm9 =	vlt.u32 v7, $0x9000  }
0x89: {  	v7 =	vsel vm9, v7, v8  }
0x8a: {  	[tilespmem:$0x5E10] =	vst v7  }
0x8b: {  	v7 =	vld [tilespmem:s7+$0xFFFFFF20];
	_ =	sdelay $0x4  }
0x8c: {  	s8 =	sor.u32 $0x9020, s16;
	v7 =	vsub.s32 v7, v1  }
0x8d: {  	v8 =	vor.u32 s8, v6;
	vm10 =	vlt.u32 v7, $0x9000  }
0x8e: {  	v7 =	vsel vm10, v7, v8  }
0x8f: {  	[tilespmem:$0x5E20] =	vst v7  }
0x90: {  	v7 =	vld [tilespmem:s7+$0xFFFFFF30];
	_ =	sdelay $0x4  }
0x91: {  	s17 =	sor.u32 $0x9030, s16;
	v7 =	vsub.s32 v7, v1  }
0x92: {  	v8 =	vor.u32 s17, v6;
	vm11 =	vlt.u32 v7, $0x9000  }
0x93: {  	v7 =	vsel vm11, v7, v8  }
0x94: {  	[tilespmem:$0x5E30] =	vst v7  }
0x95: {  	v7 =	vld [tilespmem:s7+$0xFFFFFF40];
	_ =	sdelay $0x4  }
0x96: {  	s8 =	sor.u32 $0x9040, s16;
	v7 =	vsub.s32 v7, v1  }
0x97: {  	v8 =	vor.u32 s8, v6;
	vm12 =	vlt.u32 v7, $0x9000  }
0x98: {  	v7 =	vsel vm12, v7, v8  }
0x99: {  	[tilespmem:$0x5E40] =	vst v7  }
0x9a: {  	v7 =	vld [tilespmem:s7+$0xFFFFFF50];
	_ =	sdelay $0x4  }
0x9b: {  	s17 =	sor.u32 $0x9050, s16;
	v7 =	vsub.s32 v7, v1  }
0x9c: {  	v8 =	vor.u32 s17, v6;
	vm13 =	vlt.u32 v7, $0x9000  }
0x9d: {  	v7 =	vsel vm13, v7, v8  }
0x9e: {  	[tilespmem:$0x5E50] =	vst v7  }
0x9f: {  	v7 =	vld [tilespmem:s7+$0xFFFFFF60];
	_ =	sdelay $0x4  }
0xa0: {  	s8 =	sor.u32 $0x9060, s16;
	v7 =	vsub.s32 v7, v1  }
0xa1: {  	v8 =	vor.u32 s8, v6;
	vm14 =	vlt.u32 v7, $0x9000  }
0xa2: {  	v7 =	vsel vm14, v7, v8  }
0xa3: {  	[tilespmem:$0x5E60] =	vst v7  }
0xa4: {  	v7 =	vld [tilespmem:s7+$0xFFFFFF70];
	_ =	sdelay $0x4  }
0xa5: {  	s16 =	sor.u32 $0x9070, s16;
	v7 =	vsub.s32 v7, v1  }
0xa6: {  	v8 =	vor.u32 s16, v6;
	vm15 =	vlt.u32 v7, $0x9000  }
0xa7: {  	v7 =	vsel vm15, v7, v8  }
0xa8: {  	[tilespmem:$0x5E70] =	vst v7  }
0xa9: {  	v7 =	vld [tilespmem:s7+$0xFFFFFF80];
	_ =	sdelay $0x2  }
0xaa: {  	s17 =	sadd.s32 $0x80, s14  }
0xab: {  	s16 =	sand.u32 $0x780, s17  }
0xac: {  	s16 =	sor.u32 $0x9000, s16;
	v7 =	vsub.s32 v7, v1  }
0xad: {  	v8 =	vor.u32 s16, v6;
	vm4 =	vlt.u32 v7, $0x9000  }
0xae: {  	v7 =	vsel vm4, v7, v8  }
0xaf: {  	[tilespmem:$0x5E80] =	vst v7  }
0xb0: {  	v7 =	vld [tilespmem:s7+$0xFFFFFF90];
	_ =	sdelay $0x2  }
0xb1: {  	s18 =	sadd.s32 $0x90, s14  }
0xb2: {  	s16 =	sand.u32 $0x790, s18  }
0xb3: {  	s16 =	sor.u32 $0x9000, s16;
	v7 =	vsub.s32 v7, v1  }
0xb4: {  	v8 =	vor.u32 s16, v6;
	vm5 =	vlt.u32 v7, $0x9000  }
0xb5: {  	v7 =	vsel vm5, v7, v8  }
0xb6: {  	[tilespmem:$0x5E90] =	vst v7  }
0xb7: {  	v7 =	vld [tilespmem:s7+$0xFFFFFFA0];
	_ =	sdelay $0x2  }
0xb8: {  	s8 =	sadd.s32 $0xA0, s14  }
0xb9: {  	s16 =	sand.u32 $0x7A0, s8  }
0xba: {  	s16 =	sor.u32 $0x9000, s16;
	v7 =	vsub.s32 v7, v1  }
0xbb: {  	v8 =	vor.u32 s16, v6;
	vm6 =	vlt.u32 v7, $0x9000  }
0xbc: {  	v7 =	vsel vm6, v7, v8  }
0xbd: {  	[tilespmem:$0x5EA0] =	vst v7  }
0xbe: {  	v7 =	vld [tilespmem:s7+$0xFFFFFFB0];
	_ =	sdelay $0x2  }
0xbf: {  	s17 =	sadd.s32 $0xB0, s14  }
0xc0: {  	s16 =	sand.u32 $0x7B0, s17  }
0xc1: {  	s16 =	sor.u32 $0x9000, s16;
	v7 =	vsub.s32 v7, v1  }
0xc2: {  	v8 =	vor.u32 s16, v6;
	vm7 =	vlt.u32 v7, $0x9000  }
0xc3: {  	v7 =	vsel vm7, v7, v8  }
0xc4: {  	[tilespmem:$0x5EB0] =	vst v7  }
0xc5: {  	v7 =	vld [tilespmem:s7+$0xFFFFFFC0];
	_ =	sdelay $0x2  }
0xc6: {  	s18 =	sadd.s32 $0xC0, s14  }
0xc7: {  	s16 =	sand.u32 $0x7C0, s18  }
0xc8: {  	s16 =	sor.u32 $0x9000, s16;
	v7 =	vsub.s32 v7, v1  }
0xc9: {  	v8 =	vor.u32 s16, v6;
	vm8 =	vlt.u32 v7, $0x9000  }
0xca: {  	v7 =	vsel vm8, v7, v8  }
0xcb: {  	[tilespmem:$0x5EC0] =	vst v7  }
0xcc: {  	v7 =	vld [tilespmem:s7+$0xFFFFFFD0];
	_ =	sdelay $0x2  }
0xcd: {  	s8 =	sadd.s32 $0xD0, s14  }
0xce: {  	s16 =	sand.u32 $0x7D0, s8  }
0xcf: {  	s16 =	sor.u32 $0x9000, s16;
	v7 =	vsub.s32 v7, v1  }
0xd0: {  	v8 =	vor.u32 s16, v6;
	vm9 =	vlt.u32 v7, $0x9000  }
0xd1: {  	v7 =	vsel vm9, v7, v8  }
0xd2: {  	[tilespmem:$0x5ED0] =	vst v7  }
0xd3: {  	v7 =	vld [tilespmem:s7+$0xFFFFFFE0];
	_ =	sdelay $0x2  }
0xd4: {  	s17 =	sadd.s32 $0xE0, s14  }
0xd5: {  	s16 =	sand.u32 $0x7E0, s17  }
0xd6: {  	s16 =	sor.u32 $0x9000, s16;
	v7 =	vsub.s32 v7, v1  }
0xd7: {  	v8 =	vor.u32 s16, v6;
	vm10 =	vlt.u32 v7, $0x9000  }
0xd8: {  	v7 =	vsel vm10, v7, v8  }
0xd9: {  	[tilespmem:$0x5EE0] =	vst v7  }
0xda: {  	v7 =	vld [tilespmem:s7+$0xFFFFFFF0];
	_ =	sdelay $0x2  }
0xdb: {  	s18 =	sadd.s32 $0xF0, s14  }
0xdc: {  	s16 =	sand.u32 $0x7F0, s18  }
0xdd: {  	s16 =	sor.u32 $0x9000, s16;
	v7 =	vsub.s32 v7, v1  }
0xde: {  	v8 =	vor.u32 s16, v6;
	vm11 =	vlt.u32 v7, $0x9000  }
0xdf: {  	v7 =	vsel vm11, v7, v8  }
0xe0: {  	[tilespmem:$0x5EF0] =	vst v7  }
0xe1: {  	v7 =	vld [tilespmem:s7+$0x0];
	_ =	sdelay $0x2  }
0xe2: {  	s8 =	sadd.s32 $0x100, s14  }
0xe3: {  	s16 =	sand.u32 $0x780, s8  }
0xe4: {  	s16 =	sor.u32 $0x9000, s16;
	v7 =	vsub.s32 v7, v1  }
0xe5: {  	v8 =	vor.u32 s16, v6;
	vm12 =	vlt.u32 v7, $0x9000  }
0xe6: {  	v7 =	vsel vm12, v7, v8  }
0xe7: {  	[tilespmem:$0x5F00] =	vst v7  }
0xe8: {  	v7 =	vld [tilespmem:s7+$0x10];
	_ =	sdelay $0x2  }
0xe9: {  	s17 =	sadd.s32 $0x110, s14  }
0xea: {  	s16 =	sand.u32 $0x790, s17  }
0xeb: {  	s16 =	sor.u32 $0x9000, s16;
	v7 =	vsub.s32 v7, v1  }
0xec: {  	v8 =	vor.u32 s16, v6;
	vm13 =	vlt.u32 v7, $0x9000  }
0xed: {  	v7 =	vsel vm13, v7, v8  }
0xee: {  	[tilespmem:$0x5F10] =	vst v7  }
0xef: {  	v7 =	vld [tilespmem:s7+$0x20];
	_ =	sdelay $0x2  }
0xf0: {  	s18 =	sadd.s32 $0x120, s14  }
0xf1: {  	s16 =	sand.u32 $0x7A0, s18  }
0xf2: {  	s16 =	sor.u32 $0x9000, s16;
	v7 =	vsub.s32 v7, v1  }
0xf3: {  	v8 =	vor.u32 s16, v6;
	vm14 =	vlt.u32 v7, $0x9000  }
0xf4: {  	v7 =	vsel vm14, v7, v8  }
0xf5: {  	[tilespmem:$0x5F20] =	vst v7  }
0xf6: {  	v7 =	vld [tilespmem:s7+$0x30];
	_ =	sdelay $0x2  }
0xf7: {  	s8 =	sadd.s32 $0x130, s14  }
0xf8: {  	s16 =	sand.u32 $0x7B0, s8  }
0xf9: {  	s16 =	sor.u32 $0x9000, s16;
	v7 =	vsub.s32 v7, v1  }
0xfa: {  	v8 =	vor.u32 s16, v6;
	vm15 =	vlt.u32 v7, $0x9000  }
0xfb: {  	v7 =	vsel vm15, v7, v8  }
0xfc: {  	[tilespmem:$0x5F30] =	vst v7  }
0xfd: {  	v7 =	vld [tilespmem:s7+$0x40];
	_ =	sdelay $0x2  }
0xfe: {  	s17 =	sadd.s32 $0x140, s14  }
0xff: {  	s16 =	sand.u32 $0x7C0, s17  }
0x100: {  	s16 =	sor.u32 $0x9000, s16;
	v7 =	vsub.s32 v7, v1  }
0x101: {  	v8 =	vor.u32 s16, v6;
	vm4 =	vlt.u32 v7, $0x9000  }
0x102: {  	v7 =	vsel vm4, v7, v8  }
0x103: {  	[tilespmem:$0x5F40] =	vst v7  }
0x104: {  	v7 =	vld [tilespmem:s7+$0x50];
	_ =	sdelay $0x2  }
0x105: {  	s18 =	sadd.s32 $0x150, s14  }
0x106: {  	s16 =	sand.u32 $0x7D0, s18  }
0x107: {  	s16 =	sor.u32 $0x9000, s16;
	v7 =	vsub.s32 v7, v1  }
0x108: {  	v8 =	vor.u32 s16, v6;
	vm5 =	vlt.u32 v7, $0x9000  }
0x109: {  	v7 =	vsel vm5, v7, v8  }
0x10a: {  	[tilespmem:$0x5F50] =	vst v7  }
0x10b: {  	v7 =	vld [tilespmem:s7+$0x60];
	_ =	sdelay $0x2  }
0x10c: {  	s8 =	sadd.s32 $0x160, s14  }
0x10d: {  	s16 =	sand.u32 $0x7E0, s8  }
0x10e: {  	s16 =	sor.u32 $0x9000, s16;
	v7 =	vsub.s32 v7, v1  }
0x10f: {  	v8 =	vor.u32 s16, v6;
	vm6 =	vlt.u32 v7, $0x9000  }
0x110: {  	v7 =	vsel vm6, v7, v8  }
0x111: {  	[tilespmem:$0x5F60] =	vst v7  }
0x112: {  	v7 =	vld [tilespmem:s7+$0x70];
	_ =	sdelay $0x2  }
0x113: {  	s17 =	sadd.s32 $0x170, s14  }
0x114: {  	s16 =	sand.u32 $0x7F0, s17  }
0x115: {  	s16 =	sor.u32 $0x9000, s16;
	v7 =	vsub.s32 v7, v1  }
0x116: {  	v8 =	vor.u32 s16, v6;
	vm7 =	vlt.u32 v7, $0x9000  }
0x117: {  	v7 =	vsel vm7, v7, v8  }
0x118: {  	[tilespmem:$0x5F70] =	vst v7  }
0x119: {  	v7 =	vld [tilespmem:s7+$0x80];
	_ =	sdelay $0x2  }
0x11a: {  	s18 =	sadd.s32 $0x180, s14  }
0x11b: {  	s16 =	sand.u32 $0x780, s18  }
0x11c: {  	s16 =	sor.u32 $0x9000, s16;
	v7 =	vsub.s32 v7, v1  }
0x11d: {  	v8 =	vor.u32 s16, v6;
	vm8 =	vlt.u32 v7, $0x9000  }
0x11e: {  	v7 =	vsel vm8, v7, v8  }
0x11f: {  	[tilespmem:$0x5F80] =	vst v7  }
0x120: {  	v7 =	vld [tilespmem:s7+$0x90];
	_ =	sdelay $0x2  }
0x121: {  	s8 =	sadd.s32 $0x190, s14  }
0x122: {  	s16 =	sand.u32 $0x790, s8  }
0x123: {  	s16 =	sor.u32 $0x9000, s16;
	v7 =	vsub.s32 v7, v1  }
0x124: {  	v8 =	vor.u32 s16, v6;
	vm9 =	vlt.u32 v7, $0x9000  }
0x125: {  	v7 =	vsel vm9, v7, v8  }
0x126: {  	[tilespmem:$0x5F90] =	vst v7  }
0x127: {  	v7 =	vld [tilespmem:s7+$0xA0];
	_ =	sdelay $0x2  }
0x128: {  	s17 =	sadd.s32 $0x1A0, s14  }
0x129: {  	s16 =	sand.u32 $0x7A0, s17  }
0x12a: {  	s16 =	sor.u32 $0x9000, s16;
	v7 =	vsub.s32 v7, v1  }
0x12b: {  	v8 =	vor.u32 s16, v6;
	vm10 =	vlt.u32 v7, $0x9000  }
0x12c: {  	v7 =	vsel vm10, v7, v8  }
0x12d: {  	[tilespmem:$0x5FA0] =	vst v7  }
0x12e: {  	v7 =	vld [tilespmem:s7+$0xB0];
	_ =	sdelay $0x2  }
0x12f: {  	s18 =	sadd.s32 $0x1B0, s14  }
0x130: {  	s16 =	sand.u32 $0x7B0, s18  }
0x131: {  	s16 =	sor.u32 $0x9000, s16;
	v7 =	vsub.s32 v7, v1  }
0x132: {  	v8 =	vor.u32 s16, v6;
	vm11 =	vlt.u32 v7, $0x9000  }
0x133: {  	v7 =	vsel vm11, v7, v8  }
0x134: {  	[tilespmem:$0x5FB0] =	vst v7  }
0x135: {  	v7 =	vld [tilespmem:s7+$0xC0];
	_ =	sdelay $0x2  }
0x136: {  	s8 =	sadd.s32 $0x1C0, s14  }
0x137: {  	s16 =	sand.u32 $0x7C0, s8  }
0x138: {  	s16 =	sor.u32 $0x9000, s16;
	v7 =	vsub.s32 v7, v1  }
0x139: {  	v8 =	vor.u32 s16, v6;
	vm12 =	vlt.u32 v7, $0x9000  }
0x13a: {  	v7 =	vsel vm12, v7, v8  }
0x13b: {  	[tilespmem:$0x5FC0] =	vst v7  }
0x13c: {  	v7 =	vld [tilespmem:s7+$0xD0];
	_ =	sdelay $0x2  }
0x13d: {  	s17 =	sadd.s32 $0x1D0, s14  }
0x13e: {  	s16 =	sand.u32 $0x7D0, s17  }
0x13f: {  	s16 =	sor.u32 $0x9000, s16;
	v7 =	vsub.s32 v7, v1  }
0x140: {  	v8 =	vor.u32 s16, v6;
	vm13 =	vlt.u32 v7, $0x9000  }
0x141: {  	v7 =	vsel vm13, v7, v8  }
0x142: {  	[tilespmem:$0x5FD0] =	vst v7  }
0x143: {  	v7 =	vld [tilespmem:s7+$0xE0];
	_ =	sdelay $0x2  }
0x144: {  	s18 =	sadd.s32 $0x1E0, s14  }
0x145: {  	s16 =	sand.u32 $0x7E0, s18  }
0x146: {  	s16 =	sor.u32 $0x9000, s16;
	v7 =	vsub.s32 v7, v1  }
0x147: {  	v8 =	vor.u32 s16, v6;
	vm14 =	vlt.u32 v7, $0x9000  }
0x148: {  	v7 =	vsel vm14, v7, v8  }
0x149: {  	[tilespmem:$0x5FE0] =	vst v7  }
0x14a: {  	v7 =	vld [tilespmem:s7+$0xF0];
	_ =	sdelay $0x2  }
0x14b: {  	s14 =	sadd.s32 $0x1F0, s14  }
0x14c: {  	s14 =	sand.u32 $0x7F0, s14  }
0x14d: {  	s14 =	sor.u32 $0x9000, s14;
	v7 =	vsub.s32 v7, v1  }
0x14e: {  	v8 =	vor.u32 s14, v6;
	vm15 =	vlt.u32 v7, $0x9000  }
0x14f: {  	v7 =	vsel vm15, v7, v8  }
0x150: {  	[tilespmem:$0x5FF0] =	vst v7  }
0x151: {  	[spmem:s3] =	stream.indirect.scatter.add.f32 [tilespmem:s23], [sflag:$0x1], $0x20, s25, s24, $0xb8;
	[tilespmem:$0x1F300] =	vst v63  }
0x152: {  	_ =	swait.ge [sflag:s19], $0x1000  }
0x153: {  	[sflag:s19] =	ssyncset.done $0x0  }
0x154: {  	[sflag:s19] =	ssyncadd.s32 $0xFFFFF000  }
0x155: {  	[spmem:s3] =	stream.indirect.scatter.add.f32 [tilespmem:s28], [sflag:$0x1], $0x20, s26, s24, $0xb8;
	[tilespmem:$0x1F300] =	vst v63  }
0x156: {  	_ =	swait.ge [sflag:s19], $0x1000  }
0x157: {  	[sflag:s19] =	ssyncset.done $0x0  }
0x158: {  	[sflag:s19] =	ssyncadd.s32 $0xFFFFF000  }
0x159: {  	[spmem:s3] =	stream.indirect.scatter.add.f32 [tilespmem:s30], [sflag:$0x1], $0x20, s29, s24, $0xb8;
	[tilespmem:$0x1F300] =	vst v63  }
0x15a: {  	_ =	swait.ge [sflag:s19], $0x1000  }
0x15b: {  	p0 =	sne.s32 s5, $0x1C00;
	[sflag:s19] =	ssyncset.done $0x0  }
.Ltmp4:
0x15c: {  	[sflag:s19] =	ssyncadd.s32 $0xFFFFF000;
	(pc) =	sbr.rel @p0 .LBB2_10-.Ltmp4, $4  }
0x15d: {  	[spmem:s3] =	stream.indirect.scatter.add.f32 [tilespmem:s0], [sflag:$0x1], $0x20, s31, s24, $0xb8;
	[tilespmem:$0x1F300] =	vst v63  }
0x15e: {  	_ =	swait.ge [sflag:s19], $0x1000  }
0x15f: {  	s13 =	sadd.s32 $0x800, s13;
	[sflag:s19] =	ssyncset.done $0x0  }
0x160: {  	s5 =	sadd.s32 $0x200, s5;
	s7 =	sadd.s32 $0x200, s7;
	[sflag:s19] =	ssyncadd.s32 $0xFFFFF000  }
0x161: {  	s5 =	stileid.u32;
	[bflag:$0x0] =	sbarrier.arrive $0xFFFF  }
0x162: {  	s5 =	sshll.u32 s5, $0x6;
	s7 =	rddreg [dreg:$0x8]  }
0x163: {  	s8 =	rddreg [dreg:$0x7];
	s5 =	sor.u32 $0x1C01, s5;
	s7 =	sshrl.u32 s7, $0x3  }
0x164: {  	[hbm:s8], [sflag:s5] =	dma.local [spmem:s7], $0x2400  }
0x165: {  	_ =	swait.ge [sflag:s19], $0x2400  }
0x166: {  	[sflag:s19] =	ssyncset.done $0x0  }
0x167: {  	[sflag:s19] =	ssyncadd.s32 $0xFFFFDC00  }
0x168: {  	[bflag:$0x0] =	sbarrier.arrive $0xFFFF  }
0x169: {  	[spmem:s6] =	stream.linear.scatter [tilespmem:s22], [sflag:$0x1], $0x4000, $0x38;
	[tilespmem:$0x1F300] =	vst v63  }
0x16a: {  	_ =	swait.ge [sflag:s19], $0x4000  }
0x16b: {  	[sflag:s19] =	ssyncset.done $0x0  }
0x16c: {  	s18 =	rddreg [dreg:$0x6];
	[sflag:s19] =	ssyncadd.s32 $0xFFFFC000  }
0x16d: {  	[spmem:s18] =	stream.linear.scatter [tilespmem:s22], [sflag:$0x1], $0x4000, $0x38;
	[tilespmem:$0x1F300] =	vst v63  }
0x16e: {  	_ =	swait.ge [sflag:s19], $0x4000  }
0x16f: {  	[sflag:s19] =	ssyncset.done $0x0  }
0x170: {  	[sflag:s19] =	ssyncadd.s32 $0xFFFFC000  }
0x171: {  	[spmem:s9] =	stream.linear.scatter [tilespmem:s22], [sflag:$0x1], $0x4000, $0x38;
	[tilespmem:$0x1F300] =	vst v63  }
0x172: {  	_ =	swait.ge [sflag:s19], $0x4000  }
0x173: {  	[sflag:s19] =	ssyncset.done $0x0  }
0x174: {  	[sflag:s19] =	ssyncadd.s32 $0xFFFFC000  }
0x175: {  	[spmem:s10] =	stream.linear.scatter [tilespmem:s22], [sflag:$0x1], $0x4000, $0x38;
	[tilespmem:$0x1F300] =	vst v63  }
0x176: {  	_ =	swait.ge [sflag:s19], $0x4000  }
0x177: {  	[sflag:s19] =	ssyncset.done $0x0  }
0x178: {  	[sflag:s19] =	ssyncadd.s32 $0xFFFFC000  }
0x179: {  	[spmem:s11] =	stream.linear.scatter [tilespmem:s22], [sflag:$0x1], $0x3000, $0x38;
	[tilespmem:$0x1F300] =	vst v63  }
0x17a: {  	_ =	swait.ge [sflag:s19], $0x3000  }
0x17b: {  	[sflag:s19] =	ssyncset.done $0x0  }
0x17c: {  	s13 =	simm.s32 $0x0;
	[sflag:s19] =	ssyncadd.s32 $0xFFFFD000  }
0x17d: {  	s14 =	simm.s32 $0x100;
	s18 =	smov.u32 s15;
	[bflag:$0x0] =	sbarrier.arrive $0xFFFF  }
.LBB2_12:
0x17e: {  	[tilespmem:s23], [sflag:$0x1] =	stream.linear.gather [hbm4b:s18+s4], $0x4000, $0x38;
	[tilespmem:$0x1F300] =	vst v63  }
0x17f: {  	_ =	swait.ge [sflag:s19], $0x4000  }
0x180: {  	[sflag:s19] =	ssyncset.done $0x0  }
0x181: {  	[sflag:s19] =	ssyncadd.s32 $0xFFFFC000  }
0x182: {  	v7 =	vld [tilespmem:s14+$0xFFFFFF00];
	_ =	sdelay $0x2  }
0x183: {  	s16 =	sadd.s32 s13, s12  }
0x184: {  	s17 =	sand.u32 $0x780, s16  }
0x185: {  	s8 =	sor.u32 $0x9000, s17;
	v7 =	vsub.s32 v7, v2  }
0x186: {  	v8 =	vor.u32 s8, v6;
	vm0 =	vlt.u32 v7, $0x9000  }
0x187: {  	v7 =	vsel vm0, v7, v8  }
0x188: {  	[tilespmem:$0x5E00] =	vst v7  }
0x189: {  	v7 =	vld [tilespmem:s14+$0xFFFFFF10];
	_ =	sdelay $0x4  }
0x18a: {  	s8 =	sor.u32 $0x9010, s17;
	v7 =	vsub.s32 v7, v2  }
0x18b: {  	v8 =	vor.u32 s8, v6;
	vm9 =	vlt.u32 v7, $0x9000  }
0x18c: {  	v7 =	vsel vm9, v7, v8  }
0x18d: {  	[tilespmem:$0x5E10] =	vst v7  }
0x18e: {  	v7 =	vld [tilespmem:s14+$0xFFFFFF20];
	_ =	sdelay $0x4  }
0x18f: {  	s8 =	sor.u32 $0x9020, s17;
	v7 =	vsub.s32 v7, v2  }
0x190: {  	v8 =	vor.u32 s8, v6;
	vm10 =	vlt.u32 v7, $0x9000  }
0x191: {  	v7 =	vsel vm10, v7, v8  }
0x192: {  	[tilespmem:$0x5E20] =	vst v7  }
0x193: {  	v7 =	vld [tilespmem:s14+$0xFFFFFF30];
	_ =	sdelay $0x4  }
0x194: {  	s8 =	sor.u32 $0x9030, s17;
	v7 =	vsub.s32 v7, v2  }
0x195: {  	v8 =	vor.u32 s8, v6;
	vm11 =	vlt.u32 v7, $0x9000  }
0x196: {  	v7 =	vsel vm11, v7, v8  }
0x197: {  	[tilespmem:$0x5E30] =	vst v7  }
0x198: {  	v7 =	vld [tilespmem:s14+$0xFFFFFF40];
	_ =	sdelay $0x4  }
0x199: {  	s8 =	sor.u32 $0x9040, s17;
	v7 =	vsub.s32 v7, v2  }
0x19a: {  	v8 =	vor.u32 s8, v6;
	vm12 =	vlt.u32 v7, $0x9000  }
0x19b: {  	v7 =	vsel vm12, v7, v8  }
0x19c: {  	[tilespmem:$0x5E40] =	vst v7  }
0x19d: {  	v7 =	vld [tilespmem:s14+$0xFFFFFF50];
	_ =	sdelay $0x4  }
0x19e: {  	s8 =	sor.u32 $0x9050, s17;
	v7 =	vsub.s32 v7, v2  }
0x19f: {  	v8 =	vor.u32 s8, v6;
	vm13 =	vlt.u32 v7, $0x9000  }
0x1a0: {  	v7 =	vsel vm13, v7, v8  }
0x1a1: {  	[tilespmem:$0x5E50] =	vst v7  }
0x1a2: {  	v7 =	vld [tilespmem:s14+$0xFFFFFF60];
	_ =	sdelay $0x4  }
0x1a3: {  	s8 =	sor.u32 $0x9060, s17;
	v7 =	vsub.s32 v7, v2  }
0x1a4: {  	v8 =	vor.u32 s8, v6;
	vm14 =	vlt.u32 v7, $0x9000  }
0x1a5: {  	v7 =	vsel vm14, v7, v8  }
0x1a6: {  	[tilespmem:$0x5E60] =	vst v7  }
0x1a7: {  	v7 =	vld [tilespmem:s14+$0xFFFFFF70];
	_ =	sdelay $0x4  }
0x1a8: {  	s17 =	sor.u32 $0x9070, s17;
	v7 =	vsub.s32 v7, v2  }
0x1a9: {  	v8 =	vor.u32 s17, v6;
	vm15 =	vlt.u32 v7, $0x9000  }
0x1aa: {  	v7 =	vsel vm15, v7, v8  }
0x1ab: {  	[tilespmem:$0x5E70] =	vst v7  }
0x1ac: {  	v7 =	vld [tilespmem:s14+$0xFFFFFF80];
	_ =	sdelay $0x2  }
0x1ad: {  	s17 =	sadd.s32 $0x80, s16  }
0x1ae: {  	s8 =	sand.u32 $0x780, s17  }
0x1af: {  	s8 =	sor.u32 $0x9000, s8;
	v7 =	vsub.s32 v7, v2  }
0x1b0: {  	v8 =	vor.u32 s8, v6;
	vm4 =	vlt.u32 v7, $0x9000  }
0x1b1: {  	v7 =	vsel vm4, v7, v8  }
0x1b2: {  	[tilespmem:$0x5E80] =	vst v7  }
0x1b3: {  	v7 =	vld [tilespmem:s14+$0xFFFFFF90];
	_ =	sdelay $0x2  }
0x1b4: {  	s17 =	sadd.s32 $0x90, s16  }
0x1b5: {  	s8 =	sand.u32 $0x790, s17  }
0x1b6: {  	s8 =	sor.u32 $0x9000, s8;
	v7 =	vsub.s32 v7, v2  }
0x1b7: {  	v8 =	vor.u32 s8, v6;
	vm5 =	vlt.u32 v7, $0x9000  }
0x1b8: {  	v7 =	vsel vm5, v7, v8  }
0x1b9: {  	[tilespmem:$0x5E90] =	vst v7  }
0x1ba: {  	v7 =	vld [tilespmem:s14+$0xFFFFFFA0];
	_ =	sdelay $0x2  }
0x1bb: {  	s17 =	sadd.s32 $0xA0, s16  }
0x1bc: {  	s8 =	sand.u32 $0x7A0, s17  }
0x1bd: {  	s8 =	sor.u32 $0x9000, s8;
	v7 =	vsub.s32 v7, v2  }
0x1be: {  	v8 =	vor.u32 s8, v6;
	vm6 =	vlt.u32 v7, $0x9000  }
0x1bf: {  	v7 =	vsel vm6, v7, v8  }
0x1c0: {  	[tilespmem:$0x5EA0] =	vst v7  }
0x1c1: {  	v7 =	vld [tilespmem:s14+$0xFFFFFFB0];
	_ =	sdelay $0x2  }
0x1c2: {  	s17 =	sadd.s32 $0xB0, s16  }
0x1c3: {  	s8 =	sand.u32 $0x7B0, s17  }
0x1c4: {  	s8 =	sor.u32 $0x9000, s8;
	v7 =	vsub.s32 v7, v2  }
0x1c5: {  	v8 =	vor.u32 s8, v6;
	vm7 =	vlt.u32 v7, $0x9000  }
0x1c6: {  	v7 =	vsel vm7, v7, v8  }
0x1c7: {  	[tilespmem:$0x5EB0] =	vst v7  }
0x1c8: {  	v7 =	vld [tilespmem:s14+$0xFFFFFFC0];
	_ =	sdelay $0x2  }
0x1c9: {  	s17 =	sadd.s32 $0xC0, s16  }
0x1ca: {  	s8 =	sand.u32 $0x7C0, s17  }
0x1cb: {  	s8 =	sor.u32 $0x9000, s8;
	v7 =	vsub.s32 v7, v2  }
0x1cc: {  	v8 =	vor.u32 s8, v6;
	vm8 =	vlt.u32 v7, $0x9000  }
0x1cd: {  	v7 =	vsel vm8, v7, v8  }
0x1ce: {  	[tilespmem:$0x5EC0] =	vst v7  }
0x1cf: {  	v7 =	vld [tilespmem:s14+$0xFFFFFFD0];
	_ =	sdelay $0x2  }
0x1d0: {  	s17 =	sadd.s32 $0xD0, s16  }
0x1d1: {  	s8 =	sand.u32 $0x7D0, s17  }
0x1d2: {  	s8 =	sor.u32 $0x9000, s8;
	v7 =	vsub.s32 v7, v2  }
0x1d3: {  	v8 =	vor.u32 s8, v6;
	vm9 =	vlt.u32 v7, $0x9000  }
0x1d4: {  	v7 =	vsel vm9, v7, v8  }
0x1d5: {  	[tilespmem:$0x5ED0] =	vst v7  }
0x1d6: {  	v7 =	vld [tilespmem:s14+$0xFFFFFFE0];
	_ =	sdelay $0x2  }
0x1d7: {  	s17 =	sadd.s32 $0xE0, s16  }
0x1d8: {  	s8 =	sand.u32 $0x7E0, s17  }
0x1d9: {  	s8 =	sor.u32 $0x9000, s8;
	v7 =	vsub.s32 v7, v2  }
0x1da: {  	v8 =	vor.u32 s8, v6;
	vm10 =	vlt.u32 v7, $0x9000  }
0x1db: {  	v7 =	vsel vm10, v7, v8  }
0x1dc: {  	[tilespmem:$0x5EE0] =	vst v7  }
0x1dd: {  	v7 =	vld [tilespmem:s14+$0xFFFFFFF0];
	_ =	sdelay $0x2  }
0x1de: {  	s17 =	sadd.s32 $0xF0, s16  }
0x1df: {  	s8 =	sand.u32 $0x7F0, s17  }
0x1e0: {  	s8 =	sor.u32 $0x9000, s8;
	v7 =	vsub.s32 v7, v2  }
0x1e1: {  	v8 =	vor.u32 s8, v6;
	vm11 =	vlt.u32 v7, $0x9000  }
0x1e2: {  	v7 =	vsel vm11, v7, v8  }
0x1e3: {  	[tilespmem:$0x5EF0] =	vst v7  }
0x1e4: {  	v7 =	vld [tilespmem:s14+$0x0];
	_ =	sdelay $0x2  }
0x1e5: {  	s17 =	sadd.s32 $0x100, s16  }
0x1e6: {  	s8 =	sand.u32 $0x780, s17  }
0x1e7: {  	s8 =	sor.u32 $0x9000, s8;
	v7 =	vsub.s32 v7, v2  }
0x1e8: {  	v8 =	vor.u32 s8, v6;
	vm12 =	vlt.u32 v7, $0x9000  }
0x1e9: {  	v7 =	vsel vm12, v7, v8  }
0x1ea: {  	[tilespmem:$0x5F00] =	vst v7  }
0x1eb: {  	v7 =	vld [tilespmem:s14+$0x10];
	_ =	sdelay $0x2  }
0x1ec: {  	s17 =	sadd.s32 $0x110, s16  }
0x1ed: {  	s8 =	sand.u32 $0x790, s17  }
0x1ee: {  	s8 =	sor.u32 $0x9000, s8;
	v7 =	vsub.s32 v7, v2  }
0x1ef: {  	v8 =	vor.u32 s8, v6;
	vm13 =	vlt.u32 v7, $0x9000  }
0x1f0: {  	v7 =	vsel vm13, v7, v8  }
0x1f1: {  	[tilespmem:$0x5F10] =	vst v7  }
0x1f2: {  	v7 =	vld [tilespmem:s14+$0x20];
	_ =	sdelay $0x2  }
0x1f3: {  	s17 =	sadd.s32 $0x120, s16  }
0x1f4: {  	s8 =	sand.u32 $0x7A0, s17  }
0x1f5: {  	s8 =	sor.u32 $0x9000, s8;
	v7 =	vsub.s32 v7, v2  }
0x1f6: {  	v8 =	vor.u32 s8, v6;
	vm14 =	vlt.u32 v7, $0x9000  }
0x1f7: {  	v7 =	vsel vm14, v7, v8  }
0x1f8: {  	[tilespmem:$0x5F20] =	vst v7  }
0x1f9: {  	v7 =	vld [tilespmem:s14+$0x30];
	_ =	sdelay $0x2  }
0x1fa: {  	s17 =	sadd.s32 $0x130, s16  }
0x1fb: {  	s8 =	sand.u32 $0x7B0, s17  }
0x1fc: {  	s8 =	sor.u32 $0x9000, s8;
	v7 =	vsub.s32 v7, v2  }
0x1fd: {  	v8 =	vor.u32 s8, v6;
	vm15 =	vlt.u32 v7, $0x9000  }
0x1fe: {  	v7 =	vsel vm15, v7, v8  }
0x1ff: {  	[tilespmem:$0x5F30] =	vst v7  }
0x200: {  	v7 =	vld [tilespmem:s14+$0x40];
	_ =	sdelay $0x2  }
0x201: {  	s17 =	sadd.s32 $0x140, s16  }
0x202: {  	s8 =	sand.u32 $0x7C0, s17  }
0x203: {  	s8 =	sor.u32 $0x9000, s8;
	v7 =	vsub.s32 v7, v2  }
0x204: {  	v8 =	vor.u32 s8, v6;
	vm4 =	vlt.u32 v7, $0x9000  }
0x205: {  	v7 =	vsel vm4, v7, v8  }
0x206: {  	[tilespmem:$0x5F40] =	vst v7  }
0x207: {  	v7 =	vld [tilespmem:s14+$0x50];
	_ =	sdelay $0x2  }
0x208: {  	s17 =	sadd.s32 $0x150, s16  }
0x209: {  	s8 =	sand.u32 $0x7D0, s17  }
0x20a: {  	s8 =	sor.u32 $0x9000, s8;
	v7 =	vsub.s32 v7, v2  }
0x20b: {  	v8 =	vor.u32 s8, v6;
	vm5 =	vlt.u32 v7, $0x9000  }
0x20c: {  	v7 =	vsel vm5, v7, v8  }
0x20d: {  	[tilespmem:$0x5F50] =	vst v7  }
0x20e: {  	v7 =	vld [tilespmem:s14+$0x60];
	_ =	sdelay $0x2  }
0x20f: {  	s17 =	sadd.s32 $0x160, s16  }
0x210: {  	s8 =	sand.u32 $0x7E0, s17  }
0x211: {  	s8 =	sor.u32 $0x9000, s8;
	v7 =	vsub.s32 v7, v2  }
0x212: {  	v8 =	vor.u32 s8, v6;
	vm6 =	vlt.u32 v7, $0x9000  }
0x213: {  	v7 =	vsel vm6, v7, v8  }
0x214: {  	[tilespmem:$0x5F60] =	vst v7  }
0x215: {  	v7 =	vld [tilespmem:s14+$0x70];
	_ =	sdelay $0x2  }
0x216: {  	s17 =	sadd.s32 $0x170, s16  }
0x217: {  	s8 =	sand.u32 $0x7F0, s17  }
0x218: {  	s8 =	sor.u32 $0x9000, s8;
	v7 =	vsub.s32 v7, v2  }
0x219: {  	v8 =	vor.u32 s8, v6;
	vm7 =	vlt.u32 v7, $0x9000  }
0x21a: {  	v7 =	vsel vm7, v7, v8  }
0x21b: {  	[tilespmem:$0x5F70] =	vst v7  }
0x21c: {  	v7 =	vld [tilespmem:s14+$0x80];
	_ =	sdelay $0x2  }
0x21d: {  	s17 =	sadd.s32 $0x180, s16  }
0x21e: {  	s8 =	sand.u32 $0x780, s17  }
0x21f: {  	s8 =	sor.u32 $0x9000, s8;
	v7 =	vsub.s32 v7, v2  }
0x220: {  	v8 =	vor.u32 s8, v6;
	vm8 =	vlt.u32 v7, $0x9000  }
0x221: {  	v7 =	vsel vm8, v7, v8  }
0x222: {  	[tilespmem:$0x5F80] =	vst v7  }
0x223: {  	v7 =	vld [tilespmem:s14+$0x90];
	_ =	sdelay $0x2  }
0x224: {  	s17 =	sadd.s32 $0x190, s16  }
0x225: {  	s8 =	sand.u32 $0x790, s17  }
0x226: {  	s8 =	sor.u32 $0x9000, s8;
	v7 =	vsub.s32 v7, v2  }
0x227: {  	v8 =	vor.u32 s8, v6;
	vm9 =	vlt.u32 v7, $0x9000  }
0x228: {  	v7 =	vsel vm9, v7, v8  }
0x229: {  	[tilespmem:$0x5F90] =	vst v7  }
0x22a: {  	v7 =	vld [tilespmem:s14+$0xA0];
	_ =	sdelay $0x2  }
0x22b: {  	s17 =	sadd.s32 $0x1A0, s16  }
0x22c: {  	s8 =	sand.u32 $0x7A0, s17  }
0x22d: {  	s8 =	sor.u32 $0x9000, s8;
	v7 =	vsub.s32 v7, v2  }
0x22e: {  	v8 =	vor.u32 s8, v6;
	vm10 =	vlt.u32 v7, $0x9000  }
0x22f: {  	v7 =	vsel vm10, v7, v8  }
0x230: {  	[tilespmem:$0x5FA0] =	vst v7  }
0x231: {  	v7 =	vld [tilespmem:s14+$0xB0];
	_ =	sdelay $0x2  }
0x232: {  	s17 =	sadd.s32 $0x1B0, s16  }
0x233: {  	s8 =	sand.u32 $0x7B0, s17  }
0x234: {  	s8 =	sor.u32 $0x9000, s8;
	v7 =	vsub.s32 v7, v2  }
0x235: {  	v8 =	vor.u32 s8, v6;
	vm11 =	vlt.u32 v7, $0x9000  }
0x236: {  	v7 =	vsel vm11, v7, v8  }
0x237: {  	[tilespmem:$0x5FB0] =	vst v7  }
0x238: {  	v7 =	vld [tilespmem:s14+$0xC0];
	_ =	sdelay $0x2  }
0x239: {  	s17 =	sadd.s32 $0x1C0, s16  }
0x23a: {  	s8 =	sand.u32 $0x7C0, s17  }
0x23b: {  	s8 =	sor.u32 $0x9000, s8;
	v7 =	vsub.s32 v7, v2  }
0x23c: {  	v8 =	vor.u32 s8, v6;
	vm12 =	vlt.u32 v7, $0x9000  }
0x23d: {  	v7 =	vsel vm12, v7, v8  }
0x23e: {  	[tilespmem:$0x5FC0] =	vst v7  }
0x23f: {  	v7 =	vld [tilespmem:s14+$0xD0];
	_ =	sdelay $0x2  }
0x240: {  	s17 =	sadd.s32 $0x1D0, s16  }
0x241: {  	s8 =	sand.u32 $0x7D0, s17  }
0x242: {  	s8 =	sor.u32 $0x9000, s8;
	v7 =	vsub.s32 v7, v2  }
0x243: {  	v8 =	vor.u32 s8, v6;
	vm13 =	vlt.u32 v7, $0x9000  }
0x244: {  	v7 =	vsel vm13, v7, v8  }
0x245: {  	[tilespmem:$0x5FD0] =	vst v7  }
0x246: {  	v7 =	vld [tilespmem:s14+$0xE0];
	_ =	sdelay $0x2  }
0x247: {  	s17 =	sadd.s32 $0x1E0, s16  }
0x248: {  	s8 =	sand.u32 $0x7E0, s17  }
0x249: {  	s8 =	sor.u32 $0x9000, s8;
	v7 =	vsub.s32 v7, v2  }
0x24a: {  	v8 =	vor.u32 s8, v6;
	vm14 =	vlt.u32 v7, $0x9000  }
0x24b: {  	v7 =	vsel vm14, v7, v8  }
0x24c: {  	[tilespmem:$0x5FE0] =	vst v7  }
0x24d: {  	v7 =	vld [tilespmem:s14+$0xF0];
	_ =	sdelay $0x2  }
0x24e: {  	s17 =	sadd.s32 $0x1F0, s16  }
0x24f: {  	s8 =	sand.u32 $0x7F0, s17  }
0x250: {  	s8 =	sor.u32 $0x9000, s8;
	v7 =	vsub.s32 v7, v2  }
0x251: {  	v8 =	vor.u32 s8, v6;
	vm15 =	vlt.u32 v7, $0x9000  }
0x252: {  	v7 =	vsel vm15, v7, v8  }
0x253: {  	[tilespmem:$0x5FF0] =	vst v7  }
0x254: {  	[spmem:s3] =	stream.indirect.scatter.add.f32 [tilespmem:s23], [sflag:$0x1], $0x20, s25, s24, $0xb8;
	[tilespmem:$0x1F300] =	vst v63  }
0x255: {  	_ =	swait.ge [sflag:s19], $0x1000  }
0x256: {  	[sflag:s19] =	ssyncset.done $0x0  }
0x257: {  	[sflag:s19] =	ssyncadd.s32 $0xFFFFF000  }
0x258: {  	[spmem:s3] =	stream.indirect.scatter.add.f32 [tilespmem:s28], [sflag:$0x1], $0x20, s26, s24, $0xb8;
	[tilespmem:$0x1F300] =	vst v63  }
0x259: {  	_ =	swait.ge [sflag:s19], $0x1000  }
0x25a: {  	[sflag:s19] =	ssyncset.done $0x0  }
0x25b: {  	[sflag:s19] =	ssyncadd.s32 $0xFFFFF000  }
0x25c: {  	[spmem:s3] =	stream.indirect.scatter.add.f32 [tilespmem:s30], [sflag:$0x1], $0x20, s29, s24, $0xb8;
	[tilespmem:$0x1F300] =	vst v63  }
0x25d: {  	_ =	swait.ge [sflag:s19], $0x1000  }
0x25e: {  	p0 =	sne.s32 s13, $0x1C00;
	[sflag:s19] =	ssyncset.done $0x0  }
.Ltmp5:
0x25f: {  	[sflag:s19] =	ssyncadd.s32 $0xFFFFF000;
	(pc) =	sbr.rel @p0 .LBB2_12-.Ltmp5, $4  }
0x260: {  	[spmem:s3] =	stream.indirect.scatter.add.f32 [tilespmem:s0], [sflag:$0x1], $0x20, s31, s24, $0xb8;
	[tilespmem:$0x1F300] =	vst v63  }
0x261: {  	_ =	swait.ge [sflag:s19], $0x1000  }
0x262: {  	s18 =	sadd.s32 $0x800, s18;
	[sflag:s19] =	ssyncset.done $0x0  }
0x263: {  	s13 =	sadd.s32 $0x200, s13;
	s14 =	sadd.s32 $0x200, s14;
	[sflag:s19] =	ssyncadd.s32 $0xFFFFF000  }
0x264: {  	[bflag:$0x0] =	sbarrier.arrive $0xFFFF  }
0x265: {  	s8 =	rddreg [dreg:$0x9]  }
0x266: {  	[hbm:s8], [sflag:s5] =	dma.local [spmem:s7], $0x2400  }
0x267: {  	_ =	swait.ge [sflag:s19], $0x2400  }
0x268: {  	[sflag:s19] =	ssyncset.done $0x0  }
0x269: {  	[sflag:s19] =	ssyncadd.s32 $0xFFFFDC00  }
0x26a: {  	[bflag:$0x0] =	sbarrier.arrive $0xFFFF  }
0x26b: {  	[spmem:s6] =	stream.linear.scatter [tilespmem:s22], [sflag:$0x1], $0x4000, $0x38;
	[tilespmem:$0x1F300] =	vst v63  }
0x26c: {  	_ =	swait.ge [sflag:s19], $0x4000  }
0x26d: {  	[sflag:s19] =	ssyncset.done $0x0  }
0x26e: {  	s18 =	rddreg [dreg:$0x6];
	[sflag:s19] =	ssyncadd.s32 $0xFFFFC000  }
0x26f: {  	[spmem:s18] =	stream.linear.scatter [tilespmem:s22], [sflag:$0x1], $0x4000, $0x38;
	[tilespmem:$0x1F300] =	vst v63  }
0x270: {  	_ =	swait.ge [sflag:s19], $0x4000  }
0x271: {  	[sflag:s19] =	ssyncset.done $0x0  }
0x272: {  	[sflag:s19] =	ssyncadd.s32 $0xFFFFC000  }
0x273: {  	[spmem:s9] =	stream.linear.scatter [tilespmem:s22], [sflag:$0x1], $0x4000, $0x38;
	[tilespmem:$0x1F300] =	vst v63  }
0x274: {  	_ =	swait.ge [sflag:s19], $0x4000  }
0x275: {  	[sflag:s19] =	ssyncset.done $0x0  }
0x276: {  	[sflag:s19] =	ssyncadd.s32 $0xFFFFC000  }
0x277: {  	[spmem:s10] =	stream.linear.scatter [tilespmem:s22], [sflag:$0x1], $0x4000, $0x38;
	[tilespmem:$0x1F300] =	vst v63  }
0x278: {  	_ =	swait.ge [sflag:s19], $0x4000  }
0x279: {  	[sflag:s19] =	ssyncset.done $0x0  }
0x27a: {  	[sflag:s19] =	ssyncadd.s32 $0xFFFFC000  }
0x27b: {  	[spmem:s11] =	stream.linear.scatter [tilespmem:s22], [sflag:$0x1], $0x3000, $0x38;
	[tilespmem:$0x1F300] =	vst v63  }
0x27c: {  	_ =	swait.ge [sflag:s19], $0x3000  }
0x27d: {  	[sflag:s19] =	ssyncset.done $0x0  }
0x27e: {  	s13 =	simm.s32 $0x0;
	[sflag:s19] =	ssyncadd.s32 $0xFFFFD000  }
0x27f: {  	s14 =	simm.s32 $0x100;
	s18 =	smov.u32 s15;
	[bflag:$0x0] =	sbarrier.arrive $0xFFFF  }
.LBB2_14:
0x280: {  	[tilespmem:s23], [sflag:$0x1] =	stream.linear.gather [hbm4b:s18+s4], $0x4000, $0x38;
	[tilespmem:$0x1F300] =	vst v63  }
0x281: {  	_ =	swait.ge [sflag:s19], $0x4000  }
0x282: {  	[sflag:s19] =	ssyncset.done $0x0  }
0x283: {  	[sflag:s19] =	ssyncadd.s32 $0xFFFFC000  }
0x284: {  	v7 =	vld [tilespmem:s14+$0xFFFFFF00];
	_ =	sdelay $0x2  }
0x285: {  	s16 =	sadd.s32 s13, s12  }
0x286: {  	s8 =	sand.u32 $0x780, s16  }
0x287: {  	s17 =	sor.u32 $0x9000, s8;
	v7 =	vsub.s32 v7, v3  }
0x288: {  	v8 =	vor.u32 s17, v6;
	vm0 =	vlt.u32 v7, $0x9000  }
0x289: {  	v7 =	vsel vm0, v7, v8  }
0x28a: {  	[tilespmem:$0x5E00] =	vst v7  }
0x28b: {  	v7 =	vld [tilespmem:s14+$0xFFFFFF10];
	_ =	sdelay $0x4  }
0x28c: {  	s17 =	sor.u32 $0x9010, s8;
	v7 =	vsub.s32 v7, v3  }
0x28d: {  	v8 =	vor.u32 s17, v6;
	vm9 =	vlt.u32 v7, $0x9000  }
0x28e: {  	v7 =	vsel vm9, v7, v8  }
0x28f: {  	[tilespmem:$0x5E10] =	vst v7  }
0x290: {  	v7 =	vld [tilespmem:s14+$0xFFFFFF20];
	_ =	sdelay $0x4  }
0x291: {  	s17 =	sor.u32 $0x9020, s8;
	v7 =	vsub.s32 v7, v3  }
0x292: {  	v8 =	vor.u32 s17, v6;
	vm10 =	vlt.u32 v7, $0x9000  }
0x293: {  	v7 =	vsel vm10, v7, v8  }
0x294: {  	[tilespmem:$0x5E20] =	vst v7  }
0x295: {  	v7 =	vld [tilespmem:s14+$0xFFFFFF30];
	_ =	sdelay $0x4  }
0x296: {  	s17 =	sor.u32 $0x9030, s8;
	v7 =	vsub.s32 v7, v3  }
0x297: {  	v8 =	vor.u32 s17, v6;
	vm11 =	vlt.u32 v7, $0x9000  }
0x298: {  	v7 =	vsel vm11, v7, v8  }
0x299: {  	[tilespmem:$0x5E30] =	vst v7  }
0x29a: {  	v7 =	vld [tilespmem:s14+$0xFFFFFF40];
	_ =	sdelay $0x4  }
0x29b: {  	s17 =	sor.u32 $0x9040, s8;
	v7 =	vsub.s32 v7, v3  }
0x29c: {  	v8 =	vor.u32 s17, v6;
	vm12 =	vlt.u32 v7, $0x9000  }
0x29d: {  	v7 =	vsel vm12, v7, v8  }
0x29e: {  	[tilespmem:$0x5E40] =	vst v7  }
0x29f: {  	v7 =	vld [tilespmem:s14+$0xFFFFFF50];
	_ =	sdelay $0x4  }
0x2a0: {  	s17 =	sor.u32 $0x9050, s8;
	v7 =	vsub.s32 v7, v3  }
0x2a1: {  	v8 =	vor.u32 s17, v6;
	vm13 =	vlt.u32 v7, $0x9000  }
0x2a2: {  	v7 =	vsel vm13, v7, v8  }
0x2a3: {  	[tilespmem:$0x5E50] =	vst v7  }
0x2a4: {  	v7 =	vld [tilespmem:s14+$0xFFFFFF60];
	_ =	sdelay $0x4  }
0x2a5: {  	s17 =	sor.u32 $0x9060, s8;
	v7 =	vsub.s32 v7, v3  }
0x2a6: {  	v8 =	vor.u32 s17, v6;
	vm14 =	vlt.u32 v7, $0x9000  }
0x2a7: {  	v7 =	vsel vm14, v7, v8  }
0x2a8: {  	[tilespmem:$0x5E60] =	vst v7  }
0x2a9: {  	v7 =	vld [tilespmem:s14+$0xFFFFFF70];
	_ =	sdelay $0x4  }
0x2aa: {  	s8 =	sor.u32 $0x9070, s8;
	v7 =	vsub.s32 v7, v3  }
0x2ab: {  	v8 =	vor.u32 s8, v6;
	vm15 =	vlt.u32 v7, $0x9000  }
0x2ac: {  	v7 =	vsel vm15, v7, v8  }
0x2ad: {  	[tilespmem:$0x5E70] =	vst v7  }
0x2ae: {  	v7 =	vld [tilespmem:s14+$0xFFFFFF80];
	_ =	sdelay $0x2  }
0x2af: {  	s17 =	sadd.s32 $0x80, s16  }
0x2b0: {  	s8 =	sand.u32 $0x780, s17  }
0x2b1: {  	s8 =	sor.u32 $0x9000, s8;
	v7 =	vsub.s32 v7, v3  }
0x2b2: {  	v8 =	vor.u32 s8, v6;
	vm4 =	vlt.u32 v7, $0x9000  }
0x2b3: {  	v7 =	vsel vm4, v7, v8  }
0x2b4: {  	[tilespmem:$0x5E80] =	vst v7  }
0x2b5: {  	v7 =	vld [tilespmem:s14+$0xFFFFFF90];
	_ =	sdelay $0x2  }
0x2b6: {  	s17 =	sadd.s32 $0x90, s16  }
0x2b7: {  	s8 =	sand.u32 $0x790, s17  }
0x2b8: {  	s8 =	sor.u32 $0x9000, s8;
	v7 =	vsub.s32 v7, v3  }
0x2b9: {  	v8 =	vor.u32 s8, v6;
	vm5 =	vlt.u32 v7, $0x9000  }
0x2ba: {  	v7 =	vsel vm5, v7, v8  }
0x2bb: {  	[tilespmem:$0x5E90] =	vst v7  }
0x2bc: {  	v7 =	vld [tilespmem:s14+$0xFFFFFFA0];
	_ =	sdelay $0x2  }
0x2bd: {  	s17 =	sadd.s32 $0xA0, s16  }
0x2be: {  	s8 =	sand.u32 $0x7A0, s17  }
0x2bf: {  	s8 =	sor.u32 $0x9000, s8;
	v7 =	vsub.s32 v7, v3  }
0x2c0: {  	v8 =	vor.u32 s8, v6;
	vm6 =	vlt.u32 v7, $0x9000  }
0x2c1: {  	v7 =	vsel vm6, v7, v8  }
0x2c2: {  	[tilespmem:$0x5EA0] =	vst v7  }
0x2c3: {  	v7 =	vld [tilespmem:s14+$0xFFFFFFB0];
	_ =	sdelay $0x2  }
0x2c4: {  	s17 =	sadd.s32 $0xB0, s16  }
0x2c5: {  	s8 =	sand.u32 $0x7B0, s17  }
0x2c6: {  	s8 =	sor.u32 $0x9000, s8;
	v7 =	vsub.s32 v7, v3  }
0x2c7: {  	v8 =	vor.u32 s8, v6;
	vm7 =	vlt.u32 v7, $0x9000  }
0x2c8: {  	v7 =	vsel vm7, v7, v8  }
0x2c9: {  	[tilespmem:$0x5EB0] =	vst v7  }
0x2ca: {  	v7 =	vld [tilespmem:s14+$0xFFFFFFC0];
	_ =	sdelay $0x2  }
0x2cb: {  	s17 =	sadd.s32 $0xC0, s16  }
0x2cc: {  	s8 =	sand.u32 $0x7C0, s17  }
0x2cd: {  	s8 =	sor.u32 $0x9000, s8;
	v7 =	vsub.s32 v7, v3  }
0x2ce: {  	v8 =	vor.u32 s8, v6;
	vm8 =	vlt.u32 v7, $0x9000  }
0x2cf: {  	v7 =	vsel vm8, v7, v8  }
0x2d0: {  	[tilespmem:$0x5EC0] =	vst v7  }
0x2d1: {  	v7 =	vld [tilespmem:s14+$0xFFFFFFD0];
	_ =	sdelay $0x2  }
0x2d2: {  	s17 =	sadd.s32 $0xD0, s16  }
0x2d3: {  	s8 =	sand.u32 $0x7D0, s17  }
0x2d4: {  	s8 =	sor.u32 $0x9000, s8;
	v7 =	vsub.s32 v7, v3  }
0x2d5: {  	v8 =	vor.u32 s8, v6;
	vm9 =	vlt.u32 v7, $0x9000  }
0x2d6: {  	v7 =	vsel vm9, v7, v8  }
0x2d7: {  	[tilespmem:$0x5ED0] =	vst v7  }
0x2d8: {  	v7 =	vld [tilespmem:s14+$0xFFFFFFE0];
	_ =	sdelay $0x2  }
0x2d9: {  	s17 =	sadd.s32 $0xE0, s16  }
0x2da: {  	s8 =	sand.u32 $0x7E0, s17  }
0x2db: {  	s8 =	sor.u32 $0x9000, s8;
	v7 =	vsub.s32 v7, v3  }
0x2dc: {  	v8 =	vor.u32 s8, v6;
	vm10 =	vlt.u32 v7, $0x9000  }
0x2dd: {  	v7 =	vsel vm10, v7, v8  }
0x2de: {  	[tilespmem:$0x5EE0] =	vst v7  }
0x2df: {  	v7 =	vld [tilespmem:s14+$0xFFFFFFF0];
	_ =	sdelay $0x2  }
0x2e0: {  	s17 =	sadd.s32 $0xF0, s16  }
0x2e1: {  	s8 =	sand.u32 $0x7F0, s17  }
0x2e2: {  	s8 =	sor.u32 $0x9000, s8;
	v7 =	vsub.s32 v7, v3  }
0x2e3: {  	v8 =	vor.u32 s8, v6;
	vm11 =	vlt.u32 v7, $0x9000  }
0x2e4: {  	v7 =	vsel vm11, v7, v8  }
0x2e5: {  	[tilespmem:$0x5EF0] =	vst v7  }
0x2e6: {  	v7 =	vld [tilespmem:s14+$0x0];
	_ =	sdelay $0x2  }
0x2e7: {  	s17 =	sadd.s32 $0x100, s16  }
0x2e8: {  	s8 =	sand.u32 $0x780, s17  }
0x2e9: {  	s8 =	sor.u32 $0x9000, s8;
	v7 =	vsub.s32 v7, v3  }
0x2ea: {  	v8 =	vor.u32 s8, v6;
	vm12 =	vlt.u32 v7, $0x9000  }
0x2eb: {  	v7 =	vsel vm12, v7, v8  }
0x2ec: {  	[tilespmem:$0x5F00] =	vst v7  }
0x2ed: {  	v7 =	vld [tilespmem:s14+$0x10];
	_ =	sdelay $0x2  }
0x2ee: {  	s17 =	sadd.s32 $0x110, s16  }
0x2ef: {  	s8 =	sand.u32 $0x790, s17  }
0x2f0: {  	s8 =	sor.u32 $0x9000, s8;
	v7 =	vsub.s32 v7, v3  }
0x2f1: {  	v8 =	vor.u32 s8, v6;
	vm13 =	vlt.u32 v7, $0x9000  }
0x2f2: {  	v7 =	vsel vm13, v7, v8  }
0x2f3: {  	[tilespmem:$0x5F10] =	vst v7  }
0x2f4: {  	v7 =	vld [tilespmem:s14+$0x20];
	_ =	sdelay $0x2  }
0x2f5: {  	s17 =	sadd.s32 $0x120, s16  }
0x2f6: {  	s8 =	sand.u32 $0x7A0, s17  }
0x2f7: {  	s8 =	sor.u32 $0x9000, s8;
	v7 =	vsub.s32 v7, v3  }
0x2f8: {  	v8 =	vor.u32 s8, v6;
	vm14 =	vlt.u32 v7, $0x9000  }
0x2f9: {  	v7 =	vsel vm14, v7, v8  }
0x2fa: {  	[tilespmem:$0x5F20] =	vst v7  }
0x2fb: {  	v7 =	vld [tilespmem:s14+$0x30];
	_ =	sdelay $0x2  }
0x2fc: {  	s17 =	sadd.s32 $0x130, s16  }
0x2fd: {  	s8 =	sand.u32 $0x7B0, s17  }
0x2fe: {  	s8 =	sor.u32 $0x9000, s8;
	v7 =	vsub.s32 v7, v3  }
0x2ff: {  	v8 =	vor.u32 s8, v6;
	vm15 =	vlt.u32 v7, $0x9000  }
0x300: {  	v7 =	vsel vm15, v7, v8  }
0x301: {  	[tilespmem:$0x5F30] =	vst v7  }
0x302: {  	v7 =	vld [tilespmem:s14+$0x40];
	_ =	sdelay $0x2  }
0x303: {  	s17 =	sadd.s32 $0x140, s16  }
0x304: {  	s8 =	sand.u32 $0x7C0, s17  }
0x305: {  	s8 =	sor.u32 $0x9000, s8;
	v7 =	vsub.s32 v7, v3  }
0x306: {  	v8 =	vor.u32 s8, v6;
	vm4 =	vlt.u32 v7, $0x9000  }
0x307: {  	v7 =	vsel vm4, v7, v8  }
0x308: {  	[tilespmem:$0x5F40] =	vst v7  }
0x309: {  	v7 =	vld [tilespmem:s14+$0x50];
	_ =	sdelay $0x2  }
0x30a: {  	s17 =	sadd.s32 $0x150, s16  }
0x30b: {  	s8 =	sand.u32 $0x7D0, s17  }
0x30c: {  	s8 =	sor.u32 $0x9000, s8;
	v7 =	vsub.s32 v7, v3  }
0x30d: {  	v8 =	vor.u32 s8, v6;
	vm5 =	vlt.u32 v7, $0x9000  }
0x30e: {  	v7 =	vsel vm5, v7, v8  }
0x30f: {  	[tilespmem:$0x5F50] =	vst v7  }
0x310: {  	v7 =	vld [tilespmem:s14+$0x60];
	_ =	sdelay $0x2  }
0x311: {  	s17 =	sadd.s32 $0x160, s16  }
0x312: {  	s8 =	sand.u32 $0x7E0, s17  }
0x313: {  	s8 =	sor.u32 $0x9000, s8;
	v7 =	vsub.s32 v7, v3  }
0x314: {  	v8 =	vor.u32 s8, v6;
	vm6 =	vlt.u32 v7, $0x9000  }
0x315: {  	v7 =	vsel vm6, v7, v8  }
0x316: {  	[tilespmem:$0x5F60] =	vst v7  }
0x317: {  	v7 =	vld [tilespmem:s14+$0x70];
	_ =	sdelay $0x2  }
0x318: {  	s17 =	sadd.s32 $0x170, s16  }
0x319: {  	s8 =	sand.u32 $0x7F0, s17  }
0x31a: {  	s8 =	sor.u32 $0x9000, s8;
	v7 =	vsub.s32 v7, v3  }
0x31b: {  	v8 =	vor.u32 s8, v6;
	vm7 =	vlt.u32 v7, $0x9000  }
0x31c: {  	v7 =	vsel vm7, v7, v8  }
0x31d: {  	[tilespmem:$0x5F70] =	vst v7  }
0x31e: {  	v7 =	vld [tilespmem:s14+$0x80];
	_ =	sdelay $0x2  }
0x31f: {  	s17 =	sadd.s32 $0x180, s16  }
0x320: {  	s8 =	sand.u32 $0x780, s17  }
0x321: {  	s8 =	sor.u32 $0x9000, s8;
	v7 =	vsub.s32 v7, v3  }
0x322: {  	v8 =	vor.u32 s8, v6;
	vm8 =	vlt.u32 v7, $0x9000  }
0x323: {  	v7 =	vsel vm8, v7, v8  }
0x324: {  	[tilespmem:$0x5F80] =	vst v7  }
0x325: {  	v7 =	vld [tilespmem:s14+$0x90];
	_ =	sdelay $0x2  }
0x326: {  	s17 =	sadd.s32 $0x190, s16  }
0x327: {  	s8 =	sand.u32 $0x790, s17  }
0x328: {  	s8 =	sor.u32 $0x9000, s8;
	v7 =	vsub.s32 v7, v3  }
0x329: {  	v8 =	vor.u32 s8, v6;
	vm9 =	vlt.u32 v7, $0x9000  }
0x32a: {  	v7 =	vsel vm9, v7, v8  }
0x32b: {  	[tilespmem:$0x5F90] =	vst v7  }
0x32c: {  	v7 =	vld [tilespmem:s14+$0xA0];
	_ =	sdelay $0x2  }
0x32d: {  	s17 =	sadd.s32 $0x1A0, s16  }
0x32e: {  	s8 =	sand.u32 $0x7A0, s17  }
0x32f: {  	s8 =	sor.u32 $0x9000, s8;
	v7 =	vsub.s32 v7, v3  }
0x330: {  	v8 =	vor.u32 s8, v6;
	vm10 =	vlt.u32 v7, $0x9000  }
0x331: {  	v7 =	vsel vm10, v7, v8  }
0x332: {  	[tilespmem:$0x5FA0] =	vst v7  }
0x333: {  	v7 =	vld [tilespmem:s14+$0xB0];
	_ =	sdelay $0x2  }
0x334: {  	s17 =	sadd.s32 $0x1B0, s16  }
0x335: {  	s8 =	sand.u32 $0x7B0, s17  }
0x336: {  	s8 =	sor.u32 $0x9000, s8;
	v7 =	vsub.s32 v7, v3  }
0x337: {  	v8 =	vor.u32 s8, v6;
	vm11 =	vlt.u32 v7, $0x9000  }
0x338: {  	v7 =	vsel vm11, v7, v8  }
0x339: {  	[tilespmem:$0x5FB0] =	vst v7  }
0x33a: {  	v7 =	vld [tilespmem:s14+$0xC0];
	_ =	sdelay $0x2  }
0x33b: {  	s17 =	sadd.s32 $0x1C0, s16  }
0x33c: {  	s8 =	sand.u32 $0x7C0, s17  }
0x33d: {  	s8 =	sor.u32 $0x9000, s8;
	v7 =	vsub.s32 v7, v3  }
0x33e: {  	v8 =	vor.u32 s8, v6;
	vm12 =	vlt.u32 v7, $0x9000  }
0x33f: {  	v7 =	vsel vm12, v7, v8  }
0x340: {  	[tilespmem:$0x5FC0] =	vst v7  }
0x341: {  	v7 =	vld [tilespmem:s14+$0xD0];
	_ =	sdelay $0x2  }
0x342: {  	s17 =	sadd.s32 $0x1D0, s16  }
0x343: {  	s8 =	sand.u32 $0x7D0, s17  }
0x344: {  	s8 =	sor.u32 $0x9000, s8;
	v7 =	vsub.s32 v7, v3  }
0x345: {  	v8 =	vor.u32 s8, v6;
	vm13 =	vlt.u32 v7, $0x9000  }
0x346: {  	v7 =	vsel vm13, v7, v8  }
0x347: {  	[tilespmem:$0x5FD0] =	vst v7  }
0x348: {  	v7 =	vld [tilespmem:s14+$0xE0];
	_ =	sdelay $0x2  }
0x349: {  	s17 =	sadd.s32 $0x1E0, s16  }
0x34a: {  	s8 =	sand.u32 $0x7E0, s17  }
0x34b: {  	s8 =	sor.u32 $0x9000, s8;
	v7 =	vsub.s32 v7, v3  }
0x34c: {  	v8 =	vor.u32 s8, v6;
	vm14 =	vlt.u32 v7, $0x9000  }
0x34d: {  	v7 =	vsel vm14, v7, v8  }
0x34e: {  	[tilespmem:$0x5FE0] =	vst v7  }
0x34f: {  	v7 =	vld [tilespmem:s14+$0xF0];
	_ =	sdelay $0x2  }
0x350: {  	s17 =	sadd.s32 $0x1F0, s16  }
0x351: {  	s8 =	sand.u32 $0x7F0, s17  }
0x352: {  	s8 =	sor.u32 $0x9000, s8;
	v7 =	vsub.s32 v7, v3  }
0x353: {  	v8 =	vor.u32 s8, v6;
	vm15 =	vlt.u32 v7, $0x9000  }
0x354: {  	v7 =	vsel vm15, v7, v8  }
0x355: {  	[tilespmem:$0x5FF0] =	vst v7  }
0x356: {  	[spmem:s3] =	stream.indirect.scatter.add.f32 [tilespmem:s23], [sflag:$0x1], $0x20, s25, s24, $0xb8;
	[tilespmem:$0x1F300] =	vst v63  }
0x357: {  	_ =	swait.ge [sflag:s19], $0x1000  }
0x358: {  	[sflag:s19] =	ssyncset.done $0x0  }
0x359: {  	[sflag:s19] =	ssyncadd.s32 $0xFFFFF000  }
0x35a: {  	[spmem:s3] =	stream.indirect.scatter.add.f32 [tilespmem:s28], [sflag:$0x1], $0x20, s26, s24, $0xb8;
	[tilespmem:$0x1F300] =	vst v63  }
0x35b: {  	_ =	swait.ge [sflag:s19], $0x1000  }
0x35c: {  	[sflag:s19] =	ssyncset.done $0x0  }
0x35d: {  	[sflag:s19] =	ssyncadd.s32 $0xFFFFF000  }
0x35e: {  	[spmem:s3] =	stream.indirect.scatter.add.f32 [tilespmem:s30], [sflag:$0x1], $0x20, s29, s24, $0xb8;
	[tilespmem:$0x1F300] =	vst v63  }
0x35f: {  	_ =	swait.ge [sflag:s19], $0x1000  }
0x360: {  	p0 =	sne.s32 s13, $0x1C00;
	[sflag:s19] =	ssyncset.done $0x0  }
.Ltmp6:
0x361: {  	[sflag:s19] =	ssyncadd.s32 $0xFFFFF000;
	(pc) =	sbr.rel @p0 .LBB2_14-.Ltmp6, $4  }
0x362: {  	[spmem:s3] =	stream.indirect.scatter.add.f32 [tilespmem:s0], [sflag:$0x1], $0x20, s31, s24, $0xb8;
	[tilespmem:$0x1F300] =	vst v63  }
0x363: {  	_ =	swait.ge [sflag:s19], $0x1000  }
0x364: {  	s18 =	sadd.s32 $0x800, s18;
	[sflag:s19] =	ssyncset.done $0x0  }
0x365: {  	s13 =	sadd.s32 $0x200, s13;
	s14 =	sadd.s32 $0x200, s14;
	[sflag:s19] =	ssyncadd.s32 $0xFFFFF000  }
0x366: {  	[bflag:$0x0] =	sbarrier.arrive $0xFFFF  }
0x367: {  	s8 =	rddreg [dreg:$0xa]  }
0x368: {  	[hbm:s8], [sflag:s5] =	dma.local [spmem:s7], $0x2400  }
0x369: {  	_ =	swait.ge [sflag:s19], $0x2400  }
0x36a: {  	s1 =	sadd.s32 $0x1, s1;
	s18 =	rddreg [dreg:$0xb]  }
0x36b: {  	p0 =	sne.s32 s1, s18  }
.Ltmp7:
0x36c: {  	_ = 	snop;
	(pc) =	sbr.rel @p0 .LBB2_1-.Ltmp7, $3  }
0x36d: {  	[sflag:s19] =	ssyncset.done $0x0  }
0x36e: {  	[sflag:s19] =	ssyncadd.s32 $0xFFFFDC00  }
0x36f: {  	[bflag:$0x0] =	sbarrier.arrive $0xFFFF;
	_ =	sdelay $0x1  }
0x370: {  	_ =	sfence.sel $0x180000  }
0x371: {  	[bflag:$0x0] =	sbarrier.arrive $0xFFFF  }
0x372: {  	_ =	strace $0x90000047  }
0x373: {  	s0 =	stileid.u32;
	[bflag:$0x2] =	sbarrier.arrive $0xFFFF  }
0x374: {  	p0 =	sne.s32 s0, $0x0;
	s0 =	rddreg [dreg:$0x3]  }
0x375: {  	s0 =	sadd.s32 @!p0 $0x100000, s0  }
0x376: {  	[sflag:s0] =	ssyncadd.tile.s32 @!p0 $0x1;
	_ =	shalt  }
.Lfunc_end2:
_tile_overlayer_lowered:
.L_overlay_start_2:
0x377: {  	(tag) =	ssettag $0x2  }
0x378: {  	s0 =	rddreg [dreg:$0x0];
	s2 =	stileid.u32  }
0x379: {  	s1 =	rddreg [dreg:$0x1];
	p0 =	sne.s32 s2, $0x0  }
0x37a: {  	s3 =	rddreg [dreg:$0x2];
	[bflag:$0x3] =	sbarrier.arrive $0xFFFF;
	s2 =	simm.s32 @!p0 $0x1C01  }
0x37b: {  	[timem:s3], [sflag:s2] =	dma.local @!p0 [hbm:s0], s1  }
0x37c: {  	s0 =	simm.s32 @!p0 $0x1  }
0x37d: {  	_ =	swait.ge @!p0 [sflag:s0], s1  }
0x37e: {  	s1 =	ssub.s32 @!p0 $0x0, s1;
	[sflag:s0] =	ssyncset.done @!p0 $0x0  }
0x37f: {  	[sflag:s0] =	ssyncadd.s32 @!p0 s1  }
0x380: {  	[bflag:$0x3] =	sbarrier.arrive $0xFFFF  }
0x381: {  	_ =	shalt  }

// kernel: kernel.8.cloned.1.call-start
scs
__scs_entry_jumppad:
0x0: {  	(pc) =	sbr.rel $0x88, $3  }
0x1: {  	(tag) =	ssettag $0x0;
	lr =	simm.s32 $0x1  }
0x2: {  	[smem:$0x3F96] =	sst lr;
	_ =	strace $0xD0000000  }
0x3: {  	_ = 	snop  }
0x4: {  	_ = 	snop  }
0x5: {  	_ = 	snop  }
0x6: {  	_ = 	snop  }
0x7: {  	_ = 	snop  }
__scs_overlays_trampoline_lowered:
0x8: {  	[smem:$0x3FA5] =	sst s0  }
0x9: {  	[smem:$0x3FA6] =	sst s1  }
0xa: {  	[smem:$0x3FA7] =	sst s2  }
0xb: {  	[smem:$0x3FA8] =	sst s3  }
0xc: {  	[smem:$0x3FA9] =	sst s4  }
0xd: {  	[smem:$0x3FAA] =	sst s5  }
0xe: {  	[smem:$0x3FAB] =	sst s6  }
0xf: {  	[smem:$0x3FAC] =	sst s7  }
0x10: {  	[smem:$0x3FAD] =	sst s8  }
0x11: {  	[smem:$0x3FAE] =	sst s9;
	s0 =	simm.s32 @!p0 $0x0  }
0x12: {  	s1 =	sld [smem:$0x3F94];
	s0 =	simm.s32 @p0 $0x1  }
0x13: {  	[smem:$0x3FAF] =	sst s0;
	s0 =	simm.s32 @!p1 $0x0  }
0x14: {  	s2 =	sld [smem:$0x3F93];
	s0 =	simm.s32 @p1 $0x1  }
0x15: {  	[smem:$0x3FB0] =	sst s0;
	s0 =	simm.s32 @!p2 $0x0  }
0x16: {  	s3 =	sld [smem:$0x3FDB];
	s0 =	simm.s32 @p2 $0x1  }
0x17: {  	s4 =	simm.s32 $0x1BF5;
	[smem:$0x3FB2] =	sst s0  }
0x18: {  	s0 =	sld [smem:$0x3F95];
	_ =	swait.ge [sflag:s4], $0x0  }
0x19: {  	s7 =	sld [smem:$0x3F96]  }
0x1a: {  	s8 =	sadd.s32 $0xFFFFE003, lr  }
0x1b: {  	s9 =	sadd.s32 $0xFFFFFEF7, lr;
	s5 =	simm.s32 $0xFFFFFFFF;
	p2 =	slt.u32 s8, $0xFFFFF086  }
0x1c: {  	p1 =	slt.u32 s9, $0xF7A;
	s5 =	simm.s32 @!p2 $0x0  }
0x1d: {  	s5 =	simm.s32 @p1 $0x1;
	p0 =	seq.s32 s7, s2  }
0x1e: {  	s7 =	smul.u32 @!p0 $0xF7A, s2;
	p2 =	seq.s32 @!p0 s5, $0x0  }
0x1f: {  	s9 =	smul.u32 $0xF7A, s1;
	s8 =	simm.s32 @!p0 $0x1BF5;
	p2 =	por !p2, p0  }
0x20: {  	[sflag:s8] =	ssyncset.s32 @!p0 $0xFFFFF086;
	s6 =	sadd.s32 @!p0 s3, s7;
	s7 =	simm.s32 @!p0 $0x108  }
0x21: {  	s3 =	sadd.s32 s3, s9;
	s6 =	sadd.s32 @!p0 $0x88, s6;
	s7 =	simm.s32 @p2 $0x1082  }
0x22: {  	[simem:s7], [sflag:s8] =	dma.local @!p0 [hbm:s6], $0xF7A  }
0x23: {  	s9 =	sor.u32 $0xD0000000, s2;
	s6 =	simm.s32 $0x108;
	_ =	swait.ge @!p0 [sflag:s8], $0x0  }
0x24: {  	s3 =	sadd.s32 $0x88, s3;
	s6 =	simm.s32 @!p1 $0x1082;
	[sflag:s4] =	ssyncset.s32 $0xFFFFF086  }
0x25: {  	[simem:s6], [sflag:s4] =	dma.local [hbm:s3], $0xF7A  }
0x26: {  	[smem:$0x3F96] =	sst s1;
	(tag) =	ssettag s2;
	_ =	strace s9  }
0x27: {  	s1 =	sld [smem:$0x3FA6]  }
0x28: {  	s2 =	sld [smem:$0x3FA7]  }
0x29: {  	s4 =	sld [smem:$0x3FA9]  }
0x2a: {  	p0 =	seq.s32 s5, $0x0;
	s5 =	sld [smem:$0x3FAA]  }
0x2b: {  	s6 =	sld [smem:$0x3FAB]  }
0x2c: {  	s7 =	sld [smem:$0x3FAC]  }
0x2d: {  	s3 =	simm.s32 $0x108;
	s8 =	sld [smem:$0x3FAD]  }
0x2e: {  	s3 =	simm.s32 @!p0 $0x1082;
	s9 =	sld [smem:$0x3FAE]  }
0x2f: {  	lr =	sadd.s32 s0, s3;
	s0 =	sld [smem:$0x3FA5]  }
0x30: {  	s3 =	sld [smem:$0x3FA8]  }
0x31: {  	[smem:$0x3FB1] =	sst s10  }
0x32: {  	s10 =	sld [smem:$0x3FAF];
	_ =	sdelay $0x3  }
0x33: {  	p0 =	seq.s32 s10, $0x1;
	s10 =	sld [smem:$0x3FB1];
	_ =	sdelay $0x3  }
0x34: {  	[smem:$0x3FB1] =	sst s10  }
0x35: {  	s10 =	sld [smem:$0x3FB0];
	_ =	sdelay $0x3  }
0x36: {  	p1 =	seq.s32 s10, $0x1;
	s10 =	sld [smem:$0x3FB1];
	_ =	sdelay $0x3  }
0x37: {  	[smem:$0x3FB1] =	sst s10  }
0x38: {  	s10 =	sld [smem:$0x3FB2]  }
0x39: {  	_ = 	snop;
	(pc) =	sbr.ind lr, $3  }
0x3a: {  	_ = 	snop  }
0x3b: {  	_ = 	snop  }
0x3c: {  	p2 =	seq.s32 s10, $0x1;
	s10 =	sld [smem:$0x3FB1]  }
0x3d: {  	_ =	shalt  }
0x3e: {  	_ =	shalt  }
0x3f: {  	_ =	shalt  }
0x40: {  	_ =	shalt  }
0x41: {  	_ =	shalt  }
0x42: {  	_ =	shalt  }
0x43: {  	_ =	shalt  }
0x44: {  	_ =	shalt  }
0x45: {  	_ =	shalt  }
0x46: {  	_ =	shalt  }
0x47: {  	_ =	shalt  }
0x48: {  	_ =	shalt  }
0x49: {  	_ =	shalt  }
0x4a: {  	_ =	shalt  }
0x4b: {  	_ =	shalt  }
0x4c: {  	_ =	shalt  }
0x4d: {  	_ =	shalt  }
0x4e: {  	_ =	shalt  }
0x4f: {  	_ =	shalt  }
0x50: {  	_ =	shalt  }
0x51: {  	_ =	shalt  }
0x52: {  	_ =	shalt  }
0x53: {  	_ =	shalt  }
0x54: {  	_ =	shalt  }
0x55: {  	_ =	shalt  }
0x56: {  	_ =	shalt  }
0x57: {  	_ =	shalt  }
0x58: {  	_ =	shalt  }
0x59: {  	_ =	shalt  }
0x5a: {  	_ =	shalt  }
0x5b: {  	_ =	shalt  }
0x5c: {  	_ =	shalt  }
0x5d: {  	_ =	shalt  }
0x5e: {  	_ =	shalt  }
0x5f: {  	_ =	shalt  }
0x60: {  	_ =	shalt  }
0x61: {  	_ =	shalt  }
0x62: {  	_ =	shalt  }
0x63: {  	_ =	shalt  }
0x64: {  	_ =	shalt  }
0x65: {  	_ =	shalt  }
0x66: {  	_ =	shalt  }
0x67: {  	_ =	shalt  }
0x68: {  	_ =	shalt  }
0x69: {  	_ =	shalt  }
0x6a: {  	_ =	shalt  }
0x6b: {  	_ =	shalt  }
0x6c: {  	_ =	shalt  }
0x6d: {  	_ =	shalt  }
0x6e: {  	_ =	shalt  }
0x6f: {  	_ =	shalt  }
0x70: {  	_ =	shalt  }
0x71: {  	_ =	shalt  }
0x72: {  	_ =	shalt  }
0x73: {  	_ =	shalt  }
0x74: {  	_ =	shalt  }
0x75: {  	_ =	shalt  }
0x76: {  	_ =	shalt  }
0x77: {  	_ =	shalt  }
0x78: {  	_ =	shalt  }
0x79: {  	_ =	shalt  }
0x7a: {  	_ =	shalt  }
0x7b: {  	_ =	shalt  }
0x7c: {  	_ =	shalt  }
0x7d: {  	_ =	shalt  }
0x7e: {  	_ =	shalt  }
0x7f: {  	_ =	shalt  }
0x80: {  	_ =	shalt  }
0x81: {  	_ =	shalt  }
0x82: {  	_ =	shalt  }
0x83: {  	_ =	shalt  }
0x84: {  	_ =	shalt  }
0x85: {  	_ =	shalt  }
0x86: {  	_ =	shalt  }
0x87: {  	_ =	shalt  }
.Lfunc_end0:
.L_simem_size_0:
called_computation.1_lowered:
.L_overlay_start_0:
0x88: {  	s2 =	sld [smem:$0x3FD9]  }
0x89: {  	s3 =	sld [smem:$0x3FFE];
	_ =	sdelay $0x1  }
0x8a: {  	s1 =	srdreg.scid  }
0x8b: {  	s0 =	sand.u32 $0x1, s1  }
0x8c: {  	s16 =	sshll.u32 s0, $0xA;
	s2 =	sadd.s32 s3, s2  }
0x8d: {  	s2 =	sadd.s32 s2, s16  }
0x8e: {  	[smem:$0x3FBD] =	sst s2  }
0x8f: {  	_ = 	snop  }
0x90: {  	(tm) =	ssettm $0x1  }
0x91: {  	s17 =	sld [smem:$0x3FFB];
	_ =	sdelay $0x3  }
0x92: {  	_ =	strace s17  }
0x93: {  	s2 =	sld [smem:$0x3FFC];
	_ =	sdelay $0x3  }
0x94: {  	_ =	strace s2  }
0x95: {  	s2 =	sld [smem:$0x3FFD];
	_ =	sdelay $0x3  }
0x96: {  	_ =	strace s2  }
0x97: {  	_ =	strace $0x8FFFFFFF  }
0x98: {  	s18 =	sld [smem:$0x3FDB];
	_ =	sdelay $0x1  }
0x99: {  	s19 =	simm.s32 $_scs_section_size  }
0x9a: {  	s4 =	simm.s32 $_size__tile_overlayer_lowered;
	s5 =	simm.s32 $_tile_overlayer_lowered  }
0x9b: {  	s22 =	simm.s32 $0x1BFF;
	s21 =	sshll.u32 s5, $0x1;
	s2 =	sadd.s32 s19, s18  }
0x9c: {  	s6 =	simm.s32 $0x0;
	s20 =	sshll.u32 s4, $0x1;
	s4 =	sadd.s32 s21, s2  }
0x9d: {  	[timem:s6], [sflag:s22] =	dma.local [hbm:s4], s20  }
0x9e: {  	_ =	swait.ge [sflag:s22], s20  }
0x9f: {  	s3 =	ssub.s32 $0x0, s20;
	[sflag:s22] =	ssyncset.done $0x0  }
0xa0: {  	[sflag:s22] =	ssyncadd.s32 s3;
	_ =	sdelay $0x1  }
0xa1: {  	s23 =	simm.s32 $0x1B8B  }
0xa2: {  	_ =	swait.ge [sflag:s23], $0x1  }
0xa3: {  	[sflag:s23] =	ssyncset.done $0x0  }
0xa4: {  	s25 =	simm.s32 $0x1B8E;
	s24 =	sld [smem:$0x3FFE];
	[sflag:s23] =	ssyncadd.s32 $0xFFFFFFFF  }
0xa5: {  	s26 =	simm.s32 $execute0_lowered;
	[smem:$0x3FD2] =	sst s25  }
0xa6: {  	s4 =	sshll.u32 s26, $0x1;
	_ =	strace $0x80000049;
	[dreg:$0x1] =	wrdreg $0xFFFFFFFF  }
0xa7: {  	s28 =	simm.s32 $_size_execute0_lowered;
	s2 =	sadd.s32 s2, s4;
	[dreg:$0x0] =	wrdreg $0x0  }
0xa8: {  	s4 =	sshll.u32 s28, $0x1;
	[dreg:$0x2] =	wrdreg s2  }
0xa9: {  	[dreg:$0x3] =	wrdreg s4  }
0xaa: {  	[dreg:$0x4] =	wrdreg $0xC0  }
0xab: {  	_ =	task [dreg:s6], $0x5FFFF  }
0xac: {  	[dreg:$0x1] =	wrdreg $0xFFFFFFFF  }
0xad: {  	[dreg:$0x0] =	wrdreg $0x60  }
0xae: {  	[dreg:$0x2] =	wrdreg s24  }
0xaf: {  	[dreg:$0x3] =	wrdreg $0x9  }
0xb0: {  	_ =	task.clear_ibuf [dreg:s6], $0x4FFFF;
	_ =	strace $0x90000049  }
0xb1: {  	s29 =	simm.s32 $0x9;
	_ =	strace $0x8000004B  }
0xb2: {  	_ =	swait.ge [sflag:s29], $0x1  }
0xb3: {  	[sflag:s29] =	ssyncadd.s32 $0xFFFFFFFF  }
0xb4: {  	_ =	strace $0x9000004B  }
0xb5: {  	_ =	sfence  }
0xb6: {  	s30 =	sld [smem:$0x0];
	_ =	sdelay $0x2  }
0xb7: {  	s31 =	sshll.u32 s1, $0xD;
	s1 =	sshrl.u32 s1, $0x2  }
0xb8: {  	s3 =	sand.u32 $0x4000, s31;
	s1 =	sadd.s32 s1, s30  }
0xb9: {  	s0 =	sor.u32 s3, s0;
	s1 =	sshll.u32 s1, $0x11  }
0xba: {  	s0 =	sor.u32 s1, s0  }
0xbb: {  	s0 =	sadd.s32 $0x8F2B, s0  }
0xbc: {  	[sflag:s0] =	ssyncadd.remote.s32 $0x1  }
0xbd: {  	_ =	sfence.sel $0xFFFF  }
0xbe: {  	[dreg:$0x0] =	wrdreg $0xFFFFFFFF;
	(pc) =	sbr.abs _section_cstart, $3  }
0xbf: {  	[dreg:$0x1] =	wrdreg $0xFFFFFFFF  }
0xc0: {  	_ =	task.clear_ibuf [dreg:s6], $0x2FFFF;
	_ =	strace $0x9FFFFFFF  }
0xc1: {  	(tm) =	ssettm $0x7FFFFFFF  }
tec
execute0_lowered:
.L_overlay_start_1:
0x0: {  	(tag) =	ssettag $0x1  }
0x1: {  	s0 =	srdreg.scid  }
0x2: {  	s2 =	stileid.u32;
	s1 =	sand.u32 $0x1, s0  }
0x3: {  	s13 =	sshll.u32 s2, $0x1;
	s0 =	rddreg [dreg:$0x0];
	s2 =	simm.s32 $0x0  }
0x4: {  	s14 =	simm.s32 $0x1F00;
	[smem:$0x7FF] =	sst s2  }
0x5: {  	s15 =	simm.s32 $0x100;
	_ =	strace $0x8000004A;
	[dreg:$0x4] =	wrdreg s14  }
0x6: {  	s16 =	simm.s32 $0x2F00;
	[dreg:$0x5] =	wrdreg s15  }
0x7: {  	s17 =	simm.s32 $0x180;
	[dreg:$0x6] =	wrdreg s16  }
0x8: {  	s18 =	simm.s32 $0x3F00;
	[dreg:$0x7] =	wrdreg s17  }
0x9: {  	s19 =	simm.s32 $0x200;
	[dreg:$0x8] =	wrdreg s18  }
0xa: {  	s20 =	simm.s32 $0x4F00;
	[dreg:$0x9] =	wrdreg s19  }
0xb: {  	s21 =	simm.s32 $0x280;
	[dreg:$0xa] =	wrdreg s20  }
0xc: {  	s22 =	simm.s32 $0x5F00;
	[dreg:$0xb] =	wrdreg s21  }
0xd: {  	s23 =	simm.s32 $0x300;
	[dreg:$0xc] =	wrdreg s22  }
0xe: {  	s24 =	simm.s32 $0x6F00;
	[dreg:$0xd] =	wrdreg s23  }
0xf: {  	s25 =	simm.s32 $0x380;
	[dreg:$0xe] =	wrdreg s24  }
0x10: {  	s26 =	simm.s32 $0x7F00;
	[dreg:$0xf] =	wrdreg s25  }
0x11: {  	s5 =	simm.s32 $0x8F00;
	[dreg:$0x10] =	wrdreg s26  }
0x12: {  	s6 =	simm.s32 $0x480;
	[dreg:$0x12] =	wrdreg s5  }
0x13: {  	s7 =	simm.s32 $0x9F00;
	[dreg:$0x13] =	wrdreg s6  }
0x14: {  	s8 =	simm.s32 $0x500;
	[dreg:$0x14] =	wrdreg s7  }
0x15: {  	s9 =	simm.s32 $0xAF00;
	[dreg:$0x15] =	wrdreg s8  }
0x16: {  	s10 =	simm.s32 $0x580;
	[dreg:$0x16] =	wrdreg s9  }
0x17: {  	s11 =	simm.s32 $0xBF00;
	[dreg:$0x17] =	wrdreg s10  }
0x18: {  	s12 =	simm.s32 $0x600;
	[dreg:$0x18] =	wrdreg s11  }
0x19: {  	s3 =	sor.u32 s1, s13;
	s13 =	simm.s32 $0xCF00;
	[dreg:$0x19] =	wrdreg s12  }
0x1a: {  	[dreg:$0x1a] =	wrdreg s13;
	s14 =	simm.s32 $0x680  }
0x1b: {  	s15 =	simm.s32 $0xDF00;
	[dreg:$0x1b] =	wrdreg s14  }
0x1c: {  	s16 =	simm.s32 $0x700;
	[dreg:$0x1c] =	wrdreg s15  }
0x1d: {  	s17 =	simm.s32 $0xEF00;
	[dreg:$0x1d] =	wrdreg s16  }
0x1e: {  	s18 =	simm.s32 $0x780;
	[dreg:$0x1e] =	wrdreg s17  }
0x1f: {  	s19 =	simm.s32 $0xFF00;
	[dreg:$0x1f] =	wrdreg s18  }
0x20: {  	s20 =	simm.s32 $0x800;
	[smem:$0x7FA] =	sst s19  }
0x21: {  	s21 =	simm.s32 $0x10F00;
	[smem:$0x7FB] =	sst s20  }
0x22: {  	s4 =	smul.u32 $0x1E0, s3;
	s22 =	simm.s32 $0x880;
	[smem:$0x7F9] =	sst s21  }
0x23: {  	s3 =	smul.u32 $0x3C00, s3;
	s23 =	simm.s32 $0x11F00;
	[smem:$0x7FC] =	sst s22  }
0x24: {  	s5 =	simm.s32 $0x900;
	[smem:$0x7F8] =	sst s23;
	s4 =	sadd.s32 s4, s0  }
0x25: {  	[smem:$0x7FD] =	sst s5;
	s3 =	sadd.s32 s3, s0;
	s4 =	sadd.s32 $0x400, s4  }
0x26: {  	s3 =	sadd.s32 $0xDC000, s3;
	[dreg:$0x2] =	wrdreg s4  }
0x27: {  	[dreg:$0x3] =	wrdreg s3;
	s4 =	simm.s32 $0x400  }
0x28: {  	[dreg:$0x11] =	wrdreg s4  }
0x29: {  	s3 =	simm.s32 $0x2;
	s4 =	rddreg [dreg:$0x2]  }
0x2a: {  	[tilespmem:s2], [sflag:$0x2] =	stream.linear.gather [hbm4b:s4+s2], $0xF00, $0x38;
	[tilespmem:$0x1EF00] =	vst v63  }
0x2b: {  	_ =	swait.ge [sflag:s3], $0xF00  }
0x2c: {  	s7 =	sld [smem:$0x7F8]  }
0x2d: {  	s8 =	sld [smem:$0x7F9]  }
0x2e: {  	s9 =	sld [smem:$0x7FA]  }
0x2f: {  	s10 =	rddreg [dreg:$0x1e]  }
0x30: {  	s11 =	rddreg [dreg:$0x1c]  }
0x31: {  	s12 =	rddreg [dreg:$0x1a]  }
0x32: {  	s13 =	rddreg [dreg:$0x18]  }
0x33: {  	s14 =	rddreg [dreg:$0x16]  }
0x34: {  	s15 =	rddreg [dreg:$0x14]  }
0x35: {  	s16 =	rddreg [dreg:$0x12]  }
0x36: {  	s17 =	rddreg [dreg:$0x10]  }
0x37: {  	s18 =	rddreg [dreg:$0xe]  }
0x38: {  	s19 =	rddreg [dreg:$0xc]  }
0x39: {  	s20 =	rddreg [dreg:$0xa]  }
0x3a: {  	s6 =	simm.s32 $0x80;
	s24 =	rddreg [dreg:$0x5]  }
0x3b: {  	s5 =	sadd.s32 $0x4000, s0;
	[sflag:s3] =	ssyncset.done $0x0;
	s21 =	rddreg [dreg:$0x4]  }
0x3c: {  	s4 =	simm.s32 $0xF00;
	s22 =	rddreg [dreg:$0x6];
	[sflag:s3] =	ssyncadd.s32 $0xFFFFF100  }
0x3d: {  	[tilespmem:s4], [sflag:$0x1] =	stream.indirect.gather [hbm4b:s5+s6], $0x20, s2, s6, $0xb8;
	[tilespmem:$0x1EF00] =	vst v63  }
0x3e: {  	s23 =	rddreg [dreg:$0x8]  }
0x3f: {  	[tilespmem:s21], [sflag:$0x1] =	stream.indirect.gather [hbm4b:s5+s6], $0x20, s6, s6, $0xb8;
	[tilespmem:$0x1EF00] =	vst v63  }
0x40: {  	s25 =	rddreg [dreg:$0x7]  }
0x41: {  	[tilespmem:s22], [sflag:$0x1] =	stream.indirect.gather [hbm4b:s5+s6], $0x20, s24, s6, $0xb8;
	[tilespmem:$0x1EF00] =	vst v63  }
0x42: {  	s26 =	rddreg [dreg:$0x9]  }
0x43: {  	[tilespmem:s23], [sflag:$0x1] =	stream.indirect.gather [hbm4b:s5+s6], $0x20, s25, s6, $0xb8;
	[tilespmem:$0x1EF00] =	vst v63  }
0x44: {  	s21 =	rddreg [dreg:$0x1d]  }
0x45: {  	[tilespmem:s20], [sflag:$0x1] =	stream.indirect.gather [hbm4b:s5+s6], $0x20, s26, s6, $0xb8;
	[tilespmem:$0x1EF00] =	vst v63  }
0x46: {  	s22 =	rddreg [dreg:$0xb]  }
0x47: {  	[tilespmem:s19], [sflag:$0x1] =	stream.indirect.gather [hbm4b:s5+s6], $0x20, s22, s6, $0xb8;
	[tilespmem:$0x1EF00] =	vst v63  }
0x48: {  	s23 =	rddreg [dreg:$0xd]  }
0x49: {  	[tilespmem:s18], [sflag:$0x1] =	stream.indirect.gather [hbm4b:s5+s6], $0x20, s23, s6, $0xb8;
	[tilespmem:$0x1EF00] =	vst v63  }
0x4a: {  	s24 =	rddreg [dreg:$0xf]  }
0x4b: {  	[tilespmem:s17], [sflag:$0x1] =	stream.indirect.gather [hbm4b:s5+s6], $0x20, s24, s6, $0xb8;
	[tilespmem:$0x1EF00] =	vst v63  }
0x4c: {  	s25 =	rddreg [dreg:$0x11]  }
0x4d: {  	[tilespmem:s16], [sflag:$0x1] =	stream.indirect.gather [hbm4b:s5+s6], $0x20, s25, s6, $0xb8;
	[tilespmem:$0x1EF00] =	vst v63  }
0x4e: {  	s26 =	rddreg [dreg:$0x13]  }
0x4f: {  	[tilespmem:s15], [sflag:$0x1] =	stream.indirect.gather [hbm4b:s5+s6], $0x20, s26, s6, $0xb8;
	[tilespmem:$0x1EF00] =	vst v63  }
0x50: {  	s16 =	rddreg [dreg:$0x15]  }
0x51: {  	[tilespmem:s14], [sflag:$0x1] =	stream.indirect.gather [hbm4b:s5+s6], $0x20, s16, s6, $0xb8;
	[tilespmem:$0x1EF00] =	vst v63  }
0x52: {  	s18 =	rddreg [dreg:$0x17]  }
0x53: {  	[tilespmem:s13], [sflag:$0x1] =	stream.indirect.gather [hbm4b:s5+s6], $0x20, s18, s6, $0xb8;
	[tilespmem:$0x1EF00] =	vst v63  }
0x54: {  	s19 =	rddreg [dreg:$0x19]  }
0x55: {  	[tilespmem:s12], [sflag:$0x1] =	stream.indirect.gather [hbm4b:s5+s6], $0x20, s19, s6, $0xb8;
	[tilespmem:$0x1EF00] =	vst v63  }
0x56: {  	s20 =	rddreg [dreg:$0x1b]  }
0x57: {  	[tilespmem:s11], [sflag:$0x1] =	stream.indirect.gather [hbm4b:s5+s6], $0x20, s20, s6, $0xb8;
	[tilespmem:$0x1EF00] =	vst v63  }
0x58: {  	s22 =	rddreg [dreg:$0x1f]  }
0x59: {  	[tilespmem:s10], [sflag:$0x1] =	stream.indirect.gather [hbm4b:s5+s6], $0x20, s21, s6, $0xb8;
	[tilespmem:$0x1EF00] =	vst v63  }
0x5a: {  	s23 =	sld [smem:$0x7FB]  }
0x5b: {  	[tilespmem:s9], [sflag:$0x1] =	stream.indirect.gather [hbm4b:s5+s6], $0x20, s22, s6, $0xb8;
	[tilespmem:$0x1EF00] =	vst v63  }
0x5c: {  	s24 =	sld [smem:$0x7FC]  }
0x5d: {  	[tilespmem:s8], [sflag:$0x1] =	stream.indirect.gather [hbm4b:s5+s6], $0x20, s23, s6, $0xb8;
	[tilespmem:$0x1EF00] =	vst v63  }
0x5e: {  	s25 =	sld [smem:$0x7FD]  }
0x5f: {  	[tilespmem:s7], [sflag:$0x1] =	stream.indirect.gather [hbm4b:s5+s6], $0x20, s24, s6, $0xb8;
	[tilespmem:$0x1EF00] =	vst v63  }
0x60: {  	s26 =	simm.s32 $0x12F00  }
0x61: {  	[tilespmem:s26], [sflag:$0x1] =	stream.indirect.gather [hbm4b:s5+s6], $0x20, s25, s6, $0xb8;
	[tilespmem:$0x1EF00] =	vst v63  }
0x62: {  	s9 =	simm.s32 $0x13F00;
	s8 =	simm.s32 $0x980  }
0x63: {  	[tilespmem:s9], [sflag:$0x1] =	stream.indirect.gather [hbm4b:s5+s6], $0x20, s8, s6, $0xb8;
	[tilespmem:$0x1EF00] =	vst v63  }
0x64: {  	s11 =	simm.s32 $0x14F00;
	s10 =	simm.s32 $0xA00  }
0x65: {  	[tilespmem:s11], [sflag:$0x1] =	stream.indirect.gather [hbm4b:s5+s6], $0x20, s10, s6, $0xb8;
	[tilespmem:$0x1EF00] =	vst v63  }
0x66: {  	s13 =	simm.s32 $0x15F00;
	s12 =	simm.s32 $0xA80  }
0x67: {  	[tilespmem:s13], [sflag:$0x1] =	stream.indirect.gather [hbm4b:s5+s6], $0x20, s12, s6, $0xb8;
	[tilespmem:$0x1EF00] =	vst v63  }
0x68: {  	s15 =	simm.s32 $0x16F00;
	s14 =	simm.s32 $0xB00  }
0x69: {  	[tilespmem:s15], [sflag:$0x1] =	stream.indirect.gather [hbm4b:s5+s6], $0x20, s14, s6, $0xb8;
	[tilespmem:$0x1EF00] =	vst v63  }
0x6a: {  	s17 =	simm.s32 $0x17F00;
	s16 =	simm.s32 $0xB80  }
0x6b: {  	[tilespmem:s17], [sflag:$0x1] =	stream.indirect.gather [hbm4b:s5+s6], $0x20, s16, s6, $0xb8;
	[tilespmem:$0x1EF00] =	vst v63  }
0x6c: {  	s18 =	simm.s32 $0xC00;
	s19 =	simm.s32 $0x18F00  }
0x6d: {  	[tilespmem:s19], [sflag:$0x1] =	stream.indirect.gather [hbm4b:s5+s6], $0x20, s18, s6, $0xb8;
	[tilespmem:$0x1EF00] =	vst v63  }
0x6e: {  	s20 =	simm.s32 $0xC80;
	s21 =	simm.s32 $0x19F00  }
0x6f: {  	[tilespmem:s21], [sflag:$0x1] =	stream.indirect.gather [hbm4b:s5+s6], $0x20, s20, s6, $0xb8;
	[tilespmem:$0x1EF00] =	vst v63  }
0x70: {  	s22 =	simm.s32 $0xD00;
	s23 =	simm.s32 $0x1AF00  }
0x71: {  	[tilespmem:s23], [sflag:$0x1] =	stream.indirect.gather [hbm4b:s5+s6], $0x20, s22, s6, $0xb8;
	[tilespmem:$0x1EF00] =	vst v63  }
0x72: {  	s25 =	simm.s32 $0xD80;
	s26 =	simm.s32 $0x1BF00  }
0x73: {  	[tilespmem:s26], [sflag:$0x1] =	stream.indirect.gather [hbm4b:s5+s6], $0x20, s25, s6, $0xb8;
	[tilespmem:$0x1EF00] =	vst v63  }
0x74: {  	s28 =	simm.s32 $0xE00;
	s29 =	simm.s32 $0x1CF00  }
0x75: {  	[tilespmem:s29], [sflag:$0x1] =	stream.indirect.gather [hbm4b:s5+s6], $0x20, s28, s6, $0xb8;
	[tilespmem:$0x1EF00] =	vst v63  }
0x76: {  	s30 =	simm.s32 $0xE80;
	s31 =	simm.s32 $0x1DF00;
	s22 =	simm.s32 $0x1  }
0x77: {  	[tilespmem:s31], [sflag:$0x1] =	stream.indirect.gather [hbm4b:s5+s6], $0x20, s30, s6, $0xb8;
	[tilespmem:$0x1EF00] =	vst v63  }
0x78: {  	_ =	swait.ge [sflag:s22], $0x1000  }
0x79: {  	[sflag:s22] =	ssyncset.done $0x0  }
0x7a: {  	[sflag:s22] =	ssyncadd.s32 $0xFFFFF000  }
0x7b: {  	_ =	swait.ge [sflag:s22], $0x1000  }
0x7c: {  	[sflag:s22] =	ssyncset.done $0x0  }
0x7d: {  	[sflag:s22] =	ssyncadd.s32 $0xFFFFF000  }
0x7e: {  	_ =	swait.ge [sflag:s22], $0x1000  }
0x7f: {  	[sflag:s22] =	ssyncset.done $0x0  }
0x80: {  	[sflag:s22] =	ssyncadd.s32 $0xFFFFF000  }
0x81: {  	_ =	swait.ge [sflag:s22], $0x1000  }
0x82: {  	[sflag:s22] =	ssyncset.done $0x0  }
0x83: {  	[sflag:s22] =	ssyncadd.s32 $0xFFFFF000  }
0x84: {  	_ =	swait.ge [sflag:s22], $0x1000  }
0x85: {  	[sflag:s22] =	ssyncset.done $0x0  }
0x86: {  	[sflag:s22] =	ssyncadd.s32 $0xFFFFF000  }
0x87: {  	_ =	swait.ge [sflag:s22], $0x1000  }
0x88: {  	[sflag:s22] =	ssyncset.done $0x0  }
0x89: {  	[sflag:s22] =	ssyncadd.s32 $0xFFFFF000  }
0x8a: {  	_ =	swait.ge [sflag:s22], $0x1000  }
0x8b: {  	[sflag:s22] =	ssyncset.done $0x0  }
0x8c: {  	[sflag:s22] =	ssyncadd.s32 $0xFFFFF000  }
0x8d: {  	_ =	swait.ge [sflag:s22], $0x1000  }
0x8e: {  	[sflag:s22] =	ssyncset.done $0x0  }
0x8f: {  	[sflag:s22] =	ssyncadd.s32 $0xFFFFF000  }
0x90: {  	_ =	swait.ge [sflag:s22], $0x1000  }
0x91: {  	[sflag:s22] =	ssyncset.done $0x0  }
0x92: {  	[sflag:s22] =	ssyncadd.s32 $0xFFFFF000  }
0x93: {  	_ =	swait.ge [sflag:s22], $0x1000  }
0x94: {  	[sflag:s22] =	ssyncset.done $0x0  }
0x95: {  	[sflag:s22] =	ssyncadd.s32 $0xFFFFF000  }
0x96: {  	_ =	swait.ge [sflag:s22], $0x1000  }
0x97: {  	[sflag:s22] =	ssyncset.done $0x0  }
0x98: {  	[sflag:s22] =	ssyncadd.s32 $0xFFFFF000  }
0x99: {  	_ =	swait.ge [sflag:s22], $0x1000  }
0x9a: {  	[sflag:s22] =	ssyncset.done $0x0  }
0x9b: {  	[sflag:s22] =	ssyncadd.s32 $0xFFFFF000  }
0x9c: {  	_ =	swait.ge [sflag:s22], $0x1000  }
0x9d: {  	[sflag:s22] =	ssyncset.done $0x0  }
0x9e: {  	[sflag:s22] =	ssyncadd.s32 $0xFFFFF000  }
0x9f: {  	_ =	swait.ge [sflag:s22], $0x1000  }
0xa0: {  	[sflag:s22] =	ssyncset.done $0x0  }
0xa1: {  	[sflag:s22] =	ssyncadd.s32 $0xFFFFF000  }
0xa2: {  	_ =	swait.ge [sflag:s22], $0x1000  }
0xa3: {  	[sflag:s22] =	ssyncset.done $0x0  }
0xa4: {  	[sflag:s22] =	ssyncadd.s32 $0xFFFFF000  }
0xa5: {  	_ =	swait.ge [sflag:s22], $0x1000  }
0xa6: {  	[sflag:s22] =	ssyncset.done $0x0  }
0xa7: {  	[sflag:s22] =	ssyncadd.s32 $0xFFFFF000  }
0xa8: {  	_ =	swait.ge [sflag:s22], $0x1000  }
0xa9: {  	[sflag:s22] =	ssyncset.done $0x0  }
0xaa: {  	[sflag:s22] =	ssyncadd.s32 $0xFFFFF000  }
0xab: {  	_ =	swait.ge [sflag:s22], $0x1000  }
0xac: {  	[sflag:s22] =	ssyncset.done $0x0  }
0xad: {  	[sflag:s22] =	ssyncadd.s32 $0xFFFFF000  }
0xae: {  	_ =	swait.ge [sflag:s22], $0x1000  }
0xaf: {  	[sflag:s22] =	ssyncset.done $0x0  }
0xb0: {  	[sflag:s22] =	ssyncadd.s32 $0xFFFFF000  }
0xb1: {  	_ =	swait.ge [sflag:s22], $0x1000  }
0xb2: {  	[sflag:s22] =	ssyncset.done $0x0  }
0xb3: {  	[sflag:s22] =	ssyncadd.s32 $0xFFFFF000  }
0xb4: {  	_ =	swait.ge [sflag:s22], $0x1000  }
0xb5: {  	[sflag:s22] =	ssyncset.done $0x0  }
0xb6: {  	[sflag:s22] =	ssyncadd.s32 $0xFFFFF000  }
0xb7: {  	_ =	swait.ge [sflag:s22], $0x1000  }
0xb8: {  	[sflag:s22] =	ssyncset.done $0x0  }
0xb9: {  	[sflag:s22] =	ssyncadd.s32 $0xFFFFF000  }
0xba: {  	_ =	swait.ge [sflag:s22], $0x1000  }
0xbb: {  	[sflag:s22] =	ssyncset.done $0x0  }
0xbc: {  	s24 =	ssub.s32 $0x2, s1;
	[sflag:s22] =	ssyncadd.s32 $0xFFFFF000  }
0xbd: {  	s1 =	sshrl.u32 s24, $0x1;
	_ =	swait.ge [sflag:s22], $0x1000  }
0xbe: {  	s0 =	ssub.s32 s24, s1;
	[sflag:s22] =	ssyncset.done $0x0  }
0xbf: {  	s0 =	smax.u32 s0, $0x1;
	[sflag:s22] =	ssyncadd.s32 $0xFFFFF000  }
0xc0: {  	p0 =	sne.s32 s0, $0x1;
	_ =	swait.ge [sflag:s22], $0x1000  }
.Ltmp0:
0xc1: {  	[sflag:s22] =	ssyncset.done $0x0;
	(pc) =	sbr.rel @!p0 .LBB2_2-.Ltmp0, $4  }
0xc2: {  	[sflag:s22] =	ssyncadd.s32 $0xFFFFF000  }
0xc3: {  	_ =	swait.ge [sflag:s22], $0x1000  }
0xc4: {  	[sflag:s22] =	ssyncset.done $0x0  }
0xc5: {  	s1 =	sadd.s32 $0xFFFFFFFF, s0;
	[sflag:s22] =	ssyncadd.s32 $0xFFFFF000  }
.LBB2_1:
0xc6: {  	_ =	swait.ge [sflag:s22], $0x1000  }
0xc7: {  	[sflag:s22] =	ssyncset.done $0x0  }
0xc8: {  	[sflag:s22] =	ssyncadd.s32 $0xFFFFF000  }
0xc9: {  	_ =	swait.ge [sflag:s22], $0x1000  }
0xca: {  	[sflag:s22] =	ssyncset.done $0x0  }
0xcb: {  	[sflag:s22] =	ssyncadd.s32 $0xFFFFF000  }
0xcc: {  	_ =	swait.ge [sflag:s22], $0x1000  }
0xcd: {  	[sflag:s22] =	ssyncset.done $0x0  }
0xce: {  	[sflag:s22] =	ssyncadd.s32 $0xFFFFF000  }
0xcf: {  	_ =	swait.ge [sflag:s22], $0x1000  }
0xd0: {  	[sflag:s22] =	ssyncset.done $0x0  }
0xd1: {  	s0 =	rddreg [dreg:$0x3];
	[sflag:s22] =	ssyncadd.s32 $0xFFFFF000  }
0xd2: {  	[hbm4b:s0+s2] =	stream.linear.scatter [tilespmem:s4], [sflag:$0x2], $0x1E000, $0x38;
	[tilespmem:$0x1EF00] =	vst v63  }
0xd3: {  	_ =	swait.ge [sflag:s3], $0x1E000  }
0xd4: {  	[sflag:s3] =	ssyncset.done $0x0  }
0xd5: {  	s21 =	rddreg [dreg:$0x2];
	[sflag:s3] =	ssyncadd.s32 $0xFFFE2000  }
0xd6: {  	[tilespmem:s2], [sflag:$0x2] =	stream.linear.gather [hbm4b:s21+s2], $0xF00, $0x38;
	[tilespmem:$0x1EF00] =	vst v63  }
0xd7: {  	_ =	swait.ge [sflag:s3], $0xF00  }
0xd8: {  	s0 =	sld [smem:$0x7F8]  }
0xd9: {  	s7 =	sld [smem:$0x7F9]  }
0xda: {  	s8 =	sld [smem:$0x7FA]  }
0xdb: {  	s9 =	rddreg [dreg:$0x1e]  }
0xdc: {  	s10 =	rddreg [dreg:$0x1c]  }
0xdd: {  	s11 =	rddreg [dreg:$0x1a]  }
0xde: {  	s12 =	rddreg [dreg:$0x18]  }
0xdf: {  	s13 =	rddreg [dreg:$0x16]  }
0xe0: {  	s14 =	rddreg [dreg:$0x14]  }
0xe1: {  	s15 =	rddreg [dreg:$0x12]  }
0xe2: {  	s16 =	rddreg [dreg:$0x10]  }
0xe3: {  	s17 =	rddreg [dreg:$0xe]  }
0xe4: {  	s18 =	rddreg [dreg:$0xc]  }
0xe5: {  	s19 =	rddreg [dreg:$0xa]  }
0xe6: {  	s20 =	rddreg [dreg:$0x5]  }
0xe7: {  	[sflag:s3] =	ssyncset.done $0x0;
	s21 =	rddreg [dreg:$0x4]  }
0xe8: {  	s23 =	rddreg [dreg:$0x6];
	[sflag:s3] =	ssyncadd.s32 $0xFFFFF100  }
0xe9: {  	[tilespmem:s4], [sflag:$0x1] =	stream.indirect.gather [hbm4b:s5+s6], $0x20, s2, s6, $0xb8;
	[tilespmem:$0x1EF00] =	vst v63  }
0xea: {  	s24 =	rddreg [dreg:$0x8]  }
0xeb: {  	[tilespmem:s21], [sflag:$0x1] =	stream.indirect.gather [hbm4b:s5+s6], $0x20, s6, s6, $0xb8;
	[tilespmem:$0x1EF00] =	vst v63  }
0xec: {  	s21 =	rddreg [dreg:$0x7]  }
0xed: {  	[tilespmem:s23], [sflag:$0x1] =	stream.indirect.gather [hbm4b:s5+s6], $0x20, s20, s6, $0xb8;
	[tilespmem:$0x1EF00] =	vst v63  }
0xee: {  	s23 =	rddreg [dreg:$0x9]  }
0xef: {  	[tilespmem:s24], [sflag:$0x1] =	stream.indirect.gather [hbm4b:s5+s6], $0x20, s21, s6, $0xb8;
	[tilespmem:$0x1EF00] =	vst v63  }
0xf0: {  	s20 =	rddreg [dreg:$0x11]  }
0xf1: {  	[tilespmem:s19], [sflag:$0x1] =	stream.indirect.gather [hbm4b:s5+s6], $0x20, s23, s6, $0xb8;
	[tilespmem:$0x1EF00] =	vst v63  }
0xf2: {  	s24 =	rddreg [dreg:$0xb]  }
0xf3: {  	[tilespmem:s18], [sflag:$0x1] =	stream.indirect.gather [hbm4b:s5+s6], $0x20, s24, s6, $0xb8;
	[tilespmem:$0x1EF00] =	vst v63  }
0xf4: {  	s23 =	rddreg [dreg:$0xd]  }
0xf5: {  	[tilespmem:s17], [sflag:$0x1] =	stream.indirect.gather [hbm4b:s5+s6], $0x20, s23, s6, $0xb8;
	[tilespmem:$0x1EF00] =	vst v63  }
0xf6: {  	s24 =	rddreg [dreg:$0xf]  }
0xf7: {  	[tilespmem:s16], [sflag:$0x1] =	stream.indirect.gather [hbm4b:s5+s6], $0x20, s24, s6, $0xb8;
	[tilespmem:$0x1EF00] =	vst v63  }
0xf8: {  	s21 =	rddreg [dreg:$0x13]  }
0xf9: {  	[tilespmem:s15], [sflag:$0x1] =	stream.indirect.gather [hbm4b:s5+s6], $0x20, s20, s6, $0xb8;
	[tilespmem:$0x1EF00] =	vst v63  }
0xfa: {  	s19 =	rddreg [dreg:$0x1f]  }
0xfb: {  	[tilespmem:s14], [sflag:$0x1] =	stream.indirect.gather [hbm4b:s5+s6], $0x20, s21, s6, $0xb8;
	[tilespmem:$0x1EF00] =	vst v63  }
0xfc: {  	s23 =	rddreg [dreg:$0x15]  }
0xfd: {  	[tilespmem:s13], [sflag:$0x1] =	stream.indirect.gather [hbm4b:s5+s6], $0x20, s23, s6, $0xb8;
	[tilespmem:$0x1EF00] =	vst v63  }
0xfe: {  	s24 =	rddreg [dreg:$0x17]  }
0xff: {  	[tilespmem:s12], [sflag:$0x1] =	stream.indirect.gather [hbm4b:s5+s6], $0x20, s24, s6, $0xb8;
	[tilespmem:$0x1EF00] =	vst v63  }
0x100: {  	s16 =	rddreg [dreg:$0x19]  }
0x101: {  	[tilespmem:s11], [sflag:$0x1] =	stream.indirect.gather [hbm4b:s5+s6], $0x20, s16, s6, $0xb8;
	[tilespmem:$0x1EF00] =	vst v63  }
0x102: {  	s17 =	rddreg [dreg:$0x1b]  }
0x103: {  	[tilespmem:s10], [sflag:$0x1] =	stream.indirect.gather [hbm4b:s5+s6], $0x20, s17, s6, $0xb8;
	[tilespmem:$0x1EF00] =	vst v63  }
0x104: {  	s18 =	rddreg [dreg:$0x1d]  }
0x105: {  	[tilespmem:s9], [sflag:$0x1] =	stream.indirect.gather [hbm4b:s5+s6], $0x20, s18, s6, $0xb8;
	[tilespmem:$0x1EF00] =	vst v63  }
0x106: {  	s20 =	sld [smem:$0x7FB]  }
0x107: {  	[tilespmem:s8], [sflag:$0x1] =	stream.indirect.gather [hbm4b:s5+s6], $0x20, s19, s6, $0xb8;
	[tilespmem:$0x1EF00] =	vst v63  }
0x108: {  	s21 =	sld [smem:$0x7FC]  }
0x109: {  	[tilespmem:s7], [sflag:$0x1] =	stream.indirect.gather [hbm4b:s5+s6], $0x20, s20, s6, $0xb8;
	[tilespmem:$0x1EF00] =	vst v63  }
0x10a: {  	s23 =	sld [smem:$0x7FD]  }
0x10b: {  	[tilespmem:s0], [sflag:$0x1] =	stream.indirect.gather [hbm4b:s5+s6], $0x20, s21, s6, $0xb8;
	[tilespmem:$0x1EF00] =	vst v63  }
0x10c: {  	s24 =	simm.s32 $0x12F00  }
0x10d: {  	[tilespmem:s24], [sflag:$0x1] =	stream.indirect.gather [hbm4b:s5+s6], $0x20, s23, s6, $0xb8;
	[tilespmem:$0x1EF00] =	vst v63  }
0x10e: {  	s9 =	simm.s32 $0x13F00;
	s8 =	simm.s32 $0x980  }
0x10f: {  	[tilespmem:s9], [sflag:$0x1] =	stream.indirect.gather [hbm4b:s5+s6], $0x20, s8, s6, $0xb8;
	[tilespmem:$0x1EF00] =	vst v63  }
0x110: {  	s11 =	simm.s32 $0x14F00;
	s10 =	simm.s32 $0xA00  }
0x111: {  	[tilespmem:s11], [sflag:$0x1] =	stream.indirect.gather [hbm4b:s5+s6], $0x20, s10, s6, $0xb8;
	[tilespmem:$0x1EF00] =	vst v63  }
0x112: {  	s13 =	simm.s32 $0x15F00;
	s12 =	simm.s32 $0xA80  }
0x113: {  	[tilespmem:s13], [sflag:$0x1] =	stream.indirect.gather [hbm4b:s5+s6], $0x20, s12, s6, $0xb8;
	[tilespmem:$0x1EF00] =	vst v63  }
0x114: {  	s15 =	simm.s32 $0x16F00;
	s14 =	simm.s32 $0xB00  }
0x115: {  	[tilespmem:s15], [sflag:$0x1] =	stream.indirect.gather [hbm4b:s5+s6], $0x20, s14, s6, $0xb8;
	[tilespmem:$0x1EF00] =	vst v63  }
0x116: {  	s16 =	simm.s32 $0xB80;
	s17 =	simm.s32 $0x17F00  }
0x117: {  	[tilespmem:s17], [sflag:$0x1] =	stream.indirect.gather [hbm4b:s5+s6], $0x20, s16, s6, $0xb8;
	[tilespmem:$0x1EF00] =	vst v63  }
0x118: {  	s18 =	simm.s32 $0xC00;
	s19 =	simm.s32 $0x18F00  }
0x119: {  	[tilespmem:s19], [sflag:$0x1] =	stream.indirect.gather [hbm4b:s5+s6], $0x20, s18, s6, $0xb8;
	[tilespmem:$0x1EF00] =	vst v63  }
0x11a: {  	s20 =	simm.s32 $0xC80;
	s21 =	simm.s32 $0x19F00  }
0x11b: {  	[tilespmem:s21], [sflag:$0x1] =	stream.indirect.gather [hbm4b:s5+s6], $0x20, s20, s6, $0xb8;
	[tilespmem:$0x1EF00] =	vst v63  }
0x11c: {  	s23 =	simm.s32 $0xD00;
	s24 =	simm.s32 $0x1AF00  }
0x11d: {  	[tilespmem:s24], [sflag:$0x1] =	stream.indirect.gather [hbm4b:s5+s6], $0x20, s23, s6, $0xb8;
	[tilespmem:$0x1EF00] =	vst v63  }
0x11e: {  	_ = 	snop  }
0x11f: {  	[tilespmem:s26], [sflag:$0x1] =	stream.indirect.gather [hbm4b:s5+s6], $0x20, s25, s6, $0xb8;
	[tilespmem:$0x1EF00] =	vst v63  }
0x120: {  	_ = 	snop  }
0x121: {  	[tilespmem:s29], [sflag:$0x1] =	stream.indirect.gather [hbm4b:s5+s6], $0x20, s28, s6, $0xb8;
	[tilespmem:$0x1EF00] =	vst v63  }
0x122: {  	_ = 	snop  }
0x123: {  	[tilespmem:s31], [sflag:$0x1] =	stream.indirect.gather [hbm4b:s5+s6], $0x20, s30, s6, $0xb8;
	[tilespmem:$0x1EF00] =	vst v63  }
0x124: {  	_ =	swait.ge [sflag:s22], $0x1000  }
0x125: {  	[sflag:s22] =	ssyncset.done $0x0  }
0x126: {  	[sflag:s22] =	ssyncadd.s32 $0xFFFFF000  }
0x127: {  	_ =	swait.ge [sflag:s22], $0x1000  }
0x128: {  	[sflag:s22] =	ssyncset.done $0x0  }
0x129: {  	[sflag:s22] =	ssyncadd.s32 $0xFFFFF000  }
0x12a: {  	_ =	swait.ge [sflag:s22], $0x1000  }
0x12b: {  	[sflag:s22] =	ssyncset.done $0x0  }
0x12c: {  	[sflag:s22] =	ssyncadd.s32 $0xFFFFF000  }
0x12d: {  	_ =	swait.ge [sflag:s22], $0x1000  }
0x12e: {  	[sflag:s22] =	ssyncset.done $0x0  }
0x12f: {  	[sflag:s22] =	ssyncadd.s32 $0xFFFFF000  }
0x130: {  	_ =	swait.ge [sflag:s22], $0x1000  }
0x131: {  	[sflag:s22] =	ssyncset.done $0x0  }
0x132: {  	[sflag:s22] =	ssyncadd.s32 $0xFFFFF000  }
0x133: {  	_ =	swait.ge [sflag:s22], $0x1000  }
0x134: {  	[sflag:s22] =	ssyncset.done $0x0  }
0x135: {  	[sflag:s22] =	ssyncadd.s32 $0xFFFFF000  }
0x136: {  	_ =	swait.ge [sflag:s22], $0x1000  }
0x137: {  	[sflag:s22] =	ssyncset.done $0x0  }
0x138: {  	[sflag:s22] =	ssyncadd.s32 $0xFFFFF000  }
0x139: {  	_ =	swait.ge [sflag:s22], $0x1000  }
0x13a: {  	[sflag:s22] =	ssyncset.done $0x0  }
0x13b: {  	[sflag:s22] =	ssyncadd.s32 $0xFFFFF000  }
0x13c: {  	_ =	swait.ge [sflag:s22], $0x1000  }
0x13d: {  	[sflag:s22] =	ssyncset.done $0x0  }
0x13e: {  	[sflag:s22] =	ssyncadd.s32 $0xFFFFF000  }
0x13f: {  	_ =	swait.ge [sflag:s22], $0x1000  }
0x140: {  	[sflag:s22] =	ssyncset.done $0x0  }
0x141: {  	[sflag:s22] =	ssyncadd.s32 $0xFFFFF000  }
0x142: {  	_ =	swait.ge [sflag:s22], $0x1000  }
0x143: {  	[sflag:s22] =	ssyncset.done $0x0  }
0x144: {  	[sflag:s22] =	ssyncadd.s32 $0xFFFFF000  }
0x145: {  	_ =	swait.ge [sflag:s22], $0x1000  }
0x146: {  	[sflag:s22] =	ssyncset.done $0x0  }
0x147: {  	[sflag:s22] =	ssyncadd.s32 $0xFFFFF000  }
0x148: {  	_ =	swait.ge [sflag:s22], $0x1000  }
0x149: {  	[sflag:s22] =	ssyncset.done $0x0  }
0x14a: {  	[sflag:s22] =	ssyncadd.s32 $0xFFFFF000  }
0x14b: {  	_ =	swait.ge [sflag:s22], $0x1000  }
0x14c: {  	[sflag:s22] =	ssyncset.done $0x0  }
0x14d: {  	[sflag:s22] =	ssyncadd.s32 $0xFFFFF000  }
0x14e: {  	_ =	swait.ge [sflag:s22], $0x1000  }
0x14f: {  	[sflag:s22] =	ssyncset.done $0x0  }
0x150: {  	[sflag:s22] =	ssyncadd.s32 $0xFFFFF000  }
0x151: {  	_ =	swait.ge [sflag:s22], $0x1000  }
0x152: {  	[sflag:s22] =	ssyncset.done $0x0  }
0x153: {  	[sflag:s22] =	ssyncadd.s32 $0xFFFFF000  }
0x154: {  	_ =	swait.ge [sflag:s22], $0x1000  }
0x155: {  	[sflag:s22] =	ssyncset.done $0x0  }
0x156: {  	[sflag:s22] =	ssyncadd.s32 $0xFFFFF000  }
0x157: {  	_ =	swait.ge [sflag:s22], $0x1000  }
0x158: {  	[sflag:s22] =	ssyncset.done $0x0  }
0x159: {  	[sflag:s22] =	ssyncadd.s32 $0xFFFFF000  }
0x15a: {  	_ =	swait.ge [sflag:s22], $0x1000  }
0x15b: {  	[sflag:s22] =	ssyncset.done $0x0  }
0x15c: {  	[sflag:s22] =	ssyncadd.s32 $0xFFFFF000  }
0x15d: {  	_ =	swait.ge [sflag:s22], $0x1000  }
0x15e: {  	[sflag:s22] =	ssyncset.done $0x0  }
0x15f: {  	[sflag:s22] =	ssyncadd.s32 $0xFFFFF000  }
0x160: {  	_ =	swait.ge [sflag:s22], $0x1000  }
0x161: {  	[sflag:s22] =	ssyncset.done $0x0  }
0x162: {  	[sflag:s22] =	ssyncadd.s32 $0xFFFFF000  }
0x163: {  	_ =	swait.ge [sflag:s22], $0x1000  }
0x164: {  	[sflag:s22] =	ssyncset.done $0x0  }
0x165: {  	[sflag:s22] =	ssyncadd.s32 $0xFFFFF000  }
0x166: {  	_ =	swait.ge [sflag:s22], $0x1000  }
0x167: {  	[sflag:s22] =	ssyncset.done $0x0  }
0x168: {  	[sflag:s22] =	ssyncadd.s32 $0xFFFFF000  }
0x169: {  	_ =	swait.ge [sflag:s22], $0x1000  }
0x16a: {  	[sflag:s22] =	ssyncset.done $0x0  }
0x16b: {  	[sflag:s22] =	ssyncadd.s32 $0xFFFFF000  }
0x16c: {  	p0 =	sne.s32 s1, $0x1;
	_ =	swait.ge [sflag:s22], $0x1000  }
.Ltmp1:
0x16d: {  	[sflag:s22] =	ssyncset.done $0x0;
	(pc) =	sbr.rel @p0 .LBB2_1-.Ltmp1, $4  }
0x16e: {  	[sflag:s22] =	ssyncadd.s32 $0xFFFFF000  }
0x16f: {  	_ =	swait.ge [sflag:s22], $0x1000  }
0x170: {  	[sflag:s22] =	ssyncset.done $0x0  }
0x171: {  	s1 =	sadd.s32 $0xFFFFFFFF, s1;
	[sflag:s22] =	ssyncadd.s32 $0xFFFFF000  }
.LBB2_2:
0x172: {  	_ =	swait.ge [sflag:s22], $0x1000  }
0x173: {  	[sflag:s22] =	ssyncset.done $0x0  }
0x174: {  	[sflag:s22] =	ssyncadd.s32 $0xFFFFF000  }
0x175: {  	_ =	swait.ge [sflag:s22], $0x1000  }
0x176: {  	[sflag:s22] =	ssyncset.done $0x0  }
0x177: {  	[sflag:s22] =	ssyncadd.s32 $0xFFFFF000  }
0x178: {  	_ =	swait.ge [sflag:s22], $0x1000  }
0x179: {  	[sflag:s22] =	ssyncset.done $0x0  }
0x17a: {  	[sflag:s22] =	ssyncadd.s32 $0xFFFFF000  }
0x17b: {  	_ =	swait.ge [sflag:s22], $0x1000  }
0x17c: {  	[sflag:s22] =	ssyncset.done $0x0  }
0x17d: {  	s0 =	rddreg [dreg:$0x3];
	[sflag:s22] =	ssyncadd.s32 $0xFFFFF000  }
0x17e: {  	[hbm4b:s0+s2] =	stream.linear.scatter [tilespmem:s4], [sflag:$0x2], $0x1E000, $0x38;
	[tilespmem:$0x1EF00] =	vst v63  }
0x17f: {  	_ =	swait.ge [sflag:s3], $0x1E000  }
0x180: {  	[sflag:s3] =	ssyncset.done $0x0  }
0x181: {  	[sflag:s3] =	ssyncadd.s32 $0xFFFE2000  }
0x182: {  	_ =	sfence.sel $0x180000  }
0x183: {  	[bflag:$0x0] =	sbarrier.arrive $0xFFFF  }
0x184: {  	_ =	strace $0x9000004A  }
0x185: {  	s31 =	stileid.u32;
	[bflag:$0x2] =	sbarrier.arrive $0xFFFF  }
0x186: {  	p0 =	sne.s32 s31, $0x0;
	s0 =	rddreg [dreg:$0x1]  }
0x187: {  	s0 =	sadd.s32 @!p0 $0x100000, s0  }
0x188: {  	[sflag:s0] =	ssyncadd.tile.s32 @!p0 $0x1;
	_ =	shalt  }
.Lfunc_end2:
_tile_overlayer_lowered:
.L_overlay_start_2:
0x189: {  	(tag) =	ssettag $0x2  }
0x18a: {  	s0 =	rddreg [dreg:$0x0];
	s2 =	stileid.u32  }
0x18b: {  	s1 =	rddreg [dreg:$0x1];
	p0 =	sne.s32 s2, $0x0  }
0x18c: {  	s3 =	rddreg [dreg:$0x2];
	[bflag:$0x3] =	sbarrier.arrive $0xFFFF;
	s2 =	simm.s32 @!p0 $0x1C02  }
0x18d: {  	[timem:s3], [sflag:s2] =	dma.local @!p0 [hbm:s0], s1  }
0x18e: {  	s0 =	simm.s32 @!p0 $0x2  }
0x18f: {  	_ =	swait.ge @!p0 [sflag:s0], s1  }
0x190: {  	s1 =	ssub.s32 @!p0 $0x0, s1;
	[sflag:s0] =	ssyncset.done @!p0 $0x0  }
0x191: {  	[sflag:s0] =	ssyncadd.s32 @!p0 s1  }
0x192: {  	[bflag:$0x3] =	sbarrier.arrive $0xFFFF  }
0x193: {  	_ =	shalt  }

</sc_bundles>
